<compile_context>
chip_gen: v7x
topology: tpu7x:2x2x1
jax: 0.10.2.dev20260603
libtpu: 0.0.44.dev20260713+nightly
codegen_flags: <defaults>
</compile_context>

<pallas_src>
import functools

import jax
import jax.numpy as jnp
import numpy as np
from jax import lax
from jax.experimental import pallas as pl
from jax.experimental.pallas import tpu as pltpu
from jax.experimental.pallas import tpu_sc as plsc

N = 10000
NPAD = 10240
E_REAL = 330000
CHUNK = 128
NCORES = 2
NSUB = 16
CH_PER_TILE = 81
EPAD = NCORES * NSUB * CH_PER_TILE * CHUNK
STRIPE = NPAD // NSUB
BN = 1280
GRID = NPAD // BN
ROWS_PER_TILE = CH_PER_TILE



def _emit_outputs(i, acc, h_ref, asad_ref, adas_ref, mv_ref):
    d = h_ref.shape[-1]
    h_ref[...] = acc[:, :d]
    asad = acc[:, d:]
    asad_ref[...] = asad
    adas_ref[...] = jnp.concatenate([acc[:, d + 8:], acc[:, d:d + 8]], axis=1)
    bmax = jnp.max(asad, axis=0, keepdims=True)
    bmax = jnp.broadcast_to(bmax, (8, 16))

    @pl.when(i == 0)
    def _():
        mv_ref[...] = bmax

    @pl.when(i > 0)
    def _():
        mv_ref[...] = jnp.maximum(mv_ref[...], bmax)


def _mm_first_body(z_ref, wc_ref, h_ref, asad_ref, adas_ref, mv_ref):
    i = pl.program_id(0)
    acc = jnp.dot(z_ref[...], wc_ref[...], preferred_element_type=jnp.float32)
    _emit_outputs(i, acc, h_ref, asad_ref, adas_ref, mv_ref)


def _mm_next_body(hc, cc, p_ref, b_ref, wc_ref, h_ref, asad_ref, adas_ref,
                  mv_ref):
    i = pl.program_id(0)
    p = p_ref[...]
    d_in = hc * cc
    msg = p[0, :, :d_in] + p[1, :, :d_in]
    den8 = p[0, :, d_in:d_in + 8] + p[1, :, d_in:d_in + 8]
    den = jnp.repeat(den8, cc, axis=1)
    z = msg / (den + 1e-16) + b_ref[...]
    z = jnp.where(z > 0, z, jnp.exp(z) - 1.0)
    acc = jnp.dot(z, wc_ref[...], preferred_element_type=jnp.float32)
    _emit_outputs(i, acc, h_ref, asad_ref, adas_ref, mv_ref)


def _mm_outs(d_out):
    return dict(
        out_specs=[
            pl.BlockSpec((BN, d_out), lambda i: (i, 0)),
            pl.BlockSpec((BN, 16), lambda i: (i, 0)),
            pl.BlockSpec((BN, 16), lambda i: (i, 0)),
            pl.BlockSpec((8, 16), lambda i: (0, 0)),
        ],
        out_shape=[
            jax.ShapeDtypeStruct((NPAD, d_out), jnp.float32),
            jax.ShapeDtypeStruct((NPAD, 16), jnp.float32),
            jax.ShapeDtypeStruct((NPAD, 16), jnp.float32),
            jax.ShapeDtypeStruct((8, 16), jnp.float32),
        ],
    )


def _tc_matmul_first(x_pad, wc, d_out):
    return pl.pallas_call(
        _mm_first_body,
        grid=(GRID,),
        in_specs=[
            pl.BlockSpec((BN, x_pad.shape[1]), lambda i: (i, 0)),
            pl.BlockSpec(wc.shape, lambda i: (0, 0)),
        ],
        **_mm_outs(d_out),
    )(x_pad, wc)


def _tc_matmul_next(parts, bvec, wc, d_out, hc, cc):
    d_in = parts.shape[-1]
    return pl.pallas_call(
        functools.partial(_mm_next_body, hc, cc),
        grid=(GRID,),
        in_specs=[
            pl.BlockSpec((2, BN, d_in), lambda i: (0, i, 0)),
            pl.BlockSpec((1, hc * cc), lambda i: (0, 0)),
            pl.BlockSpec(wc.shape, lambda i: (0, 0)),
        ],
        **_mm_outs(d_out),
    )(parts, bvec, wc)


def _final_body(p_ref, b_ref, out_ref):
    p = p_ref[...]
    msg = p[0, :, :16] + p[1, :, :16]
    den = p[0, :, 16:17] + p[1, :, 16:17]
    z = msg / (den + 1e-16) + b_ref[...]
    m = jnp.max(z, axis=1, keepdims=True)
    s = jnp.log(jnp.sum(jnp.exp(z - m), axis=1, keepdims=True))
    out_ref[...] = z - m - s


def _tc_final(parts, bvec):
    d_in = parts.shape[-1]
    return pl.pallas_call(
        _final_body,
        grid=(GRID,),
        in_specs=[
            pl.BlockSpec((2, BN, d_in), lambda i: (0, i, 0)),
            pl.BlockSpec((1, 16), lambda i: (0, 0)),
        ],
        out_specs=pl.BlockSpec((BN, 16), lambda i: (i, 0)),
        out_shape=jax.ShapeDtypeStruct((NPAD, 16), jnp.float32),
    )(parts, bvec)



def _vtake(v, idx):
    dn = lax.GatherDimensionNumbers(
        offset_dims=(), collapsed_slice_dims=(0,), start_index_map=(0,))
    return lax.gather(v, idx[:, None], dn, (1,),
                      mode=lax.GatherScatterMode.PROMISE_IN_BOUNDS)


@functools.cache
def _make_edge(d_feat, c_per_head):
    kv = d_feat // 16
    kw = kv + 1
    mesh = plsc.VectorSubcoreMesh(core_axis_name="c", subcore_axis_name="s")

    @functools.partial(
        pl.kernel,
        mesh=mesh,
        compiler_params=pltpu.CompilerParams(
            needs_layout_passes=False, use_tc_tiling_on_sc=False),
        out_type=jax.ShapeDtypeStruct((NCORES, NPAD, kw, 16), jnp.float32),
        scratch_types=[
            pltpu.VMEM_SHARED((NPAD, kw, 16), jnp.float32),
            pltpu.VMEM((ROWS_PER_TILE * CHUNK,), jnp.int32),
            pltpu.VMEM((ROWS_PER_TILE * CHUNK,), jnp.int32),
            pltpu.VMEM((CHUNK, 16), jnp.float32),
            pltpu.VMEM((CHUNK, 16), jnp.float32),
            pltpu.VMEM((CHUNK, 16), jnp.float32),
            pltpu.VMEM((CHUNK, 16), jnp.float32),
            pltpu.VMEM((CHUNK, kv, 16), jnp.float32),
            pltpu.VMEM((CHUNK, kv, 16), jnp.float32),
            pltpu.VMEM((CHUNK, kw, 16), jnp.float32),
            pltpu.VMEM((CHUNK, kw, 16), jnp.float32),
            pltpu.VMEM((16,), jnp.float32),
            pltpu.VMEM((64, kw, 16), jnp.float32),
            pltpu.SemaphoreType.DMA,
            pltpu.SemaphoreType.DMA,
            pltpu.SemaphoreType.DMA,
            pltpu.SemaphoreType.DMA,
            pltpu.SemaphoreType.DMA,
            pltpu.SemaphoreType.DMA,
            pltpu.SemaphoreType.DMA,
            pltpu.SemaphoreType.DMA,
        ],
    )
    def edge(asad, adas, hrows, srcp, dstp, mvec, out_hbm,
             sh_out, isrc, idst, srow0, drow0, srow1, drow1,
             hbuf0, hbuf1, msgbuf0, msgbuf1, m_v, zbuf,
             ss0, sd0, sh0, ss1, sd1, sh1, sc0, sc1):
        c = lax.axis_index("c")
        s = lax.axis_index("s")

        @plsc.parallel_loop(0, 64, unroll=4)
        def _zb(i):
            for k in range(kw):
                zbuf[i, k] = jnp.zeros((16,), jnp.float32)

        for seg in range(STRIPE // 64):
            pltpu.sync_copy(zbuf,
                            sh_out.at[pl.ds(s * STRIPE + seg * 64, 64)])
        tbase = c * (EPAD // 2) + s * (ROWS_PER_TILE * CHUNK)
        pltpu.sync_copy(srcp.at[pl.ds(tbase, ROWS_PER_TILE * CHUNK)], isrc)
        pltpu.sync_copy(dstp.at[pl.ds(tbase, ROWS_PER_TILE * CHUNK)], idst)
        pltpu.sync_copy(mvec, m_v)
        plsc.subcore_barrier()
        lane = lax.iota(jnp.int32, 16)
        rot8 = (lane + 8) & 15
        mrow = m_v[...]
        msum = mrow + _vtake(mrow, rot8)
        m16 = jnp.where(msum > 0, msum, 0.2 * msum)
        if c_per_head == 8:
            exp_idx = [lax.shift_right_logical(lane, 3) + 2 * k
                       for k in range(kv)]
        else:
            exp_idx = [lane * 0 + k for k in range(kv)]

        def start(n, srow, drow, hbuf, ss, sd, sh):
            ixs = isrc.at[pl.ds(n * CHUNK, CHUNK)]
            ixd = idst.at[pl.ds(n * CHUNK, CHUNK)]
            pltpu.async_copy(asad.at[ixs], srow, ss)
            pltpu.async_copy(adas.at[ixd], drow, sd)
            pltpu.async_copy(hrows.at[ixs], hbuf, sh)

        def waitg(srow, drow, hbuf, ss, sd, sh):
            ix0 = isrc.at[pl.ds(0, CHUNK)]
            pltpu.make_async_copy(asad.at[ix0], srow, ss).wait()
            pltpu.make_async_copy(adas.at[ix0], drow, sd).wait()
            pltpu.make_async_copy(hrows.at[ix0], hbuf, sh).wait()

        def wait_scatter(msgbuf, sc):
            pltpu.make_async_copy(
                msgbuf, sh_out.at[idst.at[pl.ds(0, CHUNK)]], sc).wait()

        def compute(n, srow, drow, hbuf, msgbuf, sc):
            @plsc.parallel_loop(0, CHUNK, unroll=4)
            def _eb(j):
                q = srow[j] + drow[j]
                e = jnp.where(q > 0, q, 0.2 * q)
                ex = jnp.exp(e - m16)
                msgbuf[j, kv] = ex
                for k in range(kv):
                    av = _vtake(ex, exp_idx[k])
                    msgbuf[j, k] = av * hbuf[j, k]

            pltpu.async_copy(
                msgbuf, sh_out.at[idst.at[pl.ds(n * CHUNK, CHUNK)]], sc,
                add=True)

        start(0, srow0, drow0, hbuf0, ss0, sd0, sh0)

        def body(i, carry):
            a = 2 * i
            start(a + 1, srow1, drow1, hbuf1, ss1, sd1, sh1)
            waitg(srow0, drow0, hbuf0, ss0, sd0, sh0)

            @pl.when(i > 0)
            def _():
                wait_scatter(msgbuf0, sc0)

            compute(a, srow0, drow0, hbuf0, msgbuf0, sc0)
            start(a + 2, srow0, drow0, hbuf0, ss0, sd0, sh0)
            waitg(srow1, drow1, hbuf1, ss1, sd1, sh1)

            @pl.when(i > 0)
            def _():
                wait_scatter(msgbuf1, sc1)

            compute(a + 1, srow1, drow1, hbuf1, msgbuf1, sc1)
            return carry

        lax.fori_loop(0, (ROWS_PER_TILE - 1) // 2, body, 0)
        waitg(srow0, drow0, hbuf0, ss0, sd0, sh0)
        wait_scatter(msgbuf0, sc0)
        compute(ROWS_PER_TILE - 1, srow0, drow0, hbuf0, msgbuf0, sc0)
        wait_scatter(msgbuf0, sc0)
        wait_scatter(msgbuf1, sc1)

        plsc.subcore_barrier()
        pltpu.sync_copy(sh_out.at[pl.ds(s * STRIPE, STRIPE)],
                        out_hbm.at[c, pl.ds(s * STRIPE, STRIPE)])

    return edge



def _fold_wc(W, a_s, a_d, H, C):
    d_in = W.shape[0]
    Wr = W.reshape(d_in, H, C)
    was = (Wr * a_s[None]).sum(-1)
    wad = (Wr * a_d[None]).sum(-1)
    if H == 8:
        return jnp.concatenate([W, was, wad], axis=1)
    z7 = jnp.zeros((d_in, 7), jnp.float32)
    return jnp.concatenate([W, was, z7, wad, z7], axis=1)


def _edge_phase(h, asad, adas, mv, srcf, dstf, C, D):
    kv = D // 16
    h3d = h.reshape(NPAD, kv, 16)
    outp = _make_edge(D, C)(asad, adas, h3d, srcf, dstf, mv[0])
    return outp.reshape(NCORES, NPAD, (kv + 1) * 16)


def kernel(x, edge_index, W1, a_s1, a_d1, b1, W2, a_s2, a_d2, b2,
           W3, a_s3, a_d3, b3):
    loop = jnp.arange(N, dtype=edge_index.dtype)
    ei = jnp.concatenate([edge_index, jnp.stack([loop, loop])], axis=1)
    ei = jnp.pad(ei, ((0, 0), (0, EPAD - E_REAL)), constant_values=N)
    src_f = ei[0]
    dst_f = ei[1]
    x_pad = jnp.pad(x, ((0, NPAD - N), (0, 0)))

    wc1 = _fold_wc(W1, a_s1, a_d1, 8, 8)
    wc2 = _fold_wc(W2, a_s2, a_d2, 8, 8)
    wc3 = _fold_wc(W3, a_s3, a_d3, 1, 16)

    h1, asad1, adas1, mv1 = _tc_matmul_first(x_pad, wc1, 64)
    outp1 = _edge_phase(h1, asad1, adas1, mv1, src_f, dst_f, 8, 64)

    h2, asad2, adas2, mv2 = _tc_matmul_next(
        outp1, b1.reshape(1, 64), wc2, 64, 8, 8)
    outp2 = _edge_phase(h2, asad2, adas2, mv2, src_f, dst_f, 8, 64)

    h3, asad3, adas3, mv3 = _tc_matmul_next(
        outp2, b2.reshape(1, 64), wc3, 16, 8, 8)
    outp3 = _edge_phase(h3, asad3, adas3, mv3, src_f, dst_f, 16, 16)

    out = _tc_final(outp3, b3.reshape(1, 16))
    return out[:N]

# --- scband reference (transcript-rebuilt; emitter-appended) ---
"""Pipeline reference for scband-gat-893353198189 (READ-ONLY COPY).

The authoritative reference and input builder live on the scoring server;
editing this copy changes nothing except your own understanding.
"""

import jax, jax.numpy as jnp
import numpy as np


def gat_conv(x, src, dst, W, a_s, a_d, b, H, C, concat):
    N = x.shape[0]
    h = (x @ W).reshape(N, H, C)
    alpha_s = (h * a_s[None]).sum(-1)
    alpha_d = (h * a_d[None]).sum(-1)
    e = alpha_s[src] + alpha_d[dst]
    e = jax.nn.leaky_relu(e, 0.2)
    e_max = jax.lax.stop_gradient(jax.ops.segment_max(e, dst, num_segments=N))
    e_max = jnp.where(jnp.isfinite(e_max), e_max, 0.0)
    ex = jnp.exp(e - e_max[dst])
    denom = jax.ops.segment_sum(ex, dst, num_segments=N)
    alpha = ex / (denom[dst] + 1e-16)
    msg = h[src] * alpha[:, :, None]
    out = jax.ops.segment_sum(msg, dst, num_segments=N)
    if concat:
        out = out.reshape(N, H * C)
    else:
        out = out.mean(axis=1)
    return out + b


def setup_inputs(seed: int = 0):
    key = jax.random.key(seed)
    ks = jax.random.split(key, 14)
    x = jax.random.normal(ks[0], (10000, 128), dtype=jnp.float32)
    edge_index = jax.random.randint(ks[1], (2, 320000), 0, 10000, dtype=jnp.int32)
    s = 0.1
    W1 = jax.random.normal(ks[2], (128, 64), dtype=jnp.float32) * s
    a_s1 = jax.random.normal(ks[3], (8, 8), dtype=jnp.float32) * s
    a_d1 = jax.random.normal(ks[4], (8, 8), dtype=jnp.float32) * s
    b1 = jnp.zeros((64,), dtype=jnp.float32)
    W2 = jax.random.normal(ks[5], (64, 64), dtype=jnp.float32) * s
    a_s2 = jax.random.normal(ks[6], (8, 8), dtype=jnp.float32) * s
    a_d2 = jax.random.normal(ks[7], (8, 8), dtype=jnp.float32) * s
    b2 = jnp.zeros((64,), dtype=jnp.float32)
    W3 = jax.random.normal(ks[8], (64, 16), dtype=jnp.float32) * s
    a_s3 = jax.random.normal(ks[9], (1, 16), dtype=jnp.float32) * s
    a_d3 = jax.random.normal(ks[10], (1, 16), dtype=jnp.float32) * s
    b3 = jnp.zeros((16,), dtype=jnp.float32)
    return {"x": x, "edge_index": edge_index, "W1": W1, "a_s1": a_s1, "a_d1": a_d1, "b1": b1, "W2": W2, "a_s2": a_s2, "a_d2": a_d2, "b2": b2, "W3": W3, "a_s3": a_s3, "a_d3": a_d3, "b3": b3}


def reference(x, edge_index, W1, a_s1, a_d1, b1, W2, a_s2, a_d2, b2, W3, a_s3, a_d3, b3):
    N = x.shape[0]
    loop = jnp.arange(N, dtype=edge_index.dtype)
    ei = jnp.concatenate([edge_index, jnp.stack([loop, loop])], axis=1)
    src, dst = ei[0], ei[1]
    h = gat_conv(x, src, dst, W1, a_s1, a_d1, b1, 8, 8, True)
    h = jax.nn.elu(h)
    h = gat_conv(h, src, dst, W2, a_s2, a_d2, b2, 8, 8, True)
    h = jax.nn.elu(h)
    out = gat_conv(h, src, dst, W3, a_s3, a_d3, b3, 1, 16, False)
    return jax.nn.log_softmax(out, axis=1)

if __name__ == "__main__":
    import jax
    _d = setup_inputs()
    print(jax.jit(kernel)(*tuple(_d.values())))

</pallas_src>

<mosaic_0001>
#map = affine_map<(d0, d1) -> (0, 0)>
#map1 = affine_map<(d0, d1) -> (0, 0, 0)>
#map2 = affine_map<(d0, d1) -> (0)>
#map3 = affine_map<(d0, d1) -> (0, 0, 0, 0)>
module attributes {stable_mosaic.version = 14 : i64} {
  func.func @edge(%arg0: i32, %arg1: i32, %arg2: memref<10240x16xf32, #tpu.memory_space<hbm>>, %arg3: memref<10240x16xf32, #tpu.memory_space<hbm>>, %arg4: memref<10240x4x16xf32, #tpu.memory_space<hbm>>, %arg5: memref<331776xi32, #tpu.memory_space<hbm>>, %arg6: memref<331776xi32, #tpu.memory_space<hbm>>, %arg7: memref<16xf32, #tpu.memory_space<hbm>>, %arg8: memref<2x10240x5x16xf32, #tpu.memory_space<hbm>>, %arg9: memref<10240x5x16xf32, #tpu.memory_space<vmem_shared>>, %arg10: memref<10368xi32, #tpu.memory_space<vmem>>, %arg11: memref<10368xi32, #tpu.memory_space<vmem>>, %arg12: memref<128x16xf32, #tpu.memory_space<vmem>>, %arg13: memref<128x16xf32, #tpu.memory_space<vmem>>, %arg14: memref<128x16xf32, #tpu.memory_space<vmem>>, %arg15: memref<128x16xf32, #tpu.memory_space<vmem>>, %arg16: memref<128x4x16xf32, #tpu.memory_space<vmem>>, %arg17: memref<128x4x16xf32, #tpu.memory_space<vmem>>, %arg18: memref<128x5x16xf32, #tpu.memory_space<vmem>>, %arg19: memref<128x5x16xf32, #tpu.memory_space<vmem>>, %arg20: memref<16xf32, #tpu.memory_space<vmem>>, %arg21: memref<64x5x16xf32, #tpu.memory_space<vmem>>, %arg22: memref<!tpu.dma_semaphore, #tpu.memory_space<semaphore_mem>>, %arg23: memref<!tpu.dma_semaphore, #tpu.memory_space<semaphore_mem>>, %arg24: memref<!tpu.dma_semaphore, #tpu.memory_space<semaphore_mem>>, %arg25: memref<!tpu.dma_semaphore, #tpu.memory_space<semaphore_mem>>, %arg26: memref<!tpu.dma_semaphore, #tpu.memory_space<semaphore_mem>>, %arg27: memref<!tpu.dma_semaphore, #tpu.memory_space<semaphore_mem>>, %arg28: memref<!tpu.dma_semaphore, #tpu.memory_space<semaphore_mem>>, %arg29: memref<!tpu.dma_semaphore, #tpu.memory_space<semaphore_mem>>) attributes {dimension_semantics = [#tpu.dimension_semantics<core_parallel>, #tpu.dimension_semantics<subcore_parallel>], iteration_bounds = array<i64: 2, 16>, scalar_prefetch = 0 : i64, scratch_operands = 21 : i64, tpu.core_type = #tpu.core_type<sc_vector_subcore>, window_params = [{transform_indices = #map}, {transform_indices = #map}, {transform_indices = #map1}, {transform_indices = #map2}, {transform_indices = #map2}, {transform_indices = #map2}, {transform_indices = #map3}]} {
    %parallel_loop3A = arith.constant 0 : i32
    %parallel_loop3A_0 = arith.constant 64 : i32
    %parallel_loop3A_1 = arith.constant 1 : i32
    scf.for %parallel_loop3A_148 = %parallel_loop3A to %parallel_loop3A_0 step %parallel_loop3A_1  : i32 {
      %parallel_loop3A_149 = arith.constant 0.000000e+00 : f32
      %parallel_loop3A_150 = vector.broadcast %parallel_loop3A_149 : f32 to vector<16xf32>
      %parallel_loop3A_151 = arith.constant 0 : i32
      %parallel_loop3A_152 = arith.index_cast %parallel_loop3A_148 : i32 to index
      %parallel_loop3A_153 = arith.index_cast %parallel_loop3A_151 : i32 to index
      %parallel_loop3A_154 = arith.constant 0 : index
      %parallel_loop3A_155 = tpu.vector_load %arg21[%parallel_loop3A_152, %parallel_loop3A_153, %parallel_loop3A_154] {strides = array<i32>} : memref<64x5x16xf32, #tpu.memory_space<vmem>>, vector<16xf32>,
      tpu.vector_store %arg21[%parallel_loop3A_152, %parallel_loop3A_153, %parallel_loop3A_154], %parallel_loop3A_150 {strides = array<i32>} : memref<64x5x16xf32, #tpu.memory_space<vmem>>, vector<16xf32>,
      %parallel_loop3A_156 = arith.constant 0.000000e+00 : f32
      %parallel_loop3A_157 = vector.broadcast %parallel_loop3A_156 : f32 to vector<16xf32>
      %parallel_loop3A_158 = arith.constant 1 : i32
      %parallel_loop3A_159 = arith.index_cast %parallel_loop3A_148 : i32 to index
      %parallel_loop3A_160 = arith.index_cast %parallel_loop3A_158 : i32 to index
      %parallel_loop3A_161 = arith.constant 0 : index
      %parallel_loop3A_162 = tpu.vector_load %arg21[%parallel_loop3A_159, %parallel_loop3A_160, %parallel_loop3A_161] {strides = array<i32>} : memref<64x5x16xf32, #tpu.memory_space<vmem>>, vector<16xf32>,
      tpu.vector_store %arg21[%parallel_loop3A_159, %parallel_loop3A_160, %parallel_loop3A_161], %parallel_loop3A_157 {strides = array<i32>} : memref<64x5x16xf32, #tpu.memory_space<vmem>>, vector<16xf32>,
      %parallel_loop3A_163 = arith.constant 0.000000e+00 : f32
      %parallel_loop3A_164 = vector.broadcast %parallel_loop3A_163 : f32 to vector<16xf32>
      %parallel_loop3A_165 = arith.constant 2 : i32
      %parallel_loop3A_166 = arith.index_cast %parallel_loop3A_148 : i32 to index
      %parallel_loop3A_167 = arith.index_cast %parallel_loop3A_165 : i32 to index
      %parallel_loop3A_168 = arith.constant 0 : index
      %parallel_loop3A_169 = tpu.vector_load %arg21[%parallel_loop3A_166, %parallel_loop3A_167, %parallel_loop3A_168] {strides = array<i32>} : memref<64x5x16xf32, #tpu.memory_space<vmem>>, vector<16xf32>,
      tpu.vector_store %arg21[%parallel_loop3A_166, %parallel_loop3A_167, %parallel_loop3A_168], %parallel_loop3A_164 {strides = array<i32>} : memref<64x5x16xf32, #tpu.memory_space<vmem>>, vector<16xf32>,
      %parallel_loop3A_170 = arith.constant 0.000000e+00 : f32
      %parallel_loop3A_171 = vector.broadcast %parallel_loop3A_170 : f32 to vector<16xf32>
      %parallel_loop3A_172 = arith.constant 3 : i32
      %parallel_loop3A_173 = arith.index_cast %parallel_loop3A_148 : i32 to index
      %parallel_loop3A_174 = arith.index_cast %parallel_loop3A_172 : i32 to index
      %parallel_loop3A_175 = arith.constant 0 : index
      %parallel_loop3A_176 = tpu.vector_load %arg21[%parallel_loop3A_173, %parallel_loop3A_174, %parallel_loop3A_175] {strides = array<i32>} : memref<64x5x16xf32, #tpu.memory_space<vmem>>, vector<16xf32>,
      tpu.vector_store %arg21[%parallel_loop3A_173, %parallel_loop3A_174, %parallel_loop3A_175], %parallel_loop3A_171 {strides = array<i32>} : memref<64x5x16xf32, #tpu.memory_space<vmem>>, vector<16xf32>,
      %parallel_loop3A_177 = arith.constant 0.000000e+00 : f32
      %parallel_loop3A_178 = vector.broadcast %parallel_loop3A_177 : f32 to vector<16xf32>
      %parallel_loop3A_179 = arith.constant 4 : i32
      %parallel_loop3A_180 = arith.index_cast %parallel_loop3A_148 : i32 to index
      %parallel_loop3A_181 = arith.index_cast %parallel_loop3A_179 : i32 to index
      %parallel_loop3A_182 = arith.constant 0 : index
      %parallel_loop3A_183 = tpu.vector_load %arg21[%parallel_loop3A_180, %parallel_loop3A_181, %parallel_loop3A_182] {strides = array<i32>} : memref<64x5x16xf32, #tpu.memory_space<vmem>>, vector<16xf32>,
      tpu.vector_store %arg21[%parallel_loop3A_180, %parallel_loop3A_181, %parallel_loop3A_182], %parallel_loop3A_178 {strides = array<i32>} : memref<64x5x16xf32, #tpu.memory_space<vmem>>, vector<16xf32>,
    } {sc.loop_unroll_factor = 4 : i64, sc.parallel_access}
    %mul3A = arith.constant 640 : i32
    %mul3A_2 = arith.muli %arg1, %mul3A : i32
    %add3A = arith.constant 0 : i32
    %add3A_3 = arith.addi %mul3A_2, %add3A : i32
    "tpu.region"() ({
      %run_scoped3A = tpu.sem_alloc : memref<!tpu.dma_semaphore, #tpu.memory_space<semaphore_mem>>
      %dma_start3A_148 = arith.constant 0 : i32
      %dma_start3A_149 = arith.constant 0 : i32
      %dma_start3A_150 = tpu.memref_slice %arg9[%add3A_3, %dma_start3A_148, %dma_start3A_149] : memref<10240x5x16xf32, #tpu.memory_space<vmem_shared>> -> memref<64x5x16xf32, #tpu.memory_space<vmem_shared>>
      %dma_start3A_151 = arith.constant 0 : i32
      %dma_start3A_152 = arith.constant 0 : i32
      %dma_start3A_153 = tpu.memref_slice %arg9[%add3A_3, %dma_start3A_151, %dma_start3A_152] : memref<10240x5x16xf32, #tpu.memory_space<vmem_shared>> -> memref<64x5x16xf32, #tpu.memory_space<vmem_shared>>
      tpu.enqueue_dma source(%arg21 : memref<64x5x16xf32, #tpu.memory_space<vmem>>) target(%dma_start3A_153 : memref<64x5x16xf32, #tpu.memory_space<vmem_shared>>) target_semaphore(%run_scoped3A : memref<!tpu.dma_semaphore, #tpu.memory_space<semaphore_mem>>)
      %dma_wait3A_154 = arith.constant 0 : i32
      %dma_wait3A_155 = arith.constant 0 : i32
      %dma_wait3A_156 = tpu.memref_slice %arg9[%add3A_3, %dma_wait3A_154, %dma_wait3A_155] : memref<10240x5x16xf32, #tpu.memory_space<vmem_shared>> -> memref<64x5x16xf32, #tpu.memory_space<vmem_shared>>
      %dma_wait3A_157 = arith.constant 0 : i32
      %dma_wait3A_158 = arith.constant 0 : i32
      %dma_wait3A_159 = tpu.memref_slice %arg9[%add3A_3, %dma_wait3A_157, %dma_wait3A_158] : memref<10240x5x16xf32, #tpu.memory_space<vmem_shared>> -> memref<64x5x16xf32, #tpu.memory_space<vmem_shared>>
      tpu.wait_dma2 semaphore(%run_scoped3A : memref<!tpu.dma_semaphore, #tpu.memory_space<semaphore_mem>>) src(%arg21 : memref<64x5x16xf32, #tpu.memory_space<vmem>>) dst(%dma_wait3A_159 : memref<64x5x16xf32, #tpu.memory_space<vmem_shared>>)
      tpu.yield
    }) : () -> ()
    %mul3A_4 = arith.constant 640 : i32
    %mul3A_5 = arith.muli %arg1, %mul3A_4 : i32
    %add3A_6 = arith.constant 64 : i32
    %add3A_7 = arith.addi %mul3A_5, %add3A_6 : i32
    "tpu.region"() ({
      %run_scoped3A = tpu.sem_alloc : memref<!tpu.dma_semaphore, #tpu.memory_space<semaphore_mem>>
      %dma_start3A_148 = arith.constant 0 : i32
      %dma_start3A_149 = arith.constant 0 : i32
      %dma_start3A_150 = tpu.memref_slice %arg9[%add3A_7, %dma_start3A_148, %dma_start3A_149] : memref<10240x5x16xf32, #tpu.memory_space<vmem_shared>> -> memref<64x5x16xf32, #tpu.memory_space<vmem_shared>>
      %dma_start3A_151 = arith.constant 0 : i32
      %dma_start3A_152 = arith.constant 0 : i32
      %dma_start3A_153 = tpu.memref_slice %arg9[%add3A_7, %dma_start3A_151, %dma_start3A_152] : memref<10240x5x16xf32, #tpu.memory_space<vmem_shared>> -> memref<64x5x16xf32, #tpu.memory_space<vmem_shared>>
      tpu.enqueue_dma source(%arg21 : memref<64x5x16xf32, #tpu.memory_space<vmem>>) target(%dma_start3A_153 : memref<64x5x16xf32, #tpu.memory_space<vmem_shared>>) target_semaphore(%run_scoped3A : memref<!tpu.dma_semaphore, #tpu.memory_space<semaphore_mem>>)
      %dma_wait3A_154 = arith.constant 0 : i32
      %dma_wait3A_155 = arith.constant 0 : i32
      %dma_wait3A_156 = tpu.memref_slice %arg9[%add3A_7, %dma_wait3A_154, %dma_wait3A_155] : memref<10240x5x16xf32, #tpu.memory_space<vmem_shared>> -> memref<64x5x16xf32, #tpu.memory_space<vmem_shared>>
      %dma_wait3A_157 = arith.constant 0 : i32
      %dma_wait3A_158 = arith.constant 0 : i32
      %dma_wait3A_159 = tpu.memref_slice %arg9[%add3A_7, %dma_wait3A_157, %dma_wait3A_158] : memref<10240x5x16xf32, #tpu.memory_space<vmem_shared>> -> memref<64x5x16xf32, #tpu.memory_space<vmem_shared>>
      tpu.wait_dma2 semaphore(%run_scoped3A : memref<!tpu.dma_semaphore, #tpu.memory_space<semaphore_mem>>) src(%arg21 : memref<64x5x16xf32, #tpu.memory_space<vmem>>) dst(%dma_wait3A_159 : memref<64x5x16xf32, #tpu.memory_space<vmem_shared>>)
      tpu.yield
    }) : () -> ()
    %mul3A_8 = arith.constant 640 : i32
    %mul3A_9 = arith.muli %arg1, %mul3A_8 : i32
    %add3A_10 = arith.constant 128 : i32
    %add3A_11 = arith.addi %mul3A_9, %add3A_10 : i32
    "tpu.region"() ({
      %run_scoped3A = tpu.sem_alloc : memref<!tpu.dma_semaphore, #tpu.memory_space<semaphore_mem>>
      %dma_start3A_148 = arith.constant 0 : i32
      %dma_start3A_149 = arith.constant 0 : i32
      %dma_start3A_150 = tpu.memref_slice %arg9[%add3A_11, %dma_start3A_148, %dma_start3A_149] : memref<10240x5x16xf32, #tpu.memory_space<vmem_shared>> -> memref<64x5x16xf32, #tpu.memory_space<vmem_shared>>
      %dma_start3A_151 = arith.constant 0 : i32
      %dma_start3A_152 = arith.constant 0 : i32
      %dma_start3A_153 = tpu.memref_slice %arg9[%add3A_11, %dma_start3A_151, %dma_start3A_152] : memref<10240x5x16xf32, #tpu.memory_space<vmem_shared>> -> memref<64x5x16xf32, #tpu.memory_space<vmem_shared>>
      tpu.enqueue_dma source(%arg21 : memref<64x5x16xf32, #tpu.memory_space<vmem>>) target(%dma_start3A_153 : memref<64x5x16xf32, #tpu.memory_space<vmem_shared>>) target_semaphore(%run_scoped3A : memref<!tpu.dma_semaphore, #tpu.memory_space<semaphore_mem>>)
      %dma_wait3A_154 = arith.constant 0 : i32
      %dma_wait3A_155 = arith.constant 0 : i32
      %dma_wait3A_156 = tpu.memref_slice %arg9[%add3A_11, %dma_wait3A_154, %dma_wait3A_155] : memref<10240x5x16xf32, #tpu.memory_space<vmem_shared>> -> memref<64x5x16xf32, #tpu.memory_space<vmem_shared>>
      %dma_wait3A_157 = arith.constant 0 : i32
      %dma_wait3A_158 = arith.constant 0 : i32
      %dma_wait3A_159 = tpu.memref_slice %arg9[%add3A_11, %dma_wait3A_157, %dma_wait3A_158] : memref<10240x5x16xf32, #tpu.memory_space<vmem_shared>> -> memref<64x5x16xf32, #tpu.memory_space<vmem_shared>>
      tpu.wait_dma2 semaphore(%run_scoped3A : memref<!tpu.dma_semaphore, #tpu.memory_space<semaphore_mem>>) src(%arg21 : memref<64x5x16xf32, #tpu.memory_space<vmem>>) dst(%dma_wait3A_159 : memref<64x5x16xf32, #tpu.memory_space<vmem_shared>>)
      tpu.yield
    }) : () -> ()
    %mul3A_12 = arith.constant 640 : i32
    %mul3A_13 = arith.muli %arg1, %mul3A_12 : i32
    %add3A_14 = arith.constant 192 : i32
    %add3A_15 = arith.addi %mul3A_13, %add3A_14 : i32
    "tpu.region"() ({
      %run_scoped3A = tpu.sem_alloc : memref<!tpu.dma_semaphore, #tpu.memory_space<semaphore_mem>>
      %dma_start3A_148 = arith.constant 0 : i32
      %dma_start3A_149 = arith.constant 0 : i32
      %dma_start3A_150 = tpu.memref_slice %arg9[%add3A_15, %dma_start3A_148, %dma_start3A_149] : memref<10240x5x16xf32, #tpu.memory_space<vmem_shared>> -> memref<64x5x16xf32, #tpu.memory_space<vmem_shared>>
      %dma_start3A_151 = arith.constant 0 : i32
      %dma_start3A_152 = arith.constant 0 : i32
      %dma_start3A_153 = tpu.memref_slice %arg9[%add3A_15, %dma_start3A_151, %dma_start3A_152] : memref<10240x5x16xf32, #tpu.memory_space<vmem_shared>> -> memref<64x5x16xf32, #tpu.memory_space<vmem_shared>>
      tpu.enqueue_dma source(%arg21 : memref<64x5x16xf32, #tpu.memory_space<vmem>>) target(%dma_start3A_153 : memref<64x5x16xf32, #tpu.memory_space<vmem_shared>>) target_semaphore(%run_scoped3A : memref<!tpu.dma_semaphore, #tpu.memory_space<semaphore_mem>>)
      %dma_wait3A_154 = arith.constant 0 : i32
      %dma_wait3A_155 = arith.constant 0 : i32
      %dma_wait3A_156 = tpu.memref_slice %arg9[%add3A_15, %dma_wait3A_154, %dma_wait3A_155] : memref<10240x5x16xf32, #tpu.memory_space<vmem_shared>> -> memref<64x5x16xf32, #tpu.memory_space<vmem_shared>>
      %dma_wait3A_157 = arith.constant 0 : i32
      %dma_wait3A_158 = arith.constant 0 : i32
      %dma_wait3A_159 = tpu.memref_slice %arg9[%add3A_15, %dma_wait3A_157, %dma_wait3A_158] : memref<10240x5x16xf32, #tpu.memory_space<vmem_shared>> -> memref<64x5x16xf32, #tpu.memory_space<vmem_shared>>
      tpu.wait_dma2 semaphore(%run_scoped3A : memref<!tpu.dma_semaphore, #tpu.memory_space<semaphore_mem>>) src(%arg21 : memref<64x5x16xf32, #tpu.memory_space<vmem>>) dst(%dma_wait3A_159 : memref<64x5x16xf32, #tpu.memory_space<vmem_shared>>)
      tpu.yield
    }) : () -> ()
    %mul3A_16 = arith.constant 640 : i32
    %mul3A_17 = arith.muli %arg1, %mul3A_16 : i32
    %add3A_18 = arith.constant 256 : i32
    %add3A_19 = arith.addi %mul3A_17, %add3A_18 : i32
    "tpu.region"() ({
      %run_scoped3A = tpu.sem_alloc : memref<!tpu.dma_semaphore, #tpu.memory_space<semaphore_mem>>
      %dma_start3A_148 = arith.constant 0 : i32
      %dma_start3A_149 = arith.constant 0 : i32
      %dma_start3A_150 = tpu.memref_slice %arg9[%add3A_19, %dma_start3A_148, %dma_start3A_149] : memref<10240x5x16xf32, #tpu.memory_space<vmem_shared>> -> memref<64x5x16xf32, #tpu.memory_space<vmem_shared>>
      %dma_start3A_151 = arith.constant 0 : i32
      %dma_start3A_152 = arith.constant 0 : i32
      %dma_start3A_153 = tpu.memref_slice %arg9[%add3A_19, %dma_start3A_151, %dma_start3A_152] : memref<10240x5x16xf32, #tpu.memory_space<vmem_shared>> -> memref<64x5x16xf32, #tpu.memory_space<vmem_shared>>
      tpu.enqueue_dma source(%arg21 : memref<64x5x16xf32, #tpu.memory_space<vmem>>) target(%dma_start3A_153 : memref<64x5x16xf32, #tpu.memory_space<vmem_shared>>) target_semaphore(%run_scoped3A : memref<!tpu.dma_semaphore, #tpu.memory_space<semaphore_mem>>)
      %dma_wait3A_154 = arith.constant 0 : i32
      %dma_wait3A_155 = arith.constant 0 : i32
      %dma_wait3A_156 = tpu.memref_slice %arg9[%add3A_19, %dma_wait3A_154, %dma_wait3A_155] : memref<10240x5x16xf32, #tpu.memory_space<vmem_shared>> -> memref<64x5x16xf32, #tpu.memory_space<vmem_shared>>
      %dma_wait3A_157 = arith.constant 0 : i32
      %dma_wait3A_158 = arith.constant 0 : i32
      %dma_wait3A_159 = tpu.memref_slice %arg9[%add3A_19, %dma_wait3A_157, %dma_wait3A_158] : memref<10240x5x16xf32, #tpu.memory_space<vmem_shared>> -> memref<64x5x16xf32, #tpu.memory_space<vmem_shared>>
      tpu.wait_dma2 semaphore(%run_scoped3A : memref<!tpu.dma_semaphore, #tpu.memory_space<semaphore_mem>>) src(%arg21 : memref<64x5x16xf32, #tpu.memory_space<vmem>>) dst(%dma_wait3A_159 : memref<64x5x16xf32, #tpu.memory_space<vmem_shared>>)
      tpu.yield
    }) : () -> ()
    %mul3A_20 = arith.constant 640 : i32
    %mul3A_21 = arith.muli %arg1, %mul3A_20 : i32
    %add3A_22 = arith.constant 320 : i32
    %add3A_23 = arith.addi %mul3A_21, %add3A_22 : i32
    "tpu.region"() ({
      %run_scoped3A = tpu.sem_alloc : memref<!tpu.dma_semaphore, #tpu.memory_space<semaphore_mem>>
      %dma_start3A_148 = arith.constant 0 : i32
      %dma_start3A_149 = arith.constant 0 : i32
      %dma_start3A_150 = tpu.memref_slice %arg9[%add3A_23, %dma_start3A_148, %dma_start3A_149] : memref<10240x5x16xf32, #tpu.memory_space<vmem_shared>> -> memref<64x5x16xf32, #tpu.memory_space<vmem_shared>>
      %dma_start3A_151 = arith.constant 0 : i32
      %dma_start3A_152 = arith.constant 0 : i32
      %dma_start3A_153 = tpu.memref_slice %arg9[%add3A_23, %dma_start3A_151, %dma_start3A_152] : memref<10240x5x16xf32, #tpu.memory_space<vmem_shared>> -> memref<64x5x16xf32, #tpu.memory_space<vmem_shared>>
      tpu.enqueue_dma source(%arg21 : memref<64x5x16xf32, #tpu.memory_space<vmem>>) target(%dma_start3A_153 : memref<64x5x16xf32, #tpu.memory_space<vmem_shared>>) target_semaphore(%run_scoped3A : memref<!tpu.dma_semaphore, #tpu.memory_space<semaphore_mem>>)
      %dma_wait3A_154 = arith.constant 0 : i32
      %dma_wait3A_155 = arith.constant 0 : i32
      %dma_wait3A_156 = tpu.memref_slice %arg9[%add3A_23, %dma_wait3A_154, %dma_wait3A_155] : memref<10240x5x16xf32, #tpu.memory_space<vmem_shared>> -> memref<64x5x16xf32, #tpu.memory_space<vmem_shared>>
      %dma_wait3A_157 = arith.constant 0 : i32
      %dma_wait3A_158 = arith.constant 0 : i32
      %dma_wait3A_159 = tpu.memref_slice %arg9[%add3A_23, %dma_wait3A_157, %dma_wait3A_158] : memref<10240x5x16xf32, #tpu.memory_space<vmem_shared>> -> memref<64x5x16xf32, #tpu.memory_space<vmem_shared>>
      tpu.wait_dma2 semaphore(%run_scoped3A : memref<!tpu.dma_semaphore, #tpu.memory_space<semaphore_mem>>) src(%arg21 : memref<64x5x16xf32, #tpu.memory_space<vmem>>) dst(%dma_wait3A_159 : memref<64x5x16xf32, #tpu.memory_space<vmem_shared>>)
      tpu.yield
    }) : () -> ()
    %mul3A_24 = arith.constant 640 : i32
    %mul3A_25 = arith.muli %arg1, %mul3A_24 : i32
    %add3A_26 = arith.constant 384 : i32
    %add3A_27 = arith.addi %mul3A_25, %add3A_26 : i32
    "tpu.region"() ({
      %run_scoped3A = tpu.sem_alloc : memref<!tpu.dma_semaphore, #tpu.memory_space<semaphore_mem>>
      %dma_start3A_148 = arith.constant 0 : i32
      %dma_start3A_149 = arith.constant 0 : i32
      %dma_start3A_150 = tpu.memref_slice %arg9[%add3A_27, %dma_start3A_148, %dma_start3A_149] : memref<10240x5x16xf32, #tpu.memory_space<vmem_shared>> -> memref<64x5x16xf32, #tpu.memory_space<vmem_shared>>
      %dma_start3A_151 = arith.constant 0 : i32
      %dma_start3A_152 = arith.constant 0 : i32
      %dma_start3A_153 = tpu.memref_slice %arg9[%add3A_27, %dma_start3A_151, %dma_start3A_152] : memref<10240x5x16xf32, #tpu.memory_space<vmem_shared>> -> memref<64x5x16xf32, #tpu.memory_space<vmem_shared>>
      tpu.enqueue_dma source(%arg21 : memref<64x5x16xf32, #tpu.memory_space<vmem>>) target(%dma_start3A_153 : memref<64x5x16xf32, #tpu.memory_space<vmem_shared>>) target_semaphore(%run_scoped3A : memref<!tpu.dma_semaphore, #tpu.memory_space<semaphore_mem>>)
      %dma_wait3A_154 = arith.constant 0 : i32
      %dma_wait3A_155 = arith.constant 0 : i32
      %dma_wait3A_156 = tpu.memref_slice %arg9[%add3A_27, %dma_wait3A_154, %dma_wait3A_155] : memref<10240x5x16xf32, #tpu.memory_space<vmem_shared>> -> memref<64x5x16xf32, #tpu.memory_space<vmem_shared>>
      %dma_wait3A_157 = arith.constant 0 : i32
      %dma_wait3A_158 = arith.constant 0 : i32
      %dma_wait3A_159 = tpu.memref_slice %arg9[%add3A_27, %dma_wait3A_157, %dma_wait3A_158] : memref<10240x5x16xf32, #tpu.memory_space<vmem_shared>> -> memref<64x5x16xf32, #tpu.memory_space<vmem_shared>>
      tpu.wait_dma2 semaphore(%run_scoped3A : memref<!tpu.dma_semaphore, #tpu.memory_space<semaphore_mem>>) src(%arg21 : memref<64x5x16xf32, #tpu.memory_space<vmem>>) dst(%dma_wait3A_159 : memref<64x5x16xf32, #tpu.memory_space<vmem_shared>>)
      tpu.yield
    }) : () -> ()
    %mul3A_28 = arith.constant 640 : i32
    %mul3A_29 = arith.muli %arg1, %mul3A_28 : i32
    %add3A_30 = arith.constant 448 : i32
    %add3A_31 = arith.addi %mul3A_29, %add3A_30 : i32
    "tpu.region"() ({
      %run_scoped3A = tpu.sem_alloc : memref<!tpu.dma_semaphore, #tpu.memory_space<semaphore_mem>>
      %dma_start3A_148 = arith.constant 0 : i32
      %dma_start3A_149 = arith.constant 0 : i32
      %dma_start3A_150 = tpu.memref_slice %arg9[%add3A_31, %dma_start3A_148, %dma_start3A_149] : memref<10240x5x16xf32, #tpu.memory_space<vmem_shared>> -> memref<64x5x16xf32, #tpu.memory_space<vmem_shared>>
      %dma_start3A_151 = arith.constant 0 : i32
      %dma_start3A_152 = arith.constant 0 : i32
      %dma_start3A_153 = tpu.memref_slice %arg9[%add3A_31, %dma_start3A_151, %dma_start3A_152] : memref<10240x5x16xf32, #tpu.memory_space<vmem_shared>> -> memref<64x5x16xf32, #tpu.memory_space<vmem_shared>>
      tpu.enqueue_dma source(%arg21 : memref<64x5x16xf32, #tpu.memory_space<vmem>>) target(%dma_start3A_153 : memref<64x5x16xf32, #tpu.memory_space<vmem_shared>>) target_semaphore(%run_scoped3A : memref<!tpu.dma_semaphore, #tpu.memory_space<semaphore_mem>>)
      %dma_wait3A_154 = arith.constant 0 : i32
      %dma_wait3A_155 = arith.constant 0 : i32
      %dma_wait3A_156 = tpu.memref_slice %arg9[%add3A_31, %dma_wait3A_154, %dma_wait3A_155] : memref<10240x5x16xf32, #tpu.memory_space<vmem_shared>> -> memref<64x5x16xf32, #tpu.memory_space<vmem_shared>>
      %dma_wait3A_157 = arith.constant 0 : i32
      %dma_wait3A_158 = arith.constant 0 : i32
      %dma_wait3A_159 = tpu.memref_slice %arg9[%add3A_31, %dma_wait3A_157, %dma_wait3A_158] : memref<10240x5x16xf32, #tpu.memory_space<vmem_shared>> -> memref<64x5x16xf32, #tpu.memory_space<vmem_shared>>
      tpu.wait_dma2 semaphore(%run_scoped3A : memref<!tpu.dma_semaphore, #tpu.memory_space<semaphore_mem>>) src(%arg21 : memref<64x5x16xf32, #tpu.memory_space<vmem>>) dst(%dma_wait3A_159 : memref<64x5x16xf32, #tpu.memory_space<vmem_shared>>)
      tpu.yield
    }) : () -> ()
    %mul3A_32 = arith.constant 640 : i32
    %mul3A_33 = arith.muli %arg1, %mul3A_32 : i32
    %add3A_34 = arith.constant 512 : i32
    %add3A_35 = arith.addi %mul3A_33, %add3A_34 : i32
    "tpu.region"() ({
      %run_scoped3A = tpu.sem_alloc : memref<!tpu.dma_semaphore, #tpu.memory_space<semaphore_mem>>
      %dma_start3A_148 = arith.constant 0 : i32
      %dma_start3A_149 = arith.constant 0 : i32
      %dma_start3A_150 = tpu.memref_slice %arg9[%add3A_35, %dma_start3A_148, %dma_start3A_149] : memref<10240x5x16xf32, #tpu.memory_space<vmem_shared>> -> memref<64x5x16xf32, #tpu.memory_space<vmem_shared>>
      %dma_start3A_151 = arith.constant 0 : i32
      %dma_start3A_152 = arith.constant 0 : i32
      %dma_start3A_153 = tpu.memref_slice %arg9[%add3A_35, %dma_start3A_151, %dma_start3A_152] : memref<10240x5x16xf32, #tpu.memory_space<vmem_shared>> -> memref<64x5x16xf32, #tpu.memory_space<vmem_shared>>
      tpu.enqueue_dma source(%arg21 : memref<64x5x16xf32, #tpu.memory_space<vmem>>) target(%dma_start3A_153 : memref<64x5x16xf32, #tpu.memory_space<vmem_shared>>) target_semaphore(%run_scoped3A : memref<!tpu.dma_semaphore, #tpu.memory_space<semaphore_mem>>)
      %dma_wait3A_154 = arith.constant 0 : i32
      %dma_wait3A_155 = arith.constant 0 : i32
      %dma_wait3A_156 = tpu.memref_slice %arg9[%add3A_35, %dma_wait3A_154, %dma_wait3A_155] : memref<10240x5x16xf32, #tpu.memory_space<vmem_shared>> -> memref<64x5x16xf32, #tpu.memory_space<vmem_shared>>
      %dma_wait3A_157 = arith.constant 0 : i32
      %dma_wait3A_158 = arith.constant 0 : i32
      %dma_wait3A_159 = tpu.memref_slice %arg9[%add3A_35, %dma_wait3A_157, %dma_wait3A_158] : memref<10240x5x16xf32, #tpu.memory_space<vmem_shared>> -> memref<64x5x16xf32, #tpu.memory_space<vmem_shared>>
      tpu.wait_dma2 semaphore(%run_scoped3A : memref<!tpu.dma_semaphore, #tpu.memory_space<semaphore_mem>>) src(%arg21 : memref<64x5x16xf32, #tpu.memory_space<vmem>>) dst(%dma_wait3A_159 : memref<64x5x16xf32, #tpu.memory_space<vmem_shared>>)
      tpu.yield
    }) : () -> ()
    %mul3A_36 = arith.constant 640 : i32
    %mul3A_37 = arith.muli %arg1, %mul3A_36 : i32
    %add3A_38 = arith.constant 576 : i32
    %add3A_39 = arith.addi %mul3A_37, %add3A_38 : i32
    "tpu.region"() ({
      %run_scoped3A = tpu.sem_alloc : memref<!tpu.dma_semaphore, #tpu.memory_space<semaphore_mem>>
      %dma_start3A_148 = arith.constant 0 : i32
      %dma_start3A_149 = arith.constant 0 : i32
      %dma_start3A_150 = tpu.memref_slice %arg9[%add3A_39, %dma_start3A_148, %dma_start3A_149] : memref<10240x5x16xf32, #tpu.memory_space<vmem_shared>> -> memref<64x5x16xf32, #tpu.memory_space<vmem_shared>>
      %dma_start3A_151 = arith.constant 0 : i32
      %dma_start3A_152 = arith.constant 0 : i32
      %dma_start3A_153 = tpu.memref_slice %arg9[%add3A_39, %dma_start3A_151, %dma_start3A_152] : memref<10240x5x16xf32, #tpu.memory_space<vmem_shared>> -> memref<64x5x16xf32, #tpu.memory_space<vmem_shared>>
      tpu.enqueue_dma source(%arg21 : memref<64x5x16xf32, #tpu.memory_space<vmem>>) target(%dma_start3A_153 : memref<64x5x16xf32, #tpu.memory_space<vmem_shared>>) target_semaphore(%run_scoped3A : memref<!tpu.dma_semaphore, #tpu.memory_space<semaphore_mem>>)
      %dma_wait3A_154 = arith.constant 0 : i32
      %dma_wait3A_155 = arith.constant 0 : i32
      %dma_wait3A_156 = tpu.memref_slice %arg9[%add3A_39, %dma_wait3A_154, %dma_wait3A_155] : memref<10240x5x16xf32, #tpu.memory_space<vmem_shared>> -> memref<64x5x16xf32, #tpu.memory_space<vmem_shared>>
      %dma_wait3A_157 = arith.constant 0 : i32
      %dma_wait3A_158 = arith.constant 0 : i32
      %dma_wait3A_159 = tpu.memref_slice %arg9[%add3A_39, %dma_wait3A_157, %dma_wait3A_158] : memref<10240x5x16xf32, #tpu.memory_space<vmem_shared>> -> memref<64x5x16xf32, #tpu.memory_space<vmem_shared>>
      tpu.wait_dma2 semaphore(%run_scoped3A : memref<!tpu.dma_semaphore, #tpu.memory_space<semaphore_mem>>) src(%arg21 : memref<64x5x16xf32, #tpu.memory_space<vmem>>) dst(%dma_wait3A_159 : memref<64x5x16xf32, #tpu.memory_space<vmem_shared>>)
      tpu.yield
    }) : () -> ()
    %mul3A_40 = arith.constant 165888 : i32
    %mul3A_41 = arith.muli %arg0, %mul3A_40 : i32
    %mul3A_42 = arith.constant 10368 : i32
    %mul3A_43 = arith.muli %arg1, %mul3A_42 : i32
    %add3A_44 = arith.addi %mul3A_41, %mul3A_43 : i32
    "tpu.region"() ({
      %run_scoped3A = tpu.sem_alloc : memref<!tpu.dma_semaphore, #tpu.memory_space<semaphore_mem>>
      %dma_start3A_148 = tpu.memref_slice %arg5[%add3A_44] : memref<331776xi32, #tpu.memory_space<hbm>> -> memref<10368xi32, #tpu.memory_space<hbm>>
      %dma_start3A_149 = tpu.memref_slice %arg5[%add3A_44] : memref<331776xi32, #tpu.memory_space<hbm>> -> memref<10368xi32, #tpu.memory_space<hbm>>
      tpu.enqueue_dma source(%dma_start3A_149 : memref<10368xi32, #tpu.memory_space<hbm>>) target(%arg10 : memref<10368xi32, #tpu.memory_space<vmem>>) target_semaphore(%run_scoped3A : memref<!tpu.dma_semaphore, #tpu.memory_space<semaphore_mem>>)
      %dma_wait3A_150 = tpu.memref_slice %arg5[%add3A_44] : memref<331776xi32, #tpu.memory_space<hbm>> -> memref<10368xi32, #tpu.memory_space<hbm>>
      %dma_wait3A_151 = tpu.memref_slice %arg5[%add3A_44] : memref<331776xi32, #tpu.memory_space<hbm>> -> memref<10368xi32, #tpu.memory_space<hbm>>
      tpu.wait_dma2 semaphore(%run_scoped3A : memref<!tpu.dma_semaphore, #tpu.memory_space<semaphore_mem>>) src(%dma_wait3A_151 : memref<10368xi32, #tpu.memory_space<hbm>>) dst(%arg10 : memref<10368xi32, #tpu.memory_space<vmem>>)
      tpu.yield
    }) : () -> ()
    "tpu.region"() ({
      %run_scoped3A = tpu.sem_alloc : memref<!tpu.dma_semaphore, #tpu.memory_space<semaphore_mem>>
      %dma_start3A_148 = tpu.memref_slice %arg6[%add3A_44] : memref<331776xi32, #tpu.memory_space<hbm>> -> memref<10368xi32, #tpu.memory_space<hbm>>
      %dma_start3A_149 = tpu.memref_slice %arg6[%add3A_44] : memref<331776xi32, #tpu.memory_space<hbm>> -> memref<10368xi32, #tpu.memory_space<hbm>>
      tpu.enqueue_dma source(%dma_start3A_149 : memref<10368xi32, #tpu.memory_space<hbm>>) target(%arg11 : memref<10368xi32, #tpu.memory_space<vmem>>) target_semaphore(%run_scoped3A : memref<!tpu.dma_semaphore, #tpu.memory_space<semaphore_mem>>)
      %dma_wait3A_150 = tpu.memref_slice %arg6[%add3A_44] : memref<331776xi32, #tpu.memory_space<hbm>> -> memref<10368xi32, #tpu.memory_space<hbm>>
      %dma_wait3A_151 = tpu.memref_slice %arg6[%add3A_44] : memref<331776xi32, #tpu.memory_space<hbm>> -> memref<10368xi32, #tpu.memory_space<hbm>>
      tpu.wait_dma2 semaphore(%run_scoped3A : memref<!tpu.dma_semaphore, #tpu.memory_space<semaphore_mem>>) src(%dma_wait3A_151 : memref<10368xi32, #tpu.memory_space<hbm>>) dst(%arg11 : memref<10368xi32, #tpu.memory_space<vmem>>)
      tpu.yield
    }) : () -> ()
    "tpu.region"() ({
      %run_scoped3A = tpu.sem_alloc : memref<!tpu.dma_semaphore, #tpu.memory_space<semaphore_mem>>
      tpu.enqueue_dma source(%arg7 : memref<16xf32, #tpu.memory_space<hbm>>) target(%arg20 : memref<16xf32, #tpu.memory_space<vmem>>) target_semaphore(%run_scoped3A : memref<!tpu.dma_semaphore, #tpu.memory_space<semaphore_mem>>)
      tpu.wait_dma2 semaphore(%run_scoped3A : memref<!tpu.dma_semaphore, #tpu.memory_space<semaphore_mem>>) src(%arg7 : memref<16xf32, #tpu.memory_space<hbm>>) dst(%arg20 : memref<16xf32, #tpu.memory_space<vmem>>)
      tpu.yield
    }) : () -> ()
    %barrier3A = arith.constant 0 : index
    tpu.barrier barrier_id(%barrier3A)
    %iota3A = tpu.iota {dimensions = array<i32: 0>} : vector<16xi32>
    %add3A_45 = arith.constant 8 : i32
    %add3A_46 = vector.broadcast %add3A_45 : i32 to vector<16xi32>
    %add3A_47 = arith.addi %iota3A, %add3A_46 : vector<16xi32>
    %and3A = arith.constant 15 : i32
    %and3A_48 = vector.broadcast %and3A : i32 to vector<16xi32>
    %and3A_49 = arith.andi %add3A_47, %and3A_48 : vector<16xi32>
    %get3A = arith.constant 0 : index
    %get3A_50 = tpu.vector_load %arg20[%get3A] {strides = array<i32>} : memref<16xf32, #tpu.memory_space<vmem>>, vector<16xf32>,
    %broadcast_in_dim3A = vector.shape_cast %and3A_49 : vector<16xi32> to vector<16x1xi32>
    %gather3A = vector.shape_cast %broadcast_in_dim3A : vector<16x1xi32> to vector<16xi32>
    %gather3A_51 = tpu.dynamic_gather %get3A_50[%gather3A] in [0] : vector<16xf32>, vector<16xi32> -> vector<16xf32>
    %add3A_52 = arith.addf %get3A_50, %gather3A_51 : vector<16xf32>
    %gt3A = arith.constant 0.000000e+00 : f32
    %gt3A_53 = vector.broadcast %gt3A : f32 to vector<16xf32>
    %gt3A_54 = arith.cmpf ogt, %add3A_52, %gt3A_53 : vector<16xf32>
    %mul3A_55 = arith.constant 2.000000e-01 : f32
    %mul3A_56 = vector.broadcast %mul3A_55 : f32 to vector<16xf32>
    %mul3A_57 = arith.mulf %mul3A_56, %add3A_52 : vector<16xf32>
    %select_n3A = arith.select %gt3A_54, %add3A_52, %mul3A_57 : vector<16xi1>, vector<16xf32>
    %shift_right_logical3A = arith.constant 3 : i32
    %shift_right_logical3A_58 = vector.broadcast %shift_right_logical3A : i32 to vector<16xi32>
    %shift_right_logical3A_59 = arith.shrui %iota3A, %shift_right_logical3A_58 : vector<16xi32>
    %add3A_60 = arith.constant 0 : i32
    %add3A_61 = vector.broadcast %add3A_60 : i32 to vector<16xi32>
    %add3A_62 = arith.addi %shift_right_logical3A_59, %add3A_61 : vector<16xi32>
    %shift_right_logical3A_63 = arith.constant 3 : i32
    %shift_right_logical3A_64 = vector.broadcast %shift_right_logical3A_63 : i32 to vector<16xi32>
    %shift_right_logical3A_65 = arith.shrui %iota3A, %shift_right_logical3A_64 : vector<16xi32>
    %add3A_66 = arith.constant 2 : i32
    %add3A_67 = vector.broadcast %add3A_66 : i32 to vector<16xi32>
    %add3A_68 = arith.addi %shift_right_logical3A_65, %add3A_67 : vector<16xi32>
    %shift_right_logical3A_69 = arith.constant 3 : i32
    %shift_right_logical3A_70 = vector.broadcast %shift_right_logical3A_69 : i32 to vector<16xi32>
    %shift_right_logical3A_71 = arith.shrui %iota3A, %shift_right_logical3A_70 : vector<16xi32>
    %add3A_72 = arith.constant 4 : i32
    %add3A_73 = vector.broadcast %add3A_72 : i32 to vector<16xi32>
    %add3A_74 = arith.addi %shift_right_logical3A_71, %add3A_73 : vector<16xi32>
    %shift_right_logical3A_75 = arith.constant 3 : i32
    %shift_right_logical3A_76 = vector.broadcast %shift_right_logical3A_75 : i32 to vector<16xi32>
    %shift_right_logical3A_77 = arith.shrui %iota3A, %shift_right_logical3A_76 : vector<16xi32>
    %add3A_78 = arith.constant 6 : i32
    %add3A_79 = vector.broadcast %add3A_78 : i32 to vector<16xi32>
    %add3A_80 = arith.addi %shift_right_logical3A_77, %add3A_79 : vector<16xi32>
    %dma_start3A = arith.constant 0 : i32
    %dma_start3A_81 = tpu.memref_slice %arg10[%dma_start3A] : memref<10368xi32, #tpu.memory_space<vmem>> -> memref<128xi32, #tpu.memory_space<vmem>>
    %dma_start3A_82 = arith.constant 0 : i32
    %dma_start3A_83 = arith.constant 0 : i32
    %dma_start3A_84 = tpu.memref_slice %arg2[%dma_start3A_82, %dma_start3A_83] : memref<10240x16xf32, #tpu.memory_space<hbm>> -> memref<10240x16xf32, #tpu.memory_space<hbm>>
    tpu.enqueue_indirect_dma source(%dma_start3A_84 : memref<10240x16xf32, #tpu.memory_space<hbm>>) target(%arg12 : memref<128x16xf32, #tpu.memory_space<vmem>>) offsets(%dma_start3A_81 : memref<128xi32, #tpu.memory_space<vmem>>) semaphore(%arg22 : memref<!tpu.dma_semaphore, #tpu.memory_space<semaphore_mem>>)
    %dma_start3A_85 = arith.constant 0 : i32
    %dma_start3A_86 = tpu.memref_slice %arg11[%dma_start3A_85] : memref<10368xi32, #tpu.memory_space<vmem>> -> memref<128xi32, #tpu.memory_space<vmem>>
    %dma_start3A_87 = arith.constant 0 : i32
    %dma_start3A_88 = arith.constant 0 : i32
    %dma_start3A_89 = tpu.memref_slice %arg3[%dma_start3A_87, %dma_start3A_88] : memref<10240x16xf32, #tpu.memory_space<hbm>> -> memref<10240x16xf32, #tpu.memory_space<hbm>>
    tpu.enqueue_indirect_dma source(%dma_start3A_89 : memref<10240x16xf32, #tpu.memory_space<hbm>>) target(%arg13 : memref<128x16xf32, #tpu.memory_space<vmem>>) offsets(%dma_start3A_86 : memref<128xi32, #tpu.memory_space<vmem>>) semaphore(%arg23 : memref<!tpu.dma_semaphore, #tpu.memory_space<semaphore_mem>>)
    %dma_start3A_90 = arith.constant 0 : i32
    %dma_start3A_91 = tpu.memref_slice %arg10[%dma_start3A_90] : memref<10368xi32, #tpu.memory_space<vmem>> -> memref<128xi32, #tpu.memory_space<vmem>>
    %dma_start3A_92 = arith.constant 0 : i32
    %dma_start3A_93 = arith.constant 0 : i32
    %dma_start3A_94 = arith.constant 0 : i32
    %dma_start3A_95 = tpu.memref_slice %arg4[%dma_start3A_92, %dma_start3A_93, %dma_start3A_94] : memref<10240x4x16xf32, #tpu.memory_space<hbm>> -> memref<10240x4x16xf32, #tpu.memory_space<hbm>>
    tpu.enqueue_indirect_dma source(%dma_start3A_95 : memref<10240x4x16xf32, #tpu.memory_space<hbm>>) target(%arg16 : memref<128x4x16xf32, #tpu.memory_space<vmem>>) offsets(%dma_start3A_91 : memref<128xi32, #tpu.memory_space<vmem>>) semaphore(%arg24 : memref<!tpu.dma_semaphore, #tpu.memory_space<semaphore_mem>>)
    %scan3A = arith.constant 0 : i32
    %scan3A_96 = arith.constant 0 : i32
    %scan3A_97 = arith.constant 40 : i32
    %scan3A_98 = arith.addi %scan3A_96, %scan3A_97 : i32
    %scan3A_99 = arith.constant 1 : i32
    scf.for %scan3A_148 = %scan3A_96 to %scan3A_98 step %scan3A_99  : i32 {
      %mul3A_149 = arith.constant 2 : i32
      %mul3A_150 = arith.muli %mul3A_149, %scan3A_148 : i32
      %add3A_151 = arith.constant 1 : i32
      %add3A_152 = arith.addi %mul3A_150, %add3A_151 : i32
      %mul3A_153 = arith.constant 128 : i32
      %mul3A_154 = arith.muli %add3A_152, %mul3A_153 : i32
      %mul3A_155 = arith.constant 128 : i32
      %mul3A_156 = arith.muli %add3A_152, %mul3A_155 : i32
      %dma_start3A_157 = tpu.memref_slice %arg10[%mul3A_154] : memref<10368xi32, #tpu.memory_space<vmem>> -> memref<128xi32, #tpu.memory_space<vmem>>
      %dma_start3A_158 = arith.constant 0 : i32
      %dma_start3A_159 = arith.constant 0 : i32
      %dma_start3A_160 = tpu.memref_slice %arg2[%dma_start3A_158, %dma_start3A_159] : memref<10240x16xf32, #tpu.memory_space<hbm>> -> memref<10240x16xf32, #tpu.memory_space<hbm>>
      tpu.enqueue_indirect_dma source(%dma_start3A_160 : memref<10240x16xf32, #tpu.memory_space<hbm>>) target(%arg14 : memref<128x16xf32, #tpu.memory_space<vmem>>) offsets(%dma_start3A_157 : memref<128xi32, #tpu.memory_space<vmem>>) semaphore(%arg25 : memref<!tpu.dma_semaphore, #tpu.memory_space<semaphore_mem>>)
      %dma_start3A_161 = tpu.memref_slice %arg11[%mul3A_156] : memref<10368xi32, #tpu.memory_space<vmem>> -> memref<128xi32, #tpu.memory_space<vmem>>
      %dma_start3A_162 = arith.constant 0 : i32
      %dma_start3A_163 = arith.constant 0 : i32
      %dma_start3A_164 = tpu.memref_slice %arg3[%dma_start3A_162, %dma_start3A_163] : memref<10240x16xf32, #tpu.memory_space<hbm>> -> memref<10240x16xf32, #tpu.memory_space<hbm>>
      tpu.enqueue_indirect_dma source(%dma_start3A_164 : memref<10240x16xf32, #tpu.memory_space<hbm>>) target(%arg15 : memref<128x16xf32, #tpu.memory_space<vmem>>) offsets(%dma_start3A_161 : memref<128xi32, #tpu.memory_space<vmem>>) semaphore(%arg26 : memref<!tpu.dma_semaphore, #tpu.memory_space<semaphore_mem>>)
      %dma_start3A_165 = tpu.memref_slice %arg10[%mul3A_154] : memref<10368xi32, #tpu.memory_space<vmem>> -> memref<128xi32, #tpu.memory_space<vmem>>
      %dma_start3A_166 = arith.constant 0 : i32
      %dma_start3A_167 = arith.constant 0 : i32
      %dma_start3A_168 = arith.constant 0 : i32
      %dma_start3A_169 = tpu.memref_slice %arg4[%dma_start3A_166, %dma_start3A_167, %dma_start3A_168] : memref<10240x4x16xf32, #tpu.memory_space<hbm>> -> memref<10240x4x16xf32, #tpu.memory_space<hbm>>
      tpu.enqueue_indirect_dma source(%dma_start3A_169 : memref<10240x4x16xf32, #tpu.memory_space<hbm>>) target(%arg17 : memref<128x4x16xf32, #tpu.memory_space<vmem>>) offsets(%dma_start3A_165 : memref<128xi32, #tpu.memory_space<vmem>>) semaphore(%arg27 : memref<!tpu.dma_semaphore, #tpu.memory_space<semaphore_mem>>)
      %dma_wait3A_170 = arith.constant 0 : i32
      %dma_wait3A_171 = tpu.memref_slice %arg10[%dma_wait3A_170] : memref<10368xi32, #tpu.memory_space<vmem>> -> memref<128xi32, #tpu.memory_space<vmem>>
      %dma_wait3A_172 = arith.constant 0 : i32
      %dma_wait3A_173 = arith.constant 0 : i32
      %dma_wait3A_174 = tpu.memref_slice %arg2[%dma_wait3A_172, %dma_wait3A_173] : memref<10240x16xf32, #tpu.memory_space<hbm>> -> memref<10240x16xf32, #tpu.memory_space<hbm>>
      tpu.wait_indirect_dma semaphore(%arg22 : memref<!tpu.dma_semaphore, #tpu.memory_space<semaphore_mem>>) src(%dma_wait3A_174 : memref<10240x16xf32, #tpu.memory_space<hbm>>) dst(%arg12 : memref<128x16xf32, #tpu.memory_space<vmem>>)
      %dma_wait3A_175 = arith.constant 0 : i32
      %dma_wait3A_176 = tpu.memref_slice %arg10[%dma_wait3A_175] : memref<10368xi32, #tpu.memory_space<vmem>> -> memref<128xi32, #tpu.memory_space<vmem>>
      %dma_wait3A_177 = arith.constant 0 : i32
      %dma_wait3A_178 = arith.constant 0 : i32
      %dma_wait3A_179 = tpu.memref_slice %arg3[%dma_wait3A_177, %dma_wait3A_178] : memref<10240x16xf32, #tpu.memory_space<hbm>> -> memref<10240x16xf32, #tpu.memory_space<hbm>>
      tpu.wait_indirect_dma semaphore(%arg23 : memref<!tpu.dma_semaphore, #tpu.memory_space<semaphore_mem>>) src(%dma_wait3A_179 : memref<10240x16xf32, #tpu.memory_space<hbm>>) dst(%arg13 : memref<128x16xf32, #tpu.memory_space<vmem>>)
      %dma_wait3A_180 = arith.constant 0 : i32
      %dma_wait3A_181 = tpu.memref_slice %arg10[%dma_wait3A_180] : memref<10368xi32, #tpu.memory_space<vmem>> -> memref<128xi32, #tpu.memory_space<vmem>>
      %dma_wait3A_182 = arith.constant 0 : i32
      %dma_wait3A_183 = arith.constant 0 : i32
      %dma_wait3A_184 = arith.constant 0 : i32
      %dma_wait3A_185 = tpu.memref_slice %arg4[%dma_wait3A_182, %dma_wait3A_183, %dma_wait3A_184] : memref<10240x4x16xf32, #tpu.memory_space<hbm>> -> memref<10240x4x16xf32, #tpu.memory_space<hbm>>
      tpu.wait_indirect_dma semaphore(%arg24 : memref<!tpu.dma_semaphore, #tpu.memory_space<semaphore_mem>>) src(%dma_wait3A_185 : memref<10240x4x16xf32, #tpu.memory_space<hbm>>) dst(%arg16 : memref<128x4x16xf32, #tpu.memory_space<vmem>>)
      %gt3A_186 = arith.constant 0 : i32
      %gt3A_187 = arith.cmpi sgt, %scan3A_148, %gt3A_186 : i32
      %convert_element_type3A = arith.extui %gt3A_187 : i1 to i32
      %cond3A = arith.constant 0 : i32
      %cond3A_188 = arith.cmpi ne, %convert_element_type3A, %cond3A : i32
      scf.if %cond3A_188 {
        %dma_wait3A_251 = arith.constant 0 : i32
        %dma_wait3A_252 = tpu.memref_slice %arg11[%dma_wait3A_251] : memref<10368xi32, #tpu.memory_space<vmem>> -> memref<128xi32, #tpu.memory_space<vmem>>
        %dma_wait3A_253 = arith.constant 0 : i32
        %dma_wait3A_254 = arith.constant 0 : i32
        %dma_wait3A_255 = arith.constant 0 : i32
        %dma_wait3A_256 = tpu.memref_slice %arg9[%dma_wait3A_253, %dma_wait3A_254, %dma_wait3A_255] : memref<10240x5x16xf32, #tpu.memory_space<vmem_shared>> -> memref<10240x5x16xf32, #tpu.memory_space<vmem_shared>>
        tpu.wait_indirect_dma semaphore(%arg28 : memref<!tpu.dma_semaphore, #tpu.memory_space<semaphore_mem>>) src(%arg18 : memref<128x5x16xf32, #tpu.memory_space<vmem>>) dst(%dma_wait3A_256 : memref<10240x5x16xf32, #tpu.memory_space<vmem_shared>>)
      } else {
      }
      %parallel_loop3A_189 = arith.constant 0 : i32
      %parallel_loop3A_190 = arith.constant 128 : i32
      %parallel_loop3A_191 = arith.constant 1 : i32
      scf.for %parallel_loop3A_251 = %parallel_loop3A_189 to %parallel_loop3A_190 step %parallel_loop3A_191  : i32 {
        %parallel_loop3A_252 = arith.index_cast %parallel_loop3A_251 : i32 to index
        %parallel_loop3A_253 = arith.constant 0 : index
        %parallel_loop3A_254 = tpu.vector_load %arg12[%parallel_loop3A_252, %parallel_loop3A_253] {strides = array<i32>} : memref<128x16xf32, #tpu.memory_space<vmem>>, vector<16xf32>,
        %parallel_loop3A_255 = arith.index_cast %parallel_loop3A_251 : i32 to index
        %parallel_loop3A_256 = arith.constant 0 : index
        %parallel_loop3A_257 = tpu.vector_load %arg13[%parallel_loop3A_255, %parallel_loop3A_256] {strides = array<i32>} : memref<128x16xf32, #tpu.memory_space<vmem>>, vector<16xf32>,
        %parallel_loop3A_258 = arith.addf %parallel_loop3A_254, %parallel_loop3A_257 : vector<16xf32>
        %parallel_loop3A_259 = arith.constant 0.000000e+00 : f32
        %parallel_loop3A_260 = vector.broadcast %parallel_loop3A_259 : f32 to vector<16xf32>
        %parallel_loop3A_261 = arith.cmpf ogt, %parallel_loop3A_258, %parallel_loop3A_260 : vector<16xf32>
        %parallel_loop3A_262 = arith.constant 2.000000e-01 : f32
        %parallel_loop3A_263 = vector.broadcast %parallel_loop3A_262 : f32 to vector<16xf32>
        %parallel_loop3A_264 = arith.mulf %parallel_loop3A_263, %parallel_loop3A_258 : vector<16xf32>
        %parallel_loop3A_265 = arith.select %parallel_loop3A_261, %parallel_loop3A_258, %parallel_loop3A_264 : vector<16xi1>, vector<16xf32>
        %parallel_loop3A_266 = arith.subf %parallel_loop3A_265, %select_n3A : vector<16xf32>
        %parallel_loop3A_267 = math.exp %parallel_loop3A_266 : vector<16xf32>
        %parallel_loop3A_268 = arith.constant 4 : i32
        %parallel_loop3A_269 = arith.index_cast %parallel_loop3A_251 : i32 to index
        %parallel_loop3A_270 = arith.index_cast %parallel_loop3A_268 : i32 to index
        %parallel_loop3A_271 = arith.constant 0 : index
        %parallel_loop3A_272 = tpu.vector_load %arg18[%parallel_loop3A_269, %parallel_loop3A_270, %parallel_loop3A_271] {strides = array<i32>} : memref<128x5x16xf32, #tpu.memory_space<vmem>>, vector<16xf32>,
        tpu.vector_store %arg18[%parallel_loop3A_269, %parallel_loop3A_270, %parallel_loop3A_271], %parallel_loop3A_267 {strides = array<i32>} : memref<128x5x16xf32, #tpu.memory_space<vmem>>, vector<16xf32>,
        %parallel_loop3A_273 = vector.shape_cast %add3A_62 : vector<16xi32> to vector<16x1xi32>
        %parallel_loop3A_274 = vector.shape_cast %parallel_loop3A_273 : vector<16x1xi32> to vector<16xi32>
        %parallel_loop3A_275 = tpu.dynamic_gather %parallel_loop3A_267[%parallel_loop3A_274] in [0] : vector<16xf32>, vector<16xi32> -> vector<16xf32>
        %parallel_loop3A_276 = arith.constant 0 : i32
        %parallel_loop3A_277 = arith.index_cast %parallel_loop3A_251 : i32 to index
        %parallel_loop3A_278 = arith.index_cast %parallel_loop3A_276 : i32 to index
        %parallel_loop3A_279 = arith.constant 0 : index
        %parallel_loop3A_280 = tpu.vector_load %arg16[%parallel_loop3A_277, %parallel_loop3A_278, %parallel_loop3A_279] {strides = array<i32>} : memref<128x4x16xf32, #tpu.memory_space<vmem>>, vector<16xf32>,
        %parallel_loop3A_281 = arith.mulf %parallel_loop3A_275, %parallel_loop3A_280 : vector<16xf32>
        %parallel_loop3A_282 = arith.constant 0 : i32
        %parallel_loop3A_283 = arith.index_cast %parallel_loop3A_251 : i32 to index
        %parallel_loop3A_284 = arith.index_cast %parallel_loop3A_282 : i32 to index
        %parallel_loop3A_285 = arith.constant 0 : index
        %parallel_loop3A_286 = tpu.vector_load %arg18[%parallel_loop3A_283, %parallel_loop3A_284, %parallel_loop3A_285] {strides = array<i32>} : memref<128x5x16xf32, #tpu.memory_space<vmem>>, vector<16xf32>,
        tpu.vector_store %arg18[%parallel_loop3A_283, %parallel_loop3A_284, %parallel_loop3A_285], %parallel_loop3A_281 {strides = array<i32>} : memref<128x5x16xf32, #tpu.memory_space<vmem>>, vector<16xf32>,
        %parallel_loop3A_287 = vector.shape_cast %add3A_68 : vector<16xi32> to vector<16x1xi32>
        %parallel_loop3A_288 = vector.shape_cast %parallel_loop3A_287 : vector<16x1xi32> to vector<16xi32>
        %parallel_loop3A_289 = tpu.dynamic_gather %parallel_loop3A_267[%parallel_loop3A_288] in [0] : vector<16xf32>, vector<16xi32> -> vector<16xf32>
        %parallel_loop3A_290 = arith.constant 1 : i32
        %parallel_loop3A_291 = arith.index_cast %parallel_loop3A_251 : i32 to index
        %parallel_loop3A_292 = arith.index_cast %parallel_loop3A_290 : i32 to index
        %parallel_loop3A_293 = arith.constant 0 : index
        %parallel_loop3A_294 = tpu.vector_load %arg16[%parallel_loop3A_291, %parallel_loop3A_292, %parallel_loop3A_293] {strides = array<i32>} : memref<128x4x16xf32, #tpu.memory_space<vmem>>, vector<16xf32>,
        %parallel_loop3A_295 = arith.mulf %parallel_loop3A_289, %parallel_loop3A_294 : vector<16xf32>
        %parallel_loop3A_296 = arith.constant 1 : i32
        %parallel_loop3A_297 = arith.index_cast %parallel_loop3A_251 : i32 to index
        %parallel_loop3A_298 = arith.index_cast %parallel_loop3A_296 : i32 to index
        %parallel_loop3A_299 = arith.constant 0 : index
        %parallel_loop3A_300 = tpu.vector_load %arg18[%parallel_loop3A_297, %parallel_loop3A_298, %parallel_loop3A_299] {strides = array<i32>} : memref<128x5x16xf32, #tpu.memory_space<vmem>>, vector<16xf32>,
        tpu.vector_store %arg18[%parallel_loop3A_297, %parallel_loop3A_298, %parallel_loop3A_299], %parallel_loop3A_295 {strides = array<i32>} : memref<128x5x16xf32, #tpu.memory_space<vmem>>, vector<16xf32>,
        %parallel_loop3A_301 = vector.shape_cast %add3A_74 : vector<16xi32> to vector<16x1xi32>
        %parallel_loop3A_302 = vector.shape_cast %parallel_loop3A_301 : vector<16x1xi32> to vector<16xi32>
        %parallel_loop3A_303 = tpu.dynamic_gather %parallel_loop3A_267[%parallel_loop3A_302] in [0] : vector<16xf32>, vector<16xi32> -> vector<16xf32>
        %parallel_loop3A_304 = arith.constant 2 : i32
        %parallel_loop3A_305 = arith.index_cast %parallel_loop3A_251 : i32 to index
        %parallel_loop3A_306 = arith.index_cast %parallel_loop3A_304 : i32 to index
        %parallel_loop3A_307 = arith.constant 0 : index
        %parallel_loop3A_308 = tpu.vector_load %arg16[%parallel_loop3A_305, %parallel_loop3A_306, %parallel_loop3A_307] {strides = array<i32>} : memref<128x4x16xf32, #tpu.memory_space<vmem>>, vector<16xf32>,
        %parallel_loop3A_309 = arith.mulf %parallel_loop3A_303, %parallel_loop3A_308 : vector<16xf32>
        %parallel_loop3A_310 = arith.constant 2 : i32
        %parallel_loop3A_311 = arith.index_cast %parallel_loop3A_251 : i32 to index
        %parallel_loop3A_312 = arith.index_cast %parallel_loop3A_310 : i32 to index
        %parallel_loop3A_313 = arith.constant 0 : index
        %parallel_loop3A_314 = tpu.vector_load %arg18[%parallel_loop3A_311, %parallel_loop3A_312, %parallel_loop3A_313] {strides = array<i32>} : memref<128x5x16xf32, #tpu.memory_space<vmem>>, vector<16xf32>,
        tpu.vector_store %arg18[%parallel_loop3A_311, %parallel_loop3A_312, %parallel_loop3A_313], %parallel_loop3A_309 {strides = array<i32>} : memref<128x5x16xf32, #tpu.memory_space<vmem>>, vector<16xf32>,
        %parallel_loop3A_315 = vector.shape_cast %add3A_80 : vector<16xi32> to vector<16x1xi32>
        %parallel_loop3A_316 = vector.shape_cast %parallel_loop3A_315 : vector<16x1xi32> to vector<16xi32>
        %parallel_loop3A_317 = tpu.dynamic_gather %parallel_loop3A_267[%parallel_loop3A_316] in [0] : vector<16xf32>, vector<16xi32> -> vector<16xf32>
        %parallel_loop3A_318 = arith.constant 3 : i32
        %parallel_loop3A_319 = arith.index_cast %parallel_loop3A_251 : i32 to index
        %parallel_loop3A_320 = arith.index_cast %parallel_loop3A_318 : i32 to index
        %parallel_loop3A_321 = arith.constant 0 : index
        %parallel_loop3A_322 = tpu.vector_load %arg16[%parallel_loop3A_319, %parallel_loop3A_320, %parallel_loop3A_321] {strides = array<i32>} : memref<128x4x16xf32, #tpu.memory_space<vmem>>, vector<16xf32>,
        %parallel_loop3A_323 = arith.mulf %parallel_loop3A_317, %parallel_loop3A_322 : vector<16xf32>
        %parallel_loop3A_324 = arith.constant 3 : i32
        %parallel_loop3A_325 = arith.index_cast %parallel_loop3A_251 : i32 to index
        %parallel_loop3A_326 = arith.index_cast %parallel_loop3A_324 : i32 to index
        %parallel_loop3A_327 = arith.constant 0 : index
        %parallel_loop3A_328 = tpu.vector_load %arg18[%parallel_loop3A_325, %parallel_loop3A_326, %parallel_loop3A_327] {strides = array<i32>} : memref<128x5x16xf32, #tpu.memory_space<vmem>>, vector<16xf32>,
        tpu.vector_store %arg18[%parallel_loop3A_325, %parallel_loop3A_326, %parallel_loop3A_327], %parallel_loop3A_323 {strides = array<i32>} : memref<128x5x16xf32, #tpu.memory_space<vmem>>, vector<16xf32>,
      } {sc.loop_unroll_factor = 4 : i64, sc.parallel_access}
      %mul3A_192 = arith.constant 128 : i32
      %mul3A_193 = arith.muli %mul3A_150, %mul3A_192 : i32
      %dma_start3A_194 = tpu.memref_slice %arg11[%mul3A_193] : memref<10368xi32, #tpu.memory_space<vmem>> -> memref<128xi32, #tpu.memory_space<vmem>>
      %dma_start3A_195 = arith.constant 0 : i32
      %dma_start3A_196 = arith.constant 0 : i32
      %dma_start3A_197 = arith.constant 0 : i32
      %dma_start3A_198 = tpu.memref_slice %arg9[%dma_start3A_195, %dma_start3A_196, %dma_start3A_197] : memref<10240x5x16xf32, #tpu.memory_space<vmem_shared>> -> memref<10240x5x16xf32, #tpu.memory_space<vmem_shared>>
      tpu.enqueue_indirect_dma source(%arg18 : memref<128x5x16xf32, #tpu.memory_space<vmem>>) target(%dma_start3A_198 : memref<10240x5x16xf32, #tpu.memory_space<vmem_shared>>) offsets(%dma_start3A_194 : memref<128xi32, #tpu.memory_space<vmem>>) semaphore(%arg28 : memref<!tpu.dma_semaphore, #tpu.memory_space<semaphore_mem>>) {add = true}
      %add3A_199 = arith.constant 2 : i32
      %add3A_200 = arith.addi %mul3A_150, %add3A_199 : i32
      %mul3A_201 = arith.constant 128 : i32
      %mul3A_202 = arith.muli %add3A_200, %mul3A_201 : i32
      %mul3A_203 = arith.constant 128 : i32
      %mul3A_204 = arith.muli %add3A_200, %mul3A_203 : i32
      %dma_start3A_205 = tpu.memref_slice %arg10[%mul3A_202] : memref<10368xi32, #tpu.memory_space<vmem>> -> memref<128xi32, #tpu.memory_space<vmem>>
      %dma_start3A_206 = arith.constant 0 : i32
      %dma_start3A_207 = arith.constant 0 : i32
      %dma_start3A_208 = tpu.memref_slice %arg2[%dma_start3A_206, %dma_start3A_207] : memref<10240x16xf32, #tpu.memory_space<hbm>> -> memref<10240x16xf32, #tpu.memory_space<hbm>>
      tpu.enqueue_indirect_dma source(%dma_start3A_208 : memref<10240x16xf32, #tpu.memory_space<hbm>>) target(%arg12 : memref<128x16xf32, #tpu.memory_space<vmem>>) offsets(%dma_start3A_205 : memref<128xi32, #tpu.memory_space<vmem>>) semaphore(%arg22 : memref<!tpu.dma_semaphore, #tpu.memory_space<semaphore_mem>>)
      %dma_start3A_209 = tpu.memref_slice %arg11[%mul3A_204] : memref<10368xi32, #tpu.memory_space<vmem>> -> memref<128xi32, #tpu.memory_space<vmem>>
      %dma_start3A_210 = arith.constant 0 : i32
      %dma_start3A_211 = arith.constant 0 : i32
      %dma_start3A_212 = tpu.memref_slice %arg3[%dma_start3A_210, %dma_start3A_211] : memref<10240x16xf32, #tpu.memory_space<hbm>> -> memref<10240x16xf32, #tpu.memory_space<hbm>>
      tpu.enqueue_indirect_dma source(%dma_start3A_212 : memref<10240x16xf32, #tpu.memory_space<hbm>>) target(%arg13 : memref<128x16xf32, #tpu.memory_space<vmem>>) offsets(%dma_start3A_209 : memref<128xi32, #tpu.memory_space<vmem>>) semaphore(%arg23 : memref<!tpu.dma_semaphore, #tpu.memory_space<semaphore_mem>>)
      %dma_start3A_213 = tpu.memref_slice %arg10[%mul3A_202] : memref<10368xi32, #tpu.memory_space<vmem>> -> memref<128xi32, #tpu.memory_space<vmem>>
      %dma_start3A_214 = arith.constant 0 : i32
      %dma_start3A_215 = arith.constant 0 : i32
      %dma_start3A_216 = arith.constant 0 : i32
      %dma_start3A_217 = tpu.memref_slice %arg4[%dma_start3A_214, %dma_start3A_215, %dma_start3A_216] : memref<10240x4x16xf32, #tpu.memory_space<hbm>> -> memref<10240x4x16xf32, #tpu.memory_space<hbm>>
      tpu.enqueue_indirect_dma source(%dma_start3A_217 : memref<10240x4x16xf32, #tpu.memory_space<hbm>>) target(%arg16 : memref<128x4x16xf32, #tpu.memory_space<vmem>>) offsets(%dma_start3A_213 : memref<128xi32, #tpu.memory_space<vmem>>) semaphore(%arg24 : memref<!tpu.dma_semaphore, #tpu.memory_space<semaphore_mem>>)
      %dma_wait3A_218 = arith.constant 0 : i32
      %dma_wait3A_219 = tpu.memref_slice %arg10[%dma_wait3A_218] : memref<10368xi32, #tpu.memory_space<vmem>> -> memref<128xi32, #tpu.memory_space<vmem>>
      %dma_wait3A_220 = arith.constant 0 : i32
      %dma_wait3A_221 = arith.constant 0 : i32
      %dma_wait3A_222 = tpu.memref_slice %arg2[%dma_wait3A_220, %dma_wait3A_221] : memref<10240x16xf32, #tpu.memory_space<hbm>> -> memref<10240x16xf32, #tpu.memory_space<hbm>>
      tpu.wait_indirect_dma semaphore(%arg25 : memref<!tpu.dma_semaphore, #tpu.memory_space<semaphore_mem>>) src(%dma_wait3A_222 : memref<10240x16xf32, #tpu.memory_space<hbm>>) dst(%arg14 : memref<128x16xf32, #tpu.memory_space<vmem>>)
      %dma_wait3A_223 = arith.constant 0 : i32
      %dma_wait3A_224 = tpu.memref_slice %arg10[%dma_wait3A_223] : memref<10368xi32, #tpu.memory_space<vmem>> -> memref<128xi32, #tpu.memory_space<vmem>>
      %dma_wait3A_225 = arith.constant 0 : i32
      %dma_wait3A_226 = arith.constant 0 : i32
      %dma_wait3A_227 = tpu.memref_slice %arg3[%dma_wait3A_225, %dma_wait3A_226] : memref<10240x16xf32, #tpu.memory_space<hbm>> -> memref<10240x16xf32, #tpu.memory_space<hbm>>
      tpu.wait_indirect_dma semaphore(%arg26 : memref<!tpu.dma_semaphore, #tpu.memory_space<semaphore_mem>>) src(%dma_wait3A_227 : memref<10240x16xf32, #tpu.memory_space<hbm>>) dst(%arg15 : memref<128x16xf32, #tpu.memory_space<vmem>>)
      %dma_wait3A_228 = arith.constant 0 : i32
      %dma_wait3A_229 = tpu.memref_slice %arg10[%dma_wait3A_228] : memref<10368xi32, #tpu.memory_space<vmem>> -> memref<128xi32, #tpu.memory_space<vmem>>
      %dma_wait3A_230 = arith.constant 0 : i32
      %dma_wait3A_231 = arith.constant 0 : i32
      %dma_wait3A_232 = arith.constant 0 : i32
      %dma_wait3A_233 = tpu.memref_slice %arg4[%dma_wait3A_230, %dma_wait3A_231, %dma_wait3A_232] : memref<10240x4x16xf32, #tpu.memory_space<hbm>> -> memref<10240x4x16xf32, #tpu.memory_space<hbm>>
      tpu.wait_indirect_dma semaphore(%arg27 : memref<!tpu.dma_semaphore, #tpu.memory_space<semaphore_mem>>) src(%dma_wait3A_233 : memref<10240x4x16xf32, #tpu.memory_space<hbm>>) dst(%arg17 : memref<128x4x16xf32, #tpu.memory_space<vmem>>)
      %gt3A_234 = arith.constant 0 : i32
      %gt3A_235 = arith.cmpi sgt, %scan3A_148, %gt3A_234 : i32
      %convert_element_type3A_236 = arith.extui %gt3A_235 : i1 to i32
      %cond3A_237 = arith.constant 0 : i32
      %cond3A_238 = arith.cmpi ne, %convert_element_type3A_236, %cond3A_237 : i32
      scf.if %cond3A_238 {
        %dma_wait3A_251 = arith.constant 0 : i32
        %dma_wait3A_252 = tpu.memref_slice %arg11[%dma_wait3A_251] : memref<10368xi32, #tpu.memory_space<vmem>> -> memref<128xi32, #tpu.memory_space<vmem>>
        %dma_wait3A_253 = arith.constant 0 : i32
        %dma_wait3A_254 = arith.constant 0 : i32
        %dma_wait3A_255 = arith.constant 0 : i32
        %dma_wait3A_256 = tpu.memref_slice %arg9[%dma_wait3A_253, %dma_wait3A_254, %dma_wait3A_255] : memref<10240x5x16xf32, #tpu.memory_space<vmem_shared>> -> memref<10240x5x16xf32, #tpu.memory_space<vmem_shared>>
        tpu.wait_indirect_dma semaphore(%arg29 : memref<!tpu.dma_semaphore, #tpu.memory_space<semaphore_mem>>) src(%arg19 : memref<128x5x16xf32, #tpu.memory_space<vmem>>) dst(%dma_wait3A_256 : memref<10240x5x16xf32, #tpu.memory_space<vmem_shared>>)
      } else {
      }
      %add3A_239 = arith.constant 1 : i32
      %add3A_240 = arith.addi %mul3A_150, %add3A_239 : i32
      %parallel_loop3A_241 = arith.constant 0 : i32
      %parallel_loop3A_242 = arith.constant 128 : i32
      %parallel_loop3A_243 = arith.constant 1 : i32
      scf.for %parallel_loop3A_251 = %parallel_loop3A_241 to %parallel_loop3A_242 step %parallel_loop3A_243  : i32 {
        %parallel_loop3A_252 = arith.index_cast %parallel_loop3A_251 : i32 to index
        %parallel_loop3A_253 = arith.constant 0 : index
        %parallel_loop3A_254 = tpu.vector_load %arg14[%parallel_loop3A_252, %parallel_loop3A_253] {strides = array<i32>} : memref<128x16xf32, #tpu.memory_space<vmem>>, vector<16xf32>,
        %parallel_loop3A_255 = arith.index_cast %parallel_loop3A_251 : i32 to index
        %parallel_loop3A_256 = arith.constant 0 : index
        %parallel_loop3A_257 = tpu.vector_load %arg15[%parallel_loop3A_255, %parallel_loop3A_256] {strides = array<i32>} : memref<128x16xf32, #tpu.memory_space<vmem>>, vector<16xf32>,
        %parallel_loop3A_258 = arith.addf %parallel_loop3A_254, %parallel_loop3A_257 : vector<16xf32>
        %parallel_loop3A_259 = arith.constant 0.000000e+00 : f32
        %parallel_loop3A_260 = vector.broadcast %parallel_loop3A_259 : f32 to vector<16xf32>
        %parallel_loop3A_261 = arith.cmpf ogt, %parallel_loop3A_258, %parallel_loop3A_260 : vector<16xf32>
        %parallel_loop3A_262 = arith.constant 2.000000e-01 : f32
        %parallel_loop3A_263 = vector.broadcast %parallel_loop3A_262 : f32 to vector<16xf32>
        %parallel_loop3A_264 = arith.mulf %parallel_loop3A_263, %parallel_loop3A_258 : vector<16xf32>
        %parallel_loop3A_265 = arith.select %parallel_loop3A_261, %parallel_loop3A_258, %parallel_loop3A_264 : vector<16xi1>, vector<16xf32>
        %parallel_loop3A_266 = arith.subf %parallel_loop3A_265, %select_n3A : vector<16xf32>
        %parallel_loop3A_267 = math.exp %parallel_loop3A_266 : vector<16xf32>
        %parallel_loop3A_268 = arith.constant 4 : i32
        %parallel_loop3A_269 = arith.index_cast %parallel_loop3A_251 : i32 to index
        %parallel_loop3A_270 = arith.index_cast %parallel_loop3A_268 : i32 to index
        %parallel_loop3A_271 = arith.constant 0 : index
        %parallel_loop3A_272 = tpu.vector_load %arg19[%parallel_loop3A_269, %parallel_loop3A_270, %parallel_loop3A_271] {strides = array<i32>} : memref<128x5x16xf32, #tpu.memory_space<vmem>>, vector<16xf32>,
        tpu.vector_store %arg19[%parallel_loop3A_269, %parallel_loop3A_270, %parallel_loop3A_271], %parallel_loop3A_267 {strides = array<i32>} : memref<128x5x16xf32, #tpu.memory_space<vmem>>, vector<16xf32>,
        %parallel_loop3A_273 = vector.shape_cast %add3A_62 : vector<16xi32> to vector<16x1xi32>
        %parallel_loop3A_274 = vector.shape_cast %parallel_loop3A_273 : vector<16x1xi32> to vector<16xi32>
        %parallel_loop3A_275 = tpu.dynamic_gather %parallel_loop3A_267[%parallel_loop3A_274] in [0] : vector<16xf32>, vector<16xi32> -> vector<16xf32>
        %parallel_loop3A_276 = arith.constant 0 : i32
        %parallel_loop3A_277 = arith.index_cast %parallel_loop3A_251 : i32 to index
        %parallel_loop3A_278 = arith.index_cast %parallel_loop3A_276 : i32 to index
        %parallel_loop3A_279 = arith.constant 0 : index
        %parallel_loop3A_280 = tpu.vector_load %arg17[%parallel_loop3A_277, %parallel_loop3A_278, %parallel_loop3A_279] {strides = array<i32>} : memref<128x4x16xf32, #tpu.memory_space<vmem>>, vector<16xf32>,
        %parallel_loop3A_281 = arith.mulf %parallel_loop3A_275, %parallel_loop3A_280 : vector<16xf32>
        %parallel_loop3A_282 = arith.constant 0 : i32
        %parallel_loop3A_283 = arith.index_cast %parallel_loop3A_251 : i32 to index
        %parallel_loop3A_284 = arith.index_cast %parallel_loop3A_282 : i32 to index
        %parallel_loop3A_285 = arith.constant 0 : index
        %parallel_loop3A_286 = tpu.vector_load %arg19[%parallel_loop3A_283, %parallel_loop3A_284, %parallel_loop3A_285] {strides = array<i32>} : memref<128x5x16xf32, #tpu.memory_space<vmem>>, vector<16xf32>,
        tpu.vector_store %arg19[%parallel_loop3A_283, %parallel_loop3A_284, %parallel_loop3A_285], %parallel_loop3A_281 {strides = array<i32>} : memref<128x5x16xf32, #tpu.memory_space<vmem>>, vector<16xf32>,
        %parallel_loop3A_287 = vector.shape_cast %add3A_68 : vector<16xi32> to vector<16x1xi32>
        %parallel_loop3A_288 = vector.shape_cast %parallel_loop3A_287 : vector<16x1xi32> to vector<16xi32>
        %parallel_loop3A_289 = tpu.dynamic_gather %parallel_loop3A_267[%parallel_loop3A_288] in [0] : vector<16xf32>, vector<16xi32> -> vector<16xf32>
        %parallel_loop3A_290 = arith.constant 1 : i32
        %parallel_loop3A_291 = arith.index_cast %parallel_loop3A_251 : i32 to index
        %parallel_loop3A_292 = arith.index_cast %parallel_loop3A_290 : i32 to index
        %parallel_loop3A_293 = arith.constant 0 : index
        %parallel_loop3A_294 = tpu.vector_load %arg17[%parallel_loop3A_291, %parallel_loop3A_292, %parallel_loop3A_293] {strides = array<i32>} : memref<128x4x16xf32, #tpu.memory_space<vmem>>, vector<16xf32>,
        %parallel_loop3A_295 = arith.mulf %parallel_loop3A_289, %parallel_loop3A_294 : vector<16xf32>
        %parallel_loop3A_296 = arith.constant 1 : i32
        %parallel_loop3A_297 = arith.index_cast %parallel_loop3A_251 : i32 to index
        %parallel_loop3A_298 = arith.index_cast %parallel_loop3A_296 : i32 to index
        %parallel_loop3A_299 = arith.constant 0 : index
        %parallel_loop3A_300 = tpu.vector_load %arg19[%parallel_loop3A_297, %parallel_loop3A_298, %parallel_loop3A_299] {strides = array<i32>} : memref<128x5x16xf32, #tpu.memory_space<vmem>>, vector<16xf32>,
        tpu.vector_store %arg19[%parallel_loop3A_297, %parallel_loop3A_298, %parallel_loop3A_299], %parallel_loop3A_295 {strides = array<i32>} : memref<128x5x16xf32, #tpu.memory_space<vmem>>, vector<16xf32>,
        %parallel_loop3A_301 = vector.shape_cast %add3A_74 : vector<16xi32> to vector<16x1xi32>
        %parallel_loop3A_302 = vector.shape_cast %parallel_loop3A_301 : vector<16x1xi32> to vector<16xi32>
        %parallel_loop3A_303 = tpu.dynamic_gather %parallel_loop3A_267[%parallel_loop3A_302] in [0] : vector<16xf32>, vector<16xi32> -> vector<16xf32>
        %parallel_loop3A_304 = arith.constant 2 : i32
        %parallel_loop3A_305 = arith.index_cast %parallel_loop3A_251 : i32 to index
        %parallel_loop3A_306 = arith.index_cast %parallel_loop3A_304 : i32 to index
        %parallel_loop3A_307 = arith.constant 0 : index
        %parallel_loop3A_308 = tpu.vector_load %arg17[%parallel_loop3A_305, %parallel_loop3A_306, %parallel_loop3A_307] {strides = array<i32>} : memref<128x4x16xf32, #tpu.memory_space<vmem>>, vector<16xf32>,
        %parallel_loop3A_309 = arith.mulf %parallel_loop3A_303, %parallel_loop3A_308 : vector<16xf32>
        %parallel_loop3A_310 = arith.constant 2 : i32
        %parallel_loop3A_311 = arith.index_cast %parallel_loop3A_251 : i32 to index
        %parallel_loop3A_312 = arith.index_cast %parallel_loop3A_310 : i32 to index
        %parallel_loop3A_313 = arith.constant 0 : index
        %parallel_loop3A_314 = tpu.vector_load %arg19[%parallel_loop3A_311, %parallel_loop3A_312, %parallel_loop3A_313] {strides = array<i32>} : memref<128x5x16xf32, #tpu.memory_space<vmem>>, vector<16xf32>,
        tpu.vector_store %arg19[%parallel_loop3A_311, %parallel_loop3A_312, %parallel_loop3A_313], %parallel_loop3A_309 {strides = array<i32>} : memref<128x5x16xf32, #tpu.memory_space<vmem>>, vector<16xf32>,
        %parallel_loop3A_315 = vector.shape_cast %add3A_80 : vector<16xi32> to vector<16x1xi32>
        %parallel_loop3A_316 = vector.shape_cast %parallel_loop3A_315 : vector<16x1xi32> to vector<16xi32>
        %parallel_loop3A_317 = tpu.dynamic_gather %parallel_loop3A_267[%parallel_loop3A_316] in [0] : vector<16xf32>, vector<16xi32> -> vector<16xf32>
        %parallel_loop3A_318 = arith.constant 3 : i32
        %parallel_loop3A_319 = arith.index_cast %parallel_loop3A_251 : i32 to index
        %parallel_loop3A_320 = arith.index_cast %parallel_loop3A_318 : i32 to index
        %parallel_loop3A_321 = arith.constant 0 : index
        %parallel_loop3A_322 = tpu.vector_load %arg17[%parallel_loop3A_319, %parallel_loop3A_320, %parallel_loop3A_321] {strides = array<i32>} : memref<128x4x16xf32, #tpu.memory_space<vmem>>, vector<16xf32>,
        %parallel_loop3A_323 = arith.mulf %parallel_loop3A_317, %parallel_loop3A_322 : vector<16xf32>
        %parallel_loop3A_324 = arith.constant 3 : i32
        %parallel_loop3A_325 = arith.index_cast %parallel_loop3A_251 : i32 to index
        %parallel_loop3A_326 = arith.index_cast %parallel_loop3A_324 : i32 to index
        %parallel_loop3A_327 = arith.constant 0 : index
        %parallel_loop3A_328 = tpu.vector_load %arg19[%parallel_loop3A_325, %parallel_loop3A_326, %parallel_loop3A_327] {strides = array<i32>} : memref<128x5x16xf32, #tpu.memory_space<vmem>>, vector<16xf32>,
        tpu.vector_store %arg19[%parallel_loop3A_325, %parallel_loop3A_326, %parallel_loop3A_327], %parallel_loop3A_323 {strides = array<i32>} : memref<128x5x16xf32, #tpu.memory_space<vmem>>, vector<16xf32>,
      } {sc.loop_unroll_factor = 4 : i64, sc.parallel_access}
      %mul3A_244 = arith.constant 128 : i32
      %mul3A_245 = arith.muli %add3A_240, %mul3A_244 : i32
      %dma_start3A_246 = tpu.memref_slice %arg11[%mul3A_245] : memref<10368xi32, #tpu.memory_space<vmem>> -> memref<128xi32, #tpu.memory_space<vmem>>
      %dma_start3A_247 = arith.constant 0 : i32
      %dma_start3A_248 = arith.constant 0 : i32
      %dma_start3A_249 = arith.constant 0 : i32
      %dma_start3A_250 = tpu.memref_slice %arg9[%dma_start3A_247, %dma_start3A_248, %dma_start3A_249] : memref<10240x5x16xf32, #tpu.memory_space<vmem_shared>> -> memref<10240x5x16xf32, #tpu.memory_space<vmem_shared>>
      tpu.enqueue_indirect_dma source(%arg19 : memref<128x5x16xf32, #tpu.memory_space<vmem>>) target(%dma_start3A_250 : memref<10240x5x16xf32, #tpu.memory_space<vmem_shared>>) offsets(%dma_start3A_246 : memref<128xi32, #tpu.memory_space<vmem>>) semaphore(%arg29 : memref<!tpu.dma_semaphore, #tpu.memory_space<semaphore_mem>>) {add = true}
    }
    %scan3A_100 = arith.constant 40 : i32
    %dma_wait3A = arith.constant 0 : i32
    %dma_wait3A_101 = tpu.memref_slice %arg10[%dma_wait3A] : memref<10368xi32, #tpu.memory_space<vmem>> -> memref<128xi32, #tpu.memory_space<vmem>>
    %dma_wait3A_102 = arith.constant 0 : i32
    %dma_wait3A_103 = arith.constant 0 : i32
    %dma_wait3A_104 = tpu.memref_slice %arg2[%dma_wait3A_102, %dma_wait3A_103] : memref<10240x16xf32, #tpu.memory_space<hbm>> -> memref<10240x16xf32, #tpu.memory_space<hbm>>
    tpu.wait_indirect_dma semaphore(%arg22 : memref<!tpu.dma_semaphore, #tpu.memory_space<semaphore_mem>>) src(%dma_wait3A_104 : memref<10240x16xf32, #tpu.memory_space<hbm>>) dst(%arg12 : memref<128x16xf32, #tpu.memory_space<vmem>>)
    %dma_wait3A_105 = arith.constant 0 : i32
    %dma_wait3A_106 = tpu.memref_slice %arg10[%dma_wait3A_105] : memref<10368xi32, #tpu.memory_space<vmem>> -> memref<128xi32, #tpu.memory_space<vmem>>
    %dma_wait3A_107 = arith.constant 0 : i32
    %dma_wait3A_108 = arith.constant 0 : i32
    %dma_wait3A_109 = tpu.memref_slice %arg3[%dma_wait3A_107, %dma_wait3A_108] : memref<10240x16xf32, #tpu.memory_space<hbm>> -> memref<10240x16xf32, #tpu.memory_space<hbm>>
    tpu.wait_indirect_dma semaphore(%arg23 : memref<!tpu.dma_semaphore, #tpu.memory_space<semaphore_mem>>) src(%dma_wait3A_109 : memref<10240x16xf32, #tpu.memory_space<hbm>>) dst(%arg13 : memref<128x16xf32, #tpu.memory_space<vmem>>)
    %dma_wait3A_110 = arith.constant 0 : i32
    %dma_wait3A_111 = tpu.memref_slice %arg10[%dma_wait3A_110] : memref<10368xi32, #tpu.memory_space<vmem>> -> memref<128xi32, #tpu.memory_space<vmem>>
    %dma_wait3A_112 = arith.constant 0 : i32
    %dma_wait3A_113 = arith.constant 0 : i32
    %dma_wait3A_114 = arith.constant 0 : i32
    %dma_wait3A_115 = tpu.memref_slice %arg4[%dma_wait3A_112, %dma_wait3A_113, %dma_wait3A_114] : memref<10240x4x16xf32, #tpu.memory_space<hbm>> -> memref<10240x4x16xf32, #tpu.memory_space<hbm>>
    tpu.wait_indirect_dma semaphore(%arg24 : memref<!tpu.dma_semaphore, #tpu.memory_space<semaphore_mem>>) src(%dma_wait3A_115 : memref<10240x4x16xf32, #tpu.memory_space<hbm>>) dst(%arg16 : memref<128x4x16xf32, #tpu.memory_space<vmem>>)
    %dma_wait3A_116 = arith.constant 0 : i32
    %dma_wait3A_117 = tpu.memref_slice %arg11[%dma_wait3A_116] : memref<10368xi32, #tpu.memory_space<vmem>> -> memref<128xi32, #tpu.memory_space<vmem>>
    %dma_wait3A_118 = arith.constant 0 : i32
    %dma_wait3A_119 = arith.constant 0 : i32
    %dma_wait3A_120 = arith.constant 0 : i32
    %dma_wait3A_121 = tpu.memref_slice %arg9[%dma_wait3A_118, %dma_wait3A_119, %dma_wait3A_120] : memref<10240x5x16xf32, #tpu.memory_space<vmem_shared>> -> memref<10240x5x16xf32, #tpu.memory_space<vmem_shared>>
    tpu.wait_indirect_dma semaphore(%arg28 : memref<!tpu.dma_semaphore, #tpu.memory_space<semaphore_mem>>) src(%arg18 : memref<128x5x16xf32, #tpu.memory_space<vmem>>) dst(%dma_wait3A_121 : memref<10240x5x16xf32, #tpu.memory_space<vmem_shared>>)
    %parallel_loop3A_122 = arith.constant 0 : i32
    %parallel_loop3A_123 = arith.constant 128 : i32
    %parallel_loop3A_124 = arith.constant 1 : i32
    scf.for %parallel_loop3A_148 = %parallel_loop3A_122 to %parallel_loop3A_123 step %parallel_loop3A_124  : i32 {
      %parallel_loop3A_149 = arith.index_cast %parallel_loop3A_148 : i32 to index
      %parallel_loop3A_150 = arith.constant 0 : index
      %parallel_loop3A_151 = tpu.vector_load %arg12[%parallel_loop3A_149, %parallel_loop3A_150] {strides = array<i32>} : memref<128x16xf32, #tpu.memory_space<vmem>>, vector<16xf32>,
      %parallel_loop3A_152 = arith.index_cast %parallel_loop3A_148 : i32 to index
      %parallel_loop3A_153 = arith.constant 0 : index
      %parallel_loop3A_154 = tpu.vector_load %arg13[%parallel_loop3A_152, %parallel_loop3A_153] {strides = array<i32>} : memref<128x16xf32, #tpu.memory_space<vmem>>, vector<16xf32>,
      %parallel_loop3A_155 = arith.addf %parallel_loop3A_151, %parallel_loop3A_154 : vector<16xf32>
      %parallel_loop3A_156 = arith.constant 0.000000e+00 : f32
      %parallel_loop3A_157 = vector.broadcast %parallel_loop3A_156 : f32 to vector<16xf32>
      %parallel_loop3A_158 = arith.cmpf ogt, %parallel_loop3A_155, %parallel_loop3A_157 : vector<16xf32>
      %parallel_loop3A_159 = arith.constant 2.000000e-01 : f32
      %parallel_loop3A_160 = vector.broadcast %parallel_loop3A_159 : f32 to vector<16xf32>
      %parallel_loop3A_161 = arith.mulf %parallel_loop3A_160, %parallel_loop3A_155 : vector<16xf32>
      %parallel_loop3A_162 = arith.select %parallel_loop3A_158, %parallel_loop3A_155, %parallel_loop3A_161 : vector<16xi1>, vector<16xf32>
      %parallel_loop3A_163 = arith.subf %parallel_loop3A_162, %select_n3A : vector<16xf32>
      %parallel_loop3A_164 = math.exp %parallel_loop3A_163 : vector<16xf32>
      %parallel_loop3A_165 = arith.constant 4 : i32
      %parallel_loop3A_166 = arith.index_cast %parallel_loop3A_148 : i32 to index
      %parallel_loop3A_167 = arith.index_cast %parallel_loop3A_165 : i32 to index
      %parallel_loop3A_168 = arith.constant 0 : index
      %parallel_loop3A_169 = tpu.vector_load %arg18[%parallel_loop3A_166, %parallel_loop3A_167, %parallel_loop3A_168] {strides = array<i32>} : memref<128x5x16xf32, #tpu.memory_space<vmem>>, vector<16xf32>,
      tpu.vector_store %arg18[%parallel_loop3A_166, %parallel_loop3A_167, %parallel_loop3A_168], %parallel_loop3A_164 {strides = array<i32>} : memref<128x5x16xf32, #tpu.memory_space<vmem>>, vector<16xf32>,
      %parallel_loop3A_170 = vector.shape_cast %add3A_62 : vector<16xi32> to vector<16x1xi32>
      %parallel_loop3A_171 = vector.shape_cast %parallel_loop3A_170 : vector<16x1xi32> to vector<16xi32>
      %parallel_loop3A_172 = tpu.dynamic_gather %parallel_loop3A_164[%parallel_loop3A_171] in [0] : vector<16xf32>, vector<16xi32> -> vector<16xf32>
      %parallel_loop3A_173 = arith.constant 0 : i32
      %parallel_loop3A_174 = arith.index_cast %parallel_loop3A_148 : i32 to index
      %parallel_loop3A_175 = arith.index_cast %parallel_loop3A_173 : i32 to index
      %parallel_loop3A_176 = arith.constant 0 : index
      %parallel_loop3A_177 = tpu.vector_load %arg16[%parallel_loop3A_174, %parallel_loop3A_175, %parallel_loop3A_176] {strides = array<i32>} : memref<128x4x16xf32, #tpu.memory_space<vmem>>, vector<16xf32>,
      %parallel_loop3A_178 = arith.mulf %parallel_loop3A_172, %parallel_loop3A_177 : vector<16xf32>
      %parallel_loop3A_179 = arith.constant 0 : i32
      %parallel_loop3A_180 = arith.index_cast %parallel_loop3A_148 : i32 to index
      %parallel_loop3A_181 = arith.index_cast %parallel_loop3A_179 : i32 to index
      %parallel_loop3A_182 = arith.constant 0 : index
      %parallel_loop3A_183 = tpu.vector_load %arg18[%parallel_loop3A_180, %parallel_loop3A_181, %parallel_loop3A_182] {strides = array<i32>} : memref<128x5x16xf32, #tpu.memory_space<vmem>>, vector<16xf32>,
      tpu.vector_store %arg18[%parallel_loop3A_180, %parallel_loop3A_181, %parallel_loop3A_182], %parallel_loop3A_178 {strides = array<i32>} : memref<128x5x16xf32, #tpu.memory_space<vmem>>, vector<16xf32>,
      %parallel_loop3A_184 = vector.shape_cast %add3A_68 : vector<16xi32> to vector<16x1xi32>
      %parallel_loop3A_185 = vector.shape_cast %parallel_loop3A_184 : vector<16x1xi32> to vector<16xi32>
      %parallel_loop3A_186 = tpu.dynamic_gather %parallel_loop3A_164[%parallel_loop3A_185] in [0] : vector<16xf32>, vector<16xi32> -> vector<16xf32>
      %parallel_loop3A_187 = arith.constant 1 : i32
      %parallel_loop3A_188 = arith.index_cast %parallel_loop3A_148 : i32 to index
      %parallel_loop3A_189 = arith.index_cast %parallel_loop3A_187 : i32 to index
      %parallel_loop3A_190 = arith.constant 0 : index
      %parallel_loop3A_191 = tpu.vector_load %arg16[%parallel_loop3A_188, %parallel_loop3A_189, %parallel_loop3A_190] {strides = array<i32>} : memref<128x4x16xf32, #tpu.memory_space<vmem>>, vector<16xf32>,
      %parallel_loop3A_192 = arith.mulf %parallel_loop3A_186, %parallel_loop3A_191 : vector<16xf32>
      %parallel_loop3A_193 = arith.constant 1 : i32
      %parallel_loop3A_194 = arith.index_cast %parallel_loop3A_148 : i32 to index
      %parallel_loop3A_195 = arith.index_cast %parallel_loop3A_193 : i32 to index
      %parallel_loop3A_196 = arith.constant 0 : index
      %parallel_loop3A_197 = tpu.vector_load %arg18[%parallel_loop3A_194, %parallel_loop3A_195, %parallel_loop3A_196] {strides = array<i32>} : memref<128x5x16xf32, #tpu.memory_space<vmem>>, vector<16xf32>,
      tpu.vector_store %arg18[%parallel_loop3A_194, %parallel_loop3A_195, %parallel_loop3A_196], %parallel_loop3A_192 {strides = array<i32>} : memref<128x5x16xf32, #tpu.memory_space<vmem>>, vector<16xf32>,
      %parallel_loop3A_198 = vector.shape_cast %add3A_74 : vector<16xi32> to vector<16x1xi32>
      %parallel_loop3A_199 = vector.shape_cast %parallel_loop3A_198 : vector<16x1xi32> to vector<16xi32>
      %parallel_loop3A_200 = tpu.dynamic_gather %parallel_loop3A_164[%parallel_loop3A_199] in [0] : vector<16xf32>, vector<16xi32> -> vector<16xf32>
      %parallel_loop3A_201 = arith.constant 2 : i32
      %parallel_loop3A_202 = arith.index_cast %parallel_loop3A_148 : i32 to index
      %parallel_loop3A_203 = arith.index_cast %parallel_loop3A_201 : i32 to index
      %parallel_loop3A_204 = arith.constant 0 : index
      %parallel_loop3A_205 = tpu.vector_load %arg16[%parallel_loop3A_202, %parallel_loop3A_203, %parallel_loop3A_204] {strides = array<i32>} : memref<128x4x16xf32, #tpu.memory_space<vmem>>, vector<16xf32>,
      %parallel_loop3A_206 = arith.mulf %parallel_loop3A_200, %parallel_loop3A_205 : vector<16xf32>
      %parallel_loop3A_207 = arith.constant 2 : i32
      %parallel_loop3A_208 = arith.index_cast %parallel_loop3A_148 : i32 to index
      %parallel_loop3A_209 = arith.index_cast %parallel_loop3A_207 : i32 to index
      %parallel_loop3A_210 = arith.constant 0 : index
      %parallel_loop3A_211 = tpu.vector_load %arg18[%parallel_loop3A_208, %parallel_loop3A_209, %parallel_loop3A_210] {strides = array<i32>} : memref<128x5x16xf32, #tpu.memory_space<vmem>>, vector<16xf32>,
      tpu.vector_store %arg18[%parallel_loop3A_208, %parallel_loop3A_209, %parallel_loop3A_210], %parallel_loop3A_206 {strides = array<i32>} : memref<128x5x16xf32, #tpu.memory_space<vmem>>, vector<16xf32>,
      %parallel_loop3A_212 = vector.shape_cast %add3A_80 : vector<16xi32> to vector<16x1xi32>
      %parallel_loop3A_213 = vector.shape_cast %parallel_loop3A_212 : vector<16x1xi32> to vector<16xi32>
      %parallel_loop3A_214 = tpu.dynamic_gather %parallel_loop3A_164[%parallel_loop3A_213] in [0] : vector<16xf32>, vector<16xi32> -> vector<16xf32>
      %parallel_loop3A_215 = arith.constant 3 : i32
      %parallel_loop3A_216 = arith.index_cast %parallel_loop3A_148 : i32 to index
      %parallel_loop3A_217 = arith.index_cast %parallel_loop3A_215 : i32 to index
      %parallel_loop3A_218 = arith.constant 0 : index
      %parallel_loop3A_219 = tpu.vector_load %arg16[%parallel_loop3A_216, %parallel_loop3A_217, %parallel_loop3A_218] {strides = array<i32>} : memref<128x4x16xf32, #tpu.memory_space<vmem>>, vector<16xf32>,
      %parallel_loop3A_220 = arith.mulf %parallel_loop3A_214, %parallel_loop3A_219 : vector<16xf32>
      %parallel_loop3A_221 = arith.constant 3 : i32
      %parallel_loop3A_222 = arith.index_cast %parallel_loop3A_148 : i32 to index
      %parallel_loop3A_223 = arith.index_cast %parallel_loop3A_221 : i32 to index
      %parallel_loop3A_224 = arith.constant 0 : index
      %parallel_loop3A_225 = tpu.vector_load %arg18[%parallel_loop3A_222, %parallel_loop3A_223, %parallel_loop3A_224] {strides = array<i32>} : memref<128x5x16xf32, #tpu.memory_space<vmem>>, vector<16xf32>,
      tpu.vector_store %arg18[%parallel_loop3A_222, %parallel_loop3A_223, %parallel_loop3A_224], %parallel_loop3A_220 {strides = array<i32>} : memref<128x5x16xf32, #tpu.memory_space<vmem>>, vector<16xf32>,
    } {sc.loop_unroll_factor = 4 : i64, sc.parallel_access}
    %dma_start3A_125 = arith.constant 10240 : i32
    %dma_start3A_126 = tpu.memref_slice %arg11[%dma_start3A_125] : memref<10368xi32, #tpu.memory_space<vmem>> -> memref<128xi32, #tpu.memory_space<vmem>>
    %dma_start3A_127 = arith.constant 0 : i32
    %dma_start3A_128 = arith.constant 0 : i32
    %dma_start3A_129 = arith.constant 0 : i32
    %dma_start3A_130 = tpu.memref_slice %arg9[%dma_start3A_127, %dma_start3A_128, %dma_start3A_129] : memref<10240x5x16xf32, #tpu.memory_space<vmem_shared>> -> memref<10240x5x16xf32, #tpu.memory_space<vmem_shared>>
    tpu.enqueue_indirect_dma source(%arg18 : memref<128x5x16xf32, #tpu.memory_space<vmem>>) target(%dma_start3A_130 : memref<10240x5x16xf32, #tpu.memory_space<vmem_shared>>) offsets(%dma_start3A_126 : memref<128xi32, #tpu.memory_space<vmem>>) semaphore(%arg28 : memref<!tpu.dma_semaphore, #tpu.memory_space<semaphore_mem>>) {add = true}
    %dma_wait3A_131 = arith.constant 0 : i32
    %dma_wait3A_132 = tpu.memref_slice %arg11[%dma_wait3A_131] : memref<10368xi32, #tpu.memory_space<vmem>> -> memref<128xi32, #tpu.memory_space<vmem>>
    %dma_wait3A_133 = arith.constant 0 : i32
    %dma_wait3A_134 = arith.constant 0 : i32
    %dma_wait3A_135 = arith.constant 0 : i32
    %dma_wait3A_136 = tpu.memref_slice %arg9[%dma_wait3A_133, %dma_wait3A_134, %dma_wait3A_135] : memref<10240x5x16xf32, #tpu.memory_space<vmem_shared>> -> memref<10240x5x16xf32, #tpu.memory_space<vmem_shared>>
    tpu.wait_indirect_dma semaphore(%arg28 : memref<!tpu.dma_semaphore, #tpu.memory_space<semaphore_mem>>) src(%arg18 : memref<128x5x16xf32, #tpu.memory_space<vmem>>) dst(%dma_wait3A_136 : memref<10240x5x16xf32, #tpu.memory_space<vmem_shared>>)
    %dma_wait3A_137 = arith.constant 0 : i32
    %dma_wait3A_138 = tpu.memref_slice %arg11[%dma_wait3A_137] : memref<10368xi32, #tpu.memory_space<vmem>> -> memref<128xi32, #tpu.memory_space<vmem>>
    %dma_wait3A_139 = arith.constant 0 : i32
    %dma_wait3A_140 = arith.constant 0 : i32
    %dma_wait3A_141 = arith.constant 0 : i32
    %dma_wait3A_142 = tpu.memref_slice %arg9[%dma_wait3A_139, %dma_wait3A_140, %dma_wait3A_141] : memref<10240x5x16xf32, #tpu.memory_space<vmem_shared>> -> memref<10240x5x16xf32, #tpu.memory_space<vmem_shared>>
    tpu.wait_indirect_dma semaphore(%arg29 : memref<!tpu.dma_semaphore, #tpu.memory_space<semaphore_mem>>) src(%arg19 : memref<128x5x16xf32, #tpu.memory_space<vmem>>) dst(%dma_wait3A_142 : memref<10240x5x16xf32, #tpu.memory_space<vmem_shared>>)
    %barrier3A_143 = arith.constant 0 : index
    tpu.barrier barrier_id(%barrier3A_143)
    %mul3A_144 = arith.constant 640 : i32
    %mul3A_145 = arith.muli %arg1, %mul3A_144 : i32
    %mul3A_146 = arith.constant 640 : i32
    %mul3A_147 = arith.muli %arg1, %mul3A_146 : i32
    "tpu.region"() ({
      %run_scoped3A = tpu.sem_alloc : memref<!tpu.dma_semaphore, #tpu.memory_space<semaphore_mem>>
      %dma_start3A_148 = arith.constant 0 : i32
      %dma_start3A_149 = arith.constant 0 : i32
      %dma_start3A_150 = tpu.memref_slice %arg8[%arg0, %mul3A_147, %dma_start3A_148, %dma_start3A_149] : memref<2x10240x5x16xf32, #tpu.memory_space<hbm>> -> memref<1x640x5x16xf32, #tpu.memory_space<hbm>>
      %dma_start3A_151 = tpu.memref_squeeze %dma_start3A_150 : memref<1x640x5x16xf32, #tpu.memory_space<hbm>> -> memref<640x5x16xf32, #tpu.memory_space<hbm>>
      %dma_start3A_152 = arith.constant 0 : i32
      %dma_start3A_153 = arith.constant 0 : i32
      %dma_start3A_154 = tpu.memref_slice %arg9[%mul3A_145, %dma_start3A_152, %dma_start3A_153] : memref<10240x5x16xf32, #tpu.memory_space<vmem_shared>> -> memref<640x5x16xf32, #tpu.memory_space<vmem_shared>>
      tpu.enqueue_dma source(%dma_start3A_154 : memref<640x5x16xf32, #tpu.memory_space<vmem_shared>>) target(%dma_start3A_151 : memref<640x5x16xf32, #tpu.memory_space<hbm>>) target_semaphore(%run_scoped3A : memref<!tpu.dma_semaphore, #tpu.memory_space<semaphore_mem>>)
      %dma_wait3A_155 = arith.constant 0 : i32
      %dma_wait3A_156 = arith.constant 0 : i32
      %dma_wait3A_157 = tpu.memref_slice %arg8[%arg0, %mul3A_147, %dma_wait3A_155, %dma_wait3A_156] : memref<2x10240x5x16xf32, #tpu.memory_space<hbm>> -> memref<1x640x5x16xf32, #tpu.memory_space<hbm>>
      %dma_wait3A_158 = tpu.memref_squeeze %dma_wait3A_157 : memref<1x640x5x16xf32, #tpu.memory_space<hbm>> -> memref<640x5x16xf32, #tpu.memory_space<hbm>>
      %dma_wait3A_159 = arith.constant 0 : i32
      %dma_wait3A_160 = arith.constant 0 : i32
      %dma_wait3A_161 = tpu.memref_slice %arg9[%mul3A_145, %dma_wait3A_159, %dma_wait3A_160] : memref<10240x5x16xf32, #tpu.memory_space<vmem_shared>> -> memref<640x5x16xf32, #tpu.memory_space<vmem_shared>>
      tpu.wait_dma2 semaphore(%run_scoped3A : memref<!tpu.dma_semaphore, #tpu.memory_space<semaphore_mem>>) src(%dma_wait3A_161 : memref<640x5x16xf32, #tpu.memory_space<vmem_shared>>) dst(%dma_wait3A_158 : memref<640x5x16xf32, #tpu.memory_space<hbm>>)
      tpu.yield
    }) : () -> ()
    return
  }
}

#map = affine_map<(d0, d1) -> (0, 0)>
#map1 = affine_map<(d0, d1) -> (0, 0, 0)>
#map2 = affine_map<(d0, d1) -> (0)>
#map3 = affine_map<(d0, d1) -> (0, 0, 0, 0)>
module attributes {stable_mosaic.version = 14 : i64} {
  func.func @edge(%arg0: i32, %arg1: i32, %arg2: memref<10240x16xf32, #tpu.memory_space<hbm>>, %arg3: memref<10240x16xf32, #tpu.memory_space<hbm>>, %arg4: memref<10240x4x16xf32, #tpu.memory_space<hbm>>, %arg5: memref<331776xi32, #tpu.memory_space<hbm>>, %arg6: memref<331776xi32, #tpu.memory_space<hbm>>, %arg7: memref<16xf32, #tpu.memory_space<hbm>>, %arg8: memref<2x10240x5x16xf32, #tpu.memory_space<hbm>>, %arg9: memref<10240x5x16xf32, #tpu.memory_space<vmem_shared>>, %arg10: memref<10368xi32, #tpu.memory_space<vmem>>, %arg11: memref<10368xi32, #tpu.memory_space<vmem>>, %arg12: memref<128x16xf32, #tpu.memory_space<vmem>>, %arg13: memref<128x16xf32, #tpu.memory_space<vmem>>, %arg14: memref<128x16xf32, #tpu.memory_space<vmem>>, %arg15: memref<128x16xf32, #tpu.memory_space<vmem>>, %arg16: memref<128x4x16xf32, #tpu.memory_space<vmem>>, %arg17: memref<128x4x16xf32, #tpu.memory_space<vmem>>, %arg18: memref<128x5x16xf32, #tpu.memory_space<vmem>>, %arg19: memref<128x5x16xf32, #tpu.memory_space<vmem>>, %arg20: memref<16xf32, #tpu.memory_space<vmem>>, %arg21: memref<64x5x16xf32, #tpu.memory_space<vmem>>, %arg22: memref<!tpu.dma_semaphore, #tpu.memory_space<semaphore_mem>>, %arg23: memref<!tpu.dma_semaphore, #tpu.memory_space<semaphore_mem>>, %arg24: memref<!tpu.dma_semaphore, #tpu.memory_space<semaphore_mem>>, %arg25: memref<!tpu.dma_semaphore, #tpu.memory_space<semaphore_mem>>, %arg26: memref<!tpu.dma_semaphore, #tpu.memory_space<semaphore_mem>>, %arg27: memref<!tpu.dma_semaphore, #tpu.memory_space<semaphore_mem>>, %arg28: memref<!tpu.dma_semaphore, #tpu.memory_space<semaphore_mem>>, %arg29: memref<!tpu.dma_semaphore, #tpu.memory_space<semaphore_mem>>) attributes {dimension_semantics = [#tpu.dimension_semantics<core_parallel>, #tpu.dimension_semantics<subcore_parallel>], iteration_bounds = array<i64: 2, 16>, scalar_prefetch = 0 : i64, scratch_operands = 21 : i64, tpu.core_type = #tpu.core_type<sc_vector_subcore>, window_params = [{transform_indices = #map}, {transform_indices = #map}, {transform_indices = #map1}, {transform_indices = #map2}, {transform_indices = #map2}, {transform_indices = #map2}, {transform_indices = #map3}]} {
    %parallel_loop3A = arith.constant 0 : i32
    %parallel_loop3A_0 = arith.constant 64 : i32
    %parallel_loop3A_1 = arith.constant 1 : i32
    scf.for %parallel_loop3A_148 = %parallel_loop3A to %parallel_loop3A_0 step %parallel_loop3A_1  : i32 {
      %parallel_loop3A_149 = arith.constant 0.000000e+00 : f32
      %parallel_loop3A_150 = vector.broadcast %parallel_loop3A_149 : f32 to vector<16xf32>
      %parallel_loop3A_151 = arith.constant 0 : i32
      %parallel_loop3A_152 = arith.index_cast %parallel_loop3A_148 : i32 to index
      %parallel_loop3A_153 = arith.index_cast %parallel_loop3A_151 : i32 to index
      %parallel_loop3A_154 = arith.constant 0 : index
      %parallel_loop3A_155 = tpu.vector_load %arg21[%parallel_loop3A_152, %parallel_loop3A_153, %parallel_loop3A_154] {strides = array<i32>} : memref<64x5x16xf32, #tpu.memory_space<vmem>>, vector<16xf32>,
      tpu.vector_store %arg21[%parallel_loop3A_152, %parallel_loop3A_153, %parallel_loop3A_154], %parallel_loop3A_150 {strides = array<i32>} : memref<64x5x16xf32, #tpu.memory_space<vmem>>, vector<16xf32>,
      %parallel_loop3A_156 = arith.constant 0.000000e+00 : f32
      %parallel_loop3A_157 = vector.broadcast %parallel_loop3A_156 : f32 to vector<16xf32>
      %parallel_loop3A_158 = arith.constant 1 : i32
      %parallel_loop3A_159 = arith.index_cast %parallel_loop3A_148 : i32 to index
      %parallel_loop3A_160 = arith.index_cast %parallel_loop3A_158 : i32 to index
      %parallel_loop3A_161 = arith.constant 0 : index
      %parallel_loop3A_162 = tpu.vector_load %arg21[%parallel_loop3A_159, %parallel_loop3A_160, %parallel_loop3A_161] {strides = array<i32>} : memref<64x5x16xf32, #tpu.memory_space<vmem>>, vector<16xf32>,
      tpu.vector_store %arg21[%parallel_loop3A_159, %parallel_loop3A_160, %parallel_loop3A_161], %parallel_loop3A_157 {strides = array<i32>} : memref<64x5x16xf32, #tpu.memory_space<vmem>>, vector<16xf32>,
      %parallel_loop3A_163 = arith.constant 0.000000e+00 : f32
      %parallel_loop3A_164 = vector.broadcast %parallel_loop3A_163 : f32 to vector<16xf32>
      %parallel_loop3A_165 = arith.constant 2 : i32
      %parallel_loop3A_166 = arith.index_cast %parallel_loop3A_148 : i32 to index
      %parallel_loop3A_167 = arith.index_cast %parallel_loop3A_165 : i32 to index
      %parallel_loop3A_168 = arith.constant 0 : index
      %parallel_loop3A_169 = tpu.vector_load %arg21[%parallel_loop3A_166, %parallel_loop3A_167, %parallel_loop3A_168] {strides = array<i32>} : memref<64x5x16xf32, #tpu.memory_space<vmem>>, vector<16xf32>,
      tpu.vector_store %arg21[%parallel_loop3A_166, %parallel_loop3A_167, %parallel_loop3A_168], %parallel_loop3A_164 {strides = array<i32>} : memref<64x5x16xf32, #tpu.memory_space<vmem>>, vector<16xf32>,
      %parallel_loop3A_170 = arith.constant 0.000000e+00 : f32
      %parallel_loop3A_171 = vector.broadcast %parallel_loop3A_170 : f32 to vector<16xf32>
      %parallel_loop3A_172 = arith.constant 3 : i32
      %parallel_loop3A_173 = arith.index_cast %parallel_loop3A_148 : i32 to index
      %parallel_loop3A_174 = arith.index_cast %parallel_loop3A_172 : i32 to index
      %parallel_loop3A_175 = arith.constant 0 : index
      %parallel_loop3A_176 = tpu.vector_load %arg21[%parallel_loop3A_173, %parallel_loop3A_174, %parallel_loop3A_175] {strides = array<i32>} : memref<64x5x16xf32, #tpu.memory_space<vmem>>, vector<16xf32>,
      tpu.vector_store %arg21[%parallel_loop3A_173, %parallel_loop3A_174, %parallel_loop3A_175], %parallel_loop3A_171 {strides = array<i32>} : memref<64x5x16xf32, #tpu.memory_space<vmem>>, vector<16xf32>,
      %parallel_loop3A_177 = arith.constant 0.000000e+00 : f32
      %parallel_loop3A_178 = vector.broadcast %parallel_loop3A_177 : f32 to vector<16xf32>
      %parallel_loop3A_179 = arith.constant 4 : i32
      %parallel_loop3A_180 = arith.index_cast %parallel_loop3A_148 : i32 to index
      %parallel_loop3A_181 = arith.index_cast %parallel_loop3A_179 : i32 to index
      %parallel_loop3A_182 = arith.constant 0 : index
      %parallel_loop3A_183 = tpu.vector_load %arg21[%parallel_loop3A_180, %parallel_loop3A_181, %parallel_loop3A_182] {strides = array<i32>} : memref<64x5x16xf32, #tpu.memory_space<vmem>>, vector<16xf32>,
      tpu.vector_store %arg21[%parallel_loop3A_180, %parallel_loop3A_181, %parallel_loop3A_182], %parallel_loop3A_178 {strides = array<i32>} : memref<64x5x16xf32, #tpu.memory_space<vmem>>, vector<16xf32>,
    } {sc.loop_unroll_factor = 4 : i64, sc.parallel_access}
    %mul3A = arith.constant 640 : i32
    %mul3A_2 = arith.muli %arg1, %mul3A : i32
    %add3A = arith.constant 0 : i32
    %add3A_3 = arith.addi %mul3A_2, %add3A : i32
    "tpu.region"() ({
      %run_scoped3A = tpu.sem_alloc : memref<!tpu.dma_semaphore, #tpu.memory_space<semaphore_mem>>
      %dma_start3A_148 = arith.constant 0 : i32
      %dma_start3A_149 = arith.constant 0 : i32
      %dma_start3A_150 = tpu.memref_slice %arg9[%add3A_3, %dma_start3A_148, %dma_start3A_149] : memref<10240x5x16xf32, #tpu.memory_space<vmem_shared>> -> memref<64x5x16xf32, #tpu.memory_space<vmem_shared>>
      %dma_start3A_151 = arith.constant 0 : i32
      %dma_start3A_152 = arith.constant 0 : i32
      %dma_start3A_153 = tpu.memref_slice %arg9[%add3A_3, %dma_start3A_151, %dma_start3A_152] : memref<10240x5x16xf32, #tpu.memory_space<vmem_shared>> -> memref<64x5x16xf32, #tpu.memory_space<vmem_shared>>
      tpu.enqueue_dma source(%arg21 : memref<64x5x16xf32, #tpu.memory_space<vmem>>) target(%dma_start3A_153 : memref<64x5x16xf32, #tpu.memory_space<vmem_shared>>) target_semaphore(%run_scoped3A : memref<!tpu.dma_semaphore, #tpu.memory_space<semaphore_mem>>)
      %dma_wait3A_154 = arith.constant 0 : i32
      %dma_wait3A_155 = arith.constant 0 : i32
      %dma_wait3A_156 = tpu.memref_slice %arg9[%add3A_3, %dma_wait3A_154, %dma_wait3A_155] : memref<10240x5x16xf32, #tpu.memory_space<vmem_shared>> -> memref<64x5x16xf32, #tpu.memory_space<vmem_shared>>
      %dma_wait3A_157 = arith.constant 0 : i32
      %dma_wait3A_158 = arith.constant 0 : i32
      %dma_wait3A_159 = tpu.memref_slice %arg9[%add3A_3, %dma_wait3A_157, %dma_wait3A_158] : memref<10240x5x16xf32, #tpu.memory_space<vmem_shared>> -> memref<64x5x16xf32, #tpu.memory_space<vmem_shared>>
      tpu.wait_dma2 semaphore(%run_scoped3A : memref<!tpu.dma_semaphore, #tpu.memory_space<semaphore_mem>>) src(%arg21 : memref<64x5x16xf32, #tpu.memory_space<vmem>>) dst(%dma_wait3A_159 : memref<64x5x16xf32, #tpu.memory_space<vmem_shared>>)
      tpu.yield
    }) : () -> ()
    %mul3A_4 = arith.constant 640 : i32
    %mul3A_5 = arith.muli %arg1, %mul3A_4 : i32
    %add3A_6 = arith.constant 64 : i32
    %add3A_7 = arith.addi %mul3A_5, %add3A_6 : i32
    "tpu.region"() ({
      %run_scoped3A = tpu.sem_alloc : memref<!tpu.dma_semaphore, #tpu.memory_space<semaphore_mem>>
      %dma_start3A_148 = arith.constant 0 : i32
      %dma_start3A_149 = arith.constant 0 : i32
      %dma_start3A_150 = tpu.memref_slice %arg9[%add3A_7, %dma_start3A_148, %dma_start3A_149] : memref<10240x5x16xf32, #tpu.memory_space<vmem_shared>> -> memref<64x5x16xf32, #tpu.memory_space<vmem_shared>>
      %dma_start3A_151 = arith.constant 0 : i32
      %dma_start3A_152 = arith.constant 0 : i32
      %dma_start3A_153 = tpu.memref_slice %arg9[%add3A_7, %dma_start3A_151, %dma_start3A_152] : memref<10240x5x16xf32, #tpu.memory_space<vmem_shared>> -> memref<64x5x16xf32, #tpu.memory_space<vmem_shared>>
      tpu.enqueue_dma source(%arg21 : memref<64x5x16xf32, #tpu.memory_space<vmem>>) target(%dma_start3A_153 : memref<64x5x16xf32, #tpu.memory_space<vmem_shared>>) target_semaphore(%run_scoped3A : memref<!tpu.dma_semaphore, #tpu.memory_space<semaphore_mem>>)
      %dma_wait3A_154 = arith.constant 0 : i32
      %dma_wait3A_155 = arith.constant 0 : i32
      %dma_wait3A_156 = tpu.memref_slice %arg9[%add3A_7, %dma_wait3A_154, %dma_wait3A_155] : memref<10240x5x16xf32, #tpu.memory_space<vmem_shared>> -> memref<64x5x16xf32, #tpu.memory_space<vmem_shared>>
      %dma_wait3A_157 = arith.constant 0 : i32
      %dma_wait3A_158 = arith.constant 0 : i32
      %dma_wait3A_159 = tpu.memref_slice %arg9[%add3A_7, %dma_wait3A_157, %dma_wait3A_158] : memref<10240x5x16xf32, #tpu.memory_space<vmem_shared>> -> memref<64x5x16xf32, #tpu.memory_space<vmem_shared>>
      tpu.wait_dma2 semaphore(%run_scoped3A : memref<!tpu.dma_semaphore, #tpu.memory_space<semaphore_mem>>) src(%arg21 : memref<64x5x16xf32, #tpu.memory_space<vmem>>) dst(%dma_wait3A_159 : memref<64x5x16xf32, #tpu.memory_space<vmem_shared>>)
      tpu.yield
    }) : () -> ()
    %mul3A_8 = arith.constant 640 : i32
    %mul3A_9 = arith.muli %arg1, %mul3A_8 : i32
    %add3A_10 = arith.constant 128 : i32
    %add3A_11 = arith.addi %mul3A_9, %add3A_10 : i32
    "tpu.region"() ({
      %run_scoped3A = tpu.sem_alloc : memref<!tpu.dma_semaphore, #tpu.memory_space<semaphore_mem>>
      %dma_start3A_148 = arith.constant 0 : i32
      %dma_start3A_149 = arith.constant 0 : i32
      %dma_start3A_150 = tpu.memref_slice %arg9[%add3A_11, %dma_start3A_148, %dma_start3A_149] : memref<10240x5x16xf32, #tpu.memory_space<vmem_shared>> -> memref<64x5x16xf32, #tpu.memory_space<vmem_shared>>
      %dma_start3A_151 = arith.constant 0 : i32
      %dma_start3A_152 = arith.constant 0 : i32
      %dma_start3A_153 = tpu.memref_slice %arg9[%add3A_11, %dma_start3A_151, %dma_start3A_152] : memref<10240x5x16xf32, #tpu.memory_space<vmem_shared>> -> memref<64x5x16xf32, #tpu.memory_space<vmem_shared>>
      tpu.enqueue_dma source(%arg21 : memref<64x5x16xf32, #tpu.memory_space<vmem>>) target(%dma_start3A_153 : memref<64x5x16xf32, #tpu.memory_space<vmem_shared>>) target_semaphore(%run_scoped3A : memref<!tpu.dma_semaphore, #tpu.memory_space<semaphore_mem>>)
      %dma_wait3A_154 = arith.constant 0 : i32
      %dma_wait3A_155 = arith.constant 0 : i32
      %dma_wait3A_156 = tpu.memref_slice %arg9[%add3A_11, %dma_wait3A_154, %dma_wait3A_155] : memref<10240x5x16xf32, #tpu.memory_space<vmem_shared>> -> memref<64x5x16xf32, #tpu.memory_space<vmem_shared>>
      %dma_wait3A_157 = arith.constant 0 : i32
      %dma_wait3A_158 = arith.constant 0 : i32
      %dma_wait3A_159 = tpu.memref_slice %arg9[%add3A_11, %dma_wait3A_157, %dma_wait3A_158] : memref<10240x5x16xf32, #tpu.memory_space<vmem_shared>> -> memref<64x5x16xf32, #tpu.memory_space<vmem_shared>>
      tpu.wait_dma2 semaphore(%run_scoped3A : memref<!tpu.dma_semaphore, #tpu.memory_space<semaphore_mem>>) src(%arg21 : memref<64x5x16xf32, #tpu.memory_space<vmem>>) dst(%dma_wait3A_159 : memref<64x5x16xf32, #tpu.memory_space<vmem_shared>>)
      tpu.yield
    }) : () -> ()
    %mul3A_12 = arith.constant 640 : i32
    %mul3A_13 = arith.muli %arg1, %mul3A_12 : i32
    %add3A_14 = arith.constant 192 : i32
    %add3A_15 = arith.addi %mul3A_13, %add3A_14 : i32
    "tpu.region"() ({
      %run_scoped3A = tpu.sem_alloc : memref<!tpu.dma_semaphore, #tpu.memory_space<semaphore_mem>>
      %dma_start3A_148 = arith.constant 0 : i32
      %dma_start3A_149 = arith.constant 0 : i32
      %dma_start3A_150 = tpu.memref_slice %arg9[%add3A_15, %dma_start3A_148, %dma_start3A_149] : memref<10240x5x16xf32, #tpu.memory_space<vmem_shared>> -> memref<64x5x16xf32, #tpu.memory_space<vmem_shared>>
      %dma_start3A_151 = arith.constant 0 : i32
      %dma_start3A_152 = arith.constant 0 : i32
      %dma_start3A_153 = tpu.memref_slice %arg9[%add3A_15, %dma_start3A_151, %dma_start3A_152] : memref<10240x5x16xf32, #tpu.memory_space<vmem_shared>> -> memref<64x5x16xf32, #tpu.memory_space<vmem_shared>>
      tpu.enqueue_dma source(%arg21 : memref<64x5x16xf32, #tpu.memory_space<vmem>>) target(%dma_start3A_153 : memref<64x5x16xf32, #tpu.memory_space<vmem_shared>>) target_semaphore(%run_scoped3A : memref<!tpu.dma_semaphore, #tpu.memory_space<semaphore_mem>>)
      %dma_wait3A_154 = arith.constant 0 : i32
      %dma_wait3A_155 = arith.constant 0 : i32
      %dma_wait3A_156 = tpu.memref_slice %arg9[%add3A_15, %dma_wait3A_154, %dma_wait3A_155] : memref<10240x5x16xf32, #tpu.memory_space<vmem_shared>> -> memref<64x5x16xf32, #tpu.memory_space<vmem_shared>>
      %dma_wait3A_157 = arith.constant 0 : i32
      %dma_wait3A_158 = arith.constant 0 : i32
      %dma_wait3A_159 = tpu.memref_slice %arg9[%add3A_15, %dma_wait3A_157, %dma_wait3A_158] : memref<10240x5x16xf32, #tpu.memory_space<vmem_shared>> -> memref<64x5x16xf32, #tpu.memory_space<vmem_shared>>
      tpu.wait_dma2 semaphore(%run_scoped3A : memref<!tpu.dma_semaphore, #tpu.memory_space<semaphore_mem>>) src(%arg21 : memref<64x5x16xf32, #tpu.memory_space<vmem>>) dst(%dma_wait3A_159 : memref<64x5x16xf32, #tpu.memory_space<vmem_shared>>)
      tpu.yield
    }) : () -> ()
    %mul3A_16 = arith.constant 640 : i32
    %mul3A_17 = arith.muli %arg1, %mul3A_16 : i32
    %add3A_18 = arith.constant 256 : i32
    %add3A_19 = arith.addi %mul3A_17, %add3A_18 : i32
    "tpu.region"() ({
      %run_scoped3A = tpu.sem_alloc : memref<!tpu.dma_semaphore, #tpu.memory_space<semaphore_mem>>
      %dma_start3A_148 = arith.constant 0 : i32
      %dma_start3A_149 = arith.constant 0 : i32
      %dma_start3A_150 = tpu.memref_slice %arg9[%add3A_19, %dma_start3A_148, %dma_start3A_149] : memref<10240x5x16xf32, #tpu.memory_space<vmem_shared>> -> memref<64x5x16xf32, #tpu.memory_space<vmem_shared>>
      %dma_start3A_151 = arith.constant 0 : i32
      %dma_start3A_152 = arith.constant 0 : i32
      %dma_start3A_153 = tpu.memref_slice %arg9[%add3A_19, %dma_start3A_151, %dma_start3A_152] : memref<10240x5x16xf32, #tpu.memory_space<vmem_shared>> -> memref<64x5x16xf32, #tpu.memory_space<vmem_shared>>
      tpu.enqueue_dma source(%arg21 : memref<64x5x16xf32, #tpu.memory_space<vmem>>) target(%dma_start3A_153 : memref<64x5x16xf32, #tpu.memory_space<vmem_shared>>) target_semaphore(%run_scoped3A : memref<!tpu.dma_semaphore, #tpu.memory_space<semaphore_mem>>)
      %dma_wait3A_154 = arith.constant 0 : i32
      %dma_wait3A_155 = arith.constant 0 : i32
      %dma_wait3A_156 = tpu.memref_slice %arg9[%add3A_19, %dma_wait3A_154, %dma_wait3A_155] : memref<10240x5x16xf32, #tpu.memory_space<vmem_shared>> -> memref<64x5x16xf32, #tpu.memory_space<vmem_shared>>
      %dma_wait3A_157 = arith.constant 0 : i32
      %dma_wait3A_158 = arith.constant 0 : i32
      %dma_wait3A_159 = tpu.memref_slice %arg9[%add3A_19, %dma_wait3A_157, %dma_wait3A_158] : memref<10240x5x16xf32, #tpu.memory_space<vmem_shared>> -> memref<64x5x16xf32, #tpu.memory_space<vmem_shared>>
      tpu.wait_dma2 semaphore(%run_scoped3A : memref<!tpu.dma_semaphore, #tpu.memory_space<semaphore_mem>>) src(%arg21 : memref<64x5x16xf32, #tpu.memory_space<vmem>>) dst(%dma_wait3A_159 : memref<64x5x16xf32, #tpu.memory_space<vmem_shared>>)
      tpu.yield
    }) : () -> ()
    %mul3A_20 = arith.constant 640 : i32
    %mul3A_21 = arith.muli %arg1, %mul3A_20 : i32
    %add3A_22 = arith.constant 320 : i32
    %add3A_23 = arith.addi %mul3A_21, %add3A_22 : i32
    "tpu.region"() ({
      %run_scoped3A = tpu.sem_alloc : memref<!tpu.dma_semaphore, #tpu.memory_space<semaphore_mem>>
      %dma_start3A_148 = arith.constant 0 : i32
      %dma_start3A_149 = arith.constant 0 : i32
      %dma_start3A_150 = tpu.memref_slice %arg9[%add3A_23, %dma_start3A_148, %dma_start3A_149] : memref<10240x5x16xf32, #tpu.memory_space<vmem_shared>> -> memref<64x5x16xf32, #tpu.memory_space<vmem_shared>>
      %dma_start3A_151 = arith.constant 0 : i32
      %dma_start3A_152 = arith.constant 0 : i32
      %dma_start3A_153 = tpu.memref_slice %arg9[%add3A_23, %dma_start3A_151, %dma_start3A_152] : memref<10240x5x16xf32, #tpu.memory_space<vmem_shared>> -> memref<64x5x16xf32, #tpu.memory_space<vmem_shared>>
      tpu.enqueue_dma source(%arg21 : memref<64x5x16xf32, #tpu.memory_space<vmem>>) target(%dma_start3A_153 : memref<64x5x16xf32, #tpu.memory_space<vmem_shared>>) target_semaphore(%run_scoped3A : memref<!tpu.dma_semaphore, #tpu.memory_space<semaphore_mem>>)
      %dma_wait3A_154 = arith.constant 0 : i32
      %dma_wait3A_155 = arith.constant 0 : i32
      %dma_wait3A_156 = tpu.memref_slice %arg9[%add3A_23, %dma_wait3A_154, %dma_wait3A_155] : memref<10240x5x16xf32, #tpu.memory_space<vmem_shared>> -> memref<64x5x16xf32, #tpu.memory_space<vmem_shared>>
      %dma_wait3A_157 = arith.constant 0 : i32
      %dma_wait3A_158 = arith.constant 0 : i32
      %dma_wait3A_159 = tpu.memref_slice %arg9[%add3A_23, %dma_wait3A_157, %dma_wait3A_158] : memref<10240x5x16xf32, #tpu.memory_space<vmem_shared>> -> memref<64x5x16xf32, #tpu.memory_space<vmem_shared>>
      tpu.wait_dma2 semaphore(%run_scoped3A : memref<!tpu.dma_semaphore, #tpu.memory_space<semaphore_mem>>) src(%arg21 : memref<64x5x16xf32, #tpu.memory_space<vmem>>) dst(%dma_wait3A_159 : memref<64x5x16xf32, #tpu.memory_space<vmem_shared>>)
      tpu.yield
    }) : () -> ()
    %mul3A_24 = arith.constant 640 : i32
    %mul3A_25 = arith.muli %arg1, %mul3A_24 : i32
    %add3A_26 = arith.constant 384 : i32
    %add3A_27 = arith.addi %mul3A_25, %add3A_26 : i32
    "tpu.region"() ({
      %run_scoped3A = tpu.sem_alloc : memref<!tpu.dma_semaphore, #tpu.memory_space<semaphore_mem>>
      %dma_start3A_148 = arith.constant 0 : i32
      %dma_start3A_149 = arith.constant 0 : i32
      %dma_start3A_150 = tpu.memref_slice %arg9[%add3A_27, %dma_start3A_148, %dma_start3A_149] : memref<10240x5x16xf32, #tpu.memory_space<vmem_shared>> -> memref<64x5x16xf32, #tpu.memory_space<vmem_shared>>
      %dma_start3A_151 = arith.constant 0 : i32
      %dma_start3A_152 = arith.constant 0 : i32
      %dma_start3A_153 = tpu.memref_slice %arg9[%add3A_27, %dma_start3A_151, %dma_start3A_152] : memref<10240x5x16xf32, #tpu.memory_space<vmem_shared>> -> memref<64x5x16xf32, #tpu.memory_space<vmem_shared>>
      tpu.enqueue_dma source(%arg21 : memref<64x5x16xf32, #tpu.memory_space<vmem>>) target(%dma_start3A_153 : memref<64x5x16xf32, #tpu.memory_space<vmem_shared>>) target_semaphore(%run_scoped3A : memref<!tpu.dma_semaphore, #tpu.memory_space<semaphore_mem>>)
      %dma_wait3A_154 = arith.constant 0 : i32
      %dma_wait3A_155 = arith.constant 0 : i32
      %dma_wait3A_156 = tpu.memref_slice %arg9[%add3A_27, %dma_wait3A_154, %dma_wait3A_155] : memref<10240x5x16xf32, #tpu.memory_space<vmem_shared>> -> memref<64x5x16xf32, #tpu.memory_space<vmem_shared>>
      %dma_wait3A_157 = arith.constant 0 : i32
      %dma_wait3A_158 = arith.constant 0 : i32
      %dma_wait3A_159 = tpu.memref_slice %arg9[%add3A_27, %dma_wait3A_157, %dma_wait3A_158] : memref<10240x5x16xf32, #tpu.memory_space<vmem_shared>> -> memref<64x5x16xf32, #tpu.memory_space<vmem_shared>>
      tpu.wait_dma2 semaphore(%run_scoped3A : memref<!tpu.dma_semaphore, #tpu.memory_space<semaphore_mem>>) src(%arg21 : memref<64x5x16xf32, #tpu.memory_space<vmem>>) dst(%dma_wait3A_159 : memref<64x5x16xf32, #tpu.memory_space<vmem_shared>>)
      tpu.yield
    }) : () -> ()
    %mul3A_28 = arith.constant 640 : i32
    %mul3A_29 = arith.muli %arg1, %mul3A_28 : i32
    %add3A_30 = arith.constant 448 : i32
    %add3A_31 = arith.addi %mul3A_29, %add3A_30 : i32
    "tpu.region"() ({
      %run_scoped3A = tpu.sem_alloc : memref<!tpu.dma_semaphore, #tpu.memory_space<semaphore_mem>>
      %dma_start3A_148 = arith.constant 0 : i32
      %dma_start3A_149 = arith.constant 0 : i32
      %dma_start3A_150 = tpu.memref_slice %arg9[%add3A_31, %dma_start3A_148, %dma_start3A_149] : memref<10240x5x16xf32, #tpu.memory_space<vmem_shared>> -> memref<64x5x16xf32, #tpu.memory_space<vmem_shared>>
      %dma_start3A_151 = arith.constant 0 : i32
      %dma_start3A_152 = arith.constant 0 : i32
      %dma_start3A_153 = tpu.memref_slice %arg9[%add3A_31, %dma_start3A_151, %dma_start3A_152] : memref<10240x5x16xf32, #tpu.memory_space<vmem_shared>> -> memref<64x5x16xf32, #tpu.memory_space<vmem_shared>>
      tpu.enqueue_dma source(%arg21 : memref<64x5x16xf32, #tpu.memory_space<vmem>>) target(%dma_start3A_153 : memref<64x5x16xf32, #tpu.memory_space<vmem_shared>>) target_semaphore(%run_scoped3A : memref<!tpu.dma_semaphore, #tpu.memory_space<semaphore_mem>>)
      %dma_wait3A_154 = arith.constant 0 : i32
      %dma_wait3A_155 = arith.constant 0 : i32
      %dma_wait3A_156 = tpu.memref_slice %arg9[%add3A_31, %dma_wait3A_154, %dma_wait3A_155] : memref<10240x5x16xf32, #tpu.memory_space<vmem_shared>> -> memref<64x5x16xf32, #tpu.memory_space<vmem_shared>>
      %dma_wait3A_157 = arith.constant 0 : i32
      %dma_wait3A_158 = arith.constant 0 : i32
      %dma_wait3A_159 = tpu.memref_slice %arg9[%add3A_31, %dma_wait3A_157, %dma_wait3A_158] : memref<10240x5x16xf32, #tpu.memory_space<vmem_shared>> -> memref<64x5x16xf32, #tpu.memory_space<vmem_shared>>
      tpu.wait_dma2 semaphore(%run_scoped3A : memref<!tpu.dma_semaphore, #tpu.memory_space<semaphore_mem>>) src(%arg21 : memref<64x5x16xf32, #tpu.memory_space<vmem>>) dst(%dma_wait3A_159 : memref<64x5x16xf32, #tpu.memory_space<vmem_shared>>)
      tpu.yield
    }) : () -> ()
    %mul3A_32 = arith.constant 640 : i32
    %mul3A_33 = arith.muli %arg1, %mul3A_32 : i32
    %add3A_34 = arith.constant 512 : i32
    %add3A_35 = arith.addi %mul3A_33, %add3A_34 : i32
    "tpu.region"() ({
      %run_scoped3A = tpu.sem_alloc : memref<!tpu.dma_semaphore, #tpu.memory_space<semaphore_mem>>
      %dma_start3A_148 = arith.constant 0 : i32
      %dma_start3A_149 = arith.constant 0 : i32
      %dma_start3A_150 = tpu.memref_slice %arg9[%add3A_35, %dma_start3A_148, %dma_start3A_149] : memref<10240x5x16xf32, #tpu.memory_space<vmem_shared>> -> memref<64x5x16xf32, #tpu.memory_space<vmem_shared>>
      %dma_start3A_151 = arith.constant 0 : i32
      %dma_start3A_152 = arith.constant 0 : i32
      %dma_start3A_153 = tpu.memref_slice %arg9[%add3A_35, %dma_start3A_151, %dma_start3A_152] : memref<10240x5x16xf32, #tpu.memory_space<vmem_shared>> -> memref<64x5x16xf32, #tpu.memory_space<vmem_shared>>
      tpu.enqueue_dma source(%arg21 : memref<64x5x16xf32, #tpu.memory_space<vmem>>) target(%dma_start3A_153 : memref<64x5x16xf32, #tpu.memory_space<vmem_shared>>) target_semaphore(%run_scoped3A : memref<!tpu.dma_semaphore, #tpu.memory_space<semaphore_mem>>)
      %dma_wait3A_154 = arith.constant 0 : i32
      %dma_wait3A_155 = arith.constant 0 : i32
      %dma_wait3A_156 = tpu.memref_slice %arg9[%add3A_35, %dma_wait3A_154, %dma_wait3A_155] : memref<10240x5x16xf32, #tpu.memory_space<vmem_shared>> -> memref<64x5x16xf32, #tpu.memory_space<vmem_shared>>
      %dma_wait3A_157 = arith.constant 0 : i32
      %dma_wait3A_158 = arith.constant 0 : i32
      %dma_wait3A_159 = tpu.memref_slice %arg9[%add3A_35, %dma_wait3A_157, %dma_wait3A_158] : memref<10240x5x16xf32, #tpu.memory_space<vmem_shared>> -> memref<64x5x16xf32, #tpu.memory_space<vmem_shared>>
      tpu.wait_dma2 semaphore(%run_scoped3A : memref<!tpu.dma_semaphore, #tpu.memory_space<semaphore_mem>>) src(%arg21 : memref<64x5x16xf32, #tpu.memory_space<vmem>>) dst(%dma_wait3A_159 : memref<64x5x16xf32, #tpu.memory_space<vmem_shared>>)
      tpu.yield
    }) : () -> ()
    %mul3A_36 = arith.constant 640 : i32
    %mul3A_37 = arith.muli %arg1, %mul3A_36 : i32
    %add3A_38 = arith.constant 576 : i32
    %add3A_39 = arith.addi %mul3A_37, %add3A_38 : i32
    "tpu.region"() ({
      %run_scoped3A = tpu.sem_alloc : memref<!tpu.dma_semaphore, #tpu.memory_space<semaphore_mem>>
      %dma_start3A_148 = arith.constant 0 : i32
      %dma_start3A_149 = arith.constant 0 : i32
      %dma_start3A_150 = tpu.memref_slice %arg9[%add3A_39, %dma_start3A_148, %dma_start3A_149] : memref<10240x5x16xf32, #tpu.memory_space<vmem_shared>> -> memref<64x5x16xf32, #tpu.memory_space<vmem_shared>>
      %dma_start3A_151 = arith.constant 0 : i32
      %dma_start3A_152 = arith.constant 0 : i32
      %dma_start3A_153 = tpu.memref_slice %arg9[%add3A_39, %dma_start3A_151, %dma_start3A_152] : memref<10240x5x16xf32, #tpu.memory_space<vmem_shared>> -> memref<64x5x16xf32, #tpu.memory_space<vmem_shared>>
      tpu.enqueue_dma source(%arg21 : memref<64x5x16xf32, #tpu.memory_space<vmem>>) target(%dma_start3A_153 : memref<64x5x16xf32, #tpu.memory_space<vmem_shared>>) target_semaphore(%run_scoped3A : memref<!tpu.dma_semaphore, #tpu.memory_space<semaphore_mem>>)
      %dma_wait3A_154 = arith.constant 0 : i32
      %dma_wait3A_155 = arith.constant 0 : i32
      %dma_wait3A_156 = tpu.memref_slice %arg9[%add3A_39, %dma_wait3A_154, %dma_wait3A_155] : memref<10240x5x16xf32, #tpu.memory_space<vmem_shared>> -> memref<64x5x16xf32, #tpu.memory_space<vmem_shared>>
      %dma_wait3A_157 = arith.constant 0 : i32
      %dma_wait3A_158 = arith.constant 0 : i32
      %dma_wait3A_159 = tpu.memref_slice %arg9[%add3A_39, %dma_wait3A_157, %dma_wait3A_158] : memref<10240x5x16xf32, #tpu.memory_space<vmem_shared>> -> memref<64x5x16xf32, #tpu.memory_space<vmem_shared>>
      tpu.wait_dma2 semaphore(%run_scoped3A : memref<!tpu.dma_semaphore, #tpu.memory_space<semaphore_mem>>) src(%arg21 : memref<64x5x16xf32, #tpu.memory_space<vmem>>) dst(%dma_wait3A_159 : memref<64x5x16xf32, #tpu.memory_space<vmem_shared>>)
      tpu.yield
    }) : () -> ()
    %mul3A_40 = arith.constant 165888 : i32
    %mul3A_41 = arith.muli %arg0, %mul3A_40 : i32
    %mul3A_42 = arith.constant 10368 : i32
    %mul3A_43 = arith.muli %arg1, %mul3A_42 : i32
    %add3A_44 = arith.addi %mul3A_41, %mul3A_43 : i32
    "tpu.region"() ({
      %run_scoped3A = tpu.sem_alloc : memref<!tpu.dma_semaphore, #tpu.memory_space<semaphore_mem>>
      %dma_start3A_148 = tpu.memref_slice %arg5[%add3A_44] : memref<331776xi32, #tpu.memory_space<hbm>> -> memref<10368xi32, #tpu.memory_space<hbm>>
      %dma_start3A_149 = tpu.memref_slice %arg5[%add3A_44] : memref<331776xi32, #tpu.memory_space<hbm>> -> memref<10368xi32, #tpu.memory_space<hbm>>
      tpu.enqueue_dma source(%dma_start3A_149 : memref<10368xi32, #tpu.memory_space<hbm>>) target(%arg10 : memref<10368xi32, #tpu.memory_space<vmem>>) target_semaphore(%run_scoped3A : memref<!tpu.dma_semaphore, #tpu.memory_space<semaphore_mem>>)
      %dma_wait3A_150 = tpu.memref_slice %arg5[%add3A_44] : memref<331776xi32, #tpu.memory_space<hbm>> -> memref<10368xi32, #tpu.memory_space<hbm>>
      %dma_wait3A_151 = tpu.memref_slice %arg5[%add3A_44] : memref<331776xi32, #tpu.memory_space<hbm>> -> memref<10368xi32, #tpu.memory_space<hbm>>
      tpu.wait_dma2 semaphore(%run_scoped3A : memref<!tpu.dma_semaphore, #tpu.memory_space<semaphore_mem>>) src(%dma_wait3A_151 : memref<10368xi32, #tpu.memory_space<hbm>>) dst(%arg10 : memref<10368xi32, #tpu.memory_space<vmem>>)
      tpu.yield
    }) : () -> ()
    "tpu.region"() ({
      %run_scoped3A = tpu.sem_alloc : memref<!tpu.dma_semaphore, #tpu.memory_space<semaphore_mem>>
      %dma_start3A_148 = tpu.memref_slice %arg6[%add3A_44] : memref<331776xi32, #tpu.memory_space<hbm>> -> memref<10368xi32, #tpu.memory_space<hbm>>
      %dma_start3A_149 = tpu.memref_slice %arg6[%add3A_44] : memref<331776xi32, #tpu.memory_space<hbm>> -> memref<10368xi32, #tpu.memory_space<hbm>>
      tpu.enqueue_dma source(%dma_start3A_149 : memref<10368xi32, #tpu.memory_space<hbm>>) target(%arg11 : memref<10368xi32, #tpu.memory_space<vmem>>) target_semaphore(%run_scoped3A : memref<!tpu.dma_semaphore, #tpu.memory_space<semaphore_mem>>)
      %dma_wait3A_150 = tpu.memref_slice %arg6[%add3A_44] : memref<331776xi32, #tpu.memory_space<hbm>> -> memref<10368xi32, #tpu.memory_space<hbm>>
      %dma_wait3A_151 = tpu.memref_slice %arg6[%add3A_44] : memref<331776xi32, #tpu.memory_space<hbm>> -> memref<10368xi32, #tpu.memory_space<hbm>>
      tpu.wait_dma2 semaphore(%run_scoped3A : memref<!tpu.dma_semaphore, #tpu.memory_space<semaphore_mem>>) src(%dma_wait3A_151 : memref<10368xi32, #tpu.memory_space<hbm>>) dst(%arg11 : memref<10368xi32, #tpu.memory_space<vmem>>)
      tpu.yield
    }) : () -> ()
    "tpu.region"() ({
      %run_scoped3A = tpu.sem_alloc : memref<!tpu.dma_semaphore, #tpu.memory_space<semaphore_mem>>
      tpu.enqueue_dma source(%arg7 : memref<16xf32, #tpu.memory_space<hbm>>) target(%arg20 : memref<16xf32, #tpu.memory_space<vmem>>) target_semaphore(%run_scoped3A : memref<!tpu.dma_semaphore, #tpu.memory_space<semaphore_mem>>)
      tpu.wait_dma2 semaphore(%run_scoped3A : memref<!tpu.dma_semaphore, #tpu.memory_space<semaphore_mem>>) src(%arg7 : memref<16xf32, #tpu.memory_space<hbm>>) dst(%arg20 : memref<16xf32, #tpu.memory_space<vmem>>)
      tpu.yield
    }) : () -> ()
    %barrier3A = arith.constant 0 : index
    tpu.barrier barrier_id(%barrier3A)
    %iota3A = tpu.iota {dimensions = array<i32: 0>} : vector<16xi32>
    %add3A_45 = arith.constant 8 : i32
    %add3A_46 = vector.broadcast %add3A_45 : i32 to vector<16xi32>
    %add3A_47 = arith.addi %iota3A, %add3A_46 : vector<16xi32>
    %and3A = arith.constant 15 : i32
    %and3A_48 = vector.broadcast %and3A : i32 to vector<16xi32>
    %and3A_49 = arith.andi %add3A_47, %and3A_48 : vector<16xi32>
    %get3A = arith.constant 0 : index
    %get3A_50 = tpu.vector_load %arg20[%get3A] {strides = array<i32>} : memref<16xf32, #tpu.memory_space<vmem>>, vector<16xf32>,
    %broadcast_in_dim3A = vector.shape_cast %and3A_49 : vector<16xi32> to vector<16x1xi32>
    %gather3A = vector.shape_cast %broadcast_in_dim3A : vector<16x1xi32> to vector<16xi32>
    %gather3A_51 = tpu.dynamic_gather %get3A_50[%gather3A] in [0] : vector<16xf32>, vector<16xi32> -> vector<16xf32>
    %add3A_52 = arith.addf %get3A_50, %gather3A_51 : vector<16xf32>
    %gt3A = arith.constant 0.000000e+00 : f32
    %gt3A_53 = vector.broadcast %gt3A : f32 to vector<16xf32>
    %gt3A_54 = arith.cmpf ogt, %add3A_52, %gt3A_53 : vector<16xf32>
    %mul3A_55 = arith.constant 2.000000e-01 : f32
    %mul3A_56 = vector.broadcast %mul3A_55 : f32 to vector<16xf32>
    %mul3A_57 = arith.mulf %mul3A_56, %add3A_52 : vector<16xf32>
    %select_n3A = arith.select %gt3A_54, %add3A_52, %mul3A_57 : vector<16xi1>, vector<16xf32>
    %shift_right_logical3A = arith.constant 3 : i32
    %shift_right_logical3A_58 = vector.broadcast %shift_right_logical3A : i32 to vector<16xi32>
    %shift_right_logical3A_59 = arith.shrui %iota3A, %shift_right_logical3A_58 : vector<16xi32>
    %add3A_60 = arith.constant 0 : i32
    %add3A_61 = vector.broadcast %add3A_60 : i32 to vector<16xi32>
    %add3A_62 = arith.addi %shift_right_logical3A_59, %add3A_61 : vector<16xi32>
    %shift_right_logical3A_63 = arith.constant 3 : i32
    %shift_right_logical3A_64 = vector.broadcast %shift_right_logical3A_63 : i32 to vector<16xi32>
    %shift_right_logical3A_65 = arith.shrui %iota3A, %shift_right_logical3A_64 : vector<16xi32>
    %add3A_66 = arith.constant 2 : i32
    %add3A_67 = vector.broadcast %add3A_66 : i32 to vector<16xi32>
    %add3A_68 = arith.addi %shift_right_logical3A_65, %add3A_67 : vector<16xi32>
    %shift_right_logical3A_69 = arith.constant 3 : i32
    %shift_right_logical3A_70 = vector.broadcast %shift_right_logical3A_69 : i32 to vector<16xi32>
    %shift_right_logical3A_71 = arith.shrui %iota3A, %shift_right_logical3A_70 : vector<16xi32>
    %add3A_72 = arith.constant 4 : i32
    %add3A_73 = vector.broadcast %add3A_72 : i32 to vector<16xi32>
    %add3A_74 = arith.addi %shift_right_logical3A_71, %add3A_73 : vector<16xi32>
    %shift_right_logical3A_75 = arith.constant 3 : i32
    %shift_right_logical3A_76 = vector.broadcast %shift_right_logical3A_75 : i32 to vector<16xi32>
    %shift_right_logical3A_77 = arith.shrui %iota3A, %shift_right_logical3A_76 : vector<16xi32>
    %add3A_78 = arith.constant 6 : i32
    %add3A_79 = vector.broadcast %add3A_78 : i32 to vector<16xi32>
    %add3A_80 = arith.addi %shift_right_logical3A_77, %add3A_79 : vector<16xi32>
    %dma_start3A = arith.constant 0 : i32
    %dma_start3A_81 = tpu.memref_slice %arg10[%dma_start3A] : memref<10368xi32, #tpu.memory_space<vmem>> -> memref<128xi32, #tpu.memory_space<vmem>>
    %dma_start3A_82 = arith.constant 0 : i32
    %dma_start3A_83 = arith.constant 0 : i32
    %dma_start3A_84 = tpu.memref_slice %arg2[%dma_start3A_82, %dma_start3A_83] : memref<10240x16xf32, #tpu.memory_space<hbm>> -> memref<10240x16xf32, #tpu.memory_space<hbm>>
    tpu.enqueue_indirect_dma source(%dma_start3A_84 : memref<10240x16xf32, #tpu.memory_space<hbm>>) target(%arg12 : memref<128x16xf32, #tpu.memory_space<vmem>>) offsets(%dma_start3A_81 : memref<128xi32, #tpu.memory_space<vmem>>) semaphore(%arg22 : memref<!tpu.dma_semaphore, #tpu.memory_space<semaphore_mem>>)
    %dma_start3A_85 = arith.constant 0 : i32
    %dma_start3A_86 = tpu.memref_slice %arg11[%dma_start3A_85] : memref<10368xi32, #tpu.memory_space<vmem>> -> memref<128xi32, #tpu.memory_space<vmem>>
    %dma_start3A_87 = arith.constant 0 : i32
    %dma_start3A_88 = arith.constant 0 : i32
    %dma_start3A_89 = tpu.memref_slice %arg3[%dma_start3A_87, %dma_start3A_88] : memref<10240x16xf32, #tpu.memory_space<hbm>> -> memref<10240x16xf32, #tpu.memory_space<hbm>>
    tpu.enqueue_indirect_dma source(%dma_start3A_89 : memref<10240x16xf32, #tpu.memory_space<hbm>>) target(%arg13 : memref<128x16xf32, #tpu.memory_space<vmem>>) offsets(%dma_start3A_86 : memref<128xi32, #tpu.memory_space<vmem>>) semaphore(%arg23 : memref<!tpu.dma_semaphore, #tpu.memory_space<semaphore_mem>>)
    %dma_start3A_90 = arith.constant 0 : i32
    %dma_start3A_91 = tpu.memref_slice %arg10[%dma_start3A_90] : memref<10368xi32, #tpu.memory_space<vmem>> -> memref<128xi32, #tpu.memory_space<vmem>>
    %dma_start3A_92 = arith.constant 0 : i32
    %dma_start3A_93 = arith.constant 0 : i32
    %dma_start3A_94 = arith.constant 0 : i32
    %dma_start3A_95 = tpu.memref_slice %arg4[%dma_start3A_92, %dma_start3A_93, %dma_start3A_94] : memref<10240x4x16xf32, #tpu.memory_space<hbm>> -> memref<10240x4x16xf32, #tpu.memory_space<hbm>>
    tpu.enqueue_indirect_dma source(%dma_start3A_95 : memref<10240x4x16xf32, #tpu.memory_space<hbm>>) target(%arg16 : memref<128x4x16xf32, #tpu.memory_space<vmem>>) offsets(%dma_start3A_91 : memref<128xi32, #tpu.memory_space<vmem>>) semaphore(%arg24 : memref<!tpu.dma_semaphore, #tpu.memory_space<semaphore_mem>>)
    %scan3A = arith.constant 0 : i32
    %scan3A_96 = arith.constant 0 : i32
    %scan3A_97 = arith.constant 40 : i32
    %scan3A_98 = arith.addi %scan3A_96, %scan3A_97 : i32
    %scan3A_99 = arith.constant 1 : i32
    scf.for %scan3A_148 = %scan3A_96 to %scan3A_98 step %scan3A_99  : i32 {
      %mul3A_149 = arith.constant 2 : i32
      %mul3A_150 = arith.muli %mul3A_149, %scan3A_148 : i32
      %add3A_151 = arith.constant 1 : i32
      %add3A_152 = arith.addi %mul3A_150, %add3A_151 : i32
      %mul3A_153 = arith.constant 128 : i32
      %mul3A_154 = arith.muli %add3A_152, %mul3A_153 : i32
      %mul3A_155 = arith.constant 128 : i32
      %mul3A_156 = arith.muli %add3A_152, %mul3A_155 : i32
      %dma_start3A_157 = tpu.memref_slice %arg10[%mul3A_154] : memref<10368xi32, #tpu.memory_space<vmem>> -> memref<128xi32, #tpu.memory_space<vmem>>
      %dma_start3A_158 = arith.constant 0 : i32
      %dma_start3A_159 = arith.constant 0 : i32
      %dma_start3A_160 = tpu.memref_slice %arg2[%dma_start3A_158, %dma_start3A_159] : memref<10240x16xf32, #tpu.memory_space<hbm>> -> memref<10240x16xf32, #tpu.memory_space<hbm>>
      tpu.enqueue_indirect_dma source(%dma_start3A_160 : memref<10240x16xf32, #tpu.memory_space<hbm>>) target(%arg14 : memref<128x16xf32, #tpu.memory_space<vmem>>) offsets(%dma_start3A_157 : memref<128xi32, #tpu.memory_space<vmem>>) semaphore(%arg25 : memref<!tpu.dma_semaphore, #tpu.memory_space<semaphore_mem>>)
      %dma_start3A_161 = tpu.memref_slice %arg11[%mul3A_156] : memref<10368xi32, #tpu.memory_space<vmem>> -> memref<128xi32, #tpu.memory_space<vmem>>
      %dma_start3A_162 = arith.constant 0 : i32
      %dma_start3A_163 = arith.constant 0 : i32
      %dma_start3A_164 = tpu.memref_slice %arg3[%dma_start3A_162, %dma_start3A_163] : memref<10240x16xf32, #tpu.memory_space<hbm>> -> memref<10240x16xf32, #tpu.memory_space<hbm>>
      tpu.enqueue_indirect_dma source(%dma_start3A_164 : memref<10240x16xf32, #tpu.memory_space<hbm>>) target(%arg15 : memref<128x16xf32, #tpu.memory_space<vmem>>) offsets(%dma_start3A_161 : memref<128xi32, #tpu.memory_space<vmem>>) semaphore(%arg26 : memref<!tpu.dma_semaphore, #tpu.memory_space<semaphore_mem>>)
      %dma_start3A_165 = tpu.memref_slice %arg10[%mul3A_154] : memref<10368xi32, #tpu.memory_space<vmem>> -> memref<128xi32, #tpu.memory_space<vmem>>
      %dma_start3A_166 = arith.constant 0 : i32
      %dma_start3A_167 = arith.constant 0 : i32
      %dma_start3A_168 = arith.constant 0 : i32
      %dma_start3A_169 = tpu.memref_slice %arg4[%dma_start3A_166, %dma_start3A_167, %dma_start3A_168] : memref<10240x4x16xf32, #tpu.memory_space<hbm>> -> memref<10240x4x16xf32, #tpu.memory_space<hbm>>
      tpu.enqueue_indirect_dma source(%dma_start3A_169 : memref<10240x4x16xf32, #tpu.memory_space<hbm>>) target(%arg17 : memref<128x4x16xf32, #tpu.memory_space<vmem>>) offsets(%dma_start3A_165 : memref<128xi32, #tpu.memory_space<vmem>>) semaphore(%arg27 : memref<!tpu.dma_semaphore, #tpu.memory_space<semaphore_mem>>)
      %dma_wait3A_170 = arith.constant 0 : i32
      %dma_wait3A_171 = tpu.memref_slice %arg10[%dma_wait3A_170] : memref<10368xi32, #tpu.memory_space<vmem>> -> memref<128xi32, #tpu.memory_space<vmem>>
      %dma_wait3A_172 = arith.constant 0 : i32
      %dma_wait3A_173 = arith.constant 0 : i32
      %dma_wait3A_174 = tpu.memref_slice %arg2[%dma_wait3A_172, %dma_wait3A_173] : memref<10240x16xf32, #tpu.memory_space<hbm>> -> memref<10240x16xf32, #tpu.memory_space<hbm>>
      tpu.wait_indirect_dma semaphore(%arg22 : memref<!tpu.dma_semaphore, #tpu.memory_space<semaphore_mem>>) src(%dma_wait3A_174 : memref<10240x16xf32, #tpu.memory_space<hbm>>) dst(%arg12 : memref<128x16xf32, #tpu.memory_space<vmem>>)
      %dma_wait3A_175 = arith.constant 0 : i32
      %dma_wait3A_176 = tpu.memref_slice %arg10[%dma_wait3A_175] : memref<10368xi32, #tpu.memory_space<vmem>> -> memref<128xi32, #tpu.memory_space<vmem>>
      %dma_wait3A_177 = arith.constant 0 : i32
      %dma_wait3A_178 = arith.constant 0 : i32
      %dma_wait3A_179 = tpu.memref_slice %arg3[%dma_wait3A_177, %dma_wait3A_178] : memref<10240x16xf32, #tpu.memory_space<hbm>> -> memref<10240x16xf32, #tpu.memory_space<hbm>>
      tpu.wait_indirect_dma semaphore(%arg23 : memref<!tpu.dma_semaphore, #tpu.memory_space<semaphore_mem>>) src(%dma_wait3A_179 : memref<10240x16xf32, #tpu.memory_space<hbm>>) dst(%arg13 : memref<128x16xf32, #tpu.memory_space<vmem>>)
      %dma_wait3A_180 = arith.constant 0 : i32
      %dma_wait3A_181 = tpu.memref_slice %arg10[%dma_wait3A_180] : memref<10368xi32, #tpu.memory_space<vmem>> -> memref<128xi32, #tpu.memory_space<vmem>>
      %dma_wait3A_182 = arith.constant 0 : i32
      %dma_wait3A_183 = arith.constant 0 : i32
      %dma_wait3A_184 = arith.constant 0 : i32
      %dma_wait3A_185 = tpu.memref_slice %arg4[%dma_wait3A_182, %dma_wait3A_183, %dma_wait3A_184] : memref<10240x4x16xf32, #tpu.memory_space<hbm>> -> memref<10240x4x16xf32, #tpu.memory_space<hbm>>
      tpu.wait_indirect_dma semaphore(%arg24 : memref<!tpu.dma_semaphore, #tpu.memory_space<semaphore_mem>>) src(%dma_wait3A_185 : memref<10240x4x16xf32, #tpu.memory_space<hbm>>) dst(%arg16 : memref<128x4x16xf32, #tpu.memory_space<vmem>>)
      %gt3A_186 = arith.constant 0 : i32
      %gt3A_187 = arith.cmpi sgt, %scan3A_148, %gt3A_186 : i32
      %convert_element_type3A = arith.extui %gt3A_187 : i1 to i32
      %cond3A = arith.constant 0 : i32
      %cond3A_188 = arith.cmpi ne, %convert_element_type3A, %cond3A : i32
      scf.if %cond3A_188 {
        %dma_wait3A_251 = arith.constant 0 : i32
        %dma_wait3A_252 = tpu.memref_slice %arg11[%dma_wait3A_251] : memref<10368xi32, #tpu.memory_space<vmem>> -> memref<128xi32, #tpu.memory_space<vmem>>
        %dma_wait3A_253 = arith.constant 0 : i32
        %dma_wait3A_254 = arith.constant 0 : i32
        %dma_wait3A_255 = arith.constant 0 : i32
        %dma_wait3A_256 = tpu.memref_slice %arg9[%dma_wait3A_253, %dma_wait3A_254, %dma_wait3A_255] : memref<10240x5x16xf32, #tpu.memory_space<vmem_shared>> -> memref<10240x5x16xf32, #tpu.memory_space<vmem_shared>>
        tpu.wait_indirect_dma semaphore(%arg28 : memref<!tpu.dma_semaphore, #tpu.memory_space<semaphore_mem>>) src(%arg18 : memref<128x5x16xf32, #tpu.memory_space<vmem>>) dst(%dma_wait3A_256 : memref<10240x5x16xf32, #tpu.memory_space<vmem_shared>>)
      } else {
      }
      %parallel_loop3A_189 = arith.constant 0 : i32
      %parallel_loop3A_190 = arith.constant 128 : i32
      %parallel_loop3A_191 = arith.constant 1 : i32
      scf.for %parallel_loop3A_251 = %parallel_loop3A_189 to %parallel_loop3A_190 step %parallel_loop3A_191  : i32 {
        %parallel_loop3A_252 = arith.index_cast %parallel_loop3A_251 : i32 to index
        %parallel_loop3A_253 = arith.constant 0 : index
        %parallel_loop3A_254 = tpu.vector_load %arg12[%parallel_loop3A_252, %parallel_loop3A_253] {strides = array<i32>} : memref<128x16xf32, #tpu.memory_space<vmem>>, vector<16xf32>,
        %parallel_loop3A_255 = arith.index_cast %parallel_loop3A_251 : i32 to index
        %parallel_loop3A_256 = arith.constant 0 : index
        %parallel_loop3A_257 = tpu.vector_load %arg13[%parallel_loop3A_255, %parallel_loop3A_256] {strides = array<i32>} : memref<128x16xf32, #tpu.memory_space<vmem>>, vector<16xf32>,
        %parallel_loop3A_258 = arith.addf %parallel_loop3A_254, %parallel_loop3A_257 : vector<16xf32>
        %parallel_loop3A_259 = arith.constant 0.000000e+00 : f32
        %parallel_loop3A_260 = vector.broadcast %parallel_loop3A_259 : f32 to vector<16xf32>
        %parallel_loop3A_261 = arith.cmpf ogt, %parallel_loop3A_258, %parallel_loop3A_260 : vector<16xf32>
        %parallel_loop3A_262 = arith.constant 2.000000e-01 : f32
        %parallel_loop3A_263 = vector.broadcast %parallel_loop3A_262 : f32 to vector<16xf32>
        %parallel_loop3A_264 = arith.mulf %parallel_loop3A_263, %parallel_loop3A_258 : vector<16xf32>
        %parallel_loop3A_265 = arith.select %parallel_loop3A_261, %parallel_loop3A_258, %parallel_loop3A_264 : vector<16xi1>, vector<16xf32>
        %parallel_loop3A_266 = arith.subf %parallel_loop3A_265, %select_n3A : vector<16xf32>
        %parallel_loop3A_267 = math.exp %parallel_loop3A_266 : vector<16xf32>
        %parallel_loop3A_268 = arith.constant 4 : i32
        %parallel_loop3A_269 = arith.index_cast %parallel_loop3A_251 : i32 to index
        %parallel_loop3A_270 = arith.index_cast %parallel_loop3A_268 : i32 to index
        %parallel_loop3A_271 = arith.constant 0 : index
        %parallel_loop3A_272 = tpu.vector_load %arg18[%parallel_loop3A_269, %parallel_loop3A_270, %parallel_loop3A_271] {strides = array<i32>} : memref<128x5x16xf32, #tpu.memory_space<vmem>>, vector<16xf32>,
        tpu.vector_store %arg18[%parallel_loop3A_269, %parallel_loop3A_270, %parallel_loop3A_271], %parallel_loop3A_267 {strides = array<i32>} : memref<128x5x16xf32, #tpu.memory_space<vmem>>, vector<16xf32>,
        %parallel_loop3A_273 = vector.shape_cast %add3A_62 : vector<16xi32> to vector<16x1xi32>
        %parallel_loop3A_274 = vector.shape_cast %parallel_loop3A_273 : vector<16x1xi32> to vector<16xi32>
        %parallel_loop3A_275 = tpu.dynamic_gather %parallel_loop3A_267[%parallel_loop3A_274] in [0] : vector<16xf32>, vector<16xi32> -> vector<16xf32>
        %parallel_loop3A_276 = arith.constant 0 : i32
        %parallel_loop3A_277 = arith.index_cast %parallel_loop3A_251 : i32 to index
        %parallel_loop3A_278 = arith.index_cast %parallel_loop3A_276 : i32 to index
        %parallel_loop3A_279 = arith.constant 0 : index
        %parallel_loop3A_280 = tpu.vector_load %arg16[%parallel_loop3A_277, %parallel_loop3A_278, %parallel_loop3A_279] {strides = array<i32>} : memref<128x4x16xf32, #tpu.memory_space<vmem>>, vector<16xf32>,
        %parallel_loop3A_281 = arith.mulf %parallel_loop3A_275, %parallel_loop3A_280 : vector<16xf32>
        %parallel_loop3A_282 = arith.constant 0 : i32
        %parallel_loop3A_283 = arith.index_cast %parallel_loop3A_251 : i32 to index
        %parallel_loop3A_284 = arith.index_cast %parallel_loop3A_282 : i32 to index
        %parallel_loop3A_285 = arith.constant 0 : index
        %parallel_loop3A_286 = tpu.vector_load %arg18[%parallel_loop3A_283, %parallel_loop3A_284, %parallel_loop3A_285] {strides = array<i32>} : memref<128x5x16xf32, #tpu.memory_space<vmem>>, vector<16xf32>,
        tpu.vector_store %arg18[%parallel_loop3A_283, %parallel_loop3A_284, %parallel_loop3A_285], %parallel_loop3A_281 {strides = array<i32>} : memref<128x5x16xf32, #tpu.memory_space<vmem>>, vector<16xf32>,
        %parallel_loop3A_287 = vector.shape_cast %add3A_68 : vector<16xi32> to vector<16x1xi32>
        %parallel_loop3A_288 = vector.shape_cast %parallel_loop3A_287 : vector<16x1xi32> to vector<16xi32>
        %parallel_loop3A_289 = tpu.dynamic_gather %parallel_loop3A_267[%parallel_loop3A_288] in [0] : vector<16xf32>, vector<16xi32> -> vector<16xf32>
        %parallel_loop3A_290 = arith.constant 1 : i32
        %parallel_loop3A_291 = arith.index_cast %parallel_loop3A_251 : i32 to index
        %parallel_loop3A_292 = arith.index_cast %parallel_loop3A_290 : i32 to index
        %parallel_loop3A_293 = arith.constant 0 : index
        %parallel_loop3A_294 = tpu.vector_load %arg16[%parallel_loop3A_291, %parallel_loop3A_292, %parallel_loop3A_293] {strides = array<i32>} : memref<128x4x16xf32, #tpu.memory_space<vmem>>, vector<16xf32>,
        %parallel_loop3A_295 = arith.mulf %parallel_loop3A_289, %parallel_loop3A_294 : vector<16xf32>
        %parallel_loop3A_296 = arith.constant 1 : i32
        %parallel_loop3A_297 = arith.index_cast %parallel_loop3A_251 : i32 to index
        %parallel_loop3A_298 = arith.index_cast %parallel_loop3A_296 : i32 to index
        %parallel_loop3A_299 = arith.constant 0 : index
        %parallel_loop3A_300 = tpu.vector_load %arg18[%parallel_loop3A_297, %parallel_loop3A_298, %parallel_loop3A_299] {strides = array<i32>} : memref<128x5x16xf32, #tpu.memory_space<vmem>>, vector<16xf32>,
        tpu.vector_store %arg18[%parallel_loop3A_297, %parallel_loop3A_298, %parallel_loop3A_299], %parallel_loop3A_295 {strides = array<i32>} : memref<128x5x16xf32, #tpu.memory_space<vmem>>, vector<16xf32>,
        %parallel_loop3A_301 = vector.shape_cast %add3A_74 : vector<16xi32> to vector<16x1xi32>
        %parallel_loop3A_302 = vector.shape_cast %parallel_loop3A_301 : vector<16x1xi32> to vector<16xi32>
        %parallel_loop3A_303 = tpu.dynamic_gather %parallel_loop3A_267[%parallel_loop3A_302] in [0] : vector<16xf32>, vector<16xi32> -> vector<16xf32>
        %parallel_loop3A_304 = arith.constant 2 : i32
        %parallel_loop3A_305 = arith.index_cast %parallel_loop3A_251 : i32 to index
        %parallel_loop3A_306 = arith.index_cast %parallel_loop3A_304 : i32 to index
        %parallel_loop3A_307 = arith.constant 0 : index
        %parallel_loop3A_308 = tpu.vector_load %arg16[%parallel_loop3A_305, %parallel_loop3A_306, %parallel_loop3A_307] {strides = array<i32>} : memref<128x4x16xf32, #tpu.memory_space<vmem>>, vector<16xf32>,
        %parallel_loop3A_309 = arith.mulf %parallel_loop3A_303, %parallel_loop3A_308 : vector<16xf32>
        %parallel_loop3A_310 = arith.constant 2 : i32
        %parallel_loop3A_311 = arith.index_cast %parallel_loop3A_251 : i32 to index
        %parallel_loop3A_312 = arith.index_cast %parallel_loop3A_310 : i32 to index
        %parallel_loop3A_313 = arith.constant 0 : index
        %parallel_loop3A_314 = tpu.vector_load %arg18[%parallel_loop3A_311, %parallel_loop3A_312, %parallel_loop3A_313] {strides = array<i32>} : memref<128x5x16xf32, #tpu.memory_space<vmem>>, vector<16xf32>,
        tpu.vector_store %arg18[%parallel_loop3A_311, %parallel_loop3A_312, %parallel_loop3A_313], %parallel_loop3A_309 {strides = array<i32>} : memref<128x5x16xf32, #tpu.memory_space<vmem>>, vector<16xf32>,
        %parallel_loop3A_315 = vector.shape_cast %add3A_80 : vector<16xi32> to vector<16x1xi32>
        %parallel_loop3A_316 = vector.shape_cast %parallel_loop3A_315 : vector<16x1xi32> to vector<16xi32>
        %parallel_loop3A_317 = tpu.dynamic_gather %parallel_loop3A_267[%parallel_loop3A_316] in [0] : vector<16xf32>, vector<16xi32> -> vector<16xf32>
        %parallel_loop3A_318 = arith.constant 3 : i32
        %parallel_loop3A_319 = arith.index_cast %parallel_loop3A_251 : i32 to index
        %parallel_loop3A_320 = arith.index_cast %parallel_loop3A_318 : i32 to index
        %parallel_loop3A_321 = arith.constant 0 : index
        %parallel_loop3A_322 = tpu.vector_load %arg16[%parallel_loop3A_319, %parallel_loop3A_320, %parallel_loop3A_321] {strides = array<i32>} : memref<128x4x16xf32, #tpu.memory_space<vmem>>, vector<16xf32>,
        %parallel_loop3A_323 = arith.mulf %parallel_loop3A_317, %parallel_loop3A_322 : vector<16xf32>
        %parallel_loop3A_324 = arith.constant 3 : i32
        %parallel_loop3A_325 = arith.index_cast %parallel_loop3A_251 : i32 to index
        %parallel_loop3A_326 = arith.index_cast %parallel_loop3A_324 : i32 to index
        %parallel_loop3A_327 = arith.constant 0 : index
        %parallel_loop3A_328 = tpu.vector_load %arg18[%parallel_loop3A_325, %parallel_loop3A_326, %parallel_loop3A_327] {strides = array<i32>} : memref<128x5x16xf32, #tpu.memory_space<vmem>>, vector<16xf32>,
        tpu.vector_store %arg18[%parallel_loop3A_325, %parallel_loop3A_326, %parallel_loop3A_327], %parallel_loop3A_323 {strides = array<i32>} : memref<128x5x16xf32, #tpu.memory_space<vmem>>, vector<16xf32>,
      } {sc.loop_unroll_factor = 4 : i64, sc.parallel_access}
      %mul3A_192 = arith.constant 128 : i32
      %mul3A_193 = arith.muli %mul3A_150, %mul3A_192 : i32
      %dma_start3A_194 = tpu.memref_slice %arg11[%mul3A_193] : memref<10368xi32, #tpu.memory_space<vmem>> -> memref<128xi32, #tpu.memory_space<vmem>>
      %dma_start3A_195 = arith.constant 0 : i32
      %dma_start3A_196 = arith.constant 0 : i32
      %dma_start3A_197 = arith.constant 0 : i32
      %dma_start3A_198 = tpu.memref_slice %arg9[%dma_start3A_195, %dma_start3A_196, %dma_start3A_197] : memref<10240x5x16xf32, #tpu.memory_space<vmem_shared>> -> memref<10240x5x16xf32, #tpu.memory_space<vmem_shared>>
      tpu.enqueue_indirect_dma source(%arg18 : memref<128x5x16xf32, #tpu.memory_space<vmem>>) target(%dma_start3A_198 : memref<10240x5x16xf32, #tpu.memory_space<vmem_shared>>) offsets(%dma_start3A_194 : memref<128xi32, #tpu.memory_space<vmem>>) semaphore(%arg28 : memref<!tpu.dma_semaphore, #tpu.memory_space<semaphore_mem>>) {add = true}
      %add3A_199 = arith.constant 2 : i32
      %add3A_200 = arith.addi %mul3A_150, %add3A_199 : i32
      %mul3A_201 = arith.constant 128 : i32
      %mul3A_202 = arith.muli %add3A_200, %mul3A_201 : i32
      %mul3A_203 = arith.constant 128 : i32
      %mul3A_204 = arith.muli %add3A_200, %mul3A_203 : i32
      %dma_start3A_205 = tpu.memref_slice %arg10[%mul3A_202] : memref<10368xi32, #tpu.memory_space<vmem>> -> memref<128xi32, #tpu.memory_space<vmem>>
      %dma_start3A_206 = arith.constant 0 : i32
      %dma_start3A_207 = arith.constant 0 : i32
      %dma_start3A_208 = tpu.memref_slice %arg2[%dma_start3A_206, %dma_start3A_207] : memref<10240x16xf32, #tpu.memory_space<hbm>> -> memref<10240x16xf32, #tpu.memory_space<hbm>>
      tpu.enqueue_indirect_dma source(%dma_start3A_208 : memref<10240x16xf32, #tpu.memory_space<hbm>>) target(%arg12 : memref<128x16xf32, #tpu.memory_space<vmem>>) offsets(%dma_start3A_205 : memref<128xi32, #tpu.memory_space<vmem>>) semaphore(%arg22 : memref<!tpu.dma_semaphore, #tpu.memory_space<semaphore_mem>>)
      %dma_start3A_209 = tpu.memref_slice %arg11[%mul3A_204] : memref<10368xi32, #tpu.memory_space<vmem>> -> memref<128xi32, #tpu.memory_space<vmem>>
      %dma_start3A_210 = arith.constant 0 : i32
      %dma_start3A_211 = arith.constant 0 : i32
      %dma_start3A_212 = tpu.memref_slice %arg3[%dma_start3A_210, %dma_start3A_211] : memref<10240x16xf32, #tpu.memory_space<hbm>> -> memref<10240x16xf32, #tpu.memory_space<hbm>>
      tpu.enqueue_indirect_dma source(%dma_start3A_212 : memref<10240x16xf32, #tpu.memory_space<hbm>>) target(%arg13 : memref<128x16xf32, #tpu.memory_space<vmem>>) offsets(%dma_start3A_209 : memref<128xi32, #tpu.memory_space<vmem>>) semaphore(%arg23 : memref<!tpu.dma_semaphore, #tpu.memory_space<semaphore_mem>>)
      %dma_start3A_213 = tpu.memref_slice %arg10[%mul3A_202] : memref<10368xi32, #tpu.memory_space<vmem>> -> memref<128xi32, #tpu.memory_space<vmem>>
      %dma_start3A_214 = arith.constant 0 : i32
      %dma_start3A_215 = arith.constant 0 : i32
      %dma_start3A_216 = arith.constant 0 : i32
      %dma_start3A_217 = tpu.memref_slice %arg4[%dma_start3A_214, %dma_start3A_215, %dma_start3A_216] : memref<10240x4x16xf32, #tpu.memory_space<hbm>> -> memref<10240x4x16xf32, #tpu.memory_space<hbm>>
      tpu.enqueue_indirect_dma source(%dma_start3A_217 : memref<10240x4x16xf32, #tpu.memory_space<hbm>>) target(%arg16 : memref<128x4x16xf32, #tpu.memory_space<vmem>>) offsets(%dma_start3A_213 : memref<128xi32, #tpu.memory_space<vmem>>) semaphore(%arg24 : memref<!tpu.dma_semaphore, #tpu.memory_space<semaphore_mem>>)
      %dma_wait3A_218 = arith.constant 0 : i32
      %dma_wait3A_219 = tpu.memref_slice %arg10[%dma_wait3A_218] : memref<10368xi32, #tpu.memory_space<vmem>> -> memref<128xi32, #tpu.memory_space<vmem>>
      %dma_wait3A_220 = arith.constant 0 : i32
      %dma_wait3A_221 = arith.constant 0 : i32
      %dma_wait3A_222 = tpu.memref_slice %arg2[%dma_wait3A_220, %dma_wait3A_221] : memref<10240x16xf32, #tpu.memory_space<hbm>> -> memref<10240x16xf32, #tpu.memory_space<hbm>>
      tpu.wait_indirect_dma semaphore(%arg25 : memref<!tpu.dma_semaphore, #tpu.memory_space<semaphore_mem>>) src(%dma_wait3A_222 : memref<10240x16xf32, #tpu.memory_space<hbm>>) dst(%arg14 : memref<128x16xf32, #tpu.memory_space<vmem>>)
      %dma_wait3A_223 = arith.constant 0 : i32
      %dma_wait3A_224 = tpu.memref_slice %arg10[%dma_wait3A_223] : memref<10368xi32, #tpu.memory_space<vmem>> -> memref<128xi32, #tpu.memory_space<vmem>>
      %dma_wait3A_225 = arith.constant 0 : i32
      %dma_wait3A_226 = arith.constant 0 : i32
      %dma_wait3A_227 = tpu.memref_slice %arg3[%dma_wait3A_225, %dma_wait3A_226] : memref<10240x16xf32, #tpu.memory_space<hbm>> -> memref<10240x16xf32, #tpu.memory_space<hbm>>
      tpu.wait_indirect_dma semaphore(%arg26 : memref<!tpu.dma_semaphore, #tpu.memory_space<semaphore_mem>>) src(%dma_wait3A_227 : memref<10240x16xf32, #tpu.memory_space<hbm>>) dst(%arg15 : memref<128x16xf32, #tpu.memory_space<vmem>>)
      %dma_wait3A_228 = arith.constant 0 : i32
      %dma_wait3A_229 = tpu.memref_slice %arg10[%dma_wait3A_228] : memref<10368xi32, #tpu.memory_space<vmem>> -> memref<128xi32, #tpu.memory_space<vmem>>
      %dma_wait3A_230 = arith.constant 0 : i32
      %dma_wait3A_231 = arith.constant 0 : i32
      %dma_wait3A_232 = arith.constant 0 : i32
      %dma_wait3A_233 = tpu.memref_slice %arg4[%dma_wait3A_230, %dma_wait3A_231, %dma_wait3A_232] : memref<10240x4x16xf32, #tpu.memory_space<hbm>> -> memref<10240x4x16xf32, #tpu.memory_space<hbm>>
      tpu.wait_indirect_dma semaphore(%arg27 : memref<!tpu.dma_semaphore, #tpu.memory_space<semaphore_mem>>) src(%dma_wait3A_233 : memref<10240x4x16xf32, #tpu.memory_space<hbm>>) dst(%arg17 : memref<128x4x16xf32, #tpu.memory_space<vmem>>)
      %gt3A_234 = arith.constant 0 : i32
      %gt3A_235 = arith.cmpi sgt, %scan3A_148, %gt3A_234 : i32
      %convert_element_type3A_236 = arith.extui %gt3A_235 : i1 to i32
      %cond3A_237 = arith.constant 0 : i32
      %cond3A_238 = arith.cmpi ne, %convert_element_type3A_236, %cond3A_237 : i32
      scf.if %cond3A_238 {
        %dma_wait3A_251 = arith.constant 0 : i32
        %dma_wait3A_252 = tpu.memref_slice %arg11[%dma_wait3A_251] : memref<10368xi32, #tpu.memory_space<vmem>> -> memref<128xi32, #tpu.memory_space<vmem>>
        %dma_wait3A_253 = arith.constant 0 : i32
        %dma_wait3A_254 = arith.constant 0 : i32
        %dma_wait3A_255 = arith.constant 0 : i32
        %dma_wait3A_256 = tpu.memref_slice %arg9[%dma_wait3A_253, %dma_wait3A_254, %dma_wait3A_255] : memref<10240x5x16xf32, #tpu.memory_space<vmem_shared>> -> memref<10240x5x16xf32, #tpu.memory_space<vmem_shared>>
        tpu.wait_indirect_dma semaphore(%arg29 : memref<!tpu.dma_semaphore, #tpu.memory_space<semaphore_mem>>) src(%arg19 : memref<128x5x16xf32, #tpu.memory_space<vmem>>) dst(%dma_wait3A_256 : memref<10240x5x16xf32, #tpu.memory_space<vmem_shared>>)
      } else {
      }
      %add3A_239 = arith.constant 1 : i32
      %add3A_240 = arith.addi %mul3A_150, %add3A_239 : i32
      %parallel_loop3A_241 = arith.constant 0 : i32
      %parallel_loop3A_242 = arith.constant 128 : i32
      %parallel_loop3A_243 = arith.constant 1 : i32
      scf.for %parallel_loop3A_251 = %parallel_loop3A_241 to %parallel_loop3A_242 step %parallel_loop3A_243  : i32 {
        %parallel_loop3A_252 = arith.index_cast %parallel_loop3A_251 : i32 to index
        %parallel_loop3A_253 = arith.constant 0 : index
        %parallel_loop3A_254 = tpu.vector_load %arg14[%parallel_loop3A_252, %parallel_loop3A_253] {strides = array<i32>} : memref<128x16xf32, #tpu.memory_space<vmem>>, vector<16xf32>,
        %parallel_loop3A_255 = arith.index_cast %parallel_loop3A_251 : i32 to index
        %parallel_loop3A_256 = arith.constant 0 : index
        %parallel_loop3A_257 = tpu.vector_load %arg15[%parallel_loop3A_255, %parallel_loop3A_256] {strides = array<i32>} : memref<128x16xf32, #tpu.memory_space<vmem>>, vector<16xf32>,
        %parallel_loop3A_258 = arith.addf %parallel_loop3A_254, %parallel_loop3A_257 : vector<16xf32>
        %parallel_loop3A_259 = arith.constant 0.000000e+00 : f32
        %parallel_loop3A_260 = vector.broadcast %parallel_loop3A_259 : f32 to vector<16xf32>
        %parallel_loop3A_261 = arith.cmpf ogt, %parallel_loop3A_258, %parallel_loop3A_260 : vector<16xf32>
        %parallel_loop3A_262 = arith.constant 2.000000e-01 : f32
        %parallel_loop3A_263 = vector.broadcast %parallel_loop3A_262 : f32 to vector<16xf32>
        %parallel_loop3A_264 = arith.mulf %parallel_loop3A_263, %parallel_loop3A_258 : vector<16xf32>
        %parallel_loop3A_265 = arith.select %parallel_loop3A_261, %parallel_loop3A_258, %parallel_loop3A_264 : vector<16xi1>, vector<16xf32>
        %parallel_loop3A_266 = arith.subf %parallel_loop3A_265, %select_n3A : vector<16xf32>
        %parallel_loop3A_267 = math.exp %parallel_loop3A_266 : vector<16xf32>
        %parallel_loop3A_268 = arith.constant 4 : i32
        %parallel_loop3A_269 = arith.index_cast %parallel_loop3A_251 : i32 to index
        %parallel_loop3A_270 = arith.index_cast %parallel_loop3A_268 : i32 to index
        %parallel_loop3A_271 = arith.constant 0 : index
        %parallel_loop3A_272 = tpu.vector_load %arg19[%parallel_loop3A_269, %parallel_loop3A_270, %parallel_loop3A_271] {strides = array<i32>} : memref<128x5x16xf32, #tpu.memory_space<vmem>>, vector<16xf32>,
        tpu.vector_store %arg19[%parallel_loop3A_269, %parallel_loop3A_270, %parallel_loop3A_271], %parallel_loop3A_267 {strides = array<i32>} : memref<128x5x16xf32, #tpu.memory_space<vmem>>, vector<16xf32>,
        %parallel_loop3A_273 = vector.shape_cast %add3A_62 : vector<16xi32> to vector<16x1xi32>
        %parallel_loop3A_274 = vector.shape_cast %parallel_loop3A_273 : vector<16x1xi32> to vector<16xi32>
        %parallel_loop3A_275 = tpu.dynamic_gather %parallel_loop3A_267[%parallel_loop3A_274] in [0] : vector<16xf32>, vector<16xi32> -> vector<16xf32>
        %parallel_loop3A_276 = arith.constant 0 : i32
        %parallel_loop3A_277 = arith.index_cast %parallel_loop3A_251 : i32 to index
        %parallel_loop3A_278 = arith.index_cast %parallel_loop3A_276 : i32 to index
        %parallel_loop3A_279 = arith.constant 0 : index
        %parallel_loop3A_280 = tpu.vector_load %arg17[%parallel_loop3A_277, %parallel_loop3A_278, %parallel_loop3A_279] {strides = array<i32>} : memref<128x4x16xf32, #tpu.memory_space<vmem>>, vector<16xf32>,
        %parallel_loop3A_281 = arith.mulf %parallel_loop3A_275, %parallel_loop3A_280 : vector<16xf32>
        %parallel_loop3A_282 = arith.constant 0 : i32
        %parallel_loop3A_283 = arith.index_cast %parallel_loop3A_251 : i32 to index
        %parallel_loop3A_284 = arith.index_cast %parallel_loop3A_282 : i32 to index
        %parallel_loop3A_285 = arith.constant 0 : index
        %parallel_loop3A_286 = tpu.vector_load %arg19[%parallel_loop3A_283, %parallel_loop3A_284, %parallel_loop3A_285] {strides = array<i32>} : memref<128x5x16xf32, #tpu.memory_space<vmem>>, vector<16xf32>,
        tpu.vector_store %arg19[%parallel_loop3A_283, %parallel_loop3A_284, %parallel_loop3A_285], %parallel_loop3A_281 {strides = array<i32>} : memref<128x5x16xf32, #tpu.memory_space<vmem>>, vector<16xf32>,
        %parallel_loop3A_287 = vector.shape_cast %add3A_68 : vector<16xi32> to vector<16x1xi32>
        %parallel_loop3A_288 = vector.shape_cast %parallel_loop3A_287 : vector<16x1xi32> to vector<16xi32>
        %parallel_loop3A_289 = tpu.dynamic_gather %parallel_loop3A_267[%parallel_loop3A_288] in [0] : vector<16xf32>, vector<16xi32> -> vector<16xf32>
        %parallel_loop3A_290 = arith.constant 1 : i32
        %parallel_loop3A_291 = arith.index_cast %parallel_loop3A_251 : i32 to index
        %parallel_loop3A_292 = arith.index_cast %parallel_loop3A_290 : i32 to index
        %parallel_loop3A_293 = arith.constant 0 : index
        %parallel_loop3A_294 = tpu.vector_load %arg17[%parallel_loop3A_291, %parallel_loop3A_292, %parallel_loop3A_293] {strides = array<i32>} : memref<128x4x16xf32, #tpu.memory_space<vmem>>, vector<16xf32>,
        %parallel_loop3A_295 = arith.mulf %parallel_loop3A_289, %parallel_loop3A_294 : vector<16xf32>
        %parallel_loop3A_296 = arith.constant 1 : i32
        %parallel_loop3A_297 = arith.index_cast %parallel_loop3A_251 : i32 to index
        %parallel_loop3A_298 = arith.index_cast %parallel_loop3A_296 : i32 to index
        %parallel_loop3A_299 = arith.constant 0 : index
        %parallel_loop3A_300 = tpu.vector_load %arg19[%parallel_loop3A_297, %parallel_loop3A_298, %parallel_loop3A_299] {strides = array<i32>} : memref<128x5x16xf32, #tpu.memory_space<vmem>>, vector<16xf32>,
        tpu.vector_store %arg19[%parallel_loop3A_297, %parallel_loop3A_298, %parallel_loop3A_299], %parallel_loop3A_295 {strides = array<i32>} : memref<128x5x16xf32, #tpu.memory_space<vmem>>, vector<16xf32>,
        %parallel_loop3A_301 = vector.shape_cast %add3A_74 : vector<16xi32> to vector<16x1xi32>
        %parallel_loop3A_302 = vector.shape_cast %parallel_loop3A_301 : vector<16x1xi32> to vector<16xi32>
        %parallel_loop3A_303 = tpu.dynamic_gather %parallel_loop3A_267[%parallel_loop3A_302] in [0] : vector<16xf32>, vector<16xi32> -> vector<16xf32>
        %parallel_loop3A_304 = arith.constant 2 : i32
        %parallel_loop3A_305 = arith.index_cast %parallel_loop3A_251 : i32 to index
        %parallel_loop3A_306 = arith.index_cast %parallel_loop3A_304 : i32 to index
        %parallel_loop3A_307 = arith.constant 0 : index
        %parallel_loop3A_308 = tpu.vector_load %arg17[%parallel_loop3A_305, %parallel_loop3A_306, %parallel_loop3A_307] {strides = array<i32>} : memref<128x4x16xf32, #tpu.memory_space<vmem>>, vector<16xf32>,
        %parallel_loop3A_309 = arith.mulf %parallel_loop3A_303, %parallel_loop3A_308 : vector<16xf32>
        %parallel_loop3A_310 = arith.constant 2 : i32
        %parallel_loop3A_311 = arith.index_cast %parallel_loop3A_251 : i32 to index
        %parallel_loop3A_312 = arith.index_cast %parallel_loop3A_310 : i32 to index
        %parallel_loop3A_313 = arith.constant 0 : index
        %parallel_loop3A_314 = tpu.vector_load %arg19[%parallel_loop3A_311, %parallel_loop3A_312, %parallel_loop3A_313] {strides = array<i32>} : memref<128x5x16xf32, #tpu.memory_space<vmem>>, vector<16xf32>,
        tpu.vector_store %arg19[%parallel_loop3A_311, %parallel_loop3A_312, %parallel_loop3A_313], %parallel_loop3A_309 {strides = array<i32>} : memref<128x5x16xf32, #tpu.memory_space<vmem>>, vector<16xf32>,
        %parallel_loop3A_315 = vector.shape_cast %add3A_80 : vector<16xi32> to vector<16x1xi32>
        %parallel_loop3A_316 = vector.shape_cast %parallel_loop3A_315 : vector<16x1xi32> to vector<16xi32>
        %parallel_loop3A_317 = tpu.dynamic_gather %parallel_loop3A_267[%parallel_loop3A_316] in [0] : vector<16xf32>, vector<16xi32> -> vector<16xf32>
        %parallel_loop3A_318 = arith.constant 3 : i32
        %parallel_loop3A_319 = arith.index_cast %parallel_loop3A_251 : i32 to index
        %parallel_loop3A_320 = arith.index_cast %parallel_loop3A_318 : i32 to index
        %parallel_loop3A_321 = arith.constant 0 : index
        %parallel_loop3A_322 = tpu.vector_load %arg17[%parallel_loop3A_319, %parallel_loop3A_320, %parallel_loop3A_321] {strides = array<i32>} : memref<128x4x16xf32, #tpu.memory_space<vmem>>, vector<16xf32>,
        %parallel_loop3A_323 = arith.mulf %parallel_loop3A_317, %parallel_loop3A_322 : vector<16xf32>
        %parallel_loop3A_324 = arith.constant 3 : i32
        %parallel_loop3A_325 = arith.index_cast %parallel_loop3A_251 : i32 to index
        %parallel_loop3A_326 = arith.index_cast %parallel_loop3A_324 : i32 to index
        %parallel_loop3A_327 = arith.constant 0 : index
        %parallel_loop3A_328 = tpu.vector_load %arg19[%parallel_loop3A_325, %parallel_loop3A_326, %parallel_loop3A_327] {strides = array<i32>} : memref<128x5x16xf32, #tpu.memory_space<vmem>>, vector<16xf32>,
        tpu.vector_store %arg19[%parallel_loop3A_325, %parallel_loop3A_326, %parallel_loop3A_327], %parallel_loop3A_323 {strides = array<i32>} : memref<128x5x16xf32, #tpu.memory_space<vmem>>, vector<16xf32>,
      } {sc.loop_unroll_factor = 4 : i64, sc.parallel_access}
      %mul3A_244 = arith.constant 128 : i32
      %mul3A_245 = arith.muli %add3A_240, %mul3A_244 : i32
      %dma_start3A_246 = tpu.memref_slice %arg11[%mul3A_245] : memref<10368xi32, #tpu.memory_space<vmem>> -> memref<128xi32, #tpu.memory_space<vmem>>
      %dma_start3A_247 = arith.constant 0 : i32
      %dma_start3A_248 = arith.constant 0 : i32
      %dma_start3A_249 = arith.constant 0 : i32
      %dma_start3A_250 = tpu.memref_slice %arg9[%dma_start3A_247, %dma_start3A_248, %dma_start3A_249] : memref<10240x5x16xf32, #tpu.memory_space<vmem_shared>> -> memref<10240x5x16xf32, #tpu.memory_space<vmem_shared>>
      tpu.enqueue_indirect_dma source(%arg19 : memref<128x5x16xf32, #tpu.memory_space<vmem>>) target(%dma_start3A_250 : memref<10240x5x16xf32, #tpu.memory_space<vmem_shared>>) offsets(%dma_start3A_246 : memref<128xi32, #tpu.memory_space<vmem>>) semaphore(%arg29 : memref<!tpu.dma_semaphore, #tpu.memory_space<semaphore_mem>>) {add = true}
    }
    %scan3A_100 = arith.constant 40 : i32
    %dma_wait3A = arith.constant 0 : i32
    %dma_wait3A_101 = tpu.memref_slice %arg10[%dma_wait3A] : memref<10368xi32, #tpu.memory_space<vmem>> -> memref<128xi32, #tpu.memory_space<vmem>>
    %dma_wait3A_102 = arith.constant 0 : i32
    %dma_wait3A_103 = arith.constant 0 : i32
    %dma_wait3A_104 = tpu.memref_slice %arg2[%dma_wait3A_102, %dma_wait3A_103] : memref<10240x16xf32, #tpu.memory_space<hbm>> -> memref<10240x16xf32, #tpu.memory_space<hbm>>
    tpu.wait_indirect_dma semaphore(%arg22 : memref<!tpu.dma_semaphore, #tpu.memory_space<semaphore_mem>>) src(%dma_wait3A_104 : memref<10240x16xf32, #tpu.memory_space<hbm>>) dst(%arg12 : memref<128x16xf32, #tpu.memory_space<vmem>>)
    %dma_wait3A_105 = arith.constant 0 : i32
    %dma_wait3A_106 = tpu.memref_slice %arg10[%dma_wait3A_105] : memref<10368xi32, #tpu.memory_space<vmem>> -> memref<128xi32, #tpu.memory_space<vmem>>
    %dma_wait3A_107 = arith.constant 0 : i32
    %dma_wait3A_108 = arith.constant 0 : i32
    %dma_wait3A_109 = tpu.memref_slice %arg3[%dma_wait3A_107, %dma_wait3A_108] : memref<10240x16xf32, #tpu.memory_space<hbm>> -> memref<10240x16xf32, #tpu.memory_space<hbm>>
    tpu.wait_indirect_dma semaphore(%arg23 : memref<!tpu.dma_semaphore, #tpu.memory_space<semaphore_mem>>) src(%dma_wait3A_109 : memref<10240x16xf32, #tpu.memory_space<hbm>>) dst(%arg13 : memref<128x16xf32, #tpu.memory_space<vmem>>)
    %dma_wait3A_110 = arith.constant 0 : i32
    %dma_wait3A_111 = tpu.memref_slice %arg10[%dma_wait3A_110] : memref<10368xi32, #tpu.memory_space<vmem>> -> memref<128xi32, #tpu.memory_space<vmem>>
    %dma_wait3A_112 = arith.constant 0 : i32
    %dma_wait3A_113 = arith.constant 0 : i32
    %dma_wait3A_114 = arith.constant 0 : i32
    %dma_wait3A_115 = tpu.memref_slice %arg4[%dma_wait3A_112, %dma_wait3A_113, %dma_wait3A_114] : memref<10240x4x16xf32, #tpu.memory_space<hbm>> -> memref<10240x4x16xf32, #tpu.memory_space<hbm>>
    tpu.wait_indirect_dma semaphore(%arg24 : memref<!tpu.dma_semaphore, #tpu.memory_space<semaphore_mem>>) src(%dma_wait3A_115 : memref<10240x4x16xf32, #tpu.memory_space<hbm>>) dst(%arg16 : memref<128x4x16xf32, #tpu.memory_space<vmem>>)
    %dma_wait3A_116 = arith.constant 0 : i32
    %dma_wait3A_117 = tpu.memref_slice %arg11[%dma_wait3A_116] : memref<10368xi32, #tpu.memory_space<vmem>> -> memref<128xi32, #tpu.memory_space<vmem>>
    %dma_wait3A_118 = arith.constant 0 : i32
    %dma_wait3A_119 = arith.constant 0 : i32
    %dma_wait3A_120 = arith.constant 0 : i32
    %dma_wait3A_121 = tpu.memref_slice %arg9[%dma_wait3A_118, %dma_wait3A_119, %dma_wait3A_120] : memref<10240x5x16xf32, #tpu.memory_space<vmem_shared>> -> memref<10240x5x16xf32, #tpu.memory_space<vmem_shared>>
    tpu.wait_indirect_dma semaphore(%arg28 : memref<!tpu.dma_semaphore, #tpu.memory_space<semaphore_mem>>) src(%arg18 : memref<128x5x16xf32, #tpu.memory_space<vmem>>) dst(%dma_wait3A_121 : memref<10240x5x16xf32, #tpu.memory_space<vmem_shared>>)
    %parallel_loop3A_122 = arith.constant 0 : i32
    %parallel_loop3A_123 = arith.constant 128 : i32
    %parallel_loop3A_124 = arith.constant 1 : i32
    scf.for %parallel_loop3A_148 = %parallel_loop3A_122 to %parallel_loop3A_123 step %parallel_loop3A_124  : i32 {
      %parallel_loop3A_149 = arith.index_cast %parallel_loop3A_148 : i32 to index
      %parallel_loop3A_150 = arith.constant 0 : index
      %parallel_loop3A_151 = tpu.vector_load %arg12[%parallel_loop3A_149, %parallel_loop3A_150] {strides = array<i32>} : memref<128x16xf32, #tpu.memory_space<vmem>>, vector<16xf32>,
      %parallel_loop3A_152 = arith.index_cast %parallel_loop3A_148 : i32 to index
      %parallel_loop3A_153 = arith.constant 0 : index
      %parallel_loop3A_154 = tpu.vector_load %arg13[%parallel_loop3A_152, %parallel_loop3A_153] {strides = array<i32>} : memref<128x16xf32, #tpu.memory_space<vmem>>, vector<16xf32>,
      %parallel_loop3A_155 = arith.addf %parallel_loop3A_151, %parallel_loop3A_154 : vector<16xf32>
      %parallel_loop3A_156 = arith.constant 0.000000e+00 : f32
      %parallel_loop3A_157 = vector.broadcast %parallel_loop3A_156 : f32 to vector<16xf32>
      %parallel_loop3A_158 = arith.cmpf ogt, %parallel_loop3A_155, %parallel_loop3A_157 : vector<16xf32>
      %parallel_loop3A_159 = arith.constant 2.000000e-01 : f32
      %parallel_loop3A_160 = vector.broadcast %parallel_loop3A_159 : f32 to vector<16xf32>
      %parallel_loop3A_161 = arith.mulf %parallel_loop3A_160, %parallel_loop3A_155 : vector<16xf32>
      %parallel_loop3A_162 = arith.select %parallel_loop3A_158, %parallel_loop3A_155, %parallel_loop3A_161 : vector<16xi1>, vector<16xf32>
      %parallel_loop3A_163 = arith.subf %parallel_loop3A_162, %select_n3A : vector<16xf32>
      %parallel_loop3A_164 = math.exp %parallel_loop3A_163 : vector<16xf32>
      %parallel_loop3A_165 = arith.constant 4 : i32
      %parallel_loop3A_166 = arith.index_cast %parallel_loop3A_148 : i32 to index
      %parallel_loop3A_167 = arith.index_cast %parallel_loop3A_165 : i32 to index
      %parallel_loop3A_168 = arith.constant 0 : index
      %parallel_loop3A_169 = tpu.vector_load %arg18[%parallel_loop3A_166, %parallel_loop3A_167, %parallel_loop3A_168] {strides = array<i32>} : memref<128x5x16xf32, #tpu.memory_space<vmem>>, vector<16xf32>,
      tpu.vector_store %arg18[%parallel_loop3A_166, %parallel_loop3A_167, %parallel_loop3A_168], %parallel_loop3A_164 {strides = array<i32>} : memref<128x5x16xf32, #tpu.memory_space<vmem>>, vector<16xf32>,
      %parallel_loop3A_170 = vector.shape_cast %add3A_62 : vector<16xi32> to vector<16x1xi32>
      %parallel_loop3A_171 = vector.shape_cast %parallel_loop3A_170 : vector<16x1xi32> to vector<16xi32>
      %parallel_loop3A_172 = tpu.dynamic_gather %parallel_loop3A_164[%parallel_loop3A_171] in [0] : vector<16xf32>, vector<16xi32> -> vector<16xf32>
      %parallel_loop3A_173 = arith.constant 0 : i32
      %parallel_loop3A_174 = arith.index_cast %parallel_loop3A_148 : i32 to index
      %parallel_loop3A_175 = arith.index_cast %parallel_loop3A_173 : i32 to index
      %parallel_loop3A_176 = arith.constant 0 : index
      %parallel_loop3A_177 = tpu.vector_load %arg16[%parallel_loop3A_174, %parallel_loop3A_175, %parallel_loop3A_176] {strides = array<i32>} : memref<128x4x16xf32, #tpu.memory_space<vmem>>, vector<16xf32>,
      %parallel_loop3A_178 = arith.mulf %parallel_loop3A_172, %parallel_loop3A_177 : vector<16xf32>
      %parallel_loop3A_179 = arith.constant 0 : i32
      %parallel_loop3A_180 = arith.index_cast %parallel_loop3A_148 : i32 to index
      %parallel_loop3A_181 = arith.index_cast %parallel_loop3A_179 : i32 to index
      %parallel_loop3A_182 = arith.constant 0 : index
      %parallel_loop3A_183 = tpu.vector_load %arg18[%parallel_loop3A_180, %parallel_loop3A_181, %parallel_loop3A_182] {strides = array<i32>} : memref<128x5x16xf32, #tpu.memory_space<vmem>>, vector<16xf32>,
      tpu.vector_store %arg18[%parallel_loop3A_180, %parallel_loop3A_181, %parallel_loop3A_182], %parallel_loop3A_178 {strides = array<i32>} : memref<128x5x16xf32, #tpu.memory_space<vmem>>, vector<16xf32>,
      %parallel_loop3A_184 = vector.shape_cast %add3A_68 : vector<16xi32> to vector<16x1xi32>
      %parallel_loop3A_185 = vector.shape_cast %parallel_loop3A_184 : vector<16x1xi32> to vector<16xi32>
      %parallel_loop3A_186 = tpu.dynamic_gather %parallel_loop3A_164[%parallel_loop3A_185] in [0] : vector<16xf32>, vector<16xi32> -> vector<16xf32>
      %parallel_loop3A_187 = arith.constant 1 : i32
      %parallel_loop3A_188 = arith.index_cast %parallel_loop3A_148 : i32 to index
      %parallel_loop3A_189 = arith.index_cast %parallel_loop3A_187 : i32 to index
      %parallel_loop3A_190 = arith.constant 0 : index
      %parallel_loop3A_191 = tpu.vector_load %arg16[%parallel_loop3A_188, %parallel_loop3A_189, %parallel_loop3A_190] {strides = array<i32>} : memref<128x4x16xf32, #tpu.memory_space<vmem>>, vector<16xf32>,
      %parallel_loop3A_192 = arith.mulf %parallel_loop3A_186, %parallel_loop3A_191 : vector<16xf32>
      %parallel_loop3A_193 = arith.constant 1 : i32
      %parallel_loop3A_194 = arith.index_cast %parallel_loop3A_148 : i32 to index
      %parallel_loop3A_195 = arith.index_cast %parallel_loop3A_193 : i32 to index
      %parallel_loop3A_196 = arith.constant 0 : index
      %parallel_loop3A_197 = tpu.vector_load %arg18[%parallel_loop3A_194, %parallel_loop3A_195, %parallel_loop3A_196] {strides = array<i32>} : memref<128x5x16xf32, #tpu.memory_space<vmem>>, vector<16xf32>,
      tpu.vector_store %arg18[%parallel_loop3A_194, %parallel_loop3A_195, %parallel_loop3A_196], %parallel_loop3A_192 {strides = array<i32>} : memref<128x5x16xf32, #tpu.memory_space<vmem>>, vector<16xf32>,
      %parallel_loop3A_198 = vector.shape_cast %add3A_74 : vector<16xi32> to vector<16x1xi32>
      %parallel_loop3A_199 = vector.shape_cast %parallel_loop3A_198 : vector<16x1xi32> to vector<16xi32>
      %parallel_loop3A_200 = tpu.dynamic_gather %parallel_loop3A_164[%parallel_loop3A_199] in [0] : vector<16xf32>, vector<16xi32> -> vector<16xf32>
      %parallel_loop3A_201 = arith.constant 2 : i32
      %parallel_loop3A_202 = arith.index_cast %parallel_loop3A_148 : i32 to index
      %parallel_loop3A_203 = arith.index_cast %parallel_loop3A_201 : i32 to index
      %parallel_loop3A_204 = arith.constant 0 : index
      %parallel_loop3A_205 = tpu.vector_load %arg16[%parallel_loop3A_202, %parallel_loop3A_203, %parallel_loop3A_204] {strides = array<i32>} : memref<128x4x16xf32, #tpu.memory_space<vmem>>, vector<16xf32>,
      %parallel_loop3A_206 = arith.mulf %parallel_loop3A_200, %parallel_loop3A_205 : vector<16xf32>
      %parallel_loop3A_207 = arith.constant 2 : i32
      %parallel_loop3A_208 = arith.index_cast %parallel_loop3A_148 : i32 to index
      %parallel_loop3A_209 = arith.index_cast %parallel_loop3A_207 : i32 to index
      %parallel_loop3A_210 = arith.constant 0 : index
      %parallel_loop3A_211 = tpu.vector_load %arg18[%parallel_loop3A_208, %parallel_loop3A_209, %parallel_loop3A_210] {strides = array<i32>} : memref<128x5x16xf32, #tpu.memory_space<vmem>>, vector<16xf32>,
      tpu.vector_store %arg18[%parallel_loop3A_208, %parallel_loop3A_209, %parallel_loop3A_210], %parallel_loop3A_206 {strides = array<i32>} : memref<128x5x16xf32, #tpu.memory_space<vmem>>, vector<16xf32>,
      %parallel_loop3A_212 = vector.shape_cast %add3A_80 : vector<16xi32> to vector<16x1xi32>
      %parallel_loop3A_213 = vector.shape_cast %parallel_loop3A_212 : vector<16x1xi32> to vector<16xi32>
      %parallel_loop3A_214 = tpu.dynamic_gather %parallel_loop3A_164[%parallel_loop3A_213] in [0] : vector<16xf32>, vector<16xi32> -> vector<16xf32>
      %parallel_loop3A_215 = arith.constant 3 : i32
      %parallel_loop3A_216 = arith.index_cast %parallel_loop3A_148 : i32 to index
      %parallel_loop3A_217 = arith.index_cast %parallel_loop3A_215 : i32 to index
      %parallel_loop3A_218 = arith.constant 0 : index
      %parallel_loop3A_219 = tpu.vector_load %arg16[%parallel_loop3A_216, %parallel_loop3A_217, %parallel_loop3A_218] {strides = array<i32>} : memref<128x4x16xf32, #tpu.memory_space<vmem>>, vector<16xf32>,
      %parallel_loop3A_220 = arith.mulf %parallel_loop3A_214, %parallel_loop3A_219 : vector<16xf32>
      %parallel_loop3A_221 = arith.constant 3 : i32
      %parallel_loop3A_222 = arith.index_cast %parallel_loop3A_148 : i32 to index
      %parallel_loop3A_223 = arith.index_cast %parallel_loop3A_221 : i32 to index
      %parallel_loop3A_224 = arith.constant 0 : index
      %parallel_loop3A_225 = tpu.vector_load %arg18[%parallel_loop3A_222, %parallel_loop3A_223, %parallel_loop3A_224] {strides = array<i32>} : memref<128x5x16xf32, #tpu.memory_space<vmem>>, vector<16xf32>,
      tpu.vector_store %arg18[%parallel_loop3A_222, %parallel_loop3A_223, %parallel_loop3A_224], %parallel_loop3A_220 {strides = array<i32>} : memref<128x5x16xf32, #tpu.memory_space<vmem>>, vector<16xf32>,
    } {sc.loop_unroll_factor = 4 : i64, sc.parallel_access}
    %dma_start3A_125 = arith.constant 10240 : i32
    %dma_start3A_126 = tpu.memref_slice %arg11[%dma_start3A_125] : memref<10368xi32, #tpu.memory_space<vmem>> -> memref<128xi32, #tpu.memory_space<vmem>>
    %dma_start3A_127 = arith.constant 0 : i32
    %dma_start3A_128 = arith.constant 0 : i32
    %dma_start3A_129 = arith.constant 0 : i32
    %dma_start3A_130 = tpu.memref_slice %arg9[%dma_start3A_127, %dma_start3A_128, %dma_start3A_129] : memref<10240x5x16xf32, #tpu.memory_space<vmem_shared>> -> memref<10240x5x16xf32, #tpu.memory_space<vmem_shared>>
    tpu.enqueue_indirect_dma source(%arg18 : memref<128x5x16xf32, #tpu.memory_space<vmem>>) target(%dma_start3A_130 : memref<10240x5x16xf32, #tpu.memory_space<vmem_shared>>) offsets(%dma_start3A_126 : memref<128xi32, #tpu.memory_space<vmem>>) semaphore(%arg28 : memref<!tpu.dma_semaphore, #tpu.memory_space<semaphore_mem>>) {add = true}
    %dma_wait3A_131 = arith.constant 0 : i32
    %dma_wait3A_132 = tpu.memref_slice %arg11[%dma_wait3A_131] : memref<10368xi32, #tpu.memory_space<vmem>> -> memref<128xi32, #tpu.memory_space<vmem>>
    %dma_wait3A_133 = arith.constant 0 : i32
    %dma_wait3A_134 = arith.constant 0 : i32
    %dma_wait3A_135 = arith.constant 0 : i32
    %dma_wait3A_136 = tpu.memref_slice %arg9[%dma_wait3A_133, %dma_wait3A_134, %dma_wait3A_135] : memref<10240x5x16xf32, #tpu.memory_space<vmem_shared>> -> memref<10240x5x16xf32, #tpu.memory_space<vmem_shared>>
    tpu.wait_indirect_dma semaphore(%arg28 : memref<!tpu.dma_semaphore, #tpu.memory_space<semaphore_mem>>) src(%arg18 : memref<128x5x16xf32, #tpu.memory_space<vmem>>) dst(%dma_wait3A_136 : memref<10240x5x16xf32, #tpu.memory_space<vmem_shared>>)
    %dma_wait3A_137 = arith.constant 0 : i32
    %dma_wait3A_138 = tpu.memref_slice %arg11[%dma_wait3A_137] : memref<10368xi32, #tpu.memory_space<vmem>> -> memref<128xi32, #tpu.memory_space<vmem>>
    %dma_wait3A_139 = arith.constant 0 : i32
    %dma_wait3A_140 = arith.constant 0 : i32
    %dma_wait3A_141 = arith.constant 0 : i32
    %dma_wait3A_142 = tpu.memref_slice %arg9[%dma_wait3A_139, %dma_wait3A_140, %dma_wait3A_141] : memref<10240x5x16xf32, #tpu.memory_space<vmem_shared>> -> memref<10240x5x16xf32, #tpu.memory_space<vmem_shared>>
    tpu.wait_indirect_dma semaphore(%arg29 : memref<!tpu.dma_semaphore, #tpu.memory_space<semaphore_mem>>) src(%arg19 : memref<128x5x16xf32, #tpu.memory_space<vmem>>) dst(%dma_wait3A_142 : memref<10240x5x16xf32, #tpu.memory_space<vmem_shared>>)
    %barrier3A_143 = arith.constant 0 : index
    tpu.barrier barrier_id(%barrier3A_143)
    %mul3A_144 = arith.constant 640 : i32
    %mul3A_145 = arith.muli %arg1, %mul3A_144 : i32
    %mul3A_146 = arith.constant 640 : i32
    %mul3A_147 = arith.muli %arg1, %mul3A_146 : i32
    "tpu.region"() ({
      %run_scoped3A = tpu.sem_alloc : memref<!tpu.dma_semaphore, #tpu.memory_space<semaphore_mem>>
      %dma_start3A_148 = arith.constant 0 : i32
      %dma_start3A_149 = arith.constant 0 : i32
      %dma_start3A_150 = tpu.memref_slice %arg8[%arg0, %mul3A_147, %dma_start3A_148, %dma_start3A_149] : memref<2x10240x5x16xf32, #tpu.memory_space<hbm>> -> memref<1x640x5x16xf32, #tpu.memory_space<hbm>>
      %dma_start3A_151 = tpu.memref_squeeze %dma_start3A_150 : memref<1x640x5x16xf32, #tpu.memory_space<hbm>> -> memref<640x5x16xf32, #tpu.memory_space<hbm>>
      %dma_start3A_152 = arith.constant 0 : i32
      %dma_start3A_153 = arith.constant 0 : i32
      %dma_start3A_154 = tpu.memref_slice %arg9[%mul3A_145, %dma_start3A_152, %dma_start3A_153] : memref<10240x5x16xf32, #tpu.memory_space<vmem_shared>> -> memref<640x5x16xf32, #tpu.memory_space<vmem_shared>>
      tpu.enqueue_dma source(%dma_start3A_154 : memref<640x5x16xf32, #tpu.memory_space<vmem_shared>>) target(%dma_start3A_151 : memref<640x5x16xf32, #tpu.memory_space<hbm>>) target_semaphore(%run_scoped3A : memref<!tpu.dma_semaphore, #tpu.memory_space<semaphore_mem>>)
      %dma_wait3A_155 = arith.constant 0 : i32
      %dma_wait3A_156 = arith.constant 0 : i32
      %dma_wait3A_157 = tpu.memref_slice %arg8[%arg0, %mul3A_147, %dma_wait3A_155, %dma_wait3A_156] : memref<2x10240x5x16xf32, #tpu.memory_space<hbm>> -> memref<1x640x5x16xf32, #tpu.memory_space<hbm>>
      %dma_wait3A_158 = tpu.memref_squeeze %dma_wait3A_157 : memref<1x640x5x16xf32, #tpu.memory_space<hbm>> -> memref<640x5x16xf32, #tpu.memory_space<hbm>>
      %dma_wait3A_159 = arith.constant 0 : i32
      %dma_wait3A_160 = arith.constant 0 : i32
      %dma_wait3A_161 = tpu.memref_slice %arg9[%mul3A_145, %dma_wait3A_159, %dma_wait3A_160] : memref<10240x5x16xf32, #tpu.memory_space<vmem_shared>> -> memref<640x5x16xf32, #tpu.memory_space<vmem_shared>>
      tpu.wait_dma2 semaphore(%run_scoped3A : memref<!tpu.dma_semaphore, #tpu.memory_space<semaphore_mem>>) src(%dma_wait3A_161 : memref<640x5x16xf32, #tpu.memory_space<vmem_shared>>) dst(%dma_wait3A_158 : memref<640x5x16xf32, #tpu.memory_space<hbm>>)
      tpu.yield
    }) : () -> ()
    return
  }
}

#map = affine_map<(d0, d1) -> (0, 0)>
#map1 = affine_map<(d0, d1) -> (0, 0, 0)>
#map2 = affine_map<(d0, d1) -> (0)>
#map3 = affine_map<(d0, d1) -> (0, 0, 0, 0)>
module attributes {stable_mosaic.version = 14 : i64} {
  func.func @edge(%arg0: i32, %arg1: i32, %arg2: memref<10240x16xf32, #tpu.memory_space<hbm>>, %arg3: memref<10240x16xf32, #tpu.memory_space<hbm>>, %arg4: memref<10240x1x16xf32, #tpu.memory_space<hbm>>, %arg5: memref<331776xi32, #tpu.memory_space<hbm>>, %arg6: memref<331776xi32, #tpu.memory_space<hbm>>, %arg7: memref<16xf32, #tpu.memory_space<hbm>>, %arg8: memref<2x10240x2x16xf32, #tpu.memory_space<hbm>>, %arg9: memref<10240x2x16xf32, #tpu.memory_space<vmem_shared>>, %arg10: memref<10368xi32, #tpu.memory_space<vmem>>, %arg11: memref<10368xi32, #tpu.memory_space<vmem>>, %arg12: memref<128x16xf32, #tpu.memory_space<vmem>>, %arg13: memref<128x16xf32, #tpu.memory_space<vmem>>, %arg14: memref<128x16xf32, #tpu.memory_space<vmem>>, %arg15: memref<128x16xf32, #tpu.memory_space<vmem>>, %arg16: memref<128x1x16xf32, #tpu.memory_space<vmem>>, %arg17: memref<128x1x16xf32, #tpu.memory_space<vmem>>, %arg18: memref<128x2x16xf32, #tpu.memory_space<vmem>>, %arg19: memref<128x2x16xf32, #tpu.memory_space<vmem>>, %arg20: memref<16xf32, #tpu.memory_space<vmem>>, %arg21: memref<64x2x16xf32, #tpu.memory_space<vmem>>, %arg22: memref<!tpu.dma_semaphore, #tpu.memory_space<semaphore_mem>>, %arg23: memref<!tpu.dma_semaphore, #tpu.memory_space<semaphore_mem>>, %arg24: memref<!tpu.dma_semaphore, #tpu.memory_space<semaphore_mem>>, %arg25: memref<!tpu.dma_semaphore, #tpu.memory_space<semaphore_mem>>, %arg26: memref<!tpu.dma_semaphore, #tpu.memory_space<semaphore_mem>>, %arg27: memref<!tpu.dma_semaphore, #tpu.memory_space<semaphore_mem>>, %arg28: memref<!tpu.dma_semaphore, #tpu.memory_space<semaphore_mem>>, %arg29: memref<!tpu.dma_semaphore, #tpu.memory_space<semaphore_mem>>) attributes {dimension_semantics = [#tpu.dimension_semantics<core_parallel>, #tpu.dimension_semantics<subcore_parallel>], iteration_bounds = array<i64: 2, 16>, scalar_prefetch = 0 : i64, scratch_operands = 21 : i64, tpu.core_type = #tpu.core_type<sc_vector_subcore>, window_params = [{transform_indices = #map}, {transform_indices = #map}, {transform_indices = #map1}, {transform_indices = #map2}, {transform_indices = #map2}, {transform_indices = #map2}, {transform_indices = #map3}]} {
    %parallel_loop3A = arith.constant 0 : i32
    %parallel_loop3A_0 = arith.constant 64 : i32
    %parallel_loop3A_1 = arith.constant 1 : i32
    scf.for %parallel_loop3A_131 = %parallel_loop3A to %parallel_loop3A_0 step %parallel_loop3A_1  : i32 {
      %parallel_loop3A_132 = arith.constant 0.000000e+00 : f32
      %parallel_loop3A_133 = vector.broadcast %parallel_loop3A_132 : f32 to vector<16xf32>
      %parallel_loop3A_134 = arith.constant 0 : i32
      %parallel_loop3A_135 = arith.index_cast %parallel_loop3A_131 : i32 to index
      %parallel_loop3A_136 = arith.index_cast %parallel_loop3A_134 : i32 to index
      %parallel_loop3A_137 = arith.constant 0 : index
      %parallel_loop3A_138 = tpu.vector_load %arg21[%parallel_loop3A_135, %parallel_loop3A_136, %parallel_loop3A_137] {strides = array<i32>} : memref<64x2x16xf32, #tpu.memory_space<vmem>>, vector<16xf32>,
      tpu.vector_store %arg21[%parallel_loop3A_135, %parallel_loop3A_136, %parallel_loop3A_137], %parallel_loop3A_133 {strides = array<i32>} : memref<64x2x16xf32, #tpu.memory_space<vmem>>, vector<16xf32>,
      %parallel_loop3A_139 = arith.constant 0.000000e+00 : f32
      %parallel_loop3A_140 = vector.broadcast %parallel_loop3A_139 : f32 to vector<16xf32>
      %parallel_loop3A_141 = arith.constant 1 : i32
      %parallel_loop3A_142 = arith.index_cast %parallel_loop3A_131 : i32 to index
      %parallel_loop3A_143 = arith.index_cast %parallel_loop3A_141 : i32 to index
      %parallel_loop3A_144 = arith.constant 0 : index
      %parallel_loop3A_145 = tpu.vector_load %arg21[%parallel_loop3A_142, %parallel_loop3A_143, %parallel_loop3A_144] {strides = array<i32>} : memref<64x2x16xf32, #tpu.memory_space<vmem>>, vector<16xf32>,
      tpu.vector_store %arg21[%parallel_loop3A_142, %parallel_loop3A_143, %parallel_loop3A_144], %parallel_loop3A_140 {strides = array<i32>} : memref<64x2x16xf32, #tpu.memory_space<vmem>>, vector<16xf32>,
    } {sc.loop_unroll_factor = 4 : i64, sc.parallel_access}
    %mul3A = arith.constant 640 : i32
    %mul3A_2 = arith.muli %arg1, %mul3A : i32
    %add3A = arith.constant 0 : i32
    %add3A_3 = arith.addi %mul3A_2, %add3A : i32
    "tpu.region"() ({
      %run_scoped3A = tpu.sem_alloc : memref<!tpu.dma_semaphore, #tpu.memory_space<semaphore_mem>>
      %dma_start3A_131 = arith.constant 0 : i32
      %dma_start3A_132 = arith.constant 0 : i32
      %dma_start3A_133 = tpu.memref_slice %arg9[%add3A_3, %dma_start3A_131, %dma_start3A_132] : memref<10240x2x16xf32, #tpu.memory_space<vmem_shared>> -> memref<64x2x16xf32, #tpu.memory_space<vmem_shared>>
      %dma_start3A_134 = arith.constant 0 : i32
      %dma_start3A_135 = arith.constant 0 : i32
      %dma_start3A_136 = tpu.memref_slice %arg9[%add3A_3, %dma_start3A_134, %dma_start3A_135] : memref<10240x2x16xf32, #tpu.memory_space<vmem_shared>> -> memref<64x2x16xf32, #tpu.memory_space<vmem_shared>>
      tpu.enqueue_dma source(%arg21 : memref<64x2x16xf32, #tpu.memory_space<vmem>>) target(%dma_start3A_136 : memref<64x2x16xf32, #tpu.memory_space<vmem_shared>>) target_semaphore(%run_scoped3A : memref<!tpu.dma_semaphore, #tpu.memory_space<semaphore_mem>>)
      %dma_wait3A_137 = arith.constant 0 : i32
      %dma_wait3A_138 = arith.constant 0 : i32
      %dma_wait3A_139 = tpu.memref_slice %arg9[%add3A_3, %dma_wait3A_137, %dma_wait3A_138] : memref<10240x2x16xf32, #tpu.memory_space<vmem_shared>> -> memref<64x2x16xf32, #tpu.memory_space<vmem_shared>>
      %dma_wait3A_140 = arith.constant 0 : i32
      %dma_wait3A_141 = arith.constant 0 : i32
      %dma_wait3A_142 = tpu.memref_slice %arg9[%add3A_3, %dma_wait3A_140, %dma_wait3A_141] : memref<10240x2x16xf32, #tpu.memory_space<vmem_shared>> -> memref<64x2x16xf32, #tpu.memory_space<vmem_shared>>
      tpu.wait_dma2 semaphore(%run_scoped3A : memref<!tpu.dma_semaphore, #tpu.memory_space<semaphore_mem>>) src(%arg21 : memref<64x2x16xf32, #tpu.memory_space<vmem>>) dst(%dma_wait3A_142 : memref<64x2x16xf32, #tpu.memory_space<vmem_shared>>)
      tpu.yield
    }) : () -> ()
    %mul3A_4 = arith.constant 640 : i32
    %mul3A_5 = arith.muli %arg1, %mul3A_4 : i32
    %add3A_6 = arith.constant 64 : i32
    %add3A_7 = arith.addi %mul3A_5, %add3A_6 : i32
    "tpu.region"() ({
      %run_scoped3A = tpu.sem_alloc : memref<!tpu.dma_semaphore, #tpu.memory_space<semaphore_mem>>
      %dma_start3A_131 = arith.constant 0 : i32
      %dma_start3A_132 = arith.constant 0 : i32
      %dma_start3A_133 = tpu.memref_slice %arg9[%add3A_7, %dma_start3A_131, %dma_start3A_132] : memref<10240x2x16xf32, #tpu.memory_space<vmem_shared>> -> memref<64x2x16xf32, #tpu.memory_space<vmem_shared>>
      %dma_start3A_134 = arith.constant 0 : i32
      %dma_start3A_135 = arith.constant 0 : i32
      %dma_start3A_136 = tpu.memref_slice %arg9[%add3A_7, %dma_start3A_134, %dma_start3A_135] : memref<10240x2x16xf32, #tpu.memory_space<vmem_shared>> -> memref<64x2x16xf32, #tpu.memory_space<vmem_shared>>
      tpu.enqueue_dma source(%arg21 : memref<64x2x16xf32, #tpu.memory_space<vmem>>) target(%dma_start3A_136 : memref<64x2x16xf32, #tpu.memory_space<vmem_shared>>) target_semaphore(%run_scoped3A : memref<!tpu.dma_semaphore, #tpu.memory_space<semaphore_mem>>)
      %dma_wait3A_137 = arith.constant 0 : i32
      %dma_wait3A_138 = arith.constant 0 : i32
      %dma_wait3A_139 = tpu.memref_slice %arg9[%add3A_7, %dma_wait3A_137, %dma_wait3A_138] : memref<10240x2x16xf32, #tpu.memory_space<vmem_shared>> -> memref<64x2x16xf32, #tpu.memory_space<vmem_shared>>
      %dma_wait3A_140 = arith.constant 0 : i32
      %dma_wait3A_141 = arith.constant 0 : i32
      %dma_wait3A_142 = tpu.memref_slice %arg9[%add3A_7, %dma_wait3A_140, %dma_wait3A_141] : memref<10240x2x16xf32, #tpu.memory_space<vmem_shared>> -> memref<64x2x16xf32, #tpu.memory_space<vmem_shared>>
      tpu.wait_dma2 semaphore(%run_scoped3A : memref<!tpu.dma_semaphore, #tpu.memory_space<semaphore_mem>>) src(%arg21 : memref<64x2x16xf32, #tpu.memory_space<vmem>>) dst(%dma_wait3A_142 : memref<64x2x16xf32, #tpu.memory_space<vmem_shared>>)
      tpu.yield
    }) : () -> ()
    %mul3A_8 = arith.constant 640 : i32
    %mul3A_9 = arith.muli %arg1, %mul3A_8 : i32
    %add3A_10 = arith.constant 128 : i32
    %add3A_11 = arith.addi %mul3A_9, %add3A_10 : i32
    "tpu.region"() ({
      %run_scoped3A = tpu.sem_alloc : memref<!tpu.dma_semaphore, #tpu.memory_space<semaphore_mem>>
      %dma_start3A_131 = arith.constant 0 : i32
      %dma_start3A_132 = arith.constant 0 : i32
      %dma_start3A_133 = tpu.memref_slice %arg9[%add3A_11, %dma_start3A_131, %dma_start3A_132] : memref<10240x2x16xf32, #tpu.memory_space<vmem_shared>> -> memref<64x2x16xf32, #tpu.memory_space<vmem_shared>>
      %dma_start3A_134 = arith.constant 0 : i32
      %dma_start3A_135 = arith.constant 0 : i32
      %dma_start3A_136 = tpu.memref_slice %arg9[%add3A_11, %dma_start3A_134, %dma_start3A_135] : memref<10240x2x16xf32, #tpu.memory_space<vmem_shared>> -> memref<64x2x16xf32, #tpu.memory_space<vmem_shared>>
      tpu.enqueue_dma source(%arg21 : memref<64x2x16xf32, #tpu.memory_space<vmem>>) target(%dma_start3A_136 : memref<64x2x16xf32, #tpu.memory_space<vmem_shared>>) target_semaphore(%run_scoped3A : memref<!tpu.dma_semaphore, #tpu.memory_space<semaphore_mem>>)
      %dma_wait3A_137 = arith.constant 0 : i32
      %dma_wait3A_138 = arith.constant 0 : i32
      %dma_wait3A_139 = tpu.memref_slice %arg9[%add3A_11, %dma_wait3A_137, %dma_wait3A_138] : memref<10240x2x16xf32, #tpu.memory_space<vmem_shared>> -> memref<64x2x16xf32, #tpu.memory_space<vmem_shared>>
      %dma_wait3A_140 = arith.constant 0 : i32
      %dma_wait3A_141 = arith.constant 0 : i32
      %dma_wait3A_142 = tpu.memref_slice %arg9[%add3A_11, %dma_wait3A_140, %dma_wait3A_141] : memref<10240x2x16xf32, #tpu.memory_space<vmem_shared>> -> memref<64x2x16xf32, #tpu.memory_space<vmem_shared>>
      tpu.wait_dma2 semaphore(%run_scoped3A : memref<!tpu.dma_semaphore, #tpu.memory_space<semaphore_mem>>) src(%arg21 : memref<64x2x16xf32, #tpu.memory_space<vmem>>) dst(%dma_wait3A_142 : memref<64x2x16xf32, #tpu.memory_space<vmem_shared>>)
      tpu.yield
    }) : () -> ()
    %mul3A_12 = arith.constant 640 : i32
    %mul3A_13 = arith.muli %arg1, %mul3A_12 : i32
    %add3A_14 = arith.constant 192 : i32
    %add3A_15 = arith.addi %mul3A_13, %add3A_14 : i32
    "tpu.region"() ({
      %run_scoped3A = tpu.sem_alloc : memref<!tpu.dma_semaphore, #tpu.memory_space<semaphore_mem>>
      %dma_start3A_131 = arith.constant 0 : i32
      %dma_start3A_132 = arith.constant 0 : i32
      %dma_start3A_133 = tpu.memref_slice %arg9[%add3A_15, %dma_start3A_131, %dma_start3A_132] : memref<10240x2x16xf32, #tpu.memory_space<vmem_shared>> -> memref<64x2x16xf32, #tpu.memory_space<vmem_shared>>
      %dma_start3A_134 = arith.constant 0 : i32
      %dma_start3A_135 = arith.constant 0 : i32
      %dma_start3A_136 = tpu.memref_slice %arg9[%add3A_15, %dma_start3A_134, %dma_start3A_135] : memref<10240x2x16xf32, #tpu.memory_space<vmem_shared>> -> memref<64x2x16xf32, #tpu.memory_space<vmem_shared>>
      tpu.enqueue_dma source(%arg21 : memref<64x2x16xf32, #tpu.memory_space<vmem>>) target(%dma_start3A_136 : memref<64x2x16xf32, #tpu.memory_space<vmem_shared>>) target_semaphore(%run_scoped3A : memref<!tpu.dma_semaphore, #tpu.memory_space<semaphore_mem>>)
      %dma_wait3A_137 = arith.constant 0 : i32
      %dma_wait3A_138 = arith.constant 0 : i32
      %dma_wait3A_139 = tpu.memref_slice %arg9[%add3A_15, %dma_wait3A_137, %dma_wait3A_138] : memref<10240x2x16xf32, #tpu.memory_space<vmem_shared>> -> memref<64x2x16xf32, #tpu.memory_space<vmem_shared>>
      %dma_wait3A_140 = arith.constant 0 : i32
      %dma_wait3A_141 = arith.constant 0 : i32
      %dma_wait3A_142 = tpu.memref_slice %arg9[%add3A_15, %dma_wait3A_140, %dma_wait3A_141] : memref<10240x2x16xf32, #tpu.memory_space<vmem_shared>> -> memref<64x2x16xf32, #tpu.memory_space<vmem_shared>>
      tpu.wait_dma2 semaphore(%run_scoped3A : memref<!tpu.dma_semaphore, #tpu.memory_space<semaphore_mem>>) src(%arg21 : memref<64x2x16xf32, #tpu.memory_space<vmem>>) dst(%dma_wait3A_142 : memref<64x2x16xf32, #tpu.memory_space<vmem_shared>>)
      tpu.yield
    }) : () -> ()
    %mul3A_16 = arith.constant 640 : i32
    %mul3A_17 = arith.muli %arg1, %mul3A_16 : i32
    %add3A_18 = arith.constant 256 : i32
    %add3A_19 = arith.addi %mul3A_17, %add3A_18 : i32
    "tpu.region"() ({
      %run_scoped3A = tpu.sem_alloc : memref<!tpu.dma_semaphore, #tpu.memory_space<semaphore_mem>>
      %dma_start3A_131 = arith.constant 0 : i32
      %dma_start3A_132 = arith.constant 0 : i32
      %dma_start3A_133 = tpu.memref_slice %arg9[%add3A_19, %dma_start3A_131, %dma_start3A_132] : memref<10240x2x16xf32, #tpu.memory_space<vmem_shared>> -> memref<64x2x16xf32, #tpu.memory_space<vmem_shared>>
      %dma_start3A_134 = arith.constant 0 : i32
      %dma_start3A_135 = arith.constant 0 : i32
      %dma_start3A_136 = tpu.memref_slice %arg9[%add3A_19, %dma_start3A_134, %dma_start3A_135] : memref<10240x2x16xf32, #tpu.memory_space<vmem_shared>> -> memref<64x2x16xf32, #tpu.memory_space<vmem_shared>>
      tpu.enqueue_dma source(%arg21 : memref<64x2x16xf32, #tpu.memory_space<vmem>>) target(%dma_start3A_136 : memref<64x2x16xf32, #tpu.memory_space<vmem_shared>>) target_semaphore(%run_scoped3A : memref<!tpu.dma_semaphore, #tpu.memory_space<semaphore_mem>>)
      %dma_wait3A_137 = arith.constant 0 : i32
      %dma_wait3A_138 = arith.constant 0 : i32
      %dma_wait3A_139 = tpu.memref_slice %arg9[%add3A_19, %dma_wait3A_137, %dma_wait3A_138] : memref<10240x2x16xf32, #tpu.memory_space<vmem_shared>> -> memref<64x2x16xf32, #tpu.memory_space<vmem_shared>>
      %dma_wait3A_140 = arith.constant 0 : i32
      %dma_wait3A_141 = arith.constant 0 : i32
      %dma_wait3A_142 = tpu.memref_slice %arg9[%add3A_19, %dma_wait3A_140, %dma_wait3A_141] : memref<10240x2x16xf32, #tpu.memory_space<vmem_shared>> -> memref<64x2x16xf32, #tpu.memory_space<vmem_shared>>
      tpu.wait_dma2 semaphore(%run_scoped3A : memref<!tpu.dma_semaphore, #tpu.memory_space<semaphore_mem>>) src(%arg21 : memref<64x2x16xf32, #tpu.memory_space<vmem>>) dst(%dma_wait3A_142 : memref<64x2x16xf32, #tpu.memory_space<vmem_shared>>)
      tpu.yield
    }) : () -> ()
    %mul3A_20 = arith.constant 640 : i32
    %mul3A_21 = arith.muli %arg1, %mul3A_20 : i32
    %add3A_22 = arith.constant 320 : i32
    %add3A_23 = arith.addi %mul3A_21, %add3A_22 : i32
    "tpu.region"() ({
      %run_scoped3A = tpu.sem_alloc : memref<!tpu.dma_semaphore, #tpu.memory_space<semaphore_mem>>
      %dma_start3A_131 = arith.constant 0 : i32
      %dma_start3A_132 = arith.constant 0 : i32
      %dma_start3A_133 = tpu.memref_slice %arg9[%add3A_23, %dma_start3A_131, %dma_start3A_132] : memref<10240x2x16xf32, #tpu.memory_space<vmem_shared>> -> memref<64x2x16xf32, #tpu.memory_space<vmem_shared>>
      %dma_start3A_134 = arith.constant 0 : i32
      %dma_start3A_135 = arith.constant 0 : i32
      %dma_start3A_136 = tpu.memref_slice %arg9[%add3A_23, %dma_start3A_134, %dma_start3A_135] : memref<10240x2x16xf32, #tpu.memory_space<vmem_shared>> -> memref<64x2x16xf32, #tpu.memory_space<vmem_shared>>
      tpu.enqueue_dma source(%arg21 : memref<64x2x16xf32, #tpu.memory_space<vmem>>) target(%dma_start3A_136 : memref<64x2x16xf32, #tpu.memory_space<vmem_shared>>) target_semaphore(%run_scoped3A : memref<!tpu.dma_semaphore, #tpu.memory_space<semaphore_mem>>)
      %dma_wait3A_137 = arith.constant 0 : i32
      %dma_wait3A_138 = arith.constant 0 : i32
      %dma_wait3A_139 = tpu.memref_slice %arg9[%add3A_23, %dma_wait3A_137, %dma_wait3A_138] : memref<10240x2x16xf32, #tpu.memory_space<vmem_shared>> -> memref<64x2x16xf32, #tpu.memory_space<vmem_shared>>
      %dma_wait3A_140 = arith.constant 0 : i32
      %dma_wait3A_141 = arith.constant 0 : i32
      %dma_wait3A_142 = tpu.memref_slice %arg9[%add3A_23, %dma_wait3A_140, %dma_wait3A_141] : memref<10240x2x16xf32, #tpu.memory_space<vmem_shared>> -> memref<64x2x16xf32, #tpu.memory_space<vmem_shared>>
      tpu.wait_dma2 semaphore(%run_scoped3A : memref<!tpu.dma_semaphore, #tpu.memory_space<semaphore_mem>>) src(%arg21 : memref<64x2x16xf32, #tpu.memory_space<vmem>>) dst(%dma_wait3A_142 : memref<64x2x16xf32, #tpu.memory_space<vmem_shared>>)
      tpu.yield
    }) : () -> ()
    %mul3A_24 = arith.constant 640 : i32
    %mul3A_25 = arith.muli %arg1, %mul3A_24 : i32
    %add3A_26 = arith.constant 384 : i32
    %add3A_27 = arith.addi %mul3A_25, %add3A_26 : i32
    "tpu.region"() ({
      %run_scoped3A = tpu.sem_alloc : memref<!tpu.dma_semaphore, #tpu.memory_space<semaphore_mem>>
      %dma_start3A_131 = arith.constant 0 : i32
      %dma_start3A_132 = arith.constant 0 : i32
      %dma_start3A_133 = tpu.memref_slice %arg9[%add3A_27, %dma_start3A_131, %dma_start3A_132] : memref<10240x2x16xf32, #tpu.memory_space<vmem_shared>> -> memref<64x2x16xf32, #tpu.memory_space<vmem_shared>>
      %dma_start3A_134 = arith.constant 0 : i32
      %dma_start3A_135 = arith.constant 0 : i32
      %dma_start3A_136 = tpu.memref_slice %arg9[%add3A_27, %dma_start3A_134, %dma_start3A_135] : memref<10240x2x16xf32, #tpu.memory_space<vmem_shared>> -> memref<64x2x16xf32, #tpu.memory_space<vmem_shared>>
      tpu.enqueue_dma source(%arg21 : memref<64x2x16xf32, #tpu.memory_space<vmem>>) target(%dma_start3A_136 : memref<64x2x16xf32, #tpu.memory_space<vmem_shared>>) target_semaphore(%run_scoped3A : memref<!tpu.dma_semaphore, #tpu.memory_space<semaphore_mem>>)
      %dma_wait3A_137 = arith.constant 0 : i32
      %dma_wait3A_138 = arith.constant 0 : i32
      %dma_wait3A_139 = tpu.memref_slice %arg9[%add3A_27, %dma_wait3A_137, %dma_wait3A_138] : memref<10240x2x16xf32, #tpu.memory_space<vmem_shared>> -> memref<64x2x16xf32, #tpu.memory_space<vmem_shared>>
      %dma_wait3A_140 = arith.constant 0 : i32
      %dma_wait3A_141 = arith.constant 0 : i32
      %dma_wait3A_142 = tpu.memref_slice %arg9[%add3A_27, %dma_wait3A_140, %dma_wait3A_141] : memref<10240x2x16xf32, #tpu.memory_space<vmem_shared>> -> memref<64x2x16xf32, #tpu.memory_space<vmem_shared>>
      tpu.wait_dma2 semaphore(%run_scoped3A : memref<!tpu.dma_semaphore, #tpu.memory_space<semaphore_mem>>) src(%arg21 : memref<64x2x16xf32, #tpu.memory_space<vmem>>) dst(%dma_wait3A_142 : memref<64x2x16xf32, #tpu.memory_space<vmem_shared>>)
      tpu.yield
    }) : () -> ()
    %mul3A_28 = arith.constant 640 : i32
    %mul3A_29 = arith.muli %arg1, %mul3A_28 : i32
    %add3A_30 = arith.constant 448 : i32
    %add3A_31 = arith.addi %mul3A_29, %add3A_30 : i32
    "tpu.region"() ({
      %run_scoped3A = tpu.sem_alloc : memref<!tpu.dma_semaphore, #tpu.memory_space<semaphore_mem>>
      %dma_start3A_131 = arith.constant 0 : i32
      %dma_start3A_132 = arith.constant 0 : i32
      %dma_start3A_133 = tpu.memref_slice %arg9[%add3A_31, %dma_start3A_131, %dma_start3A_132] : memref<10240x2x16xf32, #tpu.memory_space<vmem_shared>> -> memref<64x2x16xf32, #tpu.memory_space<vmem_shared>>
      %dma_start3A_134 = arith.constant 0 : i32
      %dma_start3A_135 = arith.constant 0 : i32
      %dma_start3A_136 = tpu.memref_slice %arg9[%add3A_31, %dma_start3A_134, %dma_start3A_135] : memref<10240x2x16xf32, #tpu.memory_space<vmem_shared>> -> memref<64x2x16xf32, #tpu.memory_space<vmem_shared>>
      tpu.enqueue_dma source(%arg21 : memref<64x2x16xf32, #tpu.memory_space<vmem>>) target(%dma_start3A_136 : memref<64x2x16xf32, #tpu.memory_space<vmem_shared>>) target_semaphore(%run_scoped3A : memref<!tpu.dma_semaphore, #tpu.memory_space<semaphore_mem>>)
      %dma_wait3A_137 = arith.constant 0 : i32
      %dma_wait3A_138 = arith.constant 0 : i32
      %dma_wait3A_139 = tpu.memref_slice %arg9[%add3A_31, %dma_wait3A_137, %dma_wait3A_138] : memref<10240x2x16xf32, #tpu.memory_space<vmem_shared>> -> memref<64x2x16xf32, #tpu.memory_space<vmem_shared>>
      %dma_wait3A_140 = arith.constant 0 : i32
      %dma_wait3A_141 = arith.constant 0 : i32
      %dma_wait3A_142 = tpu.memref_slice %arg9[%add3A_31, %dma_wait3A_140, %dma_wait3A_141] : memref<10240x2x16xf32, #tpu.memory_space<vmem_shared>> -> memref<64x2x16xf32, #tpu.memory_space<vmem_shared>>
      tpu.wait_dma2 semaphore(%run_scoped3A : memref<!tpu.dma_semaphore, #tpu.memory_space<semaphore_mem>>) src(%arg21 : memref<64x2x16xf32, #tpu.memory_space<vmem>>) dst(%dma_wait3A_142 : memref<64x2x16xf32, #tpu.memory_space<vmem_shared>>)
      tpu.yield
    }) : () -> ()
    %mul3A_32 = arith.constant 640 : i32
    %mul3A_33 = arith.muli %arg1, %mul3A_32 : i32
    %add3A_34 = arith.constant 512 : i32
    %add3A_35 = arith.addi %mul3A_33, %add3A_34 : i32
    "tpu.region"() ({
      %run_scoped3A = tpu.sem_alloc : memref<!tpu.dma_semaphore, #tpu.memory_space<semaphore_mem>>
      %dma_start3A_131 = arith.constant 0 : i32
      %dma_start3A_132 = arith.constant 0 : i32
      %dma_start3A_133 = tpu.memref_slice %arg9[%add3A_35, %dma_start3A_131, %dma_start3A_132] : memref<10240x2x16xf32, #tpu.memory_space<vmem_shared>> -> memref<64x2x16xf32, #tpu.memory_space<vmem_shared>>
      %dma_start3A_134 = arith.constant 0 : i32
      %dma_start3A_135 = arith.constant 0 : i32
      %dma_start3A_136 = tpu.memref_slice %arg9[%add3A_35, %dma_start3A_134, %dma_start3A_135] : memref<10240x2x16xf32, #tpu.memory_space<vmem_shared>> -> memref<64x2x16xf32, #tpu.memory_space<vmem_shared>>
      tpu.enqueue_dma source(%arg21 : memref<64x2x16xf32, #tpu.memory_space<vmem>>) target(%dma_start3A_136 : memref<64x2x16xf32, #tpu.memory_space<vmem_shared>>) target_semaphore(%run_scoped3A : memref<!tpu.dma_semaphore, #tpu.memory_space<semaphore_mem>>)
      %dma_wait3A_137 = arith.constant 0 : i32
      %dma_wait3A_138 = arith.constant 0 : i32
      %dma_wait3A_139 = tpu.memref_slice %arg9[%add3A_35, %dma_wait3A_137, %dma_wait3A_138] : memref<10240x2x16xf32, #tpu.memory_space<vmem_shared>> -> memref<64x2x16xf32, #tpu.memory_space<vmem_shared>>
      %dma_wait3A_140 = arith.constant 0 : i32
      %dma_wait3A_141 = arith.constant 0 : i32
      %dma_wait3A_142 = tpu.memref_slice %arg9[%add3A_35, %dma_wait3A_140, %dma_wait3A_141] : memref<10240x2x16xf32, #tpu.memory_space<vmem_shared>> -> memref<64x2x16xf32, #tpu.memory_space<vmem_shared>>
      tpu.wait_dma2 semaphore(%run_scoped3A : memref<!tpu.dma_semaphore, #tpu.memory_space<semaphore_mem>>) src(%arg21 : memref<64x2x16xf32, #tpu.memory_space<vmem>>) dst(%dma_wait3A_142 : memref<64x2x16xf32, #tpu.memory_space<vmem_shared>>)
      tpu.yield
    }) : () -> ()
    %mul3A_36 = arith.constant 640 : i32
    %mul3A_37 = arith.muli %arg1, %mul3A_36 : i32
    %add3A_38 = arith.constant 576 : i32
    %add3A_39 = arith.addi %mul3A_37, %add3A_38 : i32
    "tpu.region"() ({
      %run_scoped3A = tpu.sem_alloc : memref<!tpu.dma_semaphore, #tpu.memory_space<semaphore_mem>>
      %dma_start3A_131 = arith.constant 0 : i32
      %dma_start3A_132 = arith.constant 0 : i32
      %dma_start3A_133 = tpu.memref_slice %arg9[%add3A_39, %dma_start3A_131, %dma_start3A_132] : memref<10240x2x16xf32, #tpu.memory_space<vmem_shared>> -> memref<64x2x16xf32, #tpu.memory_space<vmem_shared>>
      %dma_start3A_134 = arith.constant 0 : i32
      %dma_start3A_135 = arith.constant 0 : i32
      %dma_start3A_136 = tpu.memref_slice %arg9[%add3A_39, %dma_start3A_134, %dma_start3A_135] : memref<10240x2x16xf32, #tpu.memory_space<vmem_shared>> -> memref<64x2x16xf32, #tpu.memory_space<vmem_shared>>
      tpu.enqueue_dma source(%arg21 : memref<64x2x16xf32, #tpu.memory_space<vmem>>) target(%dma_start3A_136 : memref<64x2x16xf32, #tpu.memory_space<vmem_shared>>) target_semaphore(%run_scoped3A : memref<!tpu.dma_semaphore, #tpu.memory_space<semaphore_mem>>)
      %dma_wait3A_137 = arith.constant 0 : i32
      %dma_wait3A_138 = arith.constant 0 : i32
      %dma_wait3A_139 = tpu.memref_slice %arg9[%add3A_39, %dma_wait3A_137, %dma_wait3A_138] : memref<10240x2x16xf32, #tpu.memory_space<vmem_shared>> -> memref<64x2x16xf32, #tpu.memory_space<vmem_shared>>
      %dma_wait3A_140 = arith.constant 0 : i32
      %dma_wait3A_141 = arith.constant 0 : i32
      %dma_wait3A_142 = tpu.memref_slice %arg9[%add3A_39, %dma_wait3A_140, %dma_wait3A_141] : memref<10240x2x16xf32, #tpu.memory_space<vmem_shared>> -> memref<64x2x16xf32, #tpu.memory_space<vmem_shared>>
      tpu.wait_dma2 semaphore(%run_scoped3A : memref<!tpu.dma_semaphore, #tpu.memory_space<semaphore_mem>>) src(%arg21 : memref<64x2x16xf32, #tpu.memory_space<vmem>>) dst(%dma_wait3A_142 : memref<64x2x16xf32, #tpu.memory_space<vmem_shared>>)
      tpu.yield
    }) : () -> ()
    %mul3A_40 = arith.constant 165888 : i32
    %mul3A_41 = arith.muli %arg0, %mul3A_40 : i32
    %mul3A_42 = arith.constant 10368 : i32
    %mul3A_43 = arith.muli %arg1, %mul3A_42 : i32
    %add3A_44 = arith.addi %mul3A_41, %mul3A_43 : i32
    "tpu.region"() ({
      %run_scoped3A = tpu.sem_alloc : memref<!tpu.dma_semaphore, #tpu.memory_space<semaphore_mem>>
      %dma_start3A_131 = tpu.memref_slice %arg5[%add3A_44] : memref<331776xi32, #tpu.memory_space<hbm>> -> memref<10368xi32, #tpu.memory_space<hbm>>
      %dma_start3A_132 = tpu.memref_slice %arg5[%add3A_44] : memref<331776xi32, #tpu.memory_space<hbm>> -> memref<10368xi32, #tpu.memory_space<hbm>>
      tpu.enqueue_dma source(%dma_start3A_132 : memref<10368xi32, #tpu.memory_space<hbm>>) target(%arg10 : memref<10368xi32, #tpu.memory_space<vmem>>) target_semaphore(%run_scoped3A : memref<!tpu.dma_semaphore, #tpu.memory_space<semaphore_mem>>)
      %dma_wait3A_133 = tpu.memref_slice %arg5[%add3A_44] : memref<331776xi32, #tpu.memory_space<hbm>> -> memref<10368xi32, #tpu.memory_space<hbm>>
      %dma_wait3A_134 = tpu.memref_slice %arg5[%add3A_44] : memref<331776xi32, #tpu.memory_space<hbm>> -> memref<10368xi32, #tpu.memory_space<hbm>>
      tpu.wait_dma2 semaphore(%run_scoped3A : memref<!tpu.dma_semaphore, #tpu.memory_space<semaphore_mem>>) src(%dma_wait3A_134 : memref<10368xi32, #tpu.memory_space<hbm>>) dst(%arg10 : memref<10368xi32, #tpu.memory_space<vmem>>)
      tpu.yield
    }) : () -> ()
    "tpu.region"() ({
      %run_scoped3A = tpu.sem_alloc : memref<!tpu.dma_semaphore, #tpu.memory_space<semaphore_mem>>
      %dma_start3A_131 = tpu.memref_slice %arg6[%add3A_44] : memref<331776xi32, #tpu.memory_space<hbm>> -> memref<10368xi32, #tpu.memory_space<hbm>>
      %dma_start3A_132 = tpu.memref_slice %arg6[%add3A_44] : memref<331776xi32, #tpu.memory_space<hbm>> -> memref<10368xi32, #tpu.memory_space<hbm>>
      tpu.enqueue_dma source(%dma_start3A_132 : memref<10368xi32, #tpu.memory_space<hbm>>) target(%arg11 : memref<10368xi32, #tpu.memory_space<vmem>>) target_semaphore(%run_scoped3A : memref<!tpu.dma_semaphore, #tpu.memory_space<semaphore_mem>>)
      %dma_wait3A_133 = tpu.memref_slice %arg6[%add3A_44] : memref<331776xi32, #tpu.memory_space<hbm>> -> memref<10368xi32, #tpu.memory_space<hbm>>
      %dma_wait3A_134 = tpu.memref_slice %arg6[%add3A_44] : memref<331776xi32, #tpu.memory_space<hbm>> -> memref<10368xi32, #tpu.memory_space<hbm>>
      tpu.wait_dma2 semaphore(%run_scoped3A : memref<!tpu.dma_semaphore, #tpu.memory_space<semaphore_mem>>) src(%dma_wait3A_134 : memref<10368xi32, #tpu.memory_space<hbm>>) dst(%arg11 : memref<10368xi32, #tpu.memory_space<vmem>>)
      tpu.yield
    }) : () -> ()
    "tpu.region"() ({
      %run_scoped3A = tpu.sem_alloc : memref<!tpu.dma_semaphore, #tpu.memory_space<semaphore_mem>>
      tpu.enqueue_dma source(%arg7 : memref<16xf32, #tpu.memory_space<hbm>>) target(%arg20 : memref<16xf32, #tpu.memory_space<vmem>>) target_semaphore(%run_scoped3A : memref<!tpu.dma_semaphore, #tpu.memory_space<semaphore_mem>>)
      tpu.wait_dma2 semaphore(%run_scoped3A : memref<!tpu.dma_semaphore, #tpu.memory_space<semaphore_mem>>) src(%arg7 : memref<16xf32, #tpu.memory_space<hbm>>) dst(%arg20 : memref<16xf32, #tpu.memory_space<vmem>>)
      tpu.yield
    }) : () -> ()
    %barrier3A = arith.constant 0 : index
    tpu.barrier barrier_id(%barrier3A)
    %iota3A = tpu.iota {dimensions = array<i32: 0>} : vector<16xi32>
    %add3A_45 = arith.constant 8 : i32
    %add3A_46 = vector.broadcast %add3A_45 : i32 to vector<16xi32>
    %add3A_47 = arith.addi %iota3A, %add3A_46 : vector<16xi32>
    %and3A = arith.constant 15 : i32
    %and3A_48 = vector.broadcast %and3A : i32 to vector<16xi32>
    %and3A_49 = arith.andi %add3A_47, %and3A_48 : vector<16xi32>
    %get3A = arith.constant 0 : index
    %get3A_50 = tpu.vector_load %arg20[%get3A] {strides = array<i32>} : memref<16xf32, #tpu.memory_space<vmem>>, vector<16xf32>,
    %broadcast_in_dim3A = vector.shape_cast %and3A_49 : vector<16xi32> to vector<16x1xi32>
    %gather3A = vector.shape_cast %broadcast_in_dim3A : vector<16x1xi32> to vector<16xi32>
    %gather3A_51 = tpu.dynamic_gather %get3A_50[%gather3A] in [0] : vector<16xf32>, vector<16xi32> -> vector<16xf32>
    %add3A_52 = arith.addf %get3A_50, %gather3A_51 : vector<16xf32>
    %gt3A = arith.constant 0.000000e+00 : f32
    %gt3A_53 = vector.broadcast %gt3A : f32 to vector<16xf32>
    %gt3A_54 = arith.cmpf ogt, %add3A_52, %gt3A_53 : vector<16xf32>
    %mul3A_55 = arith.constant 2.000000e-01 : f32
    %mul3A_56 = vector.broadcast %mul3A_55 : f32 to vector<16xf32>
    %mul3A_57 = arith.mulf %mul3A_56, %add3A_52 : vector<16xf32>
    %select_n3A = arith.select %gt3A_54, %add3A_52, %mul3A_57 : vector<16xi1>, vector<16xf32>
    %mul3A_58 = arith.constant 0 : i32
    %mul3A_59 = vector.broadcast %mul3A_58 : i32 to vector<16xi32>
    %mul3A_60 = arith.muli %iota3A, %mul3A_59 : vector<16xi32>
    %add3A_61 = arith.constant 0 : i32
    %add3A_62 = vector.broadcast %add3A_61 : i32 to vector<16xi32>
    %add3A_63 = arith.addi %mul3A_60, %add3A_62 : vector<16xi32>
    %dma_start3A = arith.constant 0 : i32
    %dma_start3A_64 = tpu.memref_slice %arg10[%dma_start3A] : memref<10368xi32, #tpu.memory_space<vmem>> -> memref<128xi32, #tpu.memory_space<vmem>>
    %dma_start3A_65 = arith.constant 0 : i32
    %dma_start3A_66 = arith.constant 0 : i32
    %dma_start3A_67 = tpu.memref_slice %arg2[%dma_start3A_65, %dma_start3A_66] : memref<10240x16xf32, #tpu.memory_space<hbm>> -> memref<10240x16xf32, #tpu.memory_space<hbm>>
    tpu.enqueue_indirect_dma source(%dma_start3A_67 : memref<10240x16xf32, #tpu.memory_space<hbm>>) target(%arg12 : memref<128x16xf32, #tpu.memory_space<vmem>>) offsets(%dma_start3A_64 : memref<128xi32, #tpu.memory_space<vmem>>) semaphore(%arg22 : memref<!tpu.dma_semaphore, #tpu.memory_space<semaphore_mem>>)
    %dma_start3A_68 = arith.constant 0 : i32
    %dma_start3A_69 = tpu.memref_slice %arg11[%dma_start3A_68] : memref<10368xi32, #tpu.memory_space<vmem>> -> memref<128xi32, #tpu.memory_space<vmem>>
    %dma_start3A_70 = arith.constant 0 : i32
    %dma_start3A_71 = arith.constant 0 : i32
    %dma_start3A_72 = tpu.memref_slice %arg3[%dma_start3A_70, %dma_start3A_71] : memref<10240x16xf32, #tpu.memory_space<hbm>> -> memref<10240x16xf32, #tpu.memory_space<hbm>>
    tpu.enqueue_indirect_dma source(%dma_start3A_72 : memref<10240x16xf32, #tpu.memory_space<hbm>>) target(%arg13 : memref<128x16xf32, #tpu.memory_space<vmem>>) offsets(%dma_start3A_69 : memref<128xi32, #tpu.memory_space<vmem>>) semaphore(%arg23 : memref<!tpu.dma_semaphore, #tpu.memory_space<semaphore_mem>>)
    %dma_start3A_73 = arith.constant 0 : i32
    %dma_start3A_74 = tpu.memref_slice %arg10[%dma_start3A_73] : memref<10368xi32, #tpu.memory_space<vmem>> -> memref<128xi32, #tpu.memory_space<vmem>>
    %dma_start3A_75 = arith.constant 0 : i32
    %dma_start3A_76 = arith.constant 0 : i32
    %dma_start3A_77 = arith.constant 0 : i32
    %dma_start3A_78 = tpu.memref_slice %arg4[%dma_start3A_75, %dma_start3A_76, %dma_start3A_77] : memref<10240x1x16xf32, #tpu.memory_space<hbm>> -> memref<10240x1x16xf32, #tpu.memory_space<hbm>>
    tpu.enqueue_indirect_dma source(%dma_start3A_78 : memref<10240x1x16xf32, #tpu.memory_space<hbm>>) target(%arg16 : memref<128x1x16xf32, #tpu.memory_space<vmem>>) offsets(%dma_start3A_74 : memref<128xi32, #tpu.memory_space<vmem>>) semaphore(%arg24 : memref<!tpu.dma_semaphore, #tpu.memory_space<semaphore_mem>>)
    %scan3A = arith.constant 0 : i32
    %scan3A_79 = arith.constant 0 : i32
    %scan3A_80 = arith.constant 40 : i32
    %scan3A_81 = arith.addi %scan3A_79, %scan3A_80 : i32
    %scan3A_82 = arith.constant 1 : i32
    scf.for %scan3A_131 = %scan3A_79 to %scan3A_81 step %scan3A_82  : i32 {
      %mul3A_132 = arith.constant 2 : i32
      %mul3A_133 = arith.muli %mul3A_132, %scan3A_131 : i32
      %add3A_134 = arith.constant 1 : i32
      %add3A_135 = arith.addi %mul3A_133, %add3A_134 : i32
      %mul3A_136 = arith.constant 128 : i32
      %mul3A_137 = arith.muli %add3A_135, %mul3A_136 : i32
      %mul3A_138 = arith.constant 128 : i32
      %mul3A_139 = arith.muli %add3A_135, %mul3A_138 : i32
      %dma_start3A_140 = tpu.memref_slice %arg10[%mul3A_137] : memref<10368xi32, #tpu.memory_space<vmem>> -> memref<128xi32, #tpu.memory_space<vmem>>
      %dma_start3A_141 = arith.constant 0 : i32
      %dma_start3A_142 = arith.constant 0 : i32
      %dma_start3A_143 = tpu.memref_slice %arg2[%dma_start3A_141, %dma_start3A_142] : memref<10240x16xf32, #tpu.memory_space<hbm>> -> memref<10240x16xf32, #tpu.memory_space<hbm>>
      tpu.enqueue_indirect_dma source(%dma_start3A_143 : memref<10240x16xf32, #tpu.memory_space<hbm>>) target(%arg14 : memref<128x16xf32, #tpu.memory_space<vmem>>) offsets(%dma_start3A_140 : memref<128xi32, #tpu.memory_space<vmem>>) semaphore(%arg25 : memref<!tpu.dma_semaphore, #tpu.memory_space<semaphore_mem>>)
      %dma_start3A_144 = tpu.memref_slice %arg11[%mul3A_139] : memref<10368xi32, #tpu.memory_space<vmem>> -> memref<128xi32, #tpu.memory_space<vmem>>
      %dma_start3A_145 = arith.constant 0 : i32
      %dma_start3A_146 = arith.constant 0 : i32
      %dma_start3A_147 = tpu.memref_slice %arg3[%dma_start3A_145, %dma_start3A_146] : memref<10240x16xf32, #tpu.memory_space<hbm>> -> memref<10240x16xf32, #tpu.memory_space<hbm>>
      tpu.enqueue_indirect_dma source(%dma_start3A_147 : memref<10240x16xf32, #tpu.memory_space<hbm>>) target(%arg15 : memref<128x16xf32, #tpu.memory_space<vmem>>) offsets(%dma_start3A_144 : memref<128xi32, #tpu.memory_space<vmem>>) semaphore(%arg26 : memref<!tpu.dma_semaphore, #tpu.memory_space<semaphore_mem>>)
      %dma_start3A_148 = tpu.memref_slice %arg10[%mul3A_137] : memref<10368xi32, #tpu.memory_space<vmem>> -> memref<128xi32, #tpu.memory_space<vmem>>
      %dma_start3A_149 = arith.constant 0 : i32
      %dma_start3A_150 = arith.constant 0 : i32
      %dma_start3A_151 = arith.constant 0 : i32
      %dma_start3A_152 = tpu.memref_slice %arg4[%dma_start3A_149, %dma_start3A_150, %dma_start3A_151] : memref<10240x1x16xf32, #tpu.memory_space<hbm>> -> memref<10240x1x16xf32, #tpu.memory_space<hbm>>
      tpu.enqueue_indirect_dma source(%dma_start3A_152 : memref<10240x1x16xf32, #tpu.memory_space<hbm>>) target(%arg17 : memref<128x1x16xf32, #tpu.memory_space<vmem>>) offsets(%dma_start3A_148 : memref<128xi32, #tpu.memory_space<vmem>>) semaphore(%arg27 : memref<!tpu.dma_semaphore, #tpu.memory_space<semaphore_mem>>)
      %dma_wait3A_153 = arith.constant 0 : i32
      %dma_wait3A_154 = tpu.memref_slice %arg10[%dma_wait3A_153] : memref<10368xi32, #tpu.memory_space<vmem>> -> memref<128xi32, #tpu.memory_space<vmem>>
      %dma_wait3A_155 = arith.constant 0 : i32
      %dma_wait3A_156 = arith.constant 0 : i32
      %dma_wait3A_157 = tpu.memref_slice %arg2[%dma_wait3A_155, %dma_wait3A_156] : memref<10240x16xf32, #tpu.memory_space<hbm>> -> memref<10240x16xf32, #tpu.memory_space<hbm>>
      tpu.wait_indirect_dma semaphore(%arg22 : memref<!tpu.dma_semaphore, #tpu.memory_space<semaphore_mem>>) src(%dma_wait3A_157 : memref<10240x16xf32, #tpu.memory_space<hbm>>) dst(%arg12 : memref<128x16xf32, #tpu.memory_space<vmem>>)
      %dma_wait3A_158 = arith.constant 0 : i32
      %dma_wait3A_159 = tpu.memref_slice %arg10[%dma_wait3A_158] : memref<10368xi32, #tpu.memory_space<vmem>> -> memref<128xi32, #tpu.memory_space<vmem>>
      %dma_wait3A_160 = arith.constant 0 : i32
      %dma_wait3A_161 = arith.constant 0 : i32
      %dma_wait3A_162 = tpu.memref_slice %arg3[%dma_wait3A_160, %dma_wait3A_161] : memref<10240x16xf32, #tpu.memory_space<hbm>> -> memref<10240x16xf32, #tpu.memory_space<hbm>>
      tpu.wait_indirect_dma semaphore(%arg23 : memref<!tpu.dma_semaphore, #tpu.memory_space<semaphore_mem>>) src(%dma_wait3A_162 : memref<10240x16xf32, #tpu.memory_space<hbm>>) dst(%arg13 : memref<128x16xf32, #tpu.memory_space<vmem>>)
      %dma_wait3A_163 = arith.constant 0 : i32
      %dma_wait3A_164 = tpu.memref_slice %arg10[%dma_wait3A_163] : memref<10368xi32, #tpu.memory_space<vmem>> -> memref<128xi32, #tpu.memory_space<vmem>>
      %dma_wait3A_165 = arith.constant 0 : i32
      %dma_wait3A_166 = arith.constant 0 : i32
      %dma_wait3A_167 = arith.constant 0 : i32
      %dma_wait3A_168 = tpu.memref_slice %arg4[%dma_wait3A_165, %dma_wait3A_166, %dma_wait3A_167] : memref<10240x1x16xf32, #tpu.memory_space<hbm>> -> memref<10240x1x16xf32, #tpu.memory_space<hbm>>
      tpu.wait_indirect_dma semaphore(%arg24 : memref<!tpu.dma_semaphore, #tpu.memory_space<semaphore_mem>>) src(%dma_wait3A_168 : memref<10240x1x16xf32, #tpu.memory_space<hbm>>) dst(%arg16 : memref<128x1x16xf32, #tpu.memory_space<vmem>>)
      %gt3A_169 = arith.constant 0 : i32
      %gt3A_170 = arith.cmpi sgt, %scan3A_131, %gt3A_169 : i32
      %convert_element_type3A = arith.extui %gt3A_170 : i1 to i32
      %cond3A = arith.constant 0 : i32
      %cond3A_171 = arith.cmpi ne, %convert_element_type3A, %cond3A : i32
      scf.if %cond3A_171 {
        %dma_wait3A_234 = arith.constant 0 : i32
        %dma_wait3A_235 = tpu.memref_slice %arg11[%dma_wait3A_234] : memref<10368xi32, #tpu.memory_space<vmem>> -> memref<128xi32, #tpu.memory_space<vmem>>
        %dma_wait3A_236 = arith.constant 0 : i32
        %dma_wait3A_237 = arith.constant 0 : i32
        %dma_wait3A_238 = arith.constant 0 : i32
        %dma_wait3A_239 = tpu.memref_slice %arg9[%dma_wait3A_236, %dma_wait3A_237, %dma_wait3A_238] : memref<10240x2x16xf32, #tpu.memory_space<vmem_shared>> -> memref<10240x2x16xf32, #tpu.memory_space<vmem_shared>>
        tpu.wait_indirect_dma semaphore(%arg28 : memref<!tpu.dma_semaphore, #tpu.memory_space<semaphore_mem>>) src(%arg18 : memref<128x2x16xf32, #tpu.memory_space<vmem>>) dst(%dma_wait3A_239 : memref<10240x2x16xf32, #tpu.memory_space<vmem_shared>>)
      } else {
      }
      %parallel_loop3A_172 = arith.constant 0 : i32
      %parallel_loop3A_173 = arith.constant 128 : i32
      %parallel_loop3A_174 = arith.constant 1 : i32
      scf.for %parallel_loop3A_234 = %parallel_loop3A_172 to %parallel_loop3A_173 step %parallel_loop3A_174  : i32 {
        %parallel_loop3A_235 = arith.index_cast %parallel_loop3A_234 : i32 to index
        %parallel_loop3A_236 = arith.constant 0 : index
        %parallel_loop3A_237 = tpu.vector_load %arg12[%parallel_loop3A_235, %parallel_loop3A_236] {strides = array<i32>} : memref<128x16xf32, #tpu.memory_space<vmem>>, vector<16xf32>,
        %parallel_loop3A_238 = arith.index_cast %parallel_loop3A_234 : i32 to index
        %parallel_loop3A_239 = arith.constant 0 : index
        %parallel_loop3A_240 = tpu.vector_load %arg13[%parallel_loop3A_238, %parallel_loop3A_239] {strides = array<i32>} : memref<128x16xf32, #tpu.memory_space<vmem>>, vector<16xf32>,
        %parallel_loop3A_241 = arith.addf %parallel_loop3A_237, %parallel_loop3A_240 : vector<16xf32>
        %parallel_loop3A_242 = arith.constant 0.000000e+00 : f32
        %parallel_loop3A_243 = vector.broadcast %parallel_loop3A_242 : f32 to vector<16xf32>
        %parallel_loop3A_244 = arith.cmpf ogt, %parallel_loop3A_241, %parallel_loop3A_243 : vector<16xf32>
        %parallel_loop3A_245 = arith.constant 2.000000e-01 : f32
        %parallel_loop3A_246 = vector.broadcast %parallel_loop3A_245 : f32 to vector<16xf32>
        %parallel_loop3A_247 = arith.mulf %parallel_loop3A_246, %parallel_loop3A_241 : vector<16xf32>
        %parallel_loop3A_248 = arith.select %parallel_loop3A_244, %parallel_loop3A_241, %parallel_loop3A_247 : vector<16xi1>, vector<16xf32>
        %parallel_loop3A_249 = arith.subf %parallel_loop3A_248, %select_n3A : vector<16xf32>
        %parallel_loop3A_250 = math.exp %parallel_loop3A_249 : vector<16xf32>
        %parallel_loop3A_251 = arith.constant 1 : i32
        %parallel_loop3A_252 = arith.index_cast %parallel_loop3A_234 : i32 to index
        %parallel_loop3A_253 = arith.index_cast %parallel_loop3A_251 : i32 to index
        %parallel_loop3A_254 = arith.constant 0 : index
        %parallel_loop3A_255 = tpu.vector_load %arg18[%parallel_loop3A_252, %parallel_loop3A_253, %parallel_loop3A_254] {strides = array<i32>} : memref<128x2x16xf32, #tpu.memory_space<vmem>>, vector<16xf32>,
        tpu.vector_store %arg18[%parallel_loop3A_252, %parallel_loop3A_253, %parallel_loop3A_254], %parallel_loop3A_250 {strides = array<i32>} : memref<128x2x16xf32, #tpu.memory_space<vmem>>, vector<16xf32>,
        %parallel_loop3A_256 = vector.shape_cast %add3A_63 : vector<16xi32> to vector<16x1xi32>
        %parallel_loop3A_257 = vector.shape_cast %parallel_loop3A_256 : vector<16x1xi32> to vector<16xi32>
        %parallel_loop3A_258 = tpu.dynamic_gather %parallel_loop3A_250[%parallel_loop3A_257] in [0] : vector<16xf32>, vector<16xi32> -> vector<16xf32>
        %parallel_loop3A_259 = arith.constant 0 : i32
        %parallel_loop3A_260 = arith.index_cast %parallel_loop3A_234 : i32 to index
        %parallel_loop3A_261 = arith.index_cast %parallel_loop3A_259 : i32 to index
        %parallel_loop3A_262 = arith.constant 0 : index
        %parallel_loop3A_263 = tpu.vector_load %arg16[%parallel_loop3A_260, %parallel_loop3A_261, %parallel_loop3A_262] {strides = array<i32>} : memref<128x1x16xf32, #tpu.memory_space<vmem>>, vector<16xf32>,
        %parallel_loop3A_264 = arith.mulf %parallel_loop3A_258, %parallel_loop3A_263 : vector<16xf32>
        %parallel_loop3A_265 = arith.constant 0 : i32
        %parallel_loop3A_266 = arith.index_cast %parallel_loop3A_234 : i32 to index
        %parallel_loop3A_267 = arith.index_cast %parallel_loop3A_265 : i32 to index
        %parallel_loop3A_268 = arith.constant 0 : index
        %parallel_loop3A_269 = tpu.vector_load %arg18[%parallel_loop3A_266, %parallel_loop3A_267, %parallel_loop3A_268] {strides = array<i32>} : memref<128x2x16xf32, #tpu.memory_space<vmem>>, vector<16xf32>,
        tpu.vector_store %arg18[%parallel_loop3A_266, %parallel_loop3A_267, %parallel_loop3A_268], %parallel_loop3A_264 {strides = array<i32>} : memref<128x2x16xf32, #tpu.memory_space<vmem>>, vector<16xf32>,
      } {sc.loop_unroll_factor = 4 : i64, sc.parallel_access}
      %mul3A_175 = arith.constant 128 : i32
      %mul3A_176 = arith.muli %mul3A_133, %mul3A_175 : i32
      %dma_start3A_177 = tpu.memref_slice %arg11[%mul3A_176] : memref<10368xi32, #tpu.memory_space<vmem>> -> memref<128xi32, #tpu.memory_space<vmem>>
      %dma_start3A_178 = arith.constant 0 : i32
      %dma_start3A_179 = arith.constant 0 : i32
      %dma_start3A_180 = arith.constant 0 : i32
      %dma_start3A_181 = tpu.memref_slice %arg9[%dma_start3A_178, %dma_start3A_179, %dma_start3A_180] : memref<10240x2x16xf32, #tpu.memory_space<vmem_shared>> -> memref<10240x2x16xf32, #tpu.memory_space<vmem_shared>>
      tpu.enqueue_indirect_dma source(%arg18 : memref<128x2x16xf32, #tpu.memory_space<vmem>>) target(%dma_start3A_181 : memref<10240x2x16xf32, #tpu.memory_space<vmem_shared>>) offsets(%dma_start3A_177 : memref<128xi32, #tpu.memory_space<vmem>>) semaphore(%arg28 : memref<!tpu.dma_semaphore, #tpu.memory_space<semaphore_mem>>) {add = true}
      %add3A_182 = arith.constant 2 : i32
      %add3A_183 = arith.addi %mul3A_133, %add3A_182 : i32
      %mul3A_184 = arith.constant 128 : i32
      %mul3A_185 = arith.muli %add3A_183, %mul3A_184 : i32
      %mul3A_186 = arith.constant 128 : i32
      %mul3A_187 = arith.muli %add3A_183, %mul3A_186 : i32
      %dma_start3A_188 = tpu.memref_slice %arg10[%mul3A_185] : memref<10368xi32, #tpu.memory_space<vmem>> -> memref<128xi32, #tpu.memory_space<vmem>>
      %dma_start3A_189 = arith.constant 0 : i32
      %dma_start3A_190 = arith.constant 0 : i32
      %dma_start3A_191 = tpu.memref_slice %arg2[%dma_start3A_189, %dma_start3A_190] : memref<10240x16xf32, #tpu.memory_space<hbm>> -> memref<10240x16xf32, #tpu.memory_space<hbm>>
      tpu.enqueue_indirect_dma source(%dma_start3A_191 : memref<10240x16xf32, #tpu.memory_space<hbm>>) target(%arg12 : memref<128x16xf32, #tpu.memory_space<vmem>>) offsets(%dma_start3A_188 : memref<128xi32, #tpu.memory_space<vmem>>) semaphore(%arg22 : memref<!tpu.dma_semaphore, #tpu.memory_space<semaphore_mem>>)
      %dma_start3A_192 = tpu.memref_slice %arg11[%mul3A_187] : memref<10368xi32, #tpu.memory_space<vmem>> -> memref<128xi32, #tpu.memory_space<vmem>>
      %dma_start3A_193 = arith.constant 0 : i32
      %dma_start3A_194 = arith.constant 0 : i32
      %dma_start3A_195 = tpu.memref_slice %arg3[%dma_start3A_193, %dma_start3A_194] : memref<10240x16xf32, #tpu.memory_space<hbm>> -> memref<10240x16xf32, #tpu.memory_space<hbm>>
      tpu.enqueue_indirect_dma source(%dma_start3A_195 : memref<10240x16xf32, #tpu.memory_space<hbm>>) target(%arg13 : memref<128x16xf32, #tpu.memory_space<vmem>>) offsets(%dma_start3A_192 : memref<128xi32, #tpu.memory_space<vmem>>) semaphore(%arg23 : memref<!tpu.dma_semaphore, #tpu.memory_space<semaphore_mem>>)
      %dma_start3A_196 = tpu.memref_slice %arg10[%mul3A_185] : memref<10368xi32, #tpu.memory_space<vmem>> -> memref<128xi32, #tpu.memory_space<vmem>>
      %dma_start3A_197 = arith.constant 0 : i32
      %dma_start3A_198 = arith.constant 0 : i32
      %dma_start3A_199 = arith.constant 0 : i32
      %dma_start3A_200 = tpu.memref_slice %arg4[%dma_start3A_197, %dma_start3A_198, %dma_start3A_199] : memref<10240x1x16xf32, #tpu.memory_space<hbm>> -> memref<10240x1x16xf32, #tpu.memory_space<hbm>>
      tpu.enqueue_indirect_dma source(%dma_start3A_200 : memref<10240x1x16xf32, #tpu.memory_space<hbm>>) target(%arg16 : memref<128x1x16xf32, #tpu.memory_space<vmem>>) offsets(%dma_start3A_196 : memref<128xi32, #tpu.memory_space<vmem>>) semaphore(%arg24 : memref<!tpu.dma_semaphore, #tpu.memory_space<semaphore_mem>>)
      %dma_wait3A_201 = arith.constant 0 : i32
      %dma_wait3A_202 = tpu.memref_slice %arg10[%dma_wait3A_201] : memref<10368xi32, #tpu.memory_space<vmem>> -> memref<128xi32, #tpu.memory_space<vmem>>
      %dma_wait3A_203 = arith.constant 0 : i32
      %dma_wait3A_204 = arith.constant 0 : i32
      %dma_wait3A_205 = tpu.memref_slice %arg2[%dma_wait3A_203, %dma_wait3A_204] : memref<10240x16xf32, #tpu.memory_space<hbm>> -> memref<10240x16xf32, #tpu.memory_space<hbm>>
      tpu.wait_indirect_dma semaphore(%arg25 : memref<!tpu.dma_semaphore, #tpu.memory_space<semaphore_mem>>) src(%dma_wait3A_205 : memref<10240x16xf32, #tpu.memory_space<hbm>>) dst(%arg14 : memref<128x16xf32, #tpu.memory_space<vmem>>)
      %dma_wait3A_206 = arith.constant 0 : i32
      %dma_wait3A_207 = tpu.memref_slice %arg10[%dma_wait3A_206] : memref<10368xi32, #tpu.memory_space<vmem>> -> memref<128xi32, #tpu.memory_space<vmem>>
      %dma_wait3A_208 = arith.constant 0 : i32
      %dma_wait3A_209 = arith.constant 0 : i32
      %dma_wait3A_210 = tpu.memref_slice %arg3[%dma_wait3A_208, %dma_wait3A_209] : memref<10240x16xf32, #tpu.memory_space<hbm>> -> memref<10240x16xf32, #tpu.memory_space<hbm>>
      tpu.wait_indirect_dma semaphore(%arg26 : memref<!tpu.dma_semaphore, #tpu.memory_space<semaphore_mem>>) src(%dma_wait3A_210 : memref<10240x16xf32, #tpu.memory_space<hbm>>) dst(%arg15 : memref<128x16xf32, #tpu.memory_space<vmem>>)
      %dma_wait3A_211 = arith.constant 0 : i32
      %dma_wait3A_212 = tpu.memref_slice %arg10[%dma_wait3A_211] : memref<10368xi32, #tpu.memory_space<vmem>> -> memref<128xi32, #tpu.memory_space<vmem>>
      %dma_wait3A_213 = arith.constant 0 : i32
      %dma_wait3A_214 = arith.constant 0 : i32
      %dma_wait3A_215 = arith.constant 0 : i32
      %dma_wait3A_216 = tpu.memref_slice %arg4[%dma_wait3A_213, %dma_wait3A_214, %dma_wait3A_215] : memref<10240x1x16xf32, #tpu.memory_space<hbm>> -> memref<10240x1x16xf32, #tpu.memory_space<hbm>>
      tpu.wait_indirect_dma semaphore(%arg27 : memref<!tpu.dma_semaphore, #tpu.memory_space<semaphore_mem>>) src(%dma_wait3A_216 : memref<10240x1x16xf32, #tpu.memory_space<hbm>>) dst(%arg17 : memref<128x1x16xf32, #tpu.memory_space<vmem>>)
      %gt3A_217 = arith.constant 0 : i32
      %gt3A_218 = arith.cmpi sgt, %scan3A_131, %gt3A_217 : i32
      %convert_element_type3A_219 = arith.extui %gt3A_218 : i1 to i32
      %cond3A_220 = arith.constant 0 : i32
      %cond3A_221 = arith.cmpi ne, %convert_element_type3A_219, %cond3A_220 : i32
      scf.if %cond3A_221 {
        %dma_wait3A_234 = arith.constant 0 : i32
        %dma_wait3A_235 = tpu.memref_slice %arg11[%dma_wait3A_234] : memref<10368xi32, #tpu.memory_space<vmem>> -> memref<128xi32, #tpu.memory_space<vmem>>
        %dma_wait3A_236 = arith.constant 0 : i32
        %dma_wait3A_237 = arith.constant 0 : i32
        %dma_wait3A_238 = arith.constant 0 : i32
        %dma_wait3A_239 = tpu.memref_slice %arg9[%dma_wait3A_236, %dma_wait3A_237, %dma_wait3A_238] : memref<10240x2x16xf32, #tpu.memory_space<vmem_shared>> -> memref<10240x2x16xf32, #tpu.memory_space<vmem_shared>>
        tpu.wait_indirect_dma semaphore(%arg29 : memref<!tpu.dma_semaphore, #tpu.memory_space<semaphore_mem>>) src(%arg19 : memref<128x2x16xf32, #tpu.memory_space<vmem>>) dst(%dma_wait3A_239 : memref<10240x2x16xf32, #tpu.memory_space<vmem_shared>>)
      } else {
      }
      %add3A_222 = arith.constant 1 : i32
      %add3A_223 = arith.addi %mul3A_133, %add3A_222 : i32
      %parallel_loop3A_224 = arith.constant 0 : i32
      %parallel_loop3A_225 = arith.constant 128 : i32
      %parallel_loop3A_226 = arith.constant 1 : i32
      scf.for %parallel_loop3A_234 = %parallel_loop3A_224 to %parallel_loop3A_225 step %parallel_loop3A_226  : i32 {
        %parallel_loop3A_235 = arith.index_cast %parallel_loop3A_234 : i32 to index
        %parallel_loop3A_236 = arith.constant 0 : index
        %parallel_loop3A_237 = tpu.vector_load %arg14[%parallel_loop3A_235, %parallel_loop3A_236] {strides = array<i32>} : memref<128x16xf32, #tpu.memory_space<vmem>>, vector<16xf32>,
        %parallel_loop3A_238 = arith.index_cast %parallel_loop3A_234 : i32 to index
        %parallel_loop3A_239 = arith.constant 0 : index
        %parallel_loop3A_240 = tpu.vector_load %arg15[%parallel_loop3A_238, %parallel_loop3A_239] {strides = array<i32>} : memref<128x16xf32, #tpu.memory_space<vmem>>, vector<16xf32>,
        %parallel_loop3A_241 = arith.addf %parallel_loop3A_237, %parallel_loop3A_240 : vector<16xf32>
        %parallel_loop3A_242 = arith.constant 0.000000e+00 : f32
        %parallel_loop3A_243 = vector.broadcast %parallel_loop3A_242 : f32 to vector<16xf32>
        %parallel_loop3A_244 = arith.cmpf ogt, %parallel_loop3A_241, %parallel_loop3A_243 : vector<16xf32>
        %parallel_loop3A_245 = arith.constant 2.000000e-01 : f32
        %parallel_loop3A_246 = vector.broadcast %parallel_loop3A_245 : f32 to vector<16xf32>
        %parallel_loop3A_247 = arith.mulf %parallel_loop3A_246, %parallel_loop3A_241 : vector<16xf32>
        %parallel_loop3A_248 = arith.select %parallel_loop3A_244, %parallel_loop3A_241, %parallel_loop3A_247 : vector<16xi1>, vector<16xf32>
        %parallel_loop3A_249 = arith.subf %parallel_loop3A_248, %select_n3A : vector<16xf32>
        %parallel_loop3A_250 = math.exp %parallel_loop3A_249 : vector<16xf32>
        %parallel_loop3A_251 = arith.constant 1 : i32
        %parallel_loop3A_252 = arith.index_cast %parallel_loop3A_234 : i32 to index
        %parallel_loop3A_253 = arith.index_cast %parallel_loop3A_251 : i32 to index
        %parallel_loop3A_254 = arith.constant 0 : index
        %parallel_loop3A_255 = tpu.vector_load %arg19[%parallel_loop3A_252, %parallel_loop3A_253, %parallel_loop3A_254] {strides = array<i32>} : memref<128x2x16xf32, #tpu.memory_space<vmem>>, vector<16xf32>,
        tpu.vector_store %arg19[%parallel_loop3A_252, %parallel_loop3A_253, %parallel_loop3A_254], %parallel_loop3A_250 {strides = array<i32>} : memref<128x2x16xf32, #tpu.memory_space<vmem>>, vector<16xf32>,
        %parallel_loop3A_256 = vector.shape_cast %add3A_63 : vector<16xi32> to vector<16x1xi32>
        %parallel_loop3A_257 = vector.shape_cast %parallel_loop3A_256 : vector<16x1xi32> to vector<16xi32>
        %parallel_loop3A_258 = tpu.dynamic_gather %parallel_loop3A_250[%parallel_loop3A_257] in [0] : vector<16xf32>, vector<16xi32> -> vector<16xf32>
        %parallel_loop3A_259 = arith.constant 0 : i32
        %parallel_loop3A_260 = arith.index_cast %parallel_loop3A_234 : i32 to index
        %parallel_loop3A_261 = arith.index_cast %parallel_loop3A_259 : i32 to index
        %parallel_loop3A_262 = arith.constant 0 : index
        %parallel_loop3A_263 = tpu.vector_load %arg17[%parallel_loop3A_260, %parallel_loop3A_261, %parallel_loop3A_262] {strides = array<i32>} : memref<128x1x16xf32, #tpu.memory_space<vmem>>, vector<16xf32>,
        %parallel_loop3A_264 = arith.mulf %parallel_loop3A_258, %parallel_loop3A_263 : vector<16xf32>
        %parallel_loop3A_265 = arith.constant 0 : i32
        %parallel_loop3A_266 = arith.index_cast %parallel_loop3A_234 : i32 to index
        %parallel_loop3A_267 = arith.index_cast %parallel_loop3A_265 : i32 to index
        %parallel_loop3A_268 = arith.constant 0 : index
        %parallel_loop3A_269 = tpu.vector_load %arg19[%parallel_loop3A_266, %parallel_loop3A_267, %parallel_loop3A_268] {strides = array<i32>} : memref<128x2x16xf32, #tpu.memory_space<vmem>>, vector<16xf32>,
        tpu.vector_store %arg19[%parallel_loop3A_266, %parallel_loop3A_267, %parallel_loop3A_268], %parallel_loop3A_264 {strides = array<i32>} : memref<128x2x16xf32, #tpu.memory_space<vmem>>, vector<16xf32>,
      } {sc.loop_unroll_factor = 4 : i64, sc.parallel_access}
      %mul3A_227 = arith.constant 128 : i32
      %mul3A_228 = arith.muli %add3A_223, %mul3A_227 : i32
      %dma_start3A_229 = tpu.memref_slice %arg11[%mul3A_228] : memref<10368xi32, #tpu.memory_space<vmem>> -> memref<128xi32, #tpu.memory_space<vmem>>
      %dma_start3A_230 = arith.constant 0 : i32
      %dma_start3A_231 = arith.constant 0 : i32
      %dma_start3A_232 = arith.constant 0 : i32
      %dma_start3A_233 = tpu.memref_slice %arg9[%dma_start3A_230, %dma_start3A_231, %dma_start3A_232] : memref<10240x2x16xf32, #tpu.memory_space<vmem_shared>> -> memref<10240x2x16xf32, #tpu.memory_space<vmem_shared>>
      tpu.enqueue_indirect_dma source(%arg19 : memref<128x2x16xf32, #tpu.memory_space<vmem>>) target(%dma_start3A_233 : memref<10240x2x16xf32, #tpu.memory_space<vmem_shared>>) offsets(%dma_start3A_229 : memref<128xi32, #tpu.memory_space<vmem>>) semaphore(%arg29 : memref<!tpu.dma_semaphore, #tpu.memory_space<semaphore_mem>>) {add = true}
    }
    %scan3A_83 = arith.constant 40 : i32
    %dma_wait3A = arith.constant 0 : i32
    %dma_wait3A_84 = tpu.memref_slice %arg10[%dma_wait3A] : memref<10368xi32, #tpu.memory_space<vmem>> -> memref<128xi32, #tpu.memory_space<vmem>>
    %dma_wait3A_85 = arith.constant 0 : i32
    %dma_wait3A_86 = arith.constant 0 : i32
    %dma_wait3A_87 = tpu.memref_slice %arg2[%dma_wait3A_85, %dma_wait3A_86] : memref<10240x16xf32, #tpu.memory_space<hbm>> -> memref<10240x16xf32, #tpu.memory_space<hbm>>
    tpu.wait_indirect_dma semaphore(%arg22 : memref<!tpu.dma_semaphore, #tpu.memory_space<semaphore_mem>>) src(%dma_wait3A_87 : memref<10240x16xf32, #tpu.memory_space<hbm>>) dst(%arg12 : memref<128x16xf32, #tpu.memory_space<vmem>>)
    %dma_wait3A_88 = arith.constant 0 : i32
    %dma_wait3A_89 = tpu.memref_slice %arg10[%dma_wait3A_88] : memref<10368xi32, #tpu.memory_space<vmem>> -> memref<128xi32, #tpu.memory_space<vmem>>
    %dma_wait3A_90 = arith.constant 0 : i32
    %dma_wait3A_91 = arith.constant 0 : i32
    %dma_wait3A_92 = tpu.memref_slice %arg3[%dma_wait3A_90, %dma_wait3A_91] : memref<10240x16xf32, #tpu.memory_space<hbm>> -> memref<10240x16xf32, #tpu.memory_space<hbm>>
    tpu.wait_indirect_dma semaphore(%arg23 : memref<!tpu.dma_semaphore, #tpu.memory_space<semaphore_mem>>) src(%dma_wait3A_92 : memref<10240x16xf32, #tpu.memory_space<hbm>>) dst(%arg13 : memref<128x16xf32, #tpu.memory_space<vmem>>)
    %dma_wait3A_93 = arith.constant 0 : i32
    %dma_wait3A_94 = tpu.memref_slice %arg10[%dma_wait3A_93] : memref<10368xi32, #tpu.memory_space<vmem>> -> memref<128xi32, #tpu.memory_space<vmem>>
    %dma_wait3A_95 = arith.constant 0 : i32
    %dma_wait3A_96 = arith.constant 0 : i32
    %dma_wait3A_97 = arith.constant 0 : i32
    %dma_wait3A_98 = tpu.memref_slice %arg4[%dma_wait3A_95, %dma_wait3A_96, %dma_wait3A_97] : memref<10240x1x16xf32, #tpu.memory_space<hbm>> -> memref<10240x1x16xf32, #tpu.memory_space<hbm>>
    tpu.wait_indirect_dma semaphore(%arg24 : memref<!tpu.dma_semaphore, #tpu.memory_space<semaphore_mem>>) src(%dma_wait3A_98 : memref<10240x1x16xf32, #tpu.memory_space<hbm>>) dst(%arg16 : memref<128x1x16xf32, #tpu.memory_space<vmem>>)
    %dma_wait3A_99 = arith.constant 0 : i32
    %dma_wait3A_100 = tpu.memref_slice %arg11[%dma_wait3A_99] : memref<10368xi32, #tpu.memory_space<vmem>> -> memref<128xi32, #tpu.memory_space<vmem>>
    %dma_wait3A_101 = arith.constant 0 : i32
    %dma_wait3A_102 = arith.constant 0 : i32
    %dma_wait3A_103 = arith.constant 0 : i32
    %dma_wait3A_104 = tpu.memref_slice %arg9[%dma_wait3A_101, %dma_wait3A_102, %dma_wait3A_103] : memref<10240x2x16xf32, #tpu.memory_space<vmem_shared>> -> memref<10240x2x16xf32, #tpu.memory_space<vmem_shared>>
    tpu.wait_indirect_dma semaphore(%arg28 : memref<!tpu.dma_semaphore, #tpu.memory_space<semaphore_mem>>) src(%arg18 : memref<128x2x16xf32, #tpu.memory_space<vmem>>) dst(%dma_wait3A_104 : memref<10240x2x16xf32, #tpu.memory_space<vmem_shared>>)
    %parallel_loop3A_105 = arith.constant 0 : i32
    %parallel_loop3A_106 = arith.constant 128 : i32
    %parallel_loop3A_107 = arith.constant 1 : i32
    scf.for %parallel_loop3A_131 = %parallel_loop3A_105 to %parallel_loop3A_106 step %parallel_loop3A_107  : i32 {
      %parallel_loop3A_132 = arith.index_cast %parallel_loop3A_131 : i32 to index
      %parallel_loop3A_133 = arith.constant 0 : index
      %parallel_loop3A_134 = tpu.vector_load %arg12[%parallel_loop3A_132, %parallel_loop3A_133] {strides = array<i32>} : memref<128x16xf32, #tpu.memory_space<vmem>>, vector<16xf32>,
      %parallel_loop3A_135 = arith.index_cast %parallel_loop3A_131 : i32 to index
      %parallel_loop3A_136 = arith.constant 0 : index
      %parallel_loop3A_137 = tpu.vector_load %arg13[%parallel_loop3A_135, %parallel_loop3A_136] {strides = array<i32>} : memref<128x16xf32, #tpu.memory_space<vmem>>, vector<16xf32>,
      %parallel_loop3A_138 = arith.addf %parallel_loop3A_134, %parallel_loop3A_137 : vector<16xf32>
      %parallel_loop3A_139 = arith.constant 0.000000e+00 : f32
      %parallel_loop3A_140 = vector.broadcast %parallel_loop3A_139 : f32 to vector<16xf32>
      %parallel_loop3A_141 = arith.cmpf ogt, %parallel_loop3A_138, %parallel_loop3A_140 : vector<16xf32>
      %parallel_loop3A_142 = arith.constant 2.000000e-01 : f32
      %parallel_loop3A_143 = vector.broadcast %parallel_loop3A_142 : f32 to vector<16xf32>
      %parallel_loop3A_144 = arith.mulf %parallel_loop3A_143, %parallel_loop3A_138 : vector<16xf32>
      %parallel_loop3A_145 = arith.select %parallel_loop3A_141, %parallel_loop3A_138, %parallel_loop3A_144 : vector<16xi1>, vector<16xf32>
      %parallel_loop3A_146 = arith.subf %parallel_loop3A_145, %select_n3A : vector<16xf32>
      %parallel_loop3A_147 = math.exp %parallel_loop3A_146 : vector<16xf32>
      %parallel_loop3A_148 = arith.constant 1 : i32
      %parallel_loop3A_149 = arith.index_cast %parallel_loop3A_131 : i32 to index
      %parallel_loop3A_150 = arith.index_cast %parallel_loop3A_148 : i32 to index
      %parallel_loop3A_151 = arith.constant 0 : index
      %parallel_loop3A_152 = tpu.vector_load %arg18[%parallel_loop3A_149, %parallel_loop3A_150, %parallel_loop3A_151] {strides = array<i32>} : memref<128x2x16xf32, #tpu.memory_space<vmem>>, vector<16xf32>,
      tpu.vector_store %arg18[%parallel_loop3A_149, %parallel_loop3A_150, %parallel_loop3A_151], %parallel_loop3A_147 {strides = array<i32>} : memref<128x2x16xf32, #tpu.memory_space<vmem>>, vector<16xf32>,
      %parallel_loop3A_153 = vector.shape_cast %add3A_63 : vector<16xi32> to vector<16x1xi32>
      %parallel_loop3A_154 = vector.shape_cast %parallel_loop3A_153 : vector<16x1xi32> to vector<16xi32>
      %parallel_loop3A_155 = tpu.dynamic_gather %parallel_loop3A_147[%parallel_loop3A_154] in [0] : vector<16xf32>, vector<16xi32> -> vector<16xf32>
      %parallel_loop3A_156 = arith.constant 0 : i32
      %parallel_loop3A_157 = arith.index_cast %parallel_loop3A_131 : i32 to index
      %parallel_loop3A_158 = arith.index_cast %parallel_loop3A_156 : i32 to index
      %parallel_loop3A_159 = arith.constant 0 : index
      %parallel_loop3A_160 = tpu.vector_load %arg16[%parallel_loop3A_157, %parallel_loop3A_158, %parallel_loop3A_159] {strides = array<i32>} : memref<128x1x16xf32, #tpu.memory_space<vmem>>, vector<16xf32>,
      %parallel_loop3A_161 = arith.mulf %parallel_loop3A_155, %parallel_loop3A_160 : vector<16xf32>
      %parallel_loop3A_162 = arith.constant 0 : i32
      %parallel_loop3A_163 = arith.index_cast %parallel_loop3A_131 : i32 to index
      %parallel_loop3A_164 = arith.index_cast %parallel_loop3A_162 : i32 to index
      %parallel_loop3A_165 = arith.constant 0 : index
      %parallel_loop3A_166 = tpu.vector_load %arg18[%parallel_loop3A_163, %parallel_loop3A_164, %parallel_loop3A_165] {strides = array<i32>} : memref<128x2x16xf32, #tpu.memory_space<vmem>>, vector<16xf32>,
      tpu.vector_store %arg18[%parallel_loop3A_163, %parallel_loop3A_164, %parallel_loop3A_165], %parallel_loop3A_161 {strides = array<i32>} : memref<128x2x16xf32, #tpu.memory_space<vmem>>, vector<16xf32>,
    } {sc.loop_unroll_factor = 4 : i64, sc.parallel_access}
    %dma_start3A_108 = arith.constant 10240 : i32
    %dma_start3A_109 = tpu.memref_slice %arg11[%dma_start3A_108] : memref<10368xi32, #tpu.memory_space<vmem>> -> memref<128xi32, #tpu.memory_space<vmem>>
    %dma_start3A_110 = arith.constant 0 : i32
    %dma_start3A_111 = arith.constant 0 : i32
    %dma_start3A_112 = arith.constant 0 : i32
    %dma_start3A_113 = tpu.memref_slice %arg9[%dma_start3A_110, %dma_start3A_111, %dma_start3A_112] : memref<10240x2x16xf32, #tpu.memory_space<vmem_shared>> -> memref<10240x2x16xf32, #tpu.memory_space<vmem_shared>>
    tpu.enqueue_indirect_dma source(%arg18 : memref<128x2x16xf32, #tpu.memory_space<vmem>>) target(%dma_start3A_113 : memref<10240x2x16xf32, #tpu.memory_space<vmem_shared>>) offsets(%dma_start3A_109 : memref<128xi32, #tpu.memory_space<vmem>>) semaphore(%arg28 : memref<!tpu.dma_semaphore, #tpu.memory_space<semaphore_mem>>) {add = true}
    %dma_wait3A_114 = arith.constant 0 : i32
    %dma_wait3A_115 = tpu.memref_slice %arg11[%dma_wait3A_114] : memref<10368xi32, #tpu.memory_space<vmem>> -> memref<128xi32, #tpu.memory_space<vmem>>
    %dma_wait3A_116 = arith.constant 0 : i32
    %dma_wait3A_117 = arith.constant 0 : i32
    %dma_wait3A_118 = arith.constant 0 : i32
    %dma_wait3A_119 = tpu.memref_slice %arg9[%dma_wait3A_116, %dma_wait3A_117, %dma_wait3A_118] : memref<10240x2x16xf32, #tpu.memory_space<vmem_shared>> -> memref<10240x2x16xf32, #tpu.memory_space<vmem_shared>>
    tpu.wait_indirect_dma semaphore(%arg28 : memref<!tpu.dma_semaphore, #tpu.memory_space<semaphore_mem>>) src(%arg18 : memref<128x2x16xf32, #tpu.memory_space<vmem>>) dst(%dma_wait3A_119 : memref<10240x2x16xf32, #tpu.memory_space<vmem_shared>>)
    %dma_wait3A_120 = arith.constant 0 : i32
    %dma_wait3A_121 = tpu.memref_slice %arg11[%dma_wait3A_120] : memref<10368xi32, #tpu.memory_space<vmem>> -> memref<128xi32, #tpu.memory_space<vmem>>
    %dma_wait3A_122 = arith.constant 0 : i32
    %dma_wait3A_123 = arith.constant 0 : i32
    %dma_wait3A_124 = arith.constant 0 : i32
    %dma_wait3A_125 = tpu.memref_slice %arg9[%dma_wait3A_122, %dma_wait3A_123, %dma_wait3A_124] : memref<10240x2x16xf32, #tpu.memory_space<vmem_shared>> -> memref<10240x2x16xf32, #tpu.memory_space<vmem_shared>>
    tpu.wait_indirect_dma semaphore(%arg29 : memref<!tpu.dma_semaphore, #tpu.memory_space<semaphore_mem>>) src(%arg19 : memref<128x2x16xf32, #tpu.memory_space<vmem>>) dst(%dma_wait3A_125 : memref<10240x2x16xf32, #tpu.memory_space<vmem_shared>>)
    %barrier3A_126 = arith.constant 0 : index
    tpu.barrier barrier_id(%barrier3A_126)
    %mul3A_127 = arith.constant 640 : i32
    %mul3A_128 = arith.muli %arg1, %mul3A_127 : i32
    %mul3A_129 = arith.constant 640 : i32
    %mul3A_130 = arith.muli %arg1, %mul3A_129 : i32
    "tpu.region"() ({
      %run_scoped3A = tpu.sem_alloc : memref<!tpu.dma_semaphore, #tpu.memory_space<semaphore_mem>>
      %dma_start3A_131 = arith.constant 0 : i32
      %dma_start3A_132 = arith.constant 0 : i32
      %dma_start3A_133 = tpu.memref_slice %arg8[%arg0, %mul3A_130, %dma_start3A_131, %dma_start3A_132] : memref<2x10240x2x16xf32, #tpu.memory_space<hbm>> -> memref<1x640x2x16xf32, #tpu.memory_space<hbm>>
      %dma_start3A_134 = tpu.memref_squeeze %dma_start3A_133 : memref<1x640x2x16xf32, #tpu.memory_space<hbm>> -> memref<640x2x16xf32, #tpu.memory_space<hbm>>
      %dma_start3A_135 = arith.constant 0 : i32
      %dma_start3A_136 = arith.constant 0 : i32
      %dma_start3A_137 = tpu.memref_slice %arg9[%mul3A_128, %dma_start3A_135, %dma_start3A_136] : memref<10240x2x16xf32, #tpu.memory_space<vmem_shared>> -> memref<640x2x16xf32, #tpu.memory_space<vmem_shared>>
      tpu.enqueue_dma source(%dma_start3A_137 : memref<640x2x16xf32, #tpu.memory_space<vmem_shared>>) target(%dma_start3A_134 : memref<640x2x16xf32, #tpu.memory_space<hbm>>) target_semaphore(%run_scoped3A : memref<!tpu.dma_semaphore, #tpu.memory_space<semaphore_mem>>)
      %dma_wait3A_138 = arith.constant 0 : i32
      %dma_wait3A_139 = arith.constant 0 : i32
      %dma_wait3A_140 = tpu.memref_slice %arg8[%arg0, %mul3A_130, %dma_wait3A_138, %dma_wait3A_139] : memref<2x10240x2x16xf32, #tpu.memory_space<hbm>> -> memref<1x640x2x16xf32, #tpu.memory_space<hbm>>
      %dma_wait3A_141 = tpu.memref_squeeze %dma_wait3A_140 : memref<1x640x2x16xf32, #tpu.memory_space<hbm>> -> memref<640x2x16xf32, #tpu.memory_space<hbm>>
      %dma_wait3A_142 = arith.constant 0 : i32
      %dma_wait3A_143 = arith.constant 0 : i32
      %dma_wait3A_144 = tpu.memref_slice %arg9[%mul3A_128, %dma_wait3A_142, %dma_wait3A_143] : memref<10240x2x16xf32, #tpu.memory_space<vmem_shared>> -> memref<640x2x16xf32, #tpu.memory_space<vmem_shared>>
      tpu.wait_dma2 semaphore(%run_scoped3A : memref<!tpu.dma_semaphore, #tpu.memory_space<semaphore_mem>>) src(%dma_wait3A_144 : memref<640x2x16xf32, #tpu.memory_space<vmem_shared>>) dst(%dma_wait3A_141 : memref<640x2x16xf32, #tpu.memory_space<hbm>>)
      tpu.yield
    }) : () -> ()
    return
  }
}

module attributes {stable_mosaic.version = 14 : i64} {
  func.func @_mm_first_body(%arg0: i32, %arg1: memref<1280x128xf32, #tpu.memory_space<vmem>>, %arg2: memref<128x80xf32, #tpu.memory_space<vmem>>, %arg3: memref<1280x64xf32, #tpu.memory_space<vmem>>, %arg4: memref<1280x16xf32, #tpu.memory_space<vmem>>, %arg5: memref<1280x16xf32, #tpu.memory_space<vmem>>, %arg6: memref<8x16xf32, #tpu.memory_space<vmem>>) attributes {dimension_semantics = [#tpu.dimension_semantics<arbitrary>], iteration_bounds = array<i64: 8>, scalar_prefetch = 0 : i64, scratch_operands = 0 : i64, tpu.core_type = #tpu.core_type<tc>, window_params = [{transform_indices = @transform_0, window_bounds = array<i64: 1280, 128>}, {pipeline_mode = #tpu.pipeline_mode<synchronous>, transform_indices = @transform_1, window_bounds = array<i64: 128, 80>}, {transform_indices = @transform_2, window_bounds = array<i64: 1280, 64>}, {transform_indices = @transform_3, window_bounds = array<i64: 1280, 16>}, {transform_indices = @transform_4, window_bounds = array<i64: 1280, 16>}, {pipeline_mode = #tpu.pipeline_mode<synchronous>, transform_indices = @transform_5, window_bounds = array<i64: 8, 16>}]} {
    %get3A = arith.constant 0 : index
    %get3A_0 = arith.constant 0 : index
    %get3A_1 = vector.load %arg1[%get3A, %get3A_0] : memref<1280x128xf32, #tpu.memory_space<vmem>>, vector<1280x128xf32>
    %get3A_2 = arith.constant 0 : index
    %get3A_3 = arith.constant 0 : index
    %get3A_4 = vector.load %arg2[%get3A_2, %get3A_3] : memref<128x80xf32, #tpu.memory_space<vmem>>, vector<128x80xf32>
    %dot_general3A = arith.constant dense<0.000000e+00> : vector<1280x80xf32>
    %dot_general3A_5 = tpu.matmul %get3A_1, %get3A_4, %dot_general3A {dimension_numbers = #tpu.dot_dimension_numbers<[1], [0], [0], [1], [0, 0, 1, 1], [], []>, transpose_lhs_hint = false} : vector<1280x128xf32>, vector<128x80xf32>, vector<1280x80xf32> -> vector<1280x80xf32>
    %slice3A = vector.extract_strided_slice %dot_general3A_5 {offsets = [0, 0], sizes = [1280, 64], strides = [1, 1]} : vector<1280x80xf32> to vector<1280x64xf32>
    %swap3A = arith.constant 0 : index
    %swap3A_6 = arith.constant 0 : index
    %swap3A_7 = vector.load %arg3[%swap3A, %swap3A_6] : memref<1280x64xf32, #tpu.memory_space<vmem>>, vector<1280x64xf32>
    tpu.vector_store %arg3[%swap3A, %swap3A_6], %slice3A {strides = array<i32>} : memref<1280x64xf32, #tpu.memory_space<vmem>>, vector<1280x64xf32>,
    %slice3A_8 = vector.extract_strided_slice %dot_general3A_5 {offsets = [0, 64], sizes = [1280, 16], strides = [1, 1]} : vector<1280x80xf32> to vector<1280x16xf32>
    %swap3A_9 = arith.constant 0 : index
    %swap3A_10 = arith.constant 0 : index
    %swap3A_11 = vector.load %arg4[%swap3A_9, %swap3A_10] : memref<1280x16xf32, #tpu.memory_space<vmem>>, vector<1280x16xf32>
    tpu.vector_store %arg4[%swap3A_9, %swap3A_10], %slice3A_8 {strides = array<i32>} : memref<1280x16xf32, #tpu.memory_space<vmem>>, vector<1280x16xf32>,
    %slice3A_12 = vector.extract_strided_slice %dot_general3A_5 {offsets = [0, 72], sizes = [1280, 8], strides = [1, 1]} : vector<1280x80xf32> to vector<1280x8xf32>
    %slice3A_13 = vector.extract_strided_slice %dot_general3A_5 {offsets = [0, 64], sizes = [1280, 8], strides = [1, 1]} : vector<1280x80xf32> to vector<1280x8xf32>
    %concatenate3A = tpu.concatenate %slice3A_12, %slice3A_13 in 1 : vector<1280x8xf32>, vector<1280x8xf32> -> vector<1280x16xf32>
    %swap3A_14 = arith.constant 0 : index
    %swap3A_15 = arith.constant 0 : index
    %swap3A_16 = vector.load %arg5[%swap3A_14, %swap3A_15] : memref<1280x16xf32, #tpu.memory_space<vmem>>, vector<1280x16xf32>
    tpu.vector_store %arg5[%swap3A_14, %swap3A_15], %concatenate3A {strides = array<i32>} : memref<1280x16xf32, #tpu.memory_space<vmem>>, vector<1280x16xf32>,
    %reduce_max3A = arith.constant dense<0xFF800000> : vector<16xf32>
    %reduce_max3A_17 = vector.multi_reduction <maximumf>, %slice3A_8, %reduce_max3A [0] : vector<1280x16xf32> to vector<16xf32>
    %broadcast_in_dim3A = vector.shape_cast %reduce_max3A_17 : vector<16xf32> to vector<1x16xf32>
    %broadcast_in_dim3A_18 = vector.shape_cast %broadcast_in_dim3A : vector<1x16xf32> to vector<1x16xf32>
    %broadcast_in_dim3A_19 = vector.broadcast %broadcast_in_dim3A_18 : vector<1x16xf32> to vector<8x16xf32>
    %eq3A = arith.constant 0 : i32
    %eq3A_20 = arith.cmpi eq, %arg0, %eq3A : i32
    %convert_element_type3A = arith.extui %eq3A_20 : i1 to i32
    %cond3A = arith.constant 0 : i32
    %cond3A_21 = arith.cmpi ne, %convert_element_type3A, %cond3A : i32
    scf.if %cond3A_21 {
      %swap3A_26 = arith.constant 0 : index
      %swap3A_27 = arith.constant 0 : index
      %swap3A_28 = vector.load %arg6[%swap3A_26, %swap3A_27] : memref<8x16xf32, #tpu.memory_space<vmem>>, vector<8x16xf32>
      tpu.vector_store %arg6[%swap3A_26, %swap3A_27], %broadcast_in_dim3A_19 {strides = array<i32>} : memref<8x16xf32, #tpu.memory_space<vmem>>, vector<8x16xf32>,
    } else {
    }
    %gt3A = arith.constant 0 : i32
    %gt3A_22 = arith.cmpi sgt, %arg0, %gt3A : i32
    %convert_element_type3A_23 = arith.extui %gt3A_22 : i1 to i32
    %cond3A_24 = arith.constant 0 : i32
    %cond3A_25 = arith.cmpi ne, %convert_element_type3A_23, %cond3A_24 : i32
    scf.if %cond3A_25 {
      %get3A_26 = arith.constant 0 : index
      %get3A_27 = arith.constant 0 : index
      %get3A_28 = vector.load %arg6[%get3A_26, %get3A_27] : memref<8x16xf32, #tpu.memory_space<vmem>>, vector<8x16xf32>
      %max3A = arith.maximumf %get3A_28, %broadcast_in_dim3A_19 : vector<8x16xf32>
      %swap3A_29 = arith.constant 0 : index
      %swap3A_30 = arith.constant 0 : index
      %swap3A_31 = vector.load %arg6[%swap3A_29, %swap3A_30] : memref<8x16xf32, #tpu.memory_space<vmem>>, vector<8x16xf32>
      tpu.vector_store %arg6[%swap3A_29, %swap3A_30], %max3A {strides = array<i32>} : memref<8x16xf32, #tpu.memory_space<vmem>>, vector<8x16xf32>,
    } else {
    }
    return
  }
  func.func @transform_0(%arg0: i32) -> (i32, i32) {
    %c0_i32 = arith.constant 0 : i32
    %c0_i32_0 = arith.constant 0 : i32
    return %arg0, %c0_i32 : i32, i32
  }
  func.func @transform_1(%arg0: i32) -> (i32, i32) {
    %c0_i32 = arith.constant 0 : i32
    %c0_i32_0 = arith.constant 0 : i32
    %c0_i32_1 = arith.constant 0 : i32
    return %c0_i32, %c0_i32_0 : i32, i32
  }
  func.func @transform_2(%arg0: i32) -> (i32, i32) {
    %c0_i32 = arith.constant 0 : i32
    %c0_i32_0 = arith.constant 0 : i32
    return %arg0, %c0_i32 : i32, i32
  }
  func.func @transform_3(%arg0: i32) -> (i32, i32) {
    %c0_i32 = arith.constant 0 : i32
    %c0_i32_0 = arith.constant 0 : i32
    return %arg0, %c0_i32 : i32, i32
  }
  func.func @transform_4(%arg0: i32) -> (i32, i32) {
    %c0_i32 = arith.constant 0 : i32
    %c0_i32_0 = arith.constant 0 : i32
    return %arg0, %c0_i32 : i32, i32
  }
  func.func @transform_5(%arg0: i32) -> (i32, i32) {
    %c0_i32 = arith.constant 0 : i32
    %c0_i32_0 = arith.constant 0 : i32
    %c0_i32_1 = arith.constant 0 : i32
    return %c0_i32, %c0_i32_0 : i32, i32
  }
}

module attributes {stable_mosaic.version = 14 : i64} {
  func.func @_mm_next_body(%arg0: i32, %arg1: memref<2x1280x80xf32, #tpu.memory_space<vmem>>, %arg2: memref<1x64xf32, #tpu.memory_space<vmem>>, %arg3: memref<64x80xf32, #tpu.memory_space<vmem>>, %arg4: memref<1280x64xf32, #tpu.memory_space<vmem>>, %arg5: memref<1280x16xf32, #tpu.memory_space<vmem>>, %arg6: memref<1280x16xf32, #tpu.memory_space<vmem>>, %arg7: memref<8x16xf32, #tpu.memory_space<vmem>>) attributes {dimension_semantics = [#tpu.dimension_semantics<arbitrary>], iteration_bounds = array<i64: 8>, scalar_prefetch = 0 : i64, scratch_operands = 0 : i64, tpu.core_type = #tpu.core_type<tc>, window_params = [{transform_indices = @transform_0, window_bounds = array<i64: 2, 1280, 80>}, {pipeline_mode = #tpu.pipeline_mode<synchronous>, transform_indices = @transform_1, window_bounds = array<i64: 1, 64>}, {pipeline_mode = #tpu.pipeline_mode<synchronous>, transform_indices = @transform_2, window_bounds = array<i64: 64, 80>}, {transform_indices = @transform_3, window_bounds = array<i64: 1280, 64>}, {transform_indices = @transform_4, window_bounds = array<i64: 1280, 16>}, {transform_indices = @transform_5, window_bounds = array<i64: 1280, 16>}, {pipeline_mode = #tpu.pipeline_mode<synchronous>, transform_indices = @transform_6, window_bounds = array<i64: 8, 16>}]} {
    %get3A = arith.constant 0 : index
    %get3A_0 = arith.constant 0 : index
    %get3A_1 = arith.constant 0 : index
    %get3A_2 = vector.load %arg1[%get3A, %get3A_0, %get3A_1] : memref<2x1280x80xf32, #tpu.memory_space<vmem>>, vector<2x1280x80xf32>
    %slice3A = vector.extract_strided_slice %get3A_2 {offsets = [0, 0, 0], sizes = [1, 1280, 64], strides = [1, 1, 1]} : vector<2x1280x80xf32> to vector<1x1280x64xf32>
    %squeeze3A = vector.shape_cast %slice3A : vector<1x1280x64xf32> to vector<1280x64xf32>
    %slice3A_3 = vector.extract_strided_slice %get3A_2 {offsets = [1, 0, 0], sizes = [1, 1280, 64], strides = [1, 1, 1]} : vector<2x1280x80xf32> to vector<1x1280x64xf32>
    %squeeze3A_4 = vector.shape_cast %slice3A_3 : vector<1x1280x64xf32> to vector<1280x64xf32>
    %add3A = arith.addf %squeeze3A, %squeeze3A_4 : vector<1280x64xf32>
    %slice3A_5 = vector.extract_strided_slice %get3A_2 {offsets = [0, 0, 64], sizes = [1, 1280, 8], strides = [1, 1, 1]} : vector<2x1280x80xf32> to vector<1x1280x8xf32>
    %squeeze3A_6 = vector.shape_cast %slice3A_5 : vector<1x1280x8xf32> to vector<1280x8xf32>
    %slice3A_7 = vector.extract_strided_slice %get3A_2 {offsets = [1, 0, 64], sizes = [1, 1280, 8], strides = [1, 1, 1]} : vector<2x1280x80xf32> to vector<1x1280x8xf32>
    %squeeze3A_8 = vector.shape_cast %slice3A_7 : vector<1x1280x8xf32> to vector<1280x8xf32>
    %add3A_9 = arith.addf %squeeze3A_6, %squeeze3A_8 : vector<1280x8xf32>
    %broadcast_in_dim3A = vector.shape_cast %add3A_9 : vector<1280x8xf32> to vector<1280x8x1xf32>
    %broadcast_in_dim3A_10 = vector.broadcast %broadcast_in_dim3A : vector<1280x8x1xf32> to vector<1280x8x8xf32>
    %reshape3A = vector.shape_cast %broadcast_in_dim3A_10 : vector<1280x8x8xf32> to vector<1280x64xf32>
    %add3A_11 = arith.constant 1.000000e-16 : f32
    %add3A_12 = vector.broadcast %add3A_11 : f32 to vector<1280x64xf32>
    %add3A_13 = arith.addf %reshape3A, %add3A_12 : vector<1280x64xf32>
    %div3A = arith.divf %add3A, %add3A_13 : vector<1280x64xf32>
    %get3A_14 = arith.constant 0 : index
    %get3A_15 = arith.constant 0 : index
    %get3A_16 = vector.load %arg2[%get3A_14, %get3A_15] : memref<1x64xf32, #tpu.memory_space<vmem>>, vector<1x64xf32>
    %add3A_17 = vector.broadcast %get3A_16 : vector<1x64xf32> to vector<1280x64xf32>
    %add3A_18 = arith.addf %div3A, %add3A_17 : vector<1280x64xf32>
    %gt3A = arith.constant 0.000000e+00 : f32
    %gt3A_19 = vector.broadcast %gt3A : f32 to vector<1280x64xf32>
    %gt3A_20 = arith.cmpf ogt, %add3A_18, %gt3A_19 : vector<1280x64xf32>
    %exp3A = math.exp %add3A_18 : vector<1280x64xf32>
    %sub3A = arith.constant 1.000000e+00 : f32
    %sub3A_21 = vector.broadcast %sub3A : f32 to vector<1280x64xf32>
    %sub3A_22 = arith.subf %exp3A, %sub3A_21 : vector<1280x64xf32>
    %select_n3A = arith.select %gt3A_20, %add3A_18, %sub3A_22 : vector<1280x64xi1>, vector<1280x64xf32>
    %get3A_23 = arith.constant 0 : index
    %get3A_24 = arith.constant 0 : index
    %get3A_25 = vector.load %arg3[%get3A_23, %get3A_24] : memref<64x80xf32, #tpu.memory_space<vmem>>, vector<64x80xf32>
    %dot_general3A = arith.constant dense<0.000000e+00> : vector<1280x80xf32>
    %dot_general3A_26 = tpu.matmul %select_n3A, %get3A_25, %dot_general3A {dimension_numbers = #tpu.dot_dimension_numbers<[1], [0], [0], [1], [0, 0, 1, 1], [], []>, transpose_lhs_hint = false} : vector<1280x64xf32>, vector<64x80xf32>, vector<1280x80xf32> -> vector<1280x80xf32>
    %slice3A_27 = vector.extract_strided_slice %dot_general3A_26 {offsets = [0, 0], sizes = [1280, 64], strides = [1, 1]} : vector<1280x80xf32> to vector<1280x64xf32>
    %swap3A = arith.constant 0 : index
    %swap3A_28 = arith.constant 0 : index
    %swap3A_29 = vector.load %arg4[%swap3A, %swap3A_28] : memref<1280x64xf32, #tpu.memory_space<vmem>>, vector<1280x64xf32>
    tpu.vector_store %arg4[%swap3A, %swap3A_28], %slice3A_27 {strides = array<i32>} : memref<1280x64xf32, #tpu.memory_space<vmem>>, vector<1280x64xf32>,
    %slice3A_30 = vector.extract_strided_slice %dot_general3A_26 {offsets = [0, 64], sizes = [1280, 16], strides = [1, 1]} : vector<1280x80xf32> to vector<1280x16xf32>
    %swap3A_31 = arith.constant 0 : index
    %swap3A_32 = arith.constant 0 : index
    %swap3A_33 = vector.load %arg5[%swap3A_31, %swap3A_32] : memref<1280x16xf32, #tpu.memory_space<vmem>>, vector<1280x16xf32>
    tpu.vector_store %arg5[%swap3A_31, %swap3A_32], %slice3A_30 {strides = array<i32>} : memref<1280x16xf32, #tpu.memory_space<vmem>>, vector<1280x16xf32>,
    %slice3A_34 = vector.extract_strided_slice %dot_general3A_26 {offsets = [0, 72], sizes = [1280, 8], strides = [1, 1]} : vector<1280x80xf32> to vector<1280x8xf32>
    %slice3A_35 = vector.extract_strided_slice %dot_general3A_26 {offsets = [0, 64], sizes = [1280, 8], strides = [1, 1]} : vector<1280x80xf32> to vector<1280x8xf32>
    %concatenate3A = tpu.concatenate %slice3A_34, %slice3A_35 in 1 : vector<1280x8xf32>, vector<1280x8xf32> -> vector<1280x16xf32>
    %swap3A_36 = arith.constant 0 : index
    %swap3A_37 = arith.constant 0 : index
    %swap3A_38 = vector.load %arg6[%swap3A_36, %swap3A_37] : memref<1280x16xf32, #tpu.memory_space<vmem>>, vector<1280x16xf32>
    tpu.vector_store %arg6[%swap3A_36, %swap3A_37], %concatenate3A {strides = array<i32>} : memref<1280x16xf32, #tpu.memory_space<vmem>>, vector<1280x16xf32>,
    %reduce_max3A = arith.constant dense<0xFF800000> : vector<16xf32>
    %reduce_max3A_39 = vector.multi_reduction <maximumf>, %slice3A_30, %reduce_max3A [0] : vector<1280x16xf32> to vector<16xf32>
    %broadcast_in_dim3A_40 = vector.shape_cast %reduce_max3A_39 : vector<16xf32> to vector<1x16xf32>
    %broadcast_in_dim3A_41 = vector.shape_cast %broadcast_in_dim3A_40 : vector<1x16xf32> to vector<1x16xf32>
    %broadcast_in_dim3A_42 = vector.broadcast %broadcast_in_dim3A_41 : vector<1x16xf32> to vector<8x16xf32>
    %eq3A = arith.constant 0 : i32
    %eq3A_43 = arith.cmpi eq, %arg0, %eq3A : i32
    %convert_element_type3A = arith.extui %eq3A_43 : i1 to i32
    %cond3A = arith.constant 0 : i32
    %cond3A_44 = arith.cmpi ne, %convert_element_type3A, %cond3A : i32
    scf.if %cond3A_44 {
      %swap3A_50 = arith.constant 0 : index
      %swap3A_51 = arith.constant 0 : index
      %swap3A_52 = vector.load %arg7[%swap3A_50, %swap3A_51] : memref<8x16xf32, #tpu.memory_space<vmem>>, vector<8x16xf32>
      tpu.vector_store %arg7[%swap3A_50, %swap3A_51], %broadcast_in_dim3A_42 {strides = array<i32>} : memref<8x16xf32, #tpu.memory_space<vmem>>, vector<8x16xf32>,
    } else {
    }
    %gt3A_45 = arith.constant 0 : i32
    %gt3A_46 = arith.cmpi sgt, %arg0, %gt3A_45 : i32
    %convert_element_type3A_47 = arith.extui %gt3A_46 : i1 to i32
    %cond3A_48 = arith.constant 0 : i32
    %cond3A_49 = arith.cmpi ne, %convert_element_type3A_47, %cond3A_48 : i32
    scf.if %cond3A_49 {
      %get3A_50 = arith.constant 0 : index
      %get3A_51 = arith.constant 0 : index
      %get3A_52 = vector.load %arg7[%get3A_50, %get3A_51] : memref<8x16xf32, #tpu.memory_space<vmem>>, vector<8x16xf32>
      %max3A = arith.maximumf %get3A_52, %broadcast_in_dim3A_42 : vector<8x16xf32>
      %swap3A_53 = arith.constant 0 : index
      %swap3A_54 = arith.constant 0 : index
      %swap3A_55 = vector.load %arg7[%swap3A_53, %swap3A_54] : memref<8x16xf32, #tpu.memory_space<vmem>>, vector<8x16xf32>
      tpu.vector_store %arg7[%swap3A_53, %swap3A_54], %max3A {strides = array<i32>} : memref<8x16xf32, #tpu.memory_space<vmem>>, vector<8x16xf32>,
    } else {
    }
    return
  }
  func.func @transform_0(%arg0: i32) -> (i32, i32, i32) {
    %c0_i32 = arith.constant 0 : i32
    %c0_i32_0 = arith.constant 0 : i32
    %c0_i32_1 = arith.constant 0 : i32
    return %c0_i32, %arg0, %c0_i32_0 : i32, i32, i32
  }
  func.func @transform_1(%arg0: i32) -> (i32, i32) {
    %c0_i32 = arith.constant 0 : i32
    %c0_i32_0 = arith.constant 0 : i32
    %c0_i32_1 = arith.constant 0 : i32
    return %c0_i32, %c0_i32_0 : i32, i32
  }
  func.func @transform_2(%arg0: i32) -> (i32, i32) {
    %c0_i32 = arith.constant 0 : i32
    %c0_i32_0 = arith.constant 0 : i32
    %c0_i32_1 = arith.constant 0 : i32
    return %c0_i32, %c0_i32_0 : i32, i32
  }
  func.func @transform_3(%arg0: i32) -> (i32, i32) {
    %c0_i32 = arith.constant 0 : i32
    %c0_i32_0 = arith.constant 0 : i32
    return %arg0, %c0_i32 : i32, i32
  }
  func.func @transform_4(%arg0: i32) -> (i32, i32) {
    %c0_i32 = arith.constant 0 : i32
    %c0_i32_0 = arith.constant 0 : i32
    return %arg0, %c0_i32 : i32, i32
  }
  func.func @transform_5(%arg0: i32) -> (i32, i32) {
    %c0_i32 = arith.constant 0 : i32
    %c0_i32_0 = arith.constant 0 : i32
    return %arg0, %c0_i32 : i32, i32
  }
  func.func @transform_6(%arg0: i32) -> (i32, i32) {
    %c0_i32 = arith.constant 0 : i32
    %c0_i32_0 = arith.constant 0 : i32
    %c0_i32_1 = arith.constant 0 : i32
    return %c0_i32, %c0_i32_0 : i32, i32
  }
}

module attributes {stable_mosaic.version = 14 : i64} {
  func.func @_mm_next_body(%arg0: i32, %arg1: memref<2x1280x80xf32, #tpu.memory_space<vmem>>, %arg2: memref<1x64xf32, #tpu.memory_space<vmem>>, %arg3: memref<64x32xf32, #tpu.memory_space<vmem>>, %arg4: memref<1280x16xf32, #tpu.memory_space<vmem>>, %arg5: memref<1280x16xf32, #tpu.memory_space<vmem>>, %arg6: memref<1280x16xf32, #tpu.memory_space<vmem>>, %arg7: memref<8x16xf32, #tpu.memory_space<vmem>>) attributes {dimension_semantics = [#tpu.dimension_semantics<arbitrary>], iteration_bounds = array<i64: 8>, scalar_prefetch = 0 : i64, scratch_operands = 0 : i64, tpu.core_type = #tpu.core_type<tc>, window_params = [{transform_indices = @transform_0, window_bounds = array<i64: 2, 1280, 80>}, {pipeline_mode = #tpu.pipeline_mode<synchronous>, transform_indices = @transform_1, window_bounds = array<i64: 1, 64>}, {pipeline_mode = #tpu.pipeline_mode<synchronous>, transform_indices = @transform_2, window_bounds = array<i64: 64, 32>}, {transform_indices = @transform_3, window_bounds = array<i64: 1280, 16>}, {transform_indices = @transform_4, window_bounds = array<i64: 1280, 16>}, {transform_indices = @transform_5, window_bounds = array<i64: 1280, 16>}, {pipeline_mode = #tpu.pipeline_mode<synchronous>, transform_indices = @transform_6, window_bounds = array<i64: 8, 16>}]} {
    %get3A = arith.constant 0 : index
    %get3A_0 = arith.constant 0 : index
    %get3A_1 = arith.constant 0 : index
    %get3A_2 = vector.load %arg1[%get3A, %get3A_0, %get3A_1] : memref<2x1280x80xf32, #tpu.memory_space<vmem>>, vector<2x1280x80xf32>
    %slice3A = vector.extract_strided_slice %get3A_2 {offsets = [0, 0, 0], sizes = [1, 1280, 64], strides = [1, 1, 1]} : vector<2x1280x80xf32> to vector<1x1280x64xf32>
    %squeeze3A = vector.shape_cast %slice3A : vector<1x1280x64xf32> to vector<1280x64xf32>
    %slice3A_3 = vector.extract_strided_slice %get3A_2 {offsets = [1, 0, 0], sizes = [1, 1280, 64], strides = [1, 1, 1]} : vector<2x1280x80xf32> to vector<1x1280x64xf32>
    %squeeze3A_4 = vector.shape_cast %slice3A_3 : vector<1x1280x64xf32> to vector<1280x64xf32>
    %add3A = arith.addf %squeeze3A, %squeeze3A_4 : vector<1280x64xf32>
    %slice3A_5 = vector.extract_strided_slice %get3A_2 {offsets = [0, 0, 64], sizes = [1, 1280, 8], strides = [1, 1, 1]} : vector<2x1280x80xf32> to vector<1x1280x8xf32>
    %squeeze3A_6 = vector.shape_cast %slice3A_5 : vector<1x1280x8xf32> to vector<1280x8xf32>
    %slice3A_7 = vector.extract_strided_slice %get3A_2 {offsets = [1, 0, 64], sizes = [1, 1280, 8], strides = [1, 1, 1]} : vector<2x1280x80xf32> to vector<1x1280x8xf32>
    %squeeze3A_8 = vector.shape_cast %slice3A_7 : vector<1x1280x8xf32> to vector<1280x8xf32>
    %add3A_9 = arith.addf %squeeze3A_6, %squeeze3A_8 : vector<1280x8xf32>
    %broadcast_in_dim3A = vector.shape_cast %add3A_9 : vector<1280x8xf32> to vector<1280x8x1xf32>
    %broadcast_in_dim3A_10 = vector.broadcast %broadcast_in_dim3A : vector<1280x8x1xf32> to vector<1280x8x8xf32>
    %reshape3A = vector.shape_cast %broadcast_in_dim3A_10 : vector<1280x8x8xf32> to vector<1280x64xf32>
    %add3A_11 = arith.constant 1.000000e-16 : f32
    %add3A_12 = vector.broadcast %add3A_11 : f32 to vector<1280x64xf32>
    %add3A_13 = arith.addf %reshape3A, %add3A_12 : vector<1280x64xf32>
    %div3A = arith.divf %add3A, %add3A_13 : vector<1280x64xf32>
    %get3A_14 = arith.constant 0 : index
    %get3A_15 = arith.constant 0 : index
    %get3A_16 = vector.load %arg2[%get3A_14, %get3A_15] : memref<1x64xf32, #tpu.memory_space<vmem>>, vector<1x64xf32>
    %add3A_17 = vector.broadcast %get3A_16 : vector<1x64xf32> to vector<1280x64xf32>
    %add3A_18 = arith.addf %div3A, %add3A_17 : vector<1280x64xf32>
    %gt3A = arith.constant 0.000000e+00 : f32
    %gt3A_19 = vector.broadcast %gt3A : f32 to vector<1280x64xf32>
    %gt3A_20 = arith.cmpf ogt, %add3A_18, %gt3A_19 : vector<1280x64xf32>
    %exp3A = math.exp %add3A_18 : vector<1280x64xf32>
    %sub3A = arith.constant 1.000000e+00 : f32
    %sub3A_21 = vector.broadcast %sub3A : f32 to vector<1280x64xf32>
    %sub3A_22 = arith.subf %exp3A, %sub3A_21 : vector<1280x64xf32>
    %select_n3A = arith.select %gt3A_20, %add3A_18, %sub3A_22 : vector<1280x64xi1>, vector<1280x64xf32>
    %get3A_23 = arith.constant 0 : index
    %get3A_24 = arith.constant 0 : index
    %get3A_25 = vector.load %arg3[%get3A_23, %get3A_24] : memref<64x32xf32, #tpu.memory_space<vmem>>, vector<64x32xf32>
    %dot_general3A = arith.constant dense<0.000000e+00> : vector<1280x32xf32>
    %dot_general3A_26 = tpu.matmul %select_n3A, %get3A_25, %dot_general3A {dimension_numbers = #tpu.dot_dimension_numbers<[1], [0], [0], [1], [0, 0, 1, 1], [], []>, transpose_lhs_hint = false} : vector<1280x64xf32>, vector<64x32xf32>, vector<1280x32xf32> -> vector<1280x32xf32>
    %slice3A_27 = vector.extract_strided_slice %dot_general3A_26 {offsets = [0, 0], sizes = [1280, 16], strides = [1, 1]} : vector<1280x32xf32> to vector<1280x16xf32>
    %swap3A = arith.constant 0 : index
    %swap3A_28 = arith.constant 0 : index
    %swap3A_29 = vector.load %arg4[%swap3A, %swap3A_28] : memref<1280x16xf32, #tpu.memory_space<vmem>>, vector<1280x16xf32>
    tpu.vector_store %arg4[%swap3A, %swap3A_28], %slice3A_27 {strides = array<i32>} : memref<1280x16xf32, #tpu.memory_space<vmem>>, vector<1280x16xf32>,
    %slice3A_30 = vector.extract_strided_slice %dot_general3A_26 {offsets = [0, 16], sizes = [1280, 16], strides = [1, 1]} : vector<1280x32xf32> to vector<1280x16xf32>
    %swap3A_31 = arith.constant 0 : index
    %swap3A_32 = arith.constant 0 : index
    %swap3A_33 = vector.load %arg5[%swap3A_31, %swap3A_32] : memref<1280x16xf32, #tpu.memory_space<vmem>>, vector<1280x16xf32>
    tpu.vector_store %arg5[%swap3A_31, %swap3A_32], %slice3A_30 {strides = array<i32>} : memref<1280x16xf32, #tpu.memory_space<vmem>>, vector<1280x16xf32>,
    %slice3A_34 = vector.extract_strided_slice %dot_general3A_26 {offsets = [0, 24], sizes = [1280, 8], strides = [1, 1]} : vector<1280x32xf32> to vector<1280x8xf32>
    %slice3A_35 = vector.extract_strided_slice %dot_general3A_26 {offsets = [0, 16], sizes = [1280, 8], strides = [1, 1]} : vector<1280x32xf32> to vector<1280x8xf32>
    %concatenate3A = tpu.concatenate %slice3A_34, %slice3A_35 in 1 : vector<1280x8xf32>, vector<1280x8xf32> -> vector<1280x16xf32>
    %swap3A_36 = arith.constant 0 : index
    %swap3A_37 = arith.constant 0 : index
    %swap3A_38 = vector.load %arg6[%swap3A_36, %swap3A_37] : memref<1280x16xf32, #tpu.memory_space<vmem>>, vector<1280x16xf32>
    tpu.vector_store %arg6[%swap3A_36, %swap3A_37], %concatenate3A {strides = array<i32>} : memref<1280x16xf32, #tpu.memory_space<vmem>>, vector<1280x16xf32>,
    %reduce_max3A = arith.constant dense<0xFF800000> : vector<16xf32>
    %reduce_max3A_39 = vector.multi_reduction <maximumf>, %slice3A_30, %reduce_max3A [0] : vector<1280x16xf32> to vector<16xf32>
    %broadcast_in_dim3A_40 = vector.shape_cast %reduce_max3A_39 : vector<16xf32> to vector<1x16xf32>
    %broadcast_in_dim3A_41 = vector.shape_cast %broadcast_in_dim3A_40 : vector<1x16xf32> to vector<1x16xf32>
    %broadcast_in_dim3A_42 = vector.broadcast %broadcast_in_dim3A_41 : vector<1x16xf32> to vector<8x16xf32>
    %eq3A = arith.constant 0 : i32
    %eq3A_43 = arith.cmpi eq, %arg0, %eq3A : i32
    %convert_element_type3A = arith.extui %eq3A_43 : i1 to i32
    %cond3A = arith.constant 0 : i32
    %cond3A_44 = arith.cmpi ne, %convert_element_type3A, %cond3A : i32
    scf.if %cond3A_44 {
      %swap3A_50 = arith.constant 0 : index
      %swap3A_51 = arith.constant 0 : index
      %swap3A_52 = vector.load %arg7[%swap3A_50, %swap3A_51] : memref<8x16xf32, #tpu.memory_space<vmem>>, vector<8x16xf32>
      tpu.vector_store %arg7[%swap3A_50, %swap3A_51], %broadcast_in_dim3A_42 {strides = array<i32>} : memref<8x16xf32, #tpu.memory_space<vmem>>, vector<8x16xf32>,
    } else {
    }
    %gt3A_45 = arith.constant 0 : i32
    %gt3A_46 = arith.cmpi sgt, %arg0, %gt3A_45 : i32
    %convert_element_type3A_47 = arith.extui %gt3A_46 : i1 to i32
    %cond3A_48 = arith.constant 0 : i32
    %cond3A_49 = arith.cmpi ne, %convert_element_type3A_47, %cond3A_48 : i32
    scf.if %cond3A_49 {
      %get3A_50 = arith.constant 0 : index
      %get3A_51 = arith.constant 0 : index
      %get3A_52 = vector.load %arg7[%get3A_50, %get3A_51] : memref<8x16xf32, #tpu.memory_space<vmem>>, vector<8x16xf32>
      %max3A = arith.maximumf %get3A_52, %broadcast_in_dim3A_42 : vector<8x16xf32>
      %swap3A_53 = arith.constant 0 : index
      %swap3A_54 = arith.constant 0 : index
      %swap3A_55 = vector.load %arg7[%swap3A_53, %swap3A_54] : memref<8x16xf32, #tpu.memory_space<vmem>>, vector<8x16xf32>
      tpu.vector_store %arg7[%swap3A_53, %swap3A_54], %max3A {strides = array<i32>} : memref<8x16xf32, #tpu.memory_space<vmem>>, vector<8x16xf32>,
    } else {
    }
    return
  }
  func.func @transform_0(%arg0: i32) -> (i32, i32, i32) {
    %c0_i32 = arith.constant 0 : i32
    %c0_i32_0 = arith.constant 0 : i32
    %c0_i32_1 = arith.constant 0 : i32
    return %c0_i32, %arg0, %c0_i32_0 : i32, i32, i32
  }
  func.func @transform_1(%arg0: i32) -> (i32, i32) {
    %c0_i32 = arith.constant 0 : i32
    %c0_i32_0 = arith.constant 0 : i32
    %c0_i32_1 = arith.constant 0 : i32
    return %c0_i32, %c0_i32_0 : i32, i32
  }
  func.func @transform_2(%arg0: i32) -> (i32, i32) {
    %c0_i32 = arith.constant 0 : i32
    %c0_i32_0 = arith.constant 0 : i32
    %c0_i32_1 = arith.constant 0 : i32
    return %c0_i32, %c0_i32_0 : i32, i32
  }
  func.func @transform_3(%arg0: i32) -> (i32, i32) {
    %c0_i32 = arith.constant 0 : i32
    %c0_i32_0 = arith.constant 0 : i32
    return %arg0, %c0_i32 : i32, i32
  }
  func.func @transform_4(%arg0: i32) -> (i32, i32) {
    %c0_i32 = arith.constant 0 : i32
    %c0_i32_0 = arith.constant 0 : i32
    return %arg0, %c0_i32 : i32, i32
  }
  func.func @transform_5(%arg0: i32) -> (i32, i32) {
    %c0_i32 = arith.constant 0 : i32
    %c0_i32_0 = arith.constant 0 : i32
    return %arg0, %c0_i32 : i32, i32
  }
  func.func @transform_6(%arg0: i32) -> (i32, i32) {
    %c0_i32 = arith.constant 0 : i32
    %c0_i32_0 = arith.constant 0 : i32
    %c0_i32_1 = arith.constant 0 : i32
    return %c0_i32, %c0_i32_0 : i32, i32
  }
}

module attributes {stable_mosaic.version = 14 : i64} {
  func.func @_final_body(%arg0: i32, %arg1: memref<2x1280x32xf32, #tpu.memory_space<vmem>>, %arg2: memref<1x16xf32, #tpu.memory_space<vmem>>, %arg3: memref<1280x16xf32, #tpu.memory_space<vmem>>) attributes {dimension_semantics = [#tpu.dimension_semantics<arbitrary>], iteration_bounds = array<i64: 8>, scalar_prefetch = 0 : i64, scratch_operands = 0 : i64, tpu.core_type = #tpu.core_type<tc>, window_params = [{transform_indices = @transform_0, window_bounds = array<i64: 2, 1280, 32>}, {pipeline_mode = #tpu.pipeline_mode<synchronous>, transform_indices = @transform_1, window_bounds = array<i64: 1, 16>}, {transform_indices = @transform_2, window_bounds = array<i64: 1280, 16>}]} {
    %get3A = arith.constant 0 : index
    %get3A_0 = arith.constant 0 : index
    %get3A_1 = arith.constant 0 : index
    %get3A_2 = vector.load %arg1[%get3A, %get3A_0, %get3A_1] : memref<2x1280x32xf32, #tpu.memory_space<vmem>>, vector<2x1280x32xf32>
    %slice3A = vector.extract_strided_slice %get3A_2 {offsets = [0, 0, 0], sizes = [1, 1280, 16], strides = [1, 1, 1]} : vector<2x1280x32xf32> to vector<1x1280x16xf32>
    %squeeze3A = vector.shape_cast %slice3A : vector<1x1280x16xf32> to vector<1280x16xf32>
    %slice3A_3 = vector.extract_strided_slice %get3A_2 {offsets = [1, 0, 0], sizes = [1, 1280, 16], strides = [1, 1, 1]} : vector<2x1280x32xf32> to vector<1x1280x16xf32>
    %squeeze3A_4 = vector.shape_cast %slice3A_3 : vector<1x1280x16xf32> to vector<1280x16xf32>
    %add3A = arith.addf %squeeze3A, %squeeze3A_4 : vector<1280x16xf32>
    %slice3A_5 = vector.extract_strided_slice %get3A_2 {offsets = [0, 0, 16], sizes = [1, 1280, 1], strides = [1, 1, 1]} : vector<2x1280x32xf32> to vector<1x1280x1xf32>
    %squeeze3A_6 = vector.shape_cast %slice3A_5 : vector<1x1280x1xf32> to vector<1280x1xf32>
    %slice3A_7 = vector.extract_strided_slice %get3A_2 {offsets = [1, 0, 16], sizes = [1, 1280, 1], strides = [1, 1, 1]} : vector<2x1280x32xf32> to vector<1x1280x1xf32>
    %squeeze3A_8 = vector.shape_cast %slice3A_7 : vector<1x1280x1xf32> to vector<1280x1xf32>
    %add3A_9 = arith.addf %squeeze3A_6, %squeeze3A_8 : vector<1280x1xf32>
    %add3A_10 = arith.constant 1.000000e-16 : f32
    %add3A_11 = vector.broadcast %add3A_10 : f32 to vector<1280x1xf32>
    %add3A_12 = arith.addf %add3A_9, %add3A_11 : vector<1280x1xf32>
    %div3A = vector.broadcast %add3A_12 : vector<1280x1xf32> to vector<1280x16xf32>
    %div3A_13 = arith.divf %add3A, %div3A : vector<1280x16xf32>
    %get3A_14 = arith.constant 0 : index
    %get3A_15 = arith.constant 0 : index
    %get3A_16 = vector.load %arg2[%get3A_14, %get3A_15] : memref<1x16xf32, #tpu.memory_space<vmem>>, vector<1x16xf32>
    %add3A_17 = vector.broadcast %get3A_16 : vector<1x16xf32> to vector<1280x16xf32>
    %add3A_18 = arith.addf %div3A_13, %add3A_17 : vector<1280x16xf32>
    %reduce_max3A = arith.constant dense<0xFF800000> : vector<1280xf32>
    %reduce_max3A_19 = vector.multi_reduction <maximumf>, %add3A_18, %reduce_max3A [1] : vector<1280x16xf32> to vector<1280xf32>
    %broadcast_in_dim3A = vector.shape_cast %reduce_max3A_19 : vector<1280xf32> to vector<1280x1xf32>
    %sub3A = vector.broadcast %broadcast_in_dim3A : vector<1280x1xf32> to vector<1280x16xf32>
    %sub3A_20 = arith.subf %add3A_18, %sub3A : vector<1280x16xf32>
    %exp3A = math.exp %sub3A_20 : vector<1280x16xf32>
    %reduce_sum3A = arith.constant dense<0.000000e+00> : vector<1280xf32>
    %reduce_sum3A_21 = vector.multi_reduction <add>, %exp3A, %reduce_sum3A [1] : vector<1280x16xf32> to vector<1280xf32>
    %broadcast_in_dim3A_22 = vector.shape_cast %reduce_sum3A_21 : vector<1280xf32> to vector<1280x1xf32>
    %log3A = math.log %broadcast_in_dim3A_22 : vector<1280x1xf32>
    %sub3A_23 = vector.broadcast %broadcast_in_dim3A : vector<1280x1xf32> to vector<1280x16xf32>
    %sub3A_24 = arith.subf %add3A_18, %sub3A_23 : vector<1280x16xf32>
    %sub3A_25 = vector.broadcast %log3A : vector<1280x1xf32> to vector<1280x16xf32>
    %sub3A_26 = arith.subf %sub3A_24, %sub3A_25 : vector<1280x16xf32>
    %swap3A = arith.constant 0 : index
    %swap3A_27 = arith.constant 0 : index
    %swap3A_28 = vector.load %arg3[%swap3A, %swap3A_27] : memref<1280x16xf32, #tpu.memory_space<vmem>>, vector<1280x16xf32>
    tpu.vector_store %arg3[%swap3A, %swap3A_27], %sub3A_26 {strides = array<i32>} : memref<1280x16xf32, #tpu.memory_space<vmem>>, vector<1280x16xf32>,
    return
  }
  func.func @transform_0(%arg0: i32) -> (i32, i32, i32) {
    %c0_i32 = arith.constant 0 : i32
    %c0_i32_0 = arith.constant 0 : i32
    %c0_i32_1 = arith.constant 0 : i32
    return %c0_i32, %arg0, %c0_i32_0 : i32, i32, i32
  }
  func.func @transform_1(%arg0: i32) -> (i32, i32) {
    %c0_i32 = arith.constant 0 : i32
    %c0_i32_0 = arith.constant 0 : i32
    %c0_i32_1 = arith.constant 0 : i32
    return %c0_i32, %c0_i32_0 : i32, i32
  }
  func.func @transform_2(%arg0: i32) -> (i32, i32) {
    %c0_i32 = arith.constant 0 : i32
    %c0_i32_0 = arith.constant 0 : i32
    return %arg0, %c0_i32 : i32, i32
  }
}

</mosaic_0001>

<sc_bundles>
// kernel: kernel.12.cloned.1.call-start
scs
__scs_entry_jumppad:
0x0: {  	(pc) =	sbr.rel $0x88, $3  }
0x1: {  	(tag) =	ssettag $0x0;
	lr =	simm.s32 $0x1  }
0x2: {  	[smem:$0x3F93] =	sst lr;
	_ =	strace $0xD0000000  }
0x3: {  	_ = 	snop  }
0x4: {  	_ = 	snop  }
0x5: {  	_ = 	snop  }
0x6: {  	_ = 	snop  }
0x7: {  	_ = 	snop  }
__scs_overlays_trampoline_lowered:
0x8: {  	[smem:$0x3FA2] =	sst s0  }
0x9: {  	[smem:$0x3FA3] =	sst s1  }
0xa: {  	[smem:$0x3FA4] =	sst s2  }
0xb: {  	[smem:$0x3FA5] =	sst s3  }
0xc: {  	[smem:$0x3FA6] =	sst s4  }
0xd: {  	[smem:$0x3FA7] =	sst s5  }
0xe: {  	[smem:$0x3FA8] =	sst s6  }
0xf: {  	[smem:$0x3FA9] =	sst s7  }
0x10: {  	[smem:$0x3FAA] =	sst s8  }
0x11: {  	[smem:$0x3FAB] =	sst s9;
	s0 =	simm.s32 @!p0 $0x0  }
0x12: {  	s1 =	sld [smem:$0x3F91];
	s0 =	simm.s32 @p0 $0x1  }
0x13: {  	[smem:$0x3FAC] =	sst s0;
	s0 =	simm.s32 @!p1 $0x0  }
0x14: {  	s2 =	sld [smem:$0x3F90];
	s0 =	simm.s32 @p1 $0x1  }
0x15: {  	[smem:$0x3FAD] =	sst s0;
	s0 =	simm.s32 @!p2 $0x0  }
0x16: {  	s3 =	sld [smem:$0x3FDB];
	s0 =	simm.s32 @p2 $0x1  }
0x17: {  	s4 =	simm.s32 $0x1BF5;
	[smem:$0x3FAF] =	sst s0  }
0x18: {  	s0 =	sld [smem:$0x3F92];
	_ =	swait.ge [sflag:s4], $0x0  }
0x19: {  	s7 =	sld [smem:$0x3F93]  }
0x1a: {  	s8 =	sadd.s32 $0xFFFFE003, lr  }
0x1b: {  	s9 =	sadd.s32 $0xFFFFFEF7, lr;
	s5 =	simm.s32 $0xFFFFFFFF;
	p2 =	slt.u32 s8, $0xFFFFF086  }
0x1c: {  	p1 =	slt.u32 s9, $0xF7A;
	s5 =	simm.s32 @!p2 $0x0  }
0x1d: {  	s5 =	simm.s32 @p1 $0x1;
	p0 =	seq.s32 s7, s2  }
0x1e: {  	s7 =	smul.u32 @!p0 $0xF7A, s2;
	p2 =	seq.s32 @!p0 s5, $0x0  }
0x1f: {  	s9 =	smul.u32 $0xF7A, s1;
	s8 =	simm.s32 @!p0 $0x1BF5;
	p2 =	por !p2, p0  }
0x20: {  	[sflag:s8] =	ssyncset.s32 @!p0 $0xFFFFF086;
	s6 =	sadd.s32 @!p0 s3, s7;
	s7 =	simm.s32 @!p0 $0x108  }
0x21: {  	s3 =	sadd.s32 s3, s9;
	s6 =	sadd.s32 @!p0 $0x88, s6;
	s7 =	simm.s32 @p2 $0x1082  }
0x22: {  	[simem:s7], [sflag:s8] =	dma.local @!p0 [hbm:s6], $0xF7A  }
0x23: {  	s9 =	sor.u32 $0xD0000000, s2;
	s6 =	simm.s32 $0x108;
	_ =	swait.ge @!p0 [sflag:s8], $0x0  }
0x24: {  	s3 =	sadd.s32 $0x88, s3;
	s6 =	simm.s32 @!p1 $0x1082;
	[sflag:s4] =	ssyncset.s32 $0xFFFFF086  }
0x25: {  	[simem:s6], [sflag:s4] =	dma.local [hbm:s3], $0xF7A  }
0x26: {  	[smem:$0x3F93] =	sst s1;
	(tag) =	ssettag s2;
	_ =	strace s9  }
0x27: {  	s1 =	sld [smem:$0x3FA3]  }
0x28: {  	s2 =	sld [smem:$0x3FA4]  }
0x29: {  	s4 =	sld [smem:$0x3FA6]  }
0x2a: {  	p0 =	seq.s32 s5, $0x0;
	s5 =	sld [smem:$0x3FA7]  }
0x2b: {  	s6 =	sld [smem:$0x3FA8]  }
0x2c: {  	s7 =	sld [smem:$0x3FA9]  }
0x2d: {  	s3 =	simm.s32 $0x108;
	s8 =	sld [smem:$0x3FAA]  }
0x2e: {  	s3 =	simm.s32 @!p0 $0x1082;
	s9 =	sld [smem:$0x3FAB]  }
0x2f: {  	lr =	sadd.s32 s0, s3;
	s0 =	sld [smem:$0x3FA2]  }
0x30: {  	s3 =	sld [smem:$0x3FA5]  }
0x31: {  	[smem:$0x3FAE] =	sst s10  }
0x32: {  	s10 =	sld [smem:$0x3FAC];
	_ =	sdelay $0x3  }
0x33: {  	p0 =	seq.s32 s10, $0x1;
	s10 =	sld [smem:$0x3FAE];
	_ =	sdelay $0x3  }
0x34: {  	[smem:$0x3FAE] =	sst s10  }
0x35: {  	s10 =	sld [smem:$0x3FAD];
	_ =	sdelay $0x3  }
0x36: {  	p1 =	seq.s32 s10, $0x1;
	s10 =	sld [smem:$0x3FAE];
	_ =	sdelay $0x3  }
0x37: {  	[smem:$0x3FAE] =	sst s10  }
0x38: {  	s10 =	sld [smem:$0x3FAF]  }
0x39: {  	_ = 	snop;
	(pc) =	sbr.ind lr, $3  }
0x3a: {  	_ = 	snop  }
0x3b: {  	_ = 	snop  }
0x3c: {  	p2 =	seq.s32 s10, $0x1;
	s10 =	sld [smem:$0x3FAE]  }
0x3d: {  	_ =	shalt  }
0x3e: {  	_ =	shalt  }
0x3f: {  	_ =	shalt  }
0x40: {  	_ =	shalt  }
0x41: {  	_ =	shalt  }
0x42: {  	_ =	shalt  }
0x43: {  	_ =	shalt  }
0x44: {  	_ =	shalt  }
0x45: {  	_ =	shalt  }
0x46: {  	_ =	shalt  }
0x47: {  	_ =	shalt  }
0x48: {  	_ =	shalt  }
0x49: {  	_ =	shalt  }
0x4a: {  	_ =	shalt  }
0x4b: {  	_ =	shalt  }
0x4c: {  	_ =	shalt  }
0x4d: {  	_ =	shalt  }
0x4e: {  	_ =	shalt  }
0x4f: {  	_ =	shalt  }
0x50: {  	_ =	shalt  }
0x51: {  	_ =	shalt  }
0x52: {  	_ =	shalt  }
0x53: {  	_ =	shalt  }
0x54: {  	_ =	shalt  }
0x55: {  	_ =	shalt  }
0x56: {  	_ =	shalt  }
0x57: {  	_ =	shalt  }
0x58: {  	_ =	shalt  }
0x59: {  	_ =	shalt  }
0x5a: {  	_ =	shalt  }
0x5b: {  	_ =	shalt  }
0x5c: {  	_ =	shalt  }
0x5d: {  	_ =	shalt  }
0x5e: {  	_ =	shalt  }
0x5f: {  	_ =	shalt  }
0x60: {  	_ =	shalt  }
0x61: {  	_ =	shalt  }
0x62: {  	_ =	shalt  }
0x63: {  	_ =	shalt  }
0x64: {  	_ =	shalt  }
0x65: {  	_ =	shalt  }
0x66: {  	_ =	shalt  }
0x67: {  	_ =	shalt  }
0x68: {  	_ =	shalt  }
0x69: {  	_ =	shalt  }
0x6a: {  	_ =	shalt  }
0x6b: {  	_ =	shalt  }
0x6c: {  	_ =	shalt  }
0x6d: {  	_ =	shalt  }
0x6e: {  	_ =	shalt  }
0x6f: {  	_ =	shalt  }
0x70: {  	_ =	shalt  }
0x71: {  	_ =	shalt  }
0x72: {  	_ =	shalt  }
0x73: {  	_ =	shalt  }
0x74: {  	_ =	shalt  }
0x75: {  	_ =	shalt  }
0x76: {  	_ =	shalt  }
0x77: {  	_ =	shalt  }
0x78: {  	_ =	shalt  }
0x79: {  	_ =	shalt  }
0x7a: {  	_ =	shalt  }
0x7b: {  	_ =	shalt  }
0x7c: {  	_ =	shalt  }
0x7d: {  	_ =	shalt  }
0x7e: {  	_ =	shalt  }
0x7f: {  	_ =	shalt  }
0x80: {  	_ =	shalt  }
0x81: {  	_ =	shalt  }
0x82: {  	_ =	shalt  }
0x83: {  	_ =	shalt  }
0x84: {  	_ =	shalt  }
0x85: {  	_ =	shalt  }
0x86: {  	_ =	shalt  }
0x87: {  	_ =	shalt  }
.Lfunc_end0:
.L_simem_size_0:
called_computation.1_lowered:
.L_overlay_start_0:
0x88: {  	s2 =	sld [smem:$0x3FD9]  }
0x89: {  	s3 =	sld [smem:$0x3FFE];
	_ =	sdelay $0x1  }
0x8a: {  	s1 =	srdreg.scid  }
0x8b: {  	s0 =	sand.u32 $0x1, s1  }
0x8c: {  	s17 =	sshll.u32 s0, $0xA;
	s2 =	sadd.s32 s3, s2  }
0x8d: {  	s2 =	sadd.s32 s2, s17  }
0x8e: {  	[smem:$0x3FBA] =	sst s2  }
0x8f: {  	_ = 	snop  }
0x90: {  	s2 =	sld [smem:$0x3FD0];
	(tm) =	ssettm $0x1  }
0x91: {  	s18 =	sld [smem:$0x3FFB];
	_ =	sdelay $0x3  }
0x92: {  	_ =	strace s18  }
0x93: {  	s3 =	sld [smem:$0x3FFC];
	_ =	sdelay $0x3  }
0x94: {  	_ =	strace s3  }
0x95: {  	s3 =	sld [smem:$0x3FFD];
	_ =	sdelay $0x3  }
0x96: {  	_ =	strace s3  }
0x97: {  	_ =	strace $0x8FFFFFFF  }
0x98: {  	s19 =	sld [smem:$0x3FDB];
	_ =	sdelay $0x1  }
0x99: {  	s4 =	simm.s32 $_scs_section_size  }
0x9a: {  	s5 =	simm.s32 $_size__tile_overlayer_lowered;
	s6 =	simm.s32 $_tile_overlayer_lowered  }
0x9b: {  	s22 =	simm.s32 $0x1BFF;
	s21 =	sshll.u32 s6, $0x1;
	s3 =	sadd.s32 s4, s19  }
0x9c: {  	s7 =	simm.s32 $0x0;
	s20 =	sshll.u32 s5, $0x1;
	s5 =	sadd.s32 s21, s3  }
0x9d: {  	[timem:s7], [sflag:s22] =	dma.local [hbm:s5], s20  }
0x9e: {  	_ =	swait.ge [sflag:s22], s20  }
0x9f: {  	s4 =	ssub.s32 $0x0, s20;
	[sflag:s22] =	ssyncset.done $0x0  }
0xa0: {  	[sflag:s22] =	ssyncadd.s32 s4;
	_ =	sdelay $0x1  }
0xa1: {  	s23 =	simm.s32 $0x1B8B  }
0xa2: {  	_ =	swait.ge [sflag:s23], $0x1  }
0xa3: {  	[sflag:s23] =	ssyncset.done $0x0  }
0xa4: {  	s25 =	simm.s32 $0x1B8E;
	s24 =	sld [smem:$0x3FFE];
	[sflag:s23] =	ssyncadd.s32 $0xFFFFFFFF  }
0xa5: {  	s26 =	simm.s32 $execute0_lowered;
	[smem:$0x3FD2] =	sst s25  }
0xa6: {  	s5 =	sshll.u32 s26, $0x1;
	_ =	strace $0x80000049;
	[dreg:$0x1] =	wrdreg $0xFFFFFFFF  }
0xa7: {  	s28 =	simm.s32 $_size_execute0_lowered;
	s3 =	sadd.s32 s3, s5;
	[dreg:$0x0] =	wrdreg $0x0  }
0xa8: {  	s5 =	sshll.u32 s28, $0x1;
	[dreg:$0x2] =	wrdreg s3  }
0xa9: {  	[dreg:$0x3] =	wrdreg s5  }
0xaa: {  	[dreg:$0x4] =	wrdreg $0xC0  }
0xab: {  	_ =	task [dreg:s7], $0x5FFFF  }
0xac: {  	[dreg:$0x1] =	wrdreg $0xFFFFFFFF  }
0xad: {  	[dreg:$0x0] =	wrdreg $0x60  }
0xae: {  	[dreg:$0x2] =	wrdreg s24  }
0xaf: {  	[dreg:$0x3] =	wrdreg s2  }
0xb0: {  	[dreg:$0x4] =	wrdreg $0x0  }
0xb1: {  	[dreg:$0x5] =	wrdreg $0x9  }
0xb2: {  	_ =	task.clear_ibuf [dreg:s7], $0x6FFFF;
	_ =	strace $0x90000049  }
0xb3: {  	s29 =	simm.s32 $0x9;
	_ =	strace $0x8000004B  }
0xb4: {  	_ =	swait.ge [sflag:s29], $0x1  }
0xb5: {  	[sflag:s29] =	ssyncadd.s32 $0xFFFFFFFF  }
0xb6: {  	_ =	strace $0x9000004B  }
0xb7: {  	_ =	sfence  }
0xb8: {  	s30 =	sld [smem:$0x0];
	_ =	sdelay $0x2  }
0xb9: {  	s31 =	sshll.u32 s1, $0xD;
	s1 =	sshrl.u32 s1, $0x2  }
0xba: {  	s3 =	sand.u32 $0x4000, s31;
	s1 =	sadd.s32 s1, s30  }
0xbb: {  	s0 =	sor.u32 s3, s0;
	s1 =	sshll.u32 s1, $0x11  }
0xbc: {  	s0 =	sor.u32 s1, s0  }
0xbd: {  	s0 =	sadd.s32 $0x8F2B, s0  }
0xbe: {  	[sflag:s0] =	ssyncadd.remote.s32 $0x1  }
0xbf: {  	_ =	sfence.sel $0xFFFF  }
0xc0: {  	[dreg:$0x0] =	wrdreg $0xFFFFFFFF;
	(pc) =	sbr.abs _section_cstart, $3  }
0xc1: {  	[dreg:$0x1] =	wrdreg $0xFFFFFFFF  }
0xc2: {  	_ =	task.clear_ibuf [dreg:s7], $0x2FFFF;
	_ =	strace $0x9FFFFFFF  }
0xc3: {  	(tm) =	ssettm $0x7FFFFFFF  }
tec
execute0_lowered:
.L_overlay_start_1:
0x0: {  	(tag) =	ssettag $0x1  }
0x1: {  	s0 =	rddreg [dreg:$0x0];
	s1 =	srdreg.scid  }
0x2: {  	s3 =	rddreg [dreg:$0x2];
	s11 =	stileid.u32;
	s4 =	simm.s32 $0x0  }
0x3: {  	s28 =	simm.s32 $0x80;
	s29 =	simm.s32 $0x11900;
	s8 =	smul.u32 $0x2880, s11  }
0x4: {  	s30 =	simm.s32 $0x12100;
	s31 =	simm.s32 $0x13900;
	s9 =	smul.u32 $0xC800, s11  }
0x5: {  	s1 =	sand.u32 $0x1, s1;
	[smem:$0x7FF] =	sst s4;
	s13 =	smul.u32 $0x32000, s11  }
0x6: {  	s5 =	sadd.s32 $0x19600, s0;
	s6 =	sadd.s32 $0x14600, s0;
	s2 =	smul.u32 $0x28800, s1  }
0x7: {  	s7 =	sadd.s32 $0x600, s0;
	s10 =	smul.u32 $0xC8000, s1;
	s1 =	ssub.s32 $0x2, s1  }
0x8: {  	_ =	strace $0x8000004A;
	s14 =	sshrl.u32 s1, $0x1;
	s16 =	sadd.s32 s9, s3  }
0x9: {  	s12 =	sadd.s32 s9, s10;
	s10 =	sshrl.u32 s13, $0x2;
	s1 =	ssub.s32 s1, s14  }
0xa: {  	[dreg:$0x4] =	wrdreg s16;
	s15 =	sadd.s32 s10, s3;
	s26 =	smax.u32 s1, $0x1  }
0xb: {  	s11 =	simm.s32 $0x4;
	s17 =	sadd.s32 $0x1400, s15;
	[dreg:$0x11] =	wrdreg s26  }
0xc: {  	s2 =	sadd.s32 s8, s2;
	s18 =	sadd.s32 $0x2800, s15;
	[dreg:$0x5] =	wrdreg s17  }
0xd: {  	s9 =	simm.s32 $0x3;
	s19 =	sadd.s32 $0x3C00, s15;
	[dreg:$0x6] =	wrdreg s18  }
0xe: {  	s13 =	simm.s32 $0x6;
	s20 =	sadd.s32 $0x5000, s15;
	[dreg:$0x7] =	wrdreg s19  }
0xf: {  	s14 =	simm.s32 $0x1A100;
	s21 =	sadd.s32 $0x6400, s15;
	[dreg:$0x8] =	wrdreg s20  }
0x10: {  	s2 =	sshrl.u32 s2, $0x3;
	s22 =	sadd.s32 $0x7800, s15;
	[dreg:$0x9] =	wrdreg s21  }
0x11: {  	v0 =	vimm.s32 $0xFEDCBA98;
	s8 =	sshrl.u32 s12, $0x3;
	s23 =	sadd.s32 $0x8C00, s15;
	[dreg:$0xa] =	wrdreg s22  }
0x12: {  	v1 =	vimm.s32 $0x76543210;
	v0 =	vunpack.c.l.s4.s8 v0;
	s2 =	sadd.s32 s2, s0;
	s24 =	sadd.s32 $0xA000, s15;
	[dreg:$0xb] =	wrdreg s23  }
0x13: {  	v1 =	vunpack.c.l.s4.s8 v1;
	s0 =	sadd.s32 s8, s0;
	s8 =	sadd.s32 $0xB400, s15;
	[dreg:$0xc] =	wrdreg s24  }
0x14: {  	v0 =	vunpack.c.0.s8.s32 v0;
	s1 =	simm.s32 $0x1;
	[dreg:$0xd] =	wrdreg s8;
	s25 =	sadd.s32 $0x28800, s2  }
0x15: {  	v1 =	vunpack.c.0.s8.s32 v1;
	s10 =	simm.s32 $0x17900;
	s2 =	sadd.s32 $0x1E600, s2;
	[dreg:$0xe] =	wrdreg s25  }
0x16: {  	v3 =	vlaneseq.u32;
	v2 =	vand.u32 $0xF, v0;
	s12 =	simm.s32 $0x5;
	s0 =	sadd.s32 $0x32A00, s0;
	[dreg:$0xf] =	wrdreg s2  }
0x17: {  	v0 =	vimm.f32 $0.0e+00;
	s26 =	simm.s32 $0x15900;
	v1 =	vcombine.low v2, v1;
	v2 =	vshrl.u32 v3, $0x3;
	s23 =	simm.s32 $0x9;
	[dreg:$0x10] =	wrdreg s0  }
0x18: {  	v3 =	vor.u32 $0x2, v2;
	v4 =	vor.u32 $0x4, v2;
	v5 =	vor.u32 $0x6, v2;
	s0 =	simm.s32 $0x12900;
	s2 =	simm.s32 $0x13100;
	s25 =	simm.s32 $0x2  }
.LBB2_1:
0x19: {  	s8 =	simm.s32 $0x1C9B0  }
0x1a: {  	[tilespmem:s8+$0xFFFFFF60] =	vst v0  }
0x1b: {  	[tilespmem:s8+$0x90] =	vst v0  }
0x1c: {  	[tilespmem:s8+$0x80] =	vst v0  }
0x1d: {  	[tilespmem:s8+$0x70] =	vst v0  }
0x1e: {  	[tilespmem:s8+$0x60] =	vst v0  }
0x1f: {  	[tilespmem:s8+$0x50] =	vst v0  }
0x20: {  	[tilespmem:s8+$0x40] =	vst v0  }
0x21: {  	[tilespmem:s8+$0x30] =	vst v0  }
0x22: {  	[tilespmem:s8+$0x20] =	vst v0  }
0x23: {  	[tilespmem:s8+$0x10] =	vst v0  }
0x24: {  	[tilespmem:s8+$0x0] =	vst v0  }
0x25: {  	[tilespmem:s8+$0xFFFFFFF0] =	vst v0  }
0x26: {  	[tilespmem:s8+$0xFFFFFFE0] =	vst v0  }
0x27: {  	[tilespmem:s8+$0xFFFFFFD0] =	vst v0  }
0x28: {  	[tilespmem:s8+$0xFFFFFFC0] =	vst v0  }
0x29: {  	[tilespmem:s8+$0xFFFFFFB0] =	vst v0  }
0x2a: {  	[tilespmem:s8+$0xFFFFFFA0] =	vst v0  }
0x2b: {  	[tilespmem:s8+$0xFFFFFF90] =	vst v0  }
0x2c: {  	s15 =	simm.s32 $0x0;
	[tilespmem:s8+$0xFFFFFF80] =	vst v0  }
.LBB2_2:
0x2d: {  	s15 =	sadd.s32 $0x4, s15;
	[tilespmem:s8+$0xFFFFFF70] =	vst v0;
	s8 =	sadd.s32 $0x140, s8  }
0x2e: {  	[tilespmem:s8+$0xFFFFFF60] =	vst v0;
	p0 =	slt.u32 s15, $0x3C  }
0x2f: {  	[tilespmem:s8+$0x90] =	vst v0  }
0x30: {  	[tilespmem:s8+$0x80] =	vst v0  }
0x31: {  	[tilespmem:s8+$0x70] =	vst v0  }
0x32: {  	[tilespmem:s8+$0x60] =	vst v0  }
0x33: {  	[tilespmem:s8+$0x50] =	vst v0  }
0x34: {  	[tilespmem:s8+$0x40] =	vst v0  }
0x35: {  	[tilespmem:s8+$0x30] =	vst v0  }
0x36: {  	[tilespmem:s8+$0x20] =	vst v0  }
0x37: {  	[tilespmem:s8+$0x10] =	vst v0  }
0x38: {  	[tilespmem:s8+$0x0] =	vst v0  }
0x39: {  	[tilespmem:s8+$0xFFFFFFF0] =	vst v0  }
0x3a: {  	[tilespmem:s8+$0xFFFFFFE0] =	vst v0  }
0x3b: {  	[tilespmem:s8+$0xFFFFFFD0] =	vst v0  }
.Ltmp0:
0x3c: {  	[tilespmem:s8+$0xFFFFFFC0] =	vst v0;
	(pc) =	sbr.rel @p0 .LBB2_2-.Ltmp0, $4  }
0x3d: {  	[tilespmem:s8+$0xFFFFFFB0] =	vst v0  }
0x3e: {  	[tilespmem:s8+$0xFFFFFFA0] =	vst v0  }
0x3f: {  	[tilespmem:s8+$0xFFFFFF90] =	vst v0  }
0x40: {  	[tilespmem:s8+$0xFFFFFF80] =	vst v0  }
0x41: {  	[tilespmem:s8+$0xFFFFFF70] =	vst v0;
	s15 =	simm.s32 $0x1C910  }
0x42: {  	[spmem:s16] =	stream.linear.scatter [tilespmem:s15], [sflag:$0x9], $0x1400, $0x38;
	[tilespmem:$0x1DD10] =	vst v63  }
0x43: {  	_ =	swait.ge [sflag:s23], $0x1400  }
0x44: {  	[sflag:s23] =	ssyncset.done $0x0  }
0x45: {  	s18 =	rddreg [dreg:$0x5];
	[sflag:s23] =	ssyncadd.s32 $0xFFFFEC00  }
0x46: {  	[spmem:s18] =	stream.linear.scatter [tilespmem:s15], [sflag:$0x9], $0x1400, $0x38;
	[tilespmem:$0x1DD10] =	vst v63  }
0x47: {  	_ =	swait.ge [sflag:s23], $0x1400  }
0x48: {  	[sflag:s23] =	ssyncset.done $0x0  }
0x49: {  	s19 =	rddreg [dreg:$0x6];
	[sflag:s23] =	ssyncadd.s32 $0xFFFFEC00  }
0x4a: {  	[spmem:s19] =	stream.linear.scatter [tilespmem:s15], [sflag:$0x9], $0x1400, $0x38;
	[tilespmem:$0x1DD10] =	vst v63  }
0x4b: {  	_ =	swait.ge [sflag:s23], $0x1400  }
0x4c: {  	[sflag:s23] =	ssyncset.done $0x0  }
0x4d: {  	s20 =	rddreg [dreg:$0x7];
	[sflag:s23] =	ssyncadd.s32 $0xFFFFEC00  }
0x4e: {  	[spmem:s20] =	stream.linear.scatter [tilespmem:s15], [sflag:$0x9], $0x1400, $0x38;
	[tilespmem:$0x1DD10] =	vst v63  }
0x4f: {  	_ =	swait.ge [sflag:s23], $0x1400  }
0x50: {  	[sflag:s23] =	ssyncset.done $0x0  }
0x51: {  	s21 =	rddreg [dreg:$0x8];
	[sflag:s23] =	ssyncadd.s32 $0xFFFFEC00  }
0x52: {  	[spmem:s21] =	stream.linear.scatter [tilespmem:s15], [sflag:$0x9], $0x1400, $0x38;
	[tilespmem:$0x1DD10] =	vst v63  }
0x53: {  	_ =	swait.ge [sflag:s23], $0x1400  }
0x54: {  	[sflag:s23] =	ssyncset.done $0x0  }
0x55: {  	s22 =	rddreg [dreg:$0x9];
	[sflag:s23] =	ssyncadd.s32 $0xFFFFEC00  }
0x56: {  	[spmem:s22] =	stream.linear.scatter [tilespmem:s15], [sflag:$0x9], $0x1400, $0x38;
	[tilespmem:$0x1DD10] =	vst v63  }
0x57: {  	_ =	swait.ge [sflag:s23], $0x1400  }
0x58: {  	[sflag:s23] =	ssyncset.done $0x0  }
0x59: {  	s24 =	rddreg [dreg:$0xa];
	[sflag:s23] =	ssyncadd.s32 $0xFFFFEC00  }
0x5a: {  	[spmem:s24] =	stream.linear.scatter [tilespmem:s15], [sflag:$0x9], $0x1400, $0x38;
	[tilespmem:$0x1DD10] =	vst v63  }
0x5b: {  	_ =	swait.ge [sflag:s23], $0x1400  }
0x5c: {  	[sflag:s23] =	ssyncset.done $0x0  }
0x5d: {  	s16 =	rddreg [dreg:$0xb];
	[sflag:s23] =	ssyncadd.s32 $0xFFFFEC00  }
0x5e: {  	[spmem:s16] =	stream.linear.scatter [tilespmem:s15], [sflag:$0x9], $0x1400, $0x38;
	[tilespmem:$0x1DD10] =	vst v63  }
0x5f: {  	_ =	swait.ge [sflag:s23], $0x1400  }
0x60: {  	[sflag:s23] =	ssyncset.done $0x0  }
0x61: {  	s17 =	rddreg [dreg:$0xc];
	[sflag:s23] =	ssyncadd.s32 $0xFFFFEC00  }
0x62: {  	[spmem:s17] =	stream.linear.scatter [tilespmem:s15], [sflag:$0x9], $0x1400, $0x38;
	[tilespmem:$0x1DD10] =	vst v63  }
0x63: {  	_ =	swait.ge [sflag:s23], $0x1400  }
0x64: {  	[sflag:s23] =	ssyncset.done $0x0  }
0x65: {  	s18 =	rddreg [dreg:$0xd];
	[sflag:s23] =	ssyncadd.s32 $0xFFFFEC00  }
0x66: {  	[spmem:s18] =	stream.linear.scatter [tilespmem:s15], [sflag:$0x9], $0x1400, $0x38;
	[tilespmem:$0x1DD10] =	vst v63  }
0x67: {  	_ =	swait.ge [sflag:s23], $0x1400  }
0x68: {  	s20 =	simm.s32 $0xC800;
	[sflag:s23] =	ssyncset.done $0x0  }
0x69: {  	s17 =	simm.s32 $0x0;
	s19 =	rddreg [dreg:$0xe];
	[sflag:s23] =	ssyncadd.s32 $0xFFFFEC00  }
0x6a: {  	[tilespmem:s20], [sflag:$0x9] =	stream.linear.gather [hbm4b:s19+s17], $0x2880, $0x38;
	[tilespmem:$0x1DD10] =	vst v63  }
0x6b: {  	_ =	swait.ge [sflag:s23], $0x2880  }
0x6c: {  	[sflag:s23] =	ssyncset.done $0x0  }
0x6d: {  	s22 =	simm.s32 $0xF080;
	s21 =	rddreg [dreg:$0xf];
	[sflag:s23] =	ssyncadd.s32 $0xFFFFD780  }
0x6e: {  	[tilespmem:s22], [sflag:$0x9] =	stream.linear.gather [hbm4b:s21+s17], $0x2880, $0x38;
	[tilespmem:$0x1DD10] =	vst v63  }
0x6f: {  	_ =	swait.ge [sflag:s23], $0x2880  }
0x70: {  	[sflag:s23] =	ssyncset.done $0x0  }
0x71: {  	[sflag:s23] =	ssyncadd.s32 $0xFFFFD780  }
0x72: {  	s18 =	simm.s32 $0x1C900;
	s24 =	rddreg [dreg:$0x1]  }
0x73: {  	[tilespmem:s18], [sflag:$0x9] =	stream.linear.gather [hbm4b:s24+s17], $0x10, $0x38;
	[tilespmem:$0x1DD10] =	vst v63  }
0x74: {  	_ =	swait.ge [sflag:s23], $0x10  }
0x75: {  	[sflag:s23] =	ssyncset.done $0x0  }
0x76: {  	[sflag:s23] =	ssyncadd.s32 $0xFFFFFFF0  }
0x77: {  	[bflag:$0x0] =	sbarrier.arrive $0xFFFF  }
0x78: {  	v6 =	vld [tilespmem:$0x1C900];
	_ =	sdelay $0x4  }
0x79: {  	v7 =	vperm.xlane v6, v1;
	_ =	sdelay $0x1  }
0x7a: {  	[tilespmem:s29], [sflag:$0x1] =	stream.indirect.gather [hbm4b:s5+s28], $0x10, s20, s28, $0xb8;
	v6 =	vadd.f32 v7, v6;
	[tilespmem:$0x1DD10] =	vst v63  }
0x7b: {  	_ = 	snop  }
0x7c: {  	[tilespmem:s30], [sflag:$0x2] =	stream.indirect.gather [hbm4b:s6+s28], $0x10, s22, s28, $0xb8;
	v7 =	vmul.f32 $2.000000030e-01, v6;
	[tilespmem:$0x1DD10] =	vst v63  }
0x7d: {  	vm0 =	vgt.f32 v6, $0.0e+00  }
0x7e: {  	[tilespmem:s31], [sflag:$0x3] =	stream.indirect.gather [hbm4b:s7+s28], $0x40, s20, s28, $0xb8;
	v6 =	vsel vm0, v6, v7;
	[tilespmem:$0x1DD10] =	vst v63  }
.LBB2_4:
0x7f: {  	s19 =	sshll.u32 s17, $0x8  }
0x80: {  	s8 =	sadd.s32 $0xC880, s19  }
0x81: {  	[tilespmem:s0], [sflag:$0x4] =	stream.indirect.gather [hbm4b:s5+s28], $0x10, s8, s28, $0xb8;
	[tilespmem:$0x1DD10] =	vst v63  }
0x82: {  	s18 =	sadd.s32 $0xF100, s19  }
0x83: {  	[tilespmem:s2], [sflag:$0x5] =	stream.indirect.gather [hbm4b:s6+s28], $0x10, s18, s28, $0xb8;
	[tilespmem:$0x1DD10] =	vst v63  }
0x84: {  	_ = 	snop  }
0x85: {  	[tilespmem:s26], [sflag:$0x6] =	stream.indirect.gather [hbm4b:s7+s28], $0x40, s8, s28, $0xb8;
	[tilespmem:$0x1DD10] =	vst v63  }
0x86: {  	_ =	swait.ge [sflag:s1], $0x800  }
0x87: {  	[sflag:s1] =	ssyncset.done $0x0  }
0x88: {  	[sflag:s1] =	ssyncadd.s32 $0xFFFFF800  }
0x89: {  	_ =	swait.ge [sflag:s25], $0x800  }
0x8a: {  	[sflag:s25] =	ssyncset.done $0x0  }
0x8b: {  	[sflag:s25] =	ssyncadd.s32 $0xFFFFF800  }
0x8c: {  	_ =	swait.ge [sflag:s9], $0x2000  }
0x8d: {  	p0 =	seq.s32 s17, $0x0;
	[sflag:s9] =	ssyncset.done $0x0  }
0x8e: {  	s8 =	simm.s32 @!p0 $0x7;
	[sflag:s9] =	ssyncadd.s32 $0xFFFFE000  }
0x8f: {  	_ =	swait.ge @!p0 [sflag:s8], $0x2800  }
0x90: {  	[sflag:s8] =	ssyncset.done @!p0 $0x0  }
0x91: {  	s21 =	simm.s32 $0x11920;
	[sflag:s8] =	ssyncadd.s32 @!p0 $0xFFFFD800  }
0x92: {  	v7 =	vld [tilespmem:s21+$0x10]  }
0x93: {  	s15 =	simm.s32 $0x12120;
	v8 =	vld [tilespmem:s21+$0xFFFFFFE0]  }
0x94: {  	v9 =	vld [tilespmem:s15+$0xFFFFFFE0]  }
0x95: {  	v10 =	vld [tilespmem:s15+$0x10]  }
0x96: {  	v11 =	vld [tilespmem:s15+$0xFFFFFFF0]  }
0x97: {  	v12 =	vld [tilespmem:s21+$0xFFFFFFF0];
	_ =	sdelay $0x1  }
0x98: {  	v8 =	vadd.f32 v9, v8  }
0x99: {  	v9 =	vld [tilespmem:s15+$0x0];
	v7 =	vadd.f32 v10, v7  }
0x9a: {  	v10 =	vld [tilespmem:s21+$0x0];
	v13 =	vmul.f32 $2.000000030e-01, v8  }
0x9b: {  	v11 =	vadd.f32 v11, v12;
	v14 =	vmul.f32 $2.000000030e-01, v7;
	vm0 =	vgt.f32 v8, $0.0e+00  }
0x9c: {  	vm1 =	vgt.f32 v7, $0.0e+00;
	v8 =	vsel vm0, v8, v13  }
0x9d: {  	v12 =	vmul.f32 $2.000000030e-01, v11;
	v7 =	vsel vm1, v7, v14;
	v8 =	vsub.f32 v8, v6  }
0x9e: {  	vm0 =	vgt.f32 v11, $0.0e+00;
	v7 =	vsub.f32 v7, v6  }
0x9f: {  	v9 =	vadd.f32 v9, v10;
	v10 =	vsel vm0, v11, v12;
	v8 =	vmul.f32 $1.442695020e+00, v8  }
0xa0: {  	v10 =	vsub.f32 v10, v6;
	v7 =	vmul.f32 $1.442695020e+00, v7  }
0xa1: {  	s24 =	simm.s32 $0x11960;
	v11 =	vmul.f32 $2.000000030e-01, v9;
	(erf) = vpow2.f32 v8  }
0xa2: {  	v16 =	vld [tilespmem:s24+$0x0];
	vm0 =	vgt.f32 v9, $0.0e+00;
	(erf) = vpow2.f32 v7;
	v7 =	vmul.f32 $1.442695020e+00, v10  }
0xa3: {  	v13 =	vld [tilespmem:s24+$0xFFFFFFF0];
	v8 =	vsel vm0, v9, v11  }
0xa4: {  	s22 =	simm.s32 $0x12160;
	v12 =	vld [tilespmem:s24+$0xFFFFFFE0];
	v8 =	vsub.f32 v8, v6;
	(erf) = vpow2.f32 v7  }
0xa5: {  	v11 =	vld [tilespmem:s22+$0x10]  }
0xa6: {  	v10 =	vld [tilespmem:s24+$0x10];
	v8 =	vmul.f32 $1.442695020e+00, v8  }
0xa7: {  	v9 =	vld [tilespmem:s22+$0xFFFFFFF0]  }
0xa8: {  	(erf) = vpow2.f32 v8;
	v8 =	vld [tilespmem:s22+$0xFFFFFFE0]  }
0xa9: {  	v7 =	vld [tilespmem:s22+$0x0]  }
0xaa: {  	s20 =	simm.s32 $0x179A0;
	v14 =	vpop (erf)  }
0xab: {  	s8 =	simm.s32 $0x13980;
	v10 =	vadd.f32 v11, v10;
	v15 =	vpop (erf);
	[tilespmem:s20+$0xFFFFFFA0] =	vst v14  }
0xac: {  	[tilespmem:s20+$0x90] =	vst v15;
	v18 =	vld [tilespmem:s8+$0xFFFFFF80]  }
0xad: {  	v19 =	vmul.f32 $2.000000030e-01, v10;
	v8 =	vadd.f32 v8, v12;
	v11 =	vld [tilespmem:s8+$0x40];
	v17 =	vpop (erf)  }
0xae: {  	v9 =	vadd.f32 v9, v13;
	vm0 =	vgt.f32 v10, $0.0e+00;
	v7 =	vadd.f32 v7, v16;
	[tilespmem:s20+$0xFFFFFFF0] =	vst v17  }
0xaf: {  	v10 =	vsel vm0, v10, v19;
	v19 =	vperm.xlane v14, v2;
	v22 =	vmul.f32 $2.000000030e-01, v8;
	v12 =	vld [tilespmem:s8+$0xFFFFFFC0]  }
0xb0: {  	vm1 =	vgt.f32 v7, $0.0e+00;
	v21 =	vperm.xlane v15, v2;
	vm0 =	vgt.f32 v8, $0.0e+00  }
0xb1: {  	v20 =	vperm.xlane v15, v3;
	v23 =	vpop (erf);
	v8 =	vsel vm0, v8, v22;
	v18 =	vmul.f32 v18, v19  }
0xb2: {  	s16 =	simm.s32 $0x121A0;
	[tilespmem:s20+$0x40] =	vst v23;
	v8 =	vsub.f32 v8, v6;
	v11 =	vmul.f32 v11, v21;
	v21 =	vperm.xlane v17, v2  }
0xb3: {  	v24 =	vld [tilespmem:s16+$0x10];
	v10 =	vsub.f32 v10, v6;
	v19 =	vmul.f32 $2.000000030e-01, v7;
	[tilespmem:s20+$0xFFFFFF60] =	vst v18;
	v18 =	vmul.f32 $2.000000030e-01, v9  }
0xb4: {  	vm0 =	vgt.f32 v9, $0.0e+00;
	v13 =	vld [tilespmem:s8+$0x0];
	v8 =	vmul.f32 $1.442695020e+00, v8;
	[tilespmem:s20+$0x50] =	vst v11;
	v11 =	vmul.f32 v12, v21  }
0xb5: {  	v10 =	vmul.f32 $1.442695020e+00, v10;
	v7 =	vsel vm1, v7, v19;
	v21 =	vld [tilespmem:s8+$0xFFFFFF90];
	v9 =	vsel vm0, v9, v18  }
0xb6: {  	v12 =	vperm.xlane v23, v2;
	(erf) = vpow2.f32 v8;
	v16 =	vld [tilespmem:s8+$0x50];
	[tilespmem:s20+$0xFFFFFFB0] =	vst v11;
	v9 =	vsub.f32 v9, v6  }
0xb7: {  	v8 =	vperm.xlane v14, v3;
	v7 =	vsub.f32 v7, v6;
	(erf) = vpow2.f32 v10;
	v11 =	vld [tilespmem:s8+$0xFFFFFFD0]  }
0xb8: {  	v26 =	vld [tilespmem:s16+$0xFFFFFFE0];
	s15 =	simm.s32 $0x119A0;
	v10 =	vperm.xlane v17, v3;
	v9 =	vmul.f32 $1.442695020e+00, v9  }
0xb9: {  	v22 =	vld [tilespmem:s15+$0x10];
	v12 =	vmul.f32 v13, v12;
	v7 =	vmul.f32 $1.442695020e+00, v7  }
0xba: {  	v29 =	vld [tilespmem:s15+$0x0];
	v8 =	vmul.f32 v21, v8;
	(erf) = vpow2.f32 v9  }
0xbb: {  	v18 =	vld [tilespmem:s16+$0x0];
	[tilespmem:s20+$0x0] =	vst v12;
	(erf) = vpow2.f32 v7  }
0xbc: {  	v7 =	vmul.f32 v16, v20;
	[tilespmem:s20+$0xFFFFFF70] =	vst v8;
	v9 =	vmul.f32 v11, v10;
	v10 =	vld [tilespmem:s8+$0x10]  }
0xbd: {  	v28 =	vperm.xlane v17, v5;
	v20 =	vld [tilespmem:s8+$0xFFFFFFA0]  }
0xbe: {  	v25 =	vld [tilespmem:s15+$0xFFFFFFE0];
	v22 =	vadd.f32 v24, v22;
	v24 =	vperm.xlane v15, v4;
	v13 =	vperm.xlane v15, v5;
	[tilespmem:s20+$0x60] =	vst v7  }
0xbf: {  	v15 =	vperm.xlane v17, v4;
	[tilespmem:s20+$0xFFFFFFC0] =	vst v9;
	v9 =	vperm.xlane v23, v3;
	v17 =	vld [tilespmem:s8+$0x60]  }
0xc0: {  	s21 =	simm.s32 $0x17AE0;
	v27 =	vperm.xlane v14, v5;
	v14 =	vperm.xlane v14, v4;
	v16 =	vld [tilespmem:s8+$0xFFFFFFE0];
	v7 =	vpop (erf)  }
0xc1: {  	v19 =	vld [tilespmem:s16+$0xFFFFFFF0];
	v8 =	vpop (erf);
	[tilespmem:s21+$0xFFFFFFA0] =	vst v7;
	v10 =	vmul.f32 v10, v9  }
0xc2: {  	s24 =	simm.s32 $0x13A80;
	v21 =	vld [tilespmem:s15+$0xFFFFFFF0];
	v29 =	vadd.f32 v18, v29;
	[tilespmem:s21+$0x90] =	vst v8;
	v14 =	vmul.f32 v20, v14  }
0xc3: {  	v30 =	vmul.f32 $2.000000030e-01, v22;
	vm0 =	vgt.f32 v22, $0.0e+00;
	v60 =	vld [tilespmem:s24+$0xFFFFFF80];
	[tilespmem:s20+$0x10] =	vst v10  }
0xc4: {  	v11 =	vperm.xlane v23, v5;
	v63 =	vmul.f32 $2.000000030e-01, v29;
	v20 =	vadd.f32 v26, v25;
	v31 =	vld [tilespmem:s24+$0x40];
	v9 =	vpop (erf);
	[tilespmem:s20+$0xFFFFFF80] =	vst v14  }
0xc5: {  	vm1 =	vgt.f32 v29, $0.0e+00;
	v14 =	vmul.f32 v17, v24;
	v32 =	vmul.f32 v16, v15;
	[tilespmem:s21+$0xFFFFFFF0] =	vst v9;
	v26 =	vld [tilespmem:s8+$0x20]  }
0xc6: {  	v17 =	vmul.f32 $2.000000030e-01, v20;
	v15 =	vsel vm0, v22, v30;
	v22 =	vperm.xlane v7, v2;
	v33 =	vld [tilespmem:s24+$0xFFFFFFC0]  }
0xc7: {  	v23 =	vperm.xlane v23, v4;
	v25 =	vperm.xlane v8, v2;
	v24 =	vld [tilespmem:s8+$0xFFFFFFB0];
	vm0 =	vgt.f32 v20, $0.0e+00;
	v10 =	vpop (erf);
	[tilespmem:s20+$0xFFFFFFD0] =	vst v32  }
0xc8: {  	v12 =	vperm.xlane v8, v3;
	v17 =	vsel vm0, v20, v17;
	[tilespmem:s21+$0x40] =	vst v10;
	v20 =	vmul.f32 v60, v22;
	v61 =	vld [tilespmem:s8+$0xFFFFFFF0]  }
0xc9: {  	v62 =	vperm.xlane v9, v2;
	v16 =	vsub.f32 v15, v6;
	[tilespmem:s20+$0x70] =	vst v14;
	v25 =	vmul.f32 v31, v25;
	v18 =	vld [tilespmem:s24+$0x0]  }
0xca: {  	v15 =	vperm.xlane v10, v2;
	v22 =	vadd.f32 v19, v21;
	v19 =	vld [tilespmem:s8+$0x70];
	[tilespmem:s21+$0xFFFFFF60] =	vst v20;
	v23 =	vmul.f32 v26, v23  }
0xcb: {  	v17 =	vsub.f32 v17, v6;
	v16 =	vmul.f32 $1.442695020e+00, v16;
	[tilespmem:s21+$0x50] =	vst v25;
	v20 =	vld [tilespmem:s24+$0xFFFFFF90];
	v30 =	vmul.f32 v33, v62  }
0xcc: {  	vm0 =	vgt.f32 v22, $0.0e+00;
	v26 =	vmul.f32 $2.000000030e-01, v22;
	v21 =	vmul.f32 v24, v27;
	v14 =	vld [tilespmem:s24+$0x50];
	[tilespmem:s20+$0x20] =	vst v23  }
0xcd: {  	s22 =	simm.s32 $0x8;
	v25 =	vmul.f32 $1.442695020e+00, v17;
	v23 =	vsel vm1, v29, v63;
	[tilespmem:s21+$0xFFFFFFB0] =	vst v30;
	v24 =	vmul.f32 v61, v28;
	v17 =	vld [tilespmem:s8+$0x30];
	s8 =	simm.s32 $0x13A80  }
.LBB2_5:
0xce: {  	s22 =	sadd.s32 $0x4, s22;
	v22 =	vsel vm0, v22, v26;
	s16 =	sadd.s32 $0x40, s16;
	s15 =	sadd.s32 $0x40, s15;
	v26 =	vperm.xlane v7, v3;
	v27 =	vld [tilespmem:s24+$0xFFFFFFD0];
	v15 =	vmul.f32 v18, v15  }
0xcf: {  	v18 =	vld [tilespmem:s16+$0x0];
	p1 =	slt.u32 s22, $0x7C;
	v22 =	vsub.f32 v22, v6;
	(erf) = vpow2.f32 v25;
	[tilespmem:s20+$0xFFFFFFE0] =	vst v24;
	v13 =	vmul.f32 v19, v13  }
0xd0: {  	v23 =	vsub.f32 v23, v6;
	v19 =	vld [tilespmem:s16+$0xFFFFFFF0];
	(erf) = vpow2.f32 v16;
	v16 =	vperm.xlane v9, v3;
	[tilespmem:s20+$0xFFFFFF90] =	vst v21  }
0xd1: {  	v21 =	vld [tilespmem:s15+$0x10];
	v22 =	vmul.f32 $1.442695020e+00, v22;
	v20 =	vmul.f32 v20, v26;
	[tilespmem:s21+$0x0] =	vst v15  }
0xd2: {  	v23 =	vmul.f32 $1.442695020e+00, v23;
	v15 =	vld [tilespmem:s16+$0x10];
	v11 =	vmul.f32 v17, v11;
	[tilespmem:s20+$0x80] =	vst v13  }
0xd3: {  	v17 =	vld [tilespmem:s15+$0xFFFFFFE0];
	(erf) = vpow2.f32 v22;
	[tilespmem:s21+$0xFFFFFF70] =	vst v20;
	v13 =	vmul.f32 v27, v16  }
0xd4: {  	v12 =	vmul.f32 v14, v12;
	v20 =	vld [tilespmem:s15+$0xFFFFFFF0];
	(erf) = vpow2.f32 v23;
	[tilespmem:s20+$0x30] =	vst v11;
	s20 =	smov.u32 s21  }
0xd5: {  	v14 =	vperm.xlane v10, v3;
	[tilespmem:s21+$0xFFFFFFC0] =	vst v13;
	v16 =	vld [tilespmem:s24+$0x10]  }
0xd6: {  	v11 =	vperm.xlane v10, v5;
	v13 =	vperm.xlane v8, v5;
	v22 =	vld [tilespmem:s24+$0xFFFFFFE0];
	[tilespmem:s21+$0x60] =	vst v12  }
0xd7: {  	v24 =	vperm.xlane v7, v5;
	v27 =	vperm.xlane v9, v5;
	s21 =	sadd.s32 $0x140, s21;
	v23 =	vld [tilespmem:s24+$0xFFFFFFA0]  }
0xd8: {  	v26 =	vperm.xlane v8, v4;
	v15 =	vadd.f32 v15, v21;
	v21 =	vperm.xlane v10, v4;
	s24 =	sadd.s32 $0x100, s24;
	v25 =	vld [tilespmem:s16+$0xFFFFFFE0];
	v12 =	vpop (erf)  }
0xd9: {  	v33 =	vperm.xlane v9, v4;
	v10 =	vperm.xlane v7, v4;
	v8 =	vpop (erf);
	v28 =	vld [tilespmem:s8+$0x60];
	v7 =	vmov v12  }
0xda: {  	v30 =	vmul.f32 $2.000000030e-01, v15;
	v29 =	vld [tilespmem:s15+$0x0];
	[tilespmem:s21+$0x90] =	vst v8;
	v14 =	vmul.f32 v16, v14  }
0xdb: {  	vm0 =	vgt.f32 v15, $0.0e+00;
	v12 =	vperm.xlane v8, v3;
	[tilespmem:s21+$0xFFFFFFA0] =	vst v7;
	v31 =	vld [tilespmem:s24+$0x40];
	v22 =	vmul.f32 v22, v33  }
0xdc: {  	v15 =	vsel vm0, v15, v30;
	v30 =	vperm.xlane v7, v2;
	v32 =	vld [tilespmem:s24+$0xFFFFFF80];
	v9 =	vpop (erf);
	v16 =	vmul.f32 v23, v10;
	[tilespmem:s20+$0x10] =	vst v14  }
0xdd: {  	v23 =	vperm.xlane v8, v2;
	v14 =	vadd.f32 v25, v17;
	v17 =	vsub.f32 v15, v6;
	[tilespmem:s21+$0xFFFFFFF0] =	vst v9;
	v10 =	vpop (erf);
	v25 =	vld [tilespmem:s8+$0x20]  }
0xde: {  	v33 =	vld [tilespmem:s24+$0xFFFFFFC0];
	v15 =	vperm.xlane v10, v2;
	[tilespmem:s20+$0xFFFFFF80] =	vst v16;
	v26 =	vmul.f32 v28, v26  }
0xdf: {  	v28 =	vmul.f32 $2.000000030e-01, v14;
	v16 =	vmul.f32 $1.442695020e+00, v17;
	v17 =	vld [tilespmem:s8+$0xFFFFFFB0];
	[tilespmem:s20+$0xFFFFFFD0] =	vst v22  }
0xe0: {  	vm0 =	vgt.f32 v14, $0.0e+00;
	v29 =	vadd.f32 v18, v29;
	[tilespmem:s21+$0x40] =	vst v10;
	v23 =	vmul.f32 v31, v23;
	v31 =	vld [tilespmem:s8+$0xFFFFFFF0]  }
.Ltmp1:
0xe1: {  	v14 =	vsel vm0, v14, v28;
	v28 =	vmul.f32 v32, v30;
	v30 =	vperm.xlane v9, v2;
	v18 =	vld [tilespmem:s24+$0x0];
	[tilespmem:s20+$0x70] =	vst v26;
	(pc) =	sbr.rel @p1 .LBB2_5-.Ltmp1, $4  }
0xe2: {  	v22 =	vadd.f32 v19, v20;
	v32 =	vmul.f32 $2.000000030e-01, v29;
	[tilespmem:s21+$0x50] =	vst v23;
	v23 =	vmul.f32 v25, v21;
	v19 =	vld [tilespmem:s8+$0x70]  }
0xe3: {  	vm1 =	vgt.f32 v29, $0.0e+00;
	v25 =	vsub.f32 v14, v6;
	[tilespmem:s21+$0xFFFFFF60] =	vst v28;
	v28 =	vmul.f32 v33, v30;
	v14 =	vld [tilespmem:s24+$0x50]  }
0xe4: {  	vm0 =	vgt.f32 v22, $0.0e+00;
	v26 =	vmul.f32 $2.000000030e-01, v22;
	v20 =	vld [tilespmem:s24+$0xFFFFFF90];
	v21 =	vmul.f32 v17, v24;
	[tilespmem:s20+$0x20] =	vst v23  }
0xe5: {  	v25 =	vmul.f32 $1.442695020e+00, v25;
	v23 =	vsel vm1, v29, v32;
	[tilespmem:s21+$0xFFFFFFB0] =	vst v28;
	v24 =	vmul.f32 v31, v27;
	v17 =	vld [tilespmem:s8+$0x30];
	s8 =	smov.u32 s24  }
0xe6: {  	v22 =	vsel vm0, v22, v26  }
0xe7: {  	v22 =	vsub.f32 v22, v6;
	_ =	sdelay $0x1  }
0xe8: {  	(erf) = vpow2.f32 v25;
	v22 =	vmul.f32 $1.442695020e+00, v22  }
0xe9: {  	v23 =	vsub.f32 v23, v6;
	(erf) = vpow2.f32 v16  }
0xea: {  	(erf) = vpow2.f32 v22  }
0xeb: {  	v16 =	vmul.f32 $1.442695020e+00, v23;
	_ =	sdelay $0x1  }
0xec: {  	(erf) = vpow2.f32 v16;
	_ =	sdelay $0x3  }
0xed: {  	v16 =	vpop (erf)  }
0xee: {  	v22 =	vpop (erf)  }
0xef: {  	s15 =	sadd.s32 $0x140, s21;
	[tilespmem:s20+$0xFFFFFFE0] =	vst v24;
	v23 =	vpop (erf)  }
0xf0: {  	s16 =	sadd.s32 $0x100, s24;
	[tilespmem:s15+$0xFFFFFFF0] =	vst v23  }
0xf1: {  	[tilespmem:s15+$0xFFFFFFA0] =	vst v16;
	v24 =	vld [tilespmem:s16+$0xFFFFFFC0]  }
0xf2: {  	[tilespmem:s15+$0x90] =	vst v22;
	v25 =	vld [tilespmem:s16+$0xFFFFFF80];
	v26 =	vpop (erf)  }
0xf3: {  	v27 =	vperm.xlane v7, v3;
	v15 =	vmul.f32 v18, v15;
	v18 =	vld [tilespmem:s16+$0x40];
	[tilespmem:s15+$0x40] =	vst v26  }
0xf4: {  	[tilespmem:s20+$0xFFFFFF90] =	vst v21;
	v13 =	vmul.f32 v19, v13;
	v19 =	vperm.xlane v23, v2;
	v21 =	vld [tilespmem:s16+$0x0]  }
0xf5: {  	v28 =	vld [tilespmem:s24+$0xFFFFFFD0];
	[tilespmem:s21+$0x0] =	vst v15;
	v20 =	vmul.f32 v20, v27;
	v15 =	vperm.xlane v16, v2  }
0xf6: {  	[tilespmem:s20+$0x80] =	vst v13;
	v13 =	vperm.xlane v22, v2;
	v19 =	vmul.f32 v24, v19  }
0xf7: {  	[tilespmem:s21+$0xFFFFFF70] =	vst v20;
	v20 =	vperm.xlane v26, v2;
	v15 =	vmul.f32 v25, v15  }
0xf8: {  	v25 =	vld [tilespmem:s24+$0x10];
	v13 =	vmul.f32 v18, v13;
	v24 =	vperm.xlane v9, v3;
	[tilespmem:s15+$0xFFFFFFB0] =	vst v19  }
0xf9: {  	[tilespmem:s15+$0xFFFFFF60] =	vst v15;
	v18 =	vmul.f32 v21, v20;
	v15 =	vld [tilespmem:s16+$0xFFFFFFD0]  }
0xfa: {  	[tilespmem:s15+$0x50] =	vst v13;
	v13 =	vld [tilespmem:s16+$0xFFFFFF90];
	v19 =	vmul.f32 v28, v24  }
0xfb: {  	v11 =	vmul.f32 v17, v11;
	v17 =	vperm.xlane v10, v3;
	v20 =	vld [tilespmem:s16+$0x50];
	[tilespmem:s15+$0x0] =	vst v18  }
0xfc: {  	v12 =	vmul.f32 v14, v12;
	v14 =	vperm.xlane v23, v3;
	[tilespmem:s21+$0xFFFFFFC0] =	vst v19;
	v18 =	vld [tilespmem:s16+$0x10]  }
0xfd: {  	[tilespmem:s20+$0x30] =	vst v11;
	v17 =	vmul.f32 v25, v17;
	v19 =	vperm.xlane v16, v3;
	v11 =	vld [tilespmem:s24+$0xFFFFFFE0]  }
0xfe: {  	[tilespmem:s21+$0x60] =	vst v12;
	v12 =	vld [tilespmem:s24+$0xFFFFFFA0];
	v21 =	vperm.xlane v22, v3;
	v14 =	vmul.f32 v15, v14  }
0xff: {  	[tilespmem:s21+$0x10] =	vst v17;
	v17 =	vperm.xlane v26, v3;
	v13 =	vmul.f32 v13, v19;
	v15 =	vld [tilespmem:s8+$0x60]  }
0x100: {  	v24 =	vld [tilespmem:s8+$0x20];
	v19 =	vperm.xlane v9, v4;
	v20 =	vmul.f32 v20, v21;
	[tilespmem:s15+$0xFFFFFFC0] =	vst v14  }
0x101: {  	[tilespmem:s15+$0xFFFFFF70] =	vst v13;
	v17 =	vmul.f32 v18, v17;
	v14 =	vperm.xlane v7, v4;
	v13 =	vld [tilespmem:s16+$0xFFFFFFE0]  }
0x102: {  	[tilespmem:s15+$0x60] =	vst v20;
	v18 =	vperm.xlane v8, v4;
	v11 =	vmul.f32 v11, v19;
	v19 =	vld [tilespmem:s16+$0xFFFFFFA0]  }
0x103: {  	v20 =	vperm.xlane v10, v4;
	[tilespmem:s15+$0x10] =	vst v17;
	v12 =	vmul.f32 v12, v14;
	v14 =	vld [tilespmem:s16+$0x60]  }
0x104: {  	[tilespmem:s21+$0xFFFFFFD0] =	vst v11;
	v11 =	vperm.xlane v23, v4;
	v17 =	vld [tilespmem:s16+$0x20];
	v15 =	vmul.f32 v15, v18  }
0x105: {  	v18 =	vmul.f32 v24, v20;
	v20 =	vperm.xlane v16, v4;
	[tilespmem:s21+$0xFFFFFF80] =	vst v12;
	v12 =	vld [tilespmem:s8+$0xFFFFFFF0]  }
0x106: {  	v21 =	vld [tilespmem:s8+$0xFFFFFFB0];
	[tilespmem:s21+$0x70] =	vst v15;
	v15 =	vperm.xlane v22, v4;
	v11 =	vmul.f32 v13, v11  }
0x107: {  	[tilespmem:s21+$0x20] =	vst v18;
	v18 =	vperm.xlane v26, v4;
	v19 =	vmul.f32 v19, v20;
	v13 =	vld [tilespmem:s8+$0x70]  }
0x108: {  	v9 =	vperm.xlane v9, v5;
	v20 =	vld [tilespmem:s8+$0x30];
	v14 =	vmul.f32 v14, v15;
	[tilespmem:s15+$0xFFFFFFD0] =	vst v11  }
0x109: {  	v7 =	vperm.xlane v7, v5;
	[tilespmem:s15+$0xFFFFFF80] =	vst v19;
	v15 =	vmul.f32 v17, v18;
	v11 =	vld [tilespmem:s16+$0xFFFFFFF0]  }
0x10a: {  	v8 =	vperm.xlane v8, v5;
	v9 =	vmul.f32 v12, v9;
	v12 =	vld [tilespmem:s16+$0xFFFFFFB0];
	[tilespmem:s15+$0x70] =	vst v14  }
0x10b: {  	v10 =	vperm.xlane v10, v5;
	[tilespmem:s15+$0x20] =	vst v15;
	v7 =	vmul.f32 v21, v7;
	v14 =	vld [tilespmem:s16+$0x70]  }
0x10c: {  	[tilespmem:s21+$0xFFFFFFE0] =	vst v9;
	v8 =	vmul.f32 v13, v8;
	v9 =	vperm.xlane v23, v5;
	v13 =	vld [tilespmem:s16+$0x30]  }
0x10d: {  	[tilespmem:s21+$0xFFFFFF90] =	vst v7;
	v7 =	vmul.f32 v20, v10;
	v10 =	vperm.xlane v16, v5  }
0x10e: {  	[tilespmem:s21+$0x80] =	vst v8;
	v8 =	vperm.xlane v22, v5;
	v9 =	vmul.f32 v11, v9  }
0x10f: {  	[tilespmem:s21+$0x30] =	vst v7;
	v7 =	vperm.xlane v26, v5;
	v10 =	vmul.f32 v12, v10  }
0x110: {  	v8 =	vmul.f32 v14, v8;
	[tilespmem:s15+$0xFFFFFFE0] =	vst v9  }
0x111: {  	[tilespmem:s15+$0xFFFFFF90] =	vst v10;
	v7 =	vmul.f32 v13, v7  }
0x112: {  	s22 =	sand.u32 $0x3FFFFF00, s19;
	[tilespmem:s15+$0x80] =	vst v8  }
0x113: {  	s8 =	sadd.s32 $0xF080, s22;
	[tilespmem:s15+$0x30] =	vst v7  }
0x114: {  	[spmem:s3] =	stream.indirect.scatter.add.f32 [tilespmem:s10], [sflag:$0x7], $0x50, s8, s28, $0xb8;
	[tilespmem:$0x1DD10] =	vst v63  }
0x115: {  	s24 =	sadd.s32 $0xC900, s19  }
0x116: {  	[tilespmem:s29], [sflag:$0x1] =	stream.indirect.gather [hbm4b:s5+s28], $0x10, s24, s28, $0xb8;
	[tilespmem:$0x1DD10] =	vst v63  }
0x117: {  	s16 =	sadd.s32 $0xF180, s19  }
0x118: {  	[tilespmem:s30], [sflag:$0x2] =	stream.indirect.gather [hbm4b:s6+s28], $0x10, s16, s28, $0xb8;
	[tilespmem:$0x1DD10] =	vst v63  }
0x119: {  	_ = 	snop  }
0x11a: {  	[tilespmem:s31], [sflag:$0x3] =	stream.indirect.gather [hbm4b:s7+s28], $0x40, s24, s28, $0xb8;
	[tilespmem:$0x1DD10] =	vst v63  }
0x11b: {  	_ =	swait.ge [sflag:s11], $0x800  }
0x11c: {  	[sflag:s11] =	ssyncset.done $0x0  }
0x11d: {  	[sflag:s11] =	ssyncadd.s32 $0xFFFFF800  }
0x11e: {  	_ =	swait.ge [sflag:s12], $0x800  }
0x11f: {  	[sflag:s12] =	ssyncset.done $0x0  }
0x120: {  	[sflag:s12] =	ssyncadd.s32 $0xFFFFF800  }
0x121: {  	_ =	swait.ge [sflag:s13], $0x2000  }
0x122: {  	[sflag:s13] =	ssyncset.done $0x0  }
0x123: {  	s8 =	simm.s32 @!p0 $0x8;
	[sflag:s13] =	ssyncadd.s32 $0xFFFFE000  }
0x124: {  	_ =	swait.ge @!p0 [sflag:s8], $0x2800  }
0x125: {  	[sflag:s8] =	ssyncset.done @!p0 $0x0  }
0x126: {  	s19 =	simm.s32 $0x12920;
	[sflag:s8] =	ssyncadd.s32 @!p0 $0xFFFFD800  }
0x127: {  	v7 =	vld [tilespmem:s19+$0x10]  }
0x128: {  	s20 =	simm.s32 $0x13120;
	v8 =	vld [tilespmem:s19+$0xFFFFFFE0]  }
0x129: {  	v9 =	vld [tilespmem:s20+$0xFFFFFFE0]  }
0x12a: {  	v10 =	vld [tilespmem:s20+$0x10]  }
0x12b: {  	v11 =	vld [tilespmem:s20+$0xFFFFFFF0]  }
0x12c: {  	v12 =	vld [tilespmem:s19+$0xFFFFFFF0];
	_ =	sdelay $0x1  }
0x12d: {  	v8 =	vadd.f32 v9, v8  }
0x12e: {  	v9 =	vld [tilespmem:s20+$0x0];
	v7 =	vadd.f32 v10, v7  }
0x12f: {  	v10 =	vld [tilespmem:s19+$0x0];
	v13 =	vmul.f32 $2.000000030e-01, v8  }
0x130: {  	v11 =	vadd.f32 v11, v12;
	v14 =	vmul.f32 $2.000000030e-01, v7;
	vm0 =	vgt.f32 v8, $0.0e+00  }
0x131: {  	vm1 =	vgt.f32 v7, $0.0e+00;
	v8 =	vsel vm0, v8, v13  }
0x132: {  	v12 =	vmul.f32 $2.000000030e-01, v11;
	v7 =	vsel vm1, v7, v14;
	v8 =	vsub.f32 v8, v6  }
0x133: {  	vm0 =	vgt.f32 v11, $0.0e+00;
	v7 =	vsub.f32 v7, v6  }
0x134: {  	v9 =	vadd.f32 v9, v10;
	v10 =	vsel vm0, v11, v12;
	v8 =	vmul.f32 $1.442695020e+00, v8  }
0x135: {  	v10 =	vsub.f32 v10, v6;
	v7 =	vmul.f32 $1.442695020e+00, v7  }
0x136: {  	v11 =	vmul.f32 $2.000000030e-01, v9;
	(erf) = vpow2.f32 v8  }
0x137: {  	s22 =	simm.s32 $0x12960;
	vm0 =	vgt.f32 v9, $0.0e+00;
	(erf) = vpow2.f32 v7;
	v7 =	vmul.f32 $1.442695020e+00, v10  }
0x138: {  	v16 =	vld [tilespmem:s22+$0x0];
	v8 =	vsel vm0, v9, v11  }
0x139: {  	s21 =	simm.s32 $0x13160;
	v13 =	vld [tilespmem:s22+$0xFFFFFFF0];
	v8 =	vsub.f32 v8, v6;
	(erf) = vpow2.f32 v7  }
0x13a: {  	v11 =	vld [tilespmem:s21+$0x10]  }
0x13b: {  	v10 =	vld [tilespmem:s22+$0x10];
	v8 =	vmul.f32 $1.442695020e+00, v8  }
0x13c: {  	v12 =	vld [tilespmem:s22+$0xFFFFFFE0]  }
0x13d: {  	v7 =	vld [tilespmem:s21+$0x0];
	(erf) = vpow2.f32 v8  }
0x13e: {  	v8 =	vld [tilespmem:s21+$0xFFFFFFE0]  }
0x13f: {  	s20 =	simm.s32 $0x1A1A0;
	v9 =	vld [tilespmem:s21+$0xFFFFFFF0];
	v14 =	vpop (erf)  }
0x140: {  	s24 =	simm.s32 $0x15980;
	v10 =	vadd.f32 v11, v10;
	v15 =	vpop (erf);
	[tilespmem:s20+$0xFFFFFFA0] =	vst v14  }
0x141: {  	[tilespmem:s20+$0x90] =	vst v15;
	v18 =	vld [tilespmem:s24+$0xFFFFFF80]  }
0x142: {  	v19 =	vmul.f32 $2.000000030e-01, v10;
	v11 =	vld [tilespmem:s24+$0x40];
	v17 =	vpop (erf)  }
0x143: {  	vm0 =	vgt.f32 v10, $0.0e+00;
	v7 =	vadd.f32 v7, v16;
	v8 =	vadd.f32 v8, v12;
	[tilespmem:s20+$0xFFFFFFF0] =	vst v17  }
0x144: {  	v9 =	vadd.f32 v9, v13;
	v10 =	vsel vm0, v10, v19;
	v19 =	vperm.xlane v14, v2;
	v12 =	vld [tilespmem:s24+$0xFFFFFFC0]  }
0x145: {  	vm1 =	vgt.f32 v7, $0.0e+00;
	v21 =	vperm.xlane v15, v2;
	v22 =	vmul.f32 $2.000000030e-01, v8  }
0x146: {  	s16 =	simm.s32 $0x131A0;
	v20 =	vperm.xlane v15, v3;
	vm0 =	vgt.f32 v8, $0.0e+00;
	v23 =	vpop (erf);
	v18 =	vmul.f32 v18, v19  }
0x147: {  	s15 =	simm.s32 $0x129A0;
	v24 =	vld [tilespmem:s16+$0x10];
	v8 =	vsel vm0, v8, v22;
	[tilespmem:s20+$0x40] =	vst v23;
	v11 =	vmul.f32 v11, v21;
	v21 =	vperm.xlane v17, v2  }
0x148: {  	v25 =	vld [tilespmem:s15+$0xFFFFFFE0];
	v10 =	vsub.f32 v10, v6;
	v8 =	vsub.f32 v8, v6;
	[tilespmem:s20+$0xFFFFFF60] =	vst v18;
	v18 =	vmul.f32 $2.000000030e-01, v9  }
0x149: {  	vm0 =	vgt.f32 v9, $0.0e+00;
	v13 =	vld [tilespmem:s24+$0x0];
	v19 =	vmul.f32 $2.000000030e-01, v7;
	[tilespmem:s20+$0x50] =	vst v11;
	v11 =	vmul.f32 v12, v21  }
0x14a: {  	v10 =	vmul.f32 $1.442695020e+00, v10;
	v8 =	vmul.f32 $1.442695020e+00, v8;
	v21 =	vld [tilespmem:s24+$0xFFFFFF90];
	v9 =	vsel vm0, v9, v18  }
0x14b: {  	v7 =	vsel vm1, v7, v19;
	v12 =	vperm.xlane v23, v2;
	v16 =	vld [tilespmem:s24+$0x50];
	[tilespmem:s20+$0xFFFFFFB0] =	vst v11;
	v9 =	vsub.f32 v9, v6  }
0x14c: {  	(erf) = vpow2.f32 v8;
	v8 =	vperm.xlane v14, v3;
	v7 =	vsub.f32 v7, v6;
	v11 =	vld [tilespmem:s24+$0xFFFFFFD0]  }
0x14d: {  	v26 =	vld [tilespmem:s16+$0xFFFFFFE0];
	(erf) = vpow2.f32 v10;
	v9 =	vmul.f32 $1.442695020e+00, v9  }
0x14e: {  	v29 =	vld [tilespmem:s15+$0x0];
	v12 =	vmul.f32 v13, v12;
	v7 =	vmul.f32 $1.442695020e+00, v7  }
0x14f: {  	v22 =	vld [tilespmem:s15+$0x10];
	v10 =	vperm.xlane v17, v3;
	(erf) = vpow2.f32 v9  }
0x150: {  	v19 =	vld [tilespmem:s16+$0xFFFFFFF0];
	[tilespmem:s20+$0x0] =	vst v12;
	v8 =	vmul.f32 v21, v8;
	(erf) = vpow2.f32 v7  }
0x151: {  	v7 =	vmul.f32 v16, v20;
	v9 =	vmul.f32 v11, v10;
	v10 =	vld [tilespmem:s24+$0x10]  }
0x152: {  	v27 =	vperm.xlane v14, v5;
	v18 =	vld [tilespmem:s16+$0x0];
	[tilespmem:s20+$0xFFFFFF70] =	vst v8  }
0x153: {  	v59 =	vperm.xlane v17, v5;
	v14 =	vperm.xlane v14, v4;
	v20 =	vld [tilespmem:s24+$0xFFFFFFA0];
	[tilespmem:s20+$0xFFFFFFC0] =	vst v9  }
0x154: {  	v22 =	vadd.f32 v24, v22;
	v17 =	vperm.xlane v17, v4;
	v9 =	vperm.xlane v23, v3;
	v16 =	vld [tilespmem:s24+$0xFFFFFFE0]  }
0x155: {  	s19 =	simm.s32 $0x1A2E0;
	v13 =	vperm.xlane v15, v5;
	v15 =	vperm.xlane v15, v4;
	v21 =	vld [tilespmem:s15+$0xFFFFFFF0];
	[tilespmem:s20+$0x60] =	vst v7;
	v7 =	vpop (erf)  }
0x156: {  	s21 =	simm.s32 $0x15A80;
	v30 =	vmul.f32 $2.000000030e-01, v22;
	v24 =	vld [tilespmem:s24+$0x60];
	v8 =	vpop (erf);
	[tilespmem:s19+$0xFFFFFFA0] =	vst v7;
	v10 =	vmul.f32 v10, v9  }
0x157: {  	v25 =	vadd.f32 v26, v25;
	v11 =	vperm.xlane v23, v5;
	v23 =	vperm.xlane v23, v4;
	[tilespmem:s19+$0x90] =	vst v8;
	v60 =	vld [tilespmem:s21+$0xFFFFFF80]  }
0x158: {  	vm0 =	vgt.f32 v22, $0.0e+00;
	v12 =	vperm.xlane v8, v3;
	v20 =	vmul.f32 v20, v14;
	v31 =	vld [tilespmem:s21+$0x40];
	v9 =	vpop (erf);
	[tilespmem:s20+$0x10] =	vst v10  }
0x159: {  	v29 =	vadd.f32 v18, v29;
	v26 =	vperm.xlane v8, v2;
	v17 =	vmul.f32 v16, v17;
	[tilespmem:s19+$0xFFFFFFF0] =	vst v9;
	v32 =	vld [tilespmem:s24+$0x20]  }
0x15a: {  	[tilespmem:s20+$0xFFFFFF80] =	vst v20;
	v20 =	vmul.f32 $2.000000030e-01, v25;
	v16 =	vsel vm0, v22, v30;
	v22 =	vperm.xlane v7, v2;
	v33 =	vld [tilespmem:s21+$0xFFFFFFC0]  }
0x15b: {  	v15 =	vmul.f32 v24, v15;
	v24 =	vld [tilespmem:s24+$0xFFFFFFB0];
	vm0 =	vgt.f32 v25, $0.0e+00;
	v16 =	vsub.f32 v16, v6;
	v10 =	vpop (erf);
	[tilespmem:s20+$0xFFFFFFD0] =	vst v17  }
0x15c: {  	v20 =	vsel vm0, v25, v20;
	v14 =	vperm.xlane v10, v2;
	[tilespmem:s19+$0x40] =	vst v10;
	v25 =	vmul.f32 v60, v22;
	v61 =	vld [tilespmem:s24+$0xFFFFFFF0]  }
0x15d: {  	[tilespmem:s20+$0x70] =	vst v15;
	v22 =	vadd.f32 v19, v21;
	v17 =	vmul.f32 v31, v26;
	v26 =	vperm.xlane v9, v2;
	v18 =	vld [tilespmem:s21+$0x0]  }
0x15e: {  	v21 =	vmul.f32 $2.000000030e-01, v29;
	v19 =	vld [tilespmem:s24+$0x70];
	v62 =	vsub.f32 v20, v6;
	[tilespmem:s19+$0xFFFFFF60] =	vst v25;
	v23 =	vmul.f32 v32, v23  }
0x15f: {  	vm1 =	vgt.f32 v29, $0.0e+00;
	v16 =	vmul.f32 $1.442695020e+00, v16;
	[tilespmem:s19+$0x50] =	vst v17;
	v17 =	vld [tilespmem:s21+$0xFFFFFF90];
	v63 =	vmul.f32 v33, v26  }
0x160: {  	vm0 =	vgt.f32 v22, $0.0e+00;
	v25 =	vmul.f32 $1.442695020e+00, v62;
	v15 =	vld [tilespmem:s21+$0x50];
	v26 =	vmul.f32 $2.000000030e-01, v22;
	[tilespmem:s20+$0x20] =	vst v23  }
0x161: {  	s8 =	simm.s32 $0x15A80;
	s22 =	simm.s32 $0x8;
	v20 =	vmul.f32 v24, v27;
	v23 =	vsel vm1, v29, v21;
	[tilespmem:s19+$0xFFFFFFB0] =	vst v63;
	v24 =	vmul.f32 v61, v59;
	v21 =	vld [tilespmem:s24+$0x30]  }
.LBB2_7:
0x162: {  	s22 =	sadd.s32 $0x4, s22;
	v22 =	vsel vm0, v22, v26;
	s16 =	sadd.s32 $0x40, s16;
	s15 =	sadd.s32 $0x40, s15;
	v26 =	vperm.xlane v7, v3;
	v27 =	vld [tilespmem:s21+$0xFFFFFFD0];
	v14 =	vmul.f32 v18, v14  }
0x163: {  	v18 =	vld [tilespmem:s16+$0x0];
	p0 =	slt.u32 s22, $0x7C;
	v22 =	vsub.f32 v22, v6;
	(erf) = vpow2.f32 v25;
	[tilespmem:s20+$0xFFFFFFE0] =	vst v24;
	v13 =	vmul.f32 v19, v13  }
0x164: {  	v23 =	vsub.f32 v23, v6;
	v19 =	vld [tilespmem:s16+$0xFFFFFFF0];
	(erf) = vpow2.f32 v16;
	v16 =	vperm.xlane v9, v3;
	[tilespmem:s20+$0xFFFFFF90] =	vst v20  }
0x165: {  	v20 =	vld [tilespmem:s15+$0x10];
	v22 =	vmul.f32 $1.442695020e+00, v22;
	v17 =	vmul.f32 v17, v26;
	[tilespmem:s19+$0x0] =	vst v14  }
0x166: {  	v23 =	vmul.f32 $1.442695020e+00, v23;
	v14 =	vld [tilespmem:s16+$0x10];
	v11 =	vmul.f32 v21, v11;
	[tilespmem:s20+$0x80] =	vst v13  }
0x167: {  	v21 =	vld [tilespmem:s15+$0xFFFFFFE0];
	(erf) = vpow2.f32 v22;
	[tilespmem:s19+$0xFFFFFF70] =	vst v17;
	v13 =	vmul.f32 v27, v16  }
0x168: {  	v12 =	vmul.f32 v15, v12;
	v17 =	vld [tilespmem:s15+$0xFFFFFFF0];
	(erf) = vpow2.f32 v23;
	[tilespmem:s20+$0x30] =	vst v11;
	s20 =	smov.u32 s19  }
0x169: {  	v15 =	vperm.xlane v10, v3;
	[tilespmem:s19+$0xFFFFFFC0] =	vst v13;
	v16 =	vld [tilespmem:s21+$0x10]  }
0x16a: {  	v11 =	vperm.xlane v10, v5;
	v13 =	vperm.xlane v8, v5;
	v22 =	vld [tilespmem:s21+$0xFFFFFFE0];
	[tilespmem:s19+$0x60] =	vst v12  }
0x16b: {  	v24 =	vperm.xlane v7, v5;
	v27 =	vperm.xlane v9, v5;
	s19 =	sadd.s32 $0x140, s19;
	v23 =	vld [tilespmem:s21+$0xFFFFFFA0]  }
0x16c: {  	v26 =	vperm.xlane v8, v4;
	v14 =	vadd.f32 v14, v20;
	v20 =	vperm.xlane v10, v4;
	s21 =	sadd.s32 $0x100, s21;
	v25 =	vld [tilespmem:s16+$0xFFFFFFE0];
	v12 =	vpop (erf)  }
0x16d: {  	v33 =	vperm.xlane v9, v4;
	v10 =	vperm.xlane v7, v4;
	v8 =	vpop (erf);
	v28 =	vld [tilespmem:s8+$0x60];
	v7 =	vmov v12  }
0x16e: {  	v30 =	vmul.f32 $2.000000030e-01, v14;
	v29 =	vld [tilespmem:s15+$0x0];
	[tilespmem:s19+$0x90] =	vst v8;
	v15 =	vmul.f32 v16, v15  }
0x16f: {  	vm0 =	vgt.f32 v14, $0.0e+00;
	v12 =	vperm.xlane v8, v3;
	[tilespmem:s19+$0xFFFFFFA0] =	vst v7;
	v31 =	vld [tilespmem:s21+$0x40];
	v22 =	vmul.f32 v22, v33  }
0x170: {  	v14 =	vsel vm0, v14, v30;
	v30 =	vperm.xlane v7, v2;
	v32 =	vld [tilespmem:s21+$0xFFFFFF80];
	v9 =	vpop (erf);
	v16 =	vmul.f32 v23, v10;
	[tilespmem:s20+$0x10] =	vst v15  }
0x171: {  	v23 =	vperm.xlane v8, v2;
	v15 =	vadd.f32 v25, v21;
	v21 =	vsub.f32 v14, v6;
	[tilespmem:s19+$0xFFFFFFF0] =	vst v9;
	v10 =	vpop (erf);
	v25 =	vld [tilespmem:s8+$0x20]  }
0x172: {  	v33 =	vld [tilespmem:s21+$0xFFFFFFC0];
	v14 =	vperm.xlane v10, v2;
	[tilespmem:s20+$0xFFFFFF80] =	vst v16;
	v26 =	vmul.f32 v28, v26  }
0x173: {  	v28 =	vmul.f32 $2.000000030e-01, v15;
	v16 =	vmul.f32 $1.442695020e+00, v21;
	v21 =	vld [tilespmem:s8+$0xFFFFFFB0];
	[tilespmem:s20+$0xFFFFFFD0] =	vst v22  }
0x174: {  	vm0 =	vgt.f32 v15, $0.0e+00;
	v29 =	vadd.f32 v18, v29;
	[tilespmem:s19+$0x40] =	vst v10;
	v23 =	vmul.f32 v31, v23;
	v31 =	vld [tilespmem:s8+$0xFFFFFFF0]  }
.Ltmp2:
0x175: {  	v15 =	vsel vm0, v15, v28;
	v28 =	vmul.f32 v32, v30;
	v30 =	vperm.xlane v9, v2;
	v18 =	vld [tilespmem:s21+$0x0];
	[tilespmem:s20+$0x70] =	vst v26;
	(pc) =	sbr.rel @p0 .LBB2_7-.Ltmp2, $4  }
0x176: {  	v22 =	vadd.f32 v19, v17;
	v32 =	vmul.f32 $2.000000030e-01, v29;
	[tilespmem:s19+$0x50] =	vst v23;
	v23 =	vmul.f32 v25, v20;
	v19 =	vld [tilespmem:s8+$0x70]  }
0x177: {  	vm1 =	vgt.f32 v29, $0.0e+00;
	v25 =	vsub.f32 v15, v6;
	[tilespmem:s19+$0xFFFFFF60] =	vst v28;
	v28 =	vmul.f32 v33, v30;
	v15 =	vld [tilespmem:s21+$0x50]  }
0x178: {  	vm0 =	vgt.f32 v22, $0.0e+00;
	v26 =	vmul.f32 $2.000000030e-01, v22;
	v17 =	vld [tilespmem:s21+$0xFFFFFF90];
	v20 =	vmul.f32 v21, v24;
	[tilespmem:s20+$0x20] =	vst v23  }
0x179: {  	v25 =	vmul.f32 $1.442695020e+00, v25;
	v23 =	vsel vm1, v29, v32;
	[tilespmem:s19+$0xFFFFFFB0] =	vst v28;
	v24 =	vmul.f32 v31, v27;
	v21 =	vld [tilespmem:s8+$0x30];
	s8 =	smov.u32 s21  }
0x17a: {  	v22 =	vsel vm0, v22, v26  }
0x17b: {  	v22 =	vsub.f32 v22, v6  }
0x17c: {  	v23 =	vsub.f32 v23, v6  }
0x17d: {  	(erf) = vpow2.f32 v25;
	v22 =	vmul.f32 $1.442695020e+00, v22  }
0x17e: {  	(erf) = vpow2.f32 v16;
	v51 =	vmul.f32 $1.442695020e+00, v23  }
0x17f: {  	(erf) = vpow2.f32 v22  }
0x180: {  	(erf) = vpow2.f32 v51;
	_ =	sdelay $0x5  }
0x181: {  	s15 =	sadd.s32 $0x140, s19;
	[tilespmem:s20+$0xFFFFFF90] =	vst v20;
	v16 =	vpop (erf)  }
0x182: {  	s16 =	sadd.s32 $0x100, s21;
	v22 =	vpop (erf);
	[tilespmem:s15+$0xFFFFFFA0] =	vst v16  }
0x183: {  	[tilespmem:s15+$0x90] =	vst v22;
	v53 =	vld [tilespmem:s16+$0xFFFFFF80];
	v23 =	vpop (erf)  }
0x184: {  	v54 =	vld [tilespmem:s16+$0x40];
	[tilespmem:s15+$0xFFFFFFF0] =	vst v23;
	v26 =	vpop (erf)  }
0x185: {  	v14 =	vmul.f32 v18, v14;
	v52 =	vld [tilespmem:s16+$0xFFFFFFC0];
	[tilespmem:s15+$0x40] =	vst v26  }
0x186: {  	[tilespmem:s20+$0xFFFFFFE0] =	vst v24;
	v13 =	vmul.f32 v19, v13;
	v57 =	vperm.xlane v16, v2;
	v56 =	vld [tilespmem:s16+$0x0]  }
0x187: {  	[tilespmem:s19+$0x0] =	vst v14;
	v11 =	vmul.f32 v21, v11;
	v58 =	vperm.xlane v22, v2  }
0x188: {  	[tilespmem:s20+$0x80] =	vst v13;
	v55 =	vperm.xlane v23, v2;
	v13 =	vmul.f32 v53, v57  }
0x189: {  	v27 =	vld [tilespmem:s21+$0xFFFFFFD0];
	[tilespmem:s20+$0x30] =	vst v11;
	v60 =	vperm.xlane v26, v2;
	v11 =	vmul.f32 v54, v58  }
0x18a: {  	v62 =	vld [tilespmem:s21+$0x10];
	[tilespmem:s15+$0xFFFFFF60] =	vst v13;
	v59 =	vmul.f32 v52, v55  }
0x18b: {  	v63 =	vperm.xlane v7, v3;
	[tilespmem:s15+$0x50] =	vst v11;
	v29 =	vld [tilespmem:s16+$0xFFFFFF90];
	v14 =	vmul.f32 v56, v60  }
0x18c: {  	v61 =	vperm.xlane v9, v3;
	v12 =	vmul.f32 v15, v12;
	v31 =	vld [tilespmem:s16+$0x50];
	[tilespmem:s15+$0xFFFFFFB0] =	vst v59  }
0x18d: {  	v30 =	vperm.xlane v10, v3;
	v17 =	vmul.f32 v17, v63;
	v25 =	vld [tilespmem:s16+$0xFFFFFFD0];
	[tilespmem:s15+$0x0] =	vst v14  }
0x18e: {  	[tilespmem:s19+$0x60] =	vst v12;
	v28 =	vmul.f32 v27, v61;
	v35 =	vperm.xlane v16, v3;
	v33 =	vld [tilespmem:s16+$0x10]  }
0x18f: {  	[tilespmem:s19+$0xFFFFFF70] =	vst v17;
	v38 =	vld [tilespmem:s8+$0x60];
	v18 =	vmul.f32 v62, v30;
	v37 =	vperm.xlane v22, v3  }
0x190: {  	v36 =	vld [tilespmem:s21+$0xFFFFFFA0];
	[tilespmem:s19+$0xFFFFFFC0] =	vst v28;
	v32 =	vperm.xlane v23, v3;
	v11 =	vmul.f32 v29, v35  }
0x191: {  	v34 =	vld [tilespmem:s21+$0xFFFFFFE0];
	[tilespmem:s19+$0x10] =	vst v18;
	v39 =	vperm.xlane v26, v3;
	v12 =	vmul.f32 v31, v37  }
0x192: {  	v44 =	vperm.xlane v8, v4;
	v41 =	vld [tilespmem:s8+$0x20];
	[tilespmem:s15+$0xFFFFFF70] =	vst v11;
	v13 =	vmul.f32 v25, v32  }
0x193: {  	v42 =	vperm.xlane v7, v4;
	[tilespmem:s15+$0x60] =	vst v12;
	v45 =	vld [tilespmem:s16+$0xFFFFFFA0];
	v15 =	vmul.f32 v33, v39  }
0x194: {  	v40 =	vperm.xlane v9, v4;
	v14 =	vmul.f32 v38, v44;
	v47 =	vld [tilespmem:s16+$0x60];
	[tilespmem:s15+$0xFFFFFFC0] =	vst v13  }
0x195: {  	v46 =	vperm.xlane v10, v4;
	v13 =	vmul.f32 v36, v42;
	v43 =	vld [tilespmem:s16+$0xFFFFFFE0];
	[tilespmem:s15+$0x10] =	vst v15  }
0x196: {  	v17 =	vmul.f32 v34, v40;
	v52 =	vperm.xlane v16, v4;
	[tilespmem:s19+$0x70] =	vst v14;
	v49 =	vld [tilespmem:s16+$0x20]  }
0x197: {  	v51 =	vmul.f32 v41, v46;
	v54 =	vperm.xlane v22, v4;
	v55 =	vld [tilespmem:s8+$0x70];
	[tilespmem:s19+$0xFFFFFF80] =	vst v13  }
0x198: {  	[tilespmem:s19+$0xFFFFFFD0] =	vst v17;
	v48 =	vperm.xlane v23, v4;
	v12 =	vmul.f32 v45, v52;
	v53 =	vld [tilespmem:s8+$0xFFFFFFB0]  }
0x199: {  	v50 =	vld [tilespmem:s8+$0xFFFFFFF0];
	[tilespmem:s19+$0x20] =	vst v51;
	v56 =	vperm.xlane v26, v4;
	v14 =	vmul.f32 v47, v54  }
0x19a: {  	v8 =	vperm.xlane v8, v5;
	v58 =	vld [tilespmem:s8+$0x30];
	[tilespmem:s15+$0xFFFFFF80] =	vst v12;
	v11 =	vmul.f32 v43, v48  }
0x19b: {  	v7 =	vperm.xlane v7, v5;
	v60 =	vld [tilespmem:s16+$0xFFFFFFB0];
	[tilespmem:s15+$0x70] =	vst v14;
	v59 =	vmul.f32 v49, v56  }
0x19c: {  	v57 =	vperm.xlane v9, v5;
	v8 =	vmul.f32 v55, v8;
	v14 =	vld [tilespmem:s16+$0x70];
	[tilespmem:s15+$0xFFFFFFD0] =	vst v11  }
0x19d: {  	v61 =	vperm.xlane v10, v5;
	v7 =	vmul.f32 v53, v7;
	v11 =	vld [tilespmem:s16+$0xFFFFFFF0];
	[tilespmem:s15+$0x20] =	vst v59  }
0x19e: {  	v63 =	vperm.xlane v16, v5;
	v9 =	vmul.f32 v50, v57;
	[tilespmem:s19+$0x80] =	vst v8;
	v12 =	vld [tilespmem:s16+$0x30]  }
0x19f: {  	v8 =	vperm.xlane v22, v5;
	[tilespmem:s19+$0xFFFFFF90] =	vst v7;
	v7 =	vmul.f32 v58, v61  }
0x1a0: {  	s17 =	sadd.s32 $0x1, s17;
	v62 =	vperm.xlane v23, v5;
	[tilespmem:s19+$0xFFFFFFE0] =	vst v9;
	v10 =	vmul.f32 v60, v63  }
0x1a1: {  	p0 =	sne.s32 s17, $0x28;
	v8 =	vmul.f32 v14, v8;
	[tilespmem:s19+$0x30] =	vst v7;
	v7 =	vperm.xlane v26, v5  }
.Ltmp3:
0x1a2: {  	[tilespmem:s15+$0xFFFFFF90] =	vst v10;
	v9 =	vmul.f32 v11, v62;
	(pc) =	sbr.rel @p0 .LBB2_4-.Ltmp3, $4  }
0x1a3: {  	[tilespmem:s15+$0x80] =	vst v8;
	v7 =	vmul.f32 v12, v7  }
0x1a4: {  	[tilespmem:s15+$0xFFFFFFE0] =	vst v9  }
0x1a5: {  	[tilespmem:s15+$0x30] =	vst v7  }
0x1a6: {  	[spmem:s3] =	stream.indirect.scatter.add.f32 [tilespmem:s14], [sflag:$0x8], $0x50, s18, s28, $0xb8;
	[tilespmem:$0x1DD10] =	vst v63  }
0x1a7: {  	_ =	swait.ge [sflag:s1], $0x800  }
0x1a8: {  	[sflag:s1] =	ssyncset.done $0x0  }
0x1a9: {  	[sflag:s1] =	ssyncadd.s32 $0xFFFFF800  }
0x1aa: {  	_ =	swait.ge [sflag:s25], $0x800  }
0x1ab: {  	[sflag:s25] =	ssyncset.done $0x0  }
0x1ac: {  	[sflag:s25] =	ssyncadd.s32 $0xFFFFF800  }
0x1ad: {  	_ =	swait.ge [sflag:s9], $0x2000  }
0x1ae: {  	[sflag:s9] =	ssyncset.done $0x0  }
0x1af: {  	s21 =	simm.s32 $0x7;
	[sflag:s9] =	ssyncadd.s32 $0xFFFFE000  }
0x1b0: {  	_ =	swait.ge [sflag:s21], $0x2800  }
0x1b1: {  	[sflag:s21] =	ssyncset.done $0x0  }
0x1b2: {  	s8 =	simm.s32 $0x11920;
	[sflag:s21] =	ssyncadd.s32 $0xFFFFD800  }
0x1b3: {  	v7 =	vld [tilespmem:s8+$0x10]  }
0x1b4: {  	s15 =	simm.s32 $0x12120;
	v8 =	vld [tilespmem:s8+$0xFFFFFFE0]  }
0x1b5: {  	v9 =	vld [tilespmem:s15+$0xFFFFFFE0]  }
0x1b6: {  	v10 =	vld [tilespmem:s15+$0x10]  }
0x1b7: {  	v11 =	vld [tilespmem:s15+$0xFFFFFFF0]  }
0x1b8: {  	v12 =	vld [tilespmem:s8+$0xFFFFFFF0];
	_ =	sdelay $0x1  }
0x1b9: {  	v8 =	vadd.f32 v9, v8  }
0x1ba: {  	v9 =	vld [tilespmem:s15+$0x0];
	v7 =	vadd.f32 v10, v7  }
0x1bb: {  	v10 =	vld [tilespmem:s8+$0x0];
	v13 =	vmul.f32 $2.000000030e-01, v8  }
0x1bc: {  	v11 =	vadd.f32 v11, v12;
	v14 =	vmul.f32 $2.000000030e-01, v7;
	vm0 =	vgt.f32 v8, $0.0e+00  }
0x1bd: {  	vm1 =	vgt.f32 v7, $0.0e+00;
	v8 =	vsel vm0, v8, v13  }
0x1be: {  	v12 =	vmul.f32 $2.000000030e-01, v11;
	v7 =	vsel vm1, v7, v14;
	v8 =	vsub.f32 v8, v6  }
0x1bf: {  	vm0 =	vgt.f32 v11, $0.0e+00;
	v7 =	vsub.f32 v7, v6  }
0x1c0: {  	v9 =	vadd.f32 v9, v10;
	v10 =	vsel vm0, v11, v12;
	v8 =	vmul.f32 $1.442695020e+00, v8  }
0x1c1: {  	v10 =	vsub.f32 v10, v6;
	v7 =	vmul.f32 $1.442695020e+00, v7  }
0x1c2: {  	v11 =	vmul.f32 $2.000000030e-01, v9;
	(erf) = vpow2.f32 v8  }
0x1c3: {  	s22 =	simm.s32 $0x11960;
	vm0 =	vgt.f32 v9, $0.0e+00;
	(erf) = vpow2.f32 v7;
	v7 =	vmul.f32 $1.442695020e+00, v10  }
0x1c4: {  	v16 =	vld [tilespmem:s22+$0x0];
	v8 =	vsel vm0, v9, v11  }
0x1c5: {  	s20 =	simm.s32 $0x12160;
	v13 =	vld [tilespmem:s22+$0xFFFFFFF0];
	v8 =	vsub.f32 v8, v6;
	(erf) = vpow2.f32 v7  }
0x1c6: {  	v11 =	vld [tilespmem:s20+$0x10]  }
0x1c7: {  	v10 =	vld [tilespmem:s22+$0x10];
	v8 =	vmul.f32 $1.442695020e+00, v8  }
0x1c8: {  	v12 =	vld [tilespmem:s22+$0xFFFFFFE0]  }
0x1c9: {  	v7 =	vld [tilespmem:s20+$0x0];
	(erf) = vpow2.f32 v8  }
0x1ca: {  	v8 =	vld [tilespmem:s20+$0xFFFFFFE0]  }
0x1cb: {  	s18 =	simm.s32 $0x179A0;
	v9 =	vld [tilespmem:s20+$0xFFFFFFF0];
	v14 =	vpop (erf)  }
0x1cc: {  	s24 =	simm.s32 $0x13980;
	v10 =	vadd.f32 v11, v10;
	v15 =	vpop (erf);
	[tilespmem:s18+$0xFFFFFFA0] =	vst v14  }
0x1cd: {  	[tilespmem:s18+$0x90] =	vst v15;
	v18 =	vld [tilespmem:s24+$0xFFFFFF80]  }
0x1ce: {  	v19 =	vmul.f32 $2.000000030e-01, v10;
	v11 =	vld [tilespmem:s24+$0x40];
	v17 =	vpop (erf)  }
0x1cf: {  	vm0 =	vgt.f32 v10, $0.0e+00;
	v7 =	vadd.f32 v7, v16;
	v8 =	vadd.f32 v8, v12;
	[tilespmem:s18+$0xFFFFFFF0] =	vst v17  }
0x1d0: {  	v9 =	vadd.f32 v9, v13;
	v10 =	vsel vm0, v10, v19;
	v19 =	vperm.xlane v14, v2;
	v12 =	vld [tilespmem:s24+$0xFFFFFFC0]  }
0x1d1: {  	vm1 =	vgt.f32 v7, $0.0e+00;
	v21 =	vperm.xlane v15, v2;
	v22 =	vmul.f32 $2.000000030e-01, v8  }
0x1d2: {  	s16 =	simm.s32 $0x121A0;
	v20 =	vperm.xlane v15, v3;
	vm0 =	vgt.f32 v8, $0.0e+00;
	v23 =	vpop (erf);
	v18 =	vmul.f32 v18, v19  }
0x1d3: {  	v24 =	vld [tilespmem:s16+$0x10];
	v8 =	vsel vm0, v8, v22;
	[tilespmem:s18+$0x40] =	vst v23;
	v11 =	vmul.f32 v11, v21;
	v21 =	vperm.xlane v17, v2  }
0x1d4: {  	v26 =	vld [tilespmem:s16+$0xFFFFFFE0];
	v10 =	vsub.f32 v10, v6;
	v8 =	vsub.f32 v8, v6;
	[tilespmem:s18+$0xFFFFFF60] =	vst v18;
	v18 =	vmul.f32 $2.000000030e-01, v9  }
0x1d5: {  	vm0 =	vgt.f32 v9, $0.0e+00;
	v13 =	vld [tilespmem:s24+$0x0];
	v19 =	vmul.f32 $2.000000030e-01, v7;
	[tilespmem:s18+$0x50] =	vst v11;
	v11 =	vmul.f32 v12, v21  }
0x1d6: {  	v10 =	vmul.f32 $1.442695020e+00, v10;
	v8 =	vmul.f32 $1.442695020e+00, v8;
	v21 =	vld [tilespmem:s24+$0xFFFFFF90];
	v9 =	vsel vm0, v9, v18  }
0x1d7: {  	v7 =	vsel vm1, v7, v19;
	v12 =	vperm.xlane v23, v2;
	v16 =	vld [tilespmem:s24+$0x50];
	[tilespmem:s18+$0xFFFFFFB0] =	vst v11;
	v9 =	vsub.f32 v9, v6  }
0x1d8: {  	s15 =	simm.s32 $0x119A0;
	(erf) = vpow2.f32 v8;
	v8 =	vperm.xlane v14, v3;
	v7 =	vsub.f32 v7, v6;
	v11 =	vld [tilespmem:s24+$0xFFFFFFD0]  }
0x1d9: {  	v25 =	vld [tilespmem:s15+$0xFFFFFFE0];
	(erf) = vpow2.f32 v10;
	v9 =	vmul.f32 $1.442695020e+00, v9  }
0x1da: {  	v29 =	vld [tilespmem:s15+$0x0];
	v12 =	vmul.f32 v13, v12;
	v7 =	vmul.f32 $1.442695020e+00, v7  }
0x1db: {  	v22 =	vld [tilespmem:s15+$0x10];
	v10 =	vperm.xlane v17, v3;
	(erf) = vpow2.f32 v9  }
0x1dc: {  	v19 =	vld [tilespmem:s16+$0xFFFFFFF0];
	[tilespmem:s18+$0x0] =	vst v12;
	v8 =	vmul.f32 v21, v8;
	(erf) = vpow2.f32 v7  }
0x1dd: {  	v7 =	vmul.f32 v16, v20;
	v9 =	vmul.f32 v11, v10;
	v10 =	vld [tilespmem:s24+$0x10]  }
0x1de: {  	v27 =	vperm.xlane v14, v5;
	v18 =	vld [tilespmem:s16+$0x0];
	[tilespmem:s18+$0xFFFFFF70] =	vst v8  }
0x1df: {  	v28 =	vperm.xlane v17, v5;
	v14 =	vperm.xlane v14, v4;
	v20 =	vld [tilespmem:s24+$0xFFFFFFA0];
	[tilespmem:s18+$0xFFFFFFC0] =	vst v9  }
0x1e0: {  	v22 =	vadd.f32 v24, v22;
	v17 =	vperm.xlane v17, v4;
	v9 =	vperm.xlane v23, v3;
	v16 =	vld [tilespmem:s24+$0xFFFFFFE0]  }
0x1e1: {  	s17 =	simm.s32 $0x17AE0;
	v13 =	vperm.xlane v15, v5;
	v15 =	vperm.xlane v15, v4;
	v21 =	vld [tilespmem:s15+$0xFFFFFFF0];
	[tilespmem:s18+$0x60] =	vst v7;
	v7 =	vpop (erf)  }
0x1e2: {  	s19 =	simm.s32 $0x13A80;
	v30 =	vmul.f32 $2.000000030e-01, v22;
	v24 =	vld [tilespmem:s24+$0x60];
	v8 =	vpop (erf);
	[tilespmem:s17+$0xFFFFFFA0] =	vst v7;
	v10 =	vmul.f32 v10, v9  }
0x1e3: {  	v25 =	vadd.f32 v26, v25;
	v11 =	vperm.xlane v23, v5;
	v23 =	vperm.xlane v23, v4;
	[tilespmem:s17+$0x90] =	vst v8;
	v60 =	vld [tilespmem:s19+$0xFFFFFF80]  }
0x1e4: {  	vm0 =	vgt.f32 v22, $0.0e+00;
	v12 =	vperm.xlane v8, v3;
	v20 =	vmul.f32 v20, v14;
	v31 =	vld [tilespmem:s19+$0x40];
	v9 =	vpop (erf);
	[tilespmem:s18+$0x10] =	vst v10  }
0x1e5: {  	v29 =	vadd.f32 v18, v29;
	v26 =	vperm.xlane v8, v2;
	v17 =	vmul.f32 v16, v17;
	[tilespmem:s17+$0xFFFFFFF0] =	vst v9;
	v32 =	vld [tilespmem:s24+$0x20]  }
0x1e6: {  	[tilespmem:s18+$0xFFFFFF80] =	vst v20;
	v20 =	vmul.f32 $2.000000030e-01, v25;
	v16 =	vsel vm0, v22, v30;
	v22 =	vperm.xlane v7, v2;
	v33 =	vld [tilespmem:s19+$0xFFFFFFC0]  }
0x1e7: {  	v15 =	vmul.f32 v24, v15;
	v24 =	vld [tilespmem:s24+$0xFFFFFFB0];
	vm0 =	vgt.f32 v25, $0.0e+00;
	v16 =	vsub.f32 v16, v6;
	v10 =	vpop (erf);
	[tilespmem:s18+$0xFFFFFFD0] =	vst v17  }
0x1e8: {  	v20 =	vsel vm0, v25, v20;
	v14 =	vperm.xlane v10, v2;
	[tilespmem:s17+$0x40] =	vst v10;
	v25 =	vmul.f32 v60, v22;
	v61 =	vld [tilespmem:s24+$0xFFFFFFF0]  }
0x1e9: {  	[tilespmem:s18+$0x70] =	vst v15;
	v22 =	vadd.f32 v19, v21;
	v17 =	vmul.f32 v31, v26;
	v26 =	vperm.xlane v9, v2;
	v18 =	vld [tilespmem:s19+$0x0]  }
0x1ea: {  	v21 =	vmul.f32 $2.000000030e-01, v29;
	v19 =	vld [tilespmem:s24+$0x70];
	v62 =	vsub.f32 v20, v6;
	[tilespmem:s17+$0xFFFFFF60] =	vst v25;
	v23 =	vmul.f32 v32, v23  }
0x1eb: {  	vm1 =	vgt.f32 v29, $0.0e+00;
	v16 =	vmul.f32 $1.442695020e+00, v16;
	[tilespmem:s17+$0x50] =	vst v17;
	v17 =	vld [tilespmem:s19+$0xFFFFFF90];
	v63 =	vmul.f32 v33, v26  }
0x1ec: {  	vm0 =	vgt.f32 v22, $0.0e+00;
	v25 =	vmul.f32 $1.442695020e+00, v62;
	v15 =	vld [tilespmem:s19+$0x50];
	v26 =	vmul.f32 $2.000000030e-01, v22;
	[tilespmem:s18+$0x20] =	vst v23  }
0x1ed: {  	s8 =	simm.s32 $0x13A80;
	s20 =	simm.s32 $0x8;
	v20 =	vmul.f32 v24, v27;
	v23 =	vsel vm1, v29, v21;
	[tilespmem:s17+$0xFFFFFFB0] =	vst v63;
	v24 =	vmul.f32 v61, v28;
	v21 =	vld [tilespmem:s24+$0x30]  }
.LBB2_10:
0x1ee: {  	s20 =	sadd.s32 $0x4, s20;
	v22 =	vsel vm0, v22, v26;
	s16 =	sadd.s32 $0x40, s16;
	s15 =	sadd.s32 $0x40, s15;
	v26 =	vperm.xlane v7, v3;
	v27 =	vld [tilespmem:s19+$0xFFFFFFD0];
	v14 =	vmul.f32 v18, v14  }
0x1ef: {  	v18 =	vld [tilespmem:s16+$0x0];
	p0 =	slt.u32 s20, $0x7C;
	v22 =	vsub.f32 v22, v6;
	(erf) = vpow2.f32 v25;
	[tilespmem:s18+$0xFFFFFFE0] =	vst v24;
	v13 =	vmul.f32 v19, v13  }
0x1f0: {  	v23 =	vsub.f32 v23, v6;
	v19 =	vld [tilespmem:s16+$0xFFFFFFF0];
	(erf) = vpow2.f32 v16;
	v16 =	vperm.xlane v9, v3;
	[tilespmem:s18+$0xFFFFFF90] =	vst v20  }
0x1f1: {  	v20 =	vld [tilespmem:s15+$0x10];
	v22 =	vmul.f32 $1.442695020e+00, v22;
	v17 =	vmul.f32 v17, v26;
	[tilespmem:s17+$0x0] =	vst v14  }
0x1f2: {  	v23 =	vmul.f32 $1.442695020e+00, v23;
	v14 =	vld [tilespmem:s16+$0x10];
	v11 =	vmul.f32 v21, v11;
	[tilespmem:s18+$0x80] =	vst v13  }
0x1f3: {  	v21 =	vld [tilespmem:s15+$0xFFFFFFE0];
	(erf) = vpow2.f32 v22;
	[tilespmem:s17+$0xFFFFFF70] =	vst v17;
	v13 =	vmul.f32 v27, v16  }
0x1f4: {  	v12 =	vmul.f32 v15, v12;
	v17 =	vld [tilespmem:s15+$0xFFFFFFF0];
	(erf) = vpow2.f32 v23;
	[tilespmem:s18+$0x30] =	vst v11;
	s18 =	smov.u32 s17  }
0x1f5: {  	v15 =	vperm.xlane v10, v3;
	[tilespmem:s17+$0xFFFFFFC0] =	vst v13;
	v16 =	vld [tilespmem:s19+$0x10]  }
0x1f6: {  	v11 =	vperm.xlane v10, v5;
	v13 =	vperm.xlane v8, v5;
	v22 =	vld [tilespmem:s19+$0xFFFFFFE0];
	[tilespmem:s17+$0x60] =	vst v12  }
0x1f7: {  	v24 =	vperm.xlane v7, v5;
	v27 =	vperm.xlane v9, v5;
	s17 =	sadd.s32 $0x140, s17;
	v23 =	vld [tilespmem:s19+$0xFFFFFFA0]  }
0x1f8: {  	v26 =	vperm.xlane v8, v4;
	v14 =	vadd.f32 v14, v20;
	v20 =	vperm.xlane v10, v4;
	s19 =	sadd.s32 $0x100, s19;
	v25 =	vld [tilespmem:s16+$0xFFFFFFE0];
	v12 =	vpop (erf)  }
0x1f9: {  	v33 =	vperm.xlane v9, v4;
	v10 =	vperm.xlane v7, v4;
	v8 =	vpop (erf);
	v28 =	vld [tilespmem:s8+$0x60];
	v7 =	vmov v12  }
0x1fa: {  	v30 =	vmul.f32 $2.000000030e-01, v14;
	v29 =	vld [tilespmem:s15+$0x0];
	[tilespmem:s17+$0x90] =	vst v8;
	v15 =	vmul.f32 v16, v15  }
0x1fb: {  	vm0 =	vgt.f32 v14, $0.0e+00;
	v12 =	vperm.xlane v8, v3;
	[tilespmem:s17+$0xFFFFFFA0] =	vst v7;
	v31 =	vld [tilespmem:s19+$0x40];
	v22 =	vmul.f32 v22, v33  }
0x1fc: {  	v14 =	vsel vm0, v14, v30;
	v30 =	vperm.xlane v7, v2;
	v32 =	vld [tilespmem:s19+$0xFFFFFF80];
	v9 =	vpop (erf);
	v16 =	vmul.f32 v23, v10;
	[tilespmem:s18+$0x10] =	vst v15  }
0x1fd: {  	v23 =	vperm.xlane v8, v2;
	v15 =	vadd.f32 v25, v21;
	v21 =	vsub.f32 v14, v6;
	[tilespmem:s17+$0xFFFFFFF0] =	vst v9;
	v10 =	vpop (erf);
	v25 =	vld [tilespmem:s8+$0x20]  }
0x1fe: {  	v33 =	vld [tilespmem:s19+$0xFFFFFFC0];
	v14 =	vperm.xlane v10, v2;
	[tilespmem:s18+$0xFFFFFF80] =	vst v16;
	v26 =	vmul.f32 v28, v26  }
0x1ff: {  	v28 =	vmul.f32 $2.000000030e-01, v15;
	v16 =	vmul.f32 $1.442695020e+00, v21;
	v21 =	vld [tilespmem:s8+$0xFFFFFFB0];
	[tilespmem:s18+$0xFFFFFFD0] =	vst v22  }
0x200: {  	vm0 =	vgt.f32 v15, $0.0e+00;
	v29 =	vadd.f32 v18, v29;
	[tilespmem:s17+$0x40] =	vst v10;
	v23 =	vmul.f32 v31, v23;
	v31 =	vld [tilespmem:s8+$0xFFFFFFF0]  }
.Ltmp4:
0x201: {  	v15 =	vsel vm0, v15, v28;
	v28 =	vmul.f32 v32, v30;
	v30 =	vperm.xlane v9, v2;
	v18 =	vld [tilespmem:s19+$0x0];
	[tilespmem:s18+$0x70] =	vst v26;
	(pc) =	sbr.rel @p0 .LBB2_10-.Ltmp4, $4  }
0x202: {  	v22 =	vadd.f32 v19, v17;
	v32 =	vmul.f32 $2.000000030e-01, v29;
	[tilespmem:s17+$0x50] =	vst v23;
	v23 =	vmul.f32 v25, v20;
	v19 =	vld [tilespmem:s8+$0x70]  }
0x203: {  	vm1 =	vgt.f32 v29, $0.0e+00;
	v25 =	vsub.f32 v15, v6;
	[tilespmem:s17+$0xFFFFFF60] =	vst v28;
	v28 =	vmul.f32 v33, v30;
	v15 =	vld [tilespmem:s19+$0x50]  }
0x204: {  	vm0 =	vgt.f32 v22, $0.0e+00;
	v26 =	vmul.f32 $2.000000030e-01, v22;
	v17 =	vld [tilespmem:s19+$0xFFFFFF90];
	v20 =	vmul.f32 v21, v24;
	[tilespmem:s18+$0x20] =	vst v23  }
0x205: {  	v25 =	vmul.f32 $1.442695020e+00, v25;
	v23 =	vsel vm1, v29, v32;
	[tilespmem:s17+$0xFFFFFFB0] =	vst v28;
	v24 =	vmul.f32 v31, v27;
	v21 =	vld [tilespmem:s8+$0x30];
	s8 =	smov.u32 s19  }
0x206: {  	v22 =	vsel vm0, v22, v26  }
0x207: {  	v22 =	vsub.f32 v22, v6  }
0x208: {  	v6 =	vsub.f32 v23, v6  }
0x209: {  	(erf) = vpow2.f32 v25;
	v22 =	vmul.f32 $1.442695020e+00, v22  }
0x20a: {  	(erf) = vpow2.f32 v16;
	v6 =	vmul.f32 $1.442695020e+00, v6  }
0x20b: {  	(erf) = vpow2.f32 v22  }
0x20c: {  	(erf) = vpow2.f32 v6;
	_ =	sdelay $0x5  }
0x20d: {  	s15 =	sadd.s32 $0x140, s17;
	[tilespmem:s18+$0xFFFFFF90] =	vst v20;
	v6 =	vpop (erf)  }
0x20e: {  	s16 =	sadd.s32 $0x100, s19;
	v16 =	vpop (erf);
	[tilespmem:s15+$0xFFFFFFA0] =	vst v6  }
0x20f: {  	[tilespmem:s15+$0x90] =	vst v16;
	v52 =	vld [tilespmem:s16+$0xFFFFFF80];
	v22 =	vpop (erf)  }
0x210: {  	v53 =	vld [tilespmem:s16+$0x40];
	[tilespmem:s15+$0xFFFFFFF0] =	vst v22;
	v25 =	vpop (erf)  }
0x211: {  	v14 =	vmul.f32 v18, v14;
	v51 =	vld [tilespmem:s16+$0xFFFFFFC0];
	[tilespmem:s15+$0x40] =	vst v25  }
0x212: {  	[tilespmem:s18+$0xFFFFFFE0] =	vst v24;
	v13 =	vmul.f32 v19, v13;
	v57 =	vperm.xlane v6, v2;
	v55 =	vld [tilespmem:s16+$0x0]  }
0x213: {  	v56 =	vld [tilespmem:s19+$0xFFFFFFD0];
	[tilespmem:s17+$0x0] =	vst v14;
	v11 =	vmul.f32 v21, v11;
	v58 =	vperm.xlane v16, v2  }
0x214: {  	[tilespmem:s18+$0x80] =	vst v13;
	v54 =	vperm.xlane v22, v2;
	v13 =	vmul.f32 v52, v57  }
0x215: {  	[tilespmem:s18+$0x30] =	vst v11;
	v60 =	vperm.xlane v25, v2;
	v11 =	vmul.f32 v53, v58  }
0x216: {  	v61 =	vperm.xlane v9, v3;
	v62 =	vld [tilespmem:s19+$0x10];
	[tilespmem:s15+$0xFFFFFF60] =	vst v13;
	v59 =	vmul.f32 v51, v54  }
0x217: {  	v63 =	vperm.xlane v7, v3;
	[tilespmem:s15+$0x50] =	vst v11;
	v28 =	vld [tilespmem:s16+$0xFFFFFF90];
	v14 =	vmul.f32 v55, v60  }
0x218: {  	v27 =	vmul.f32 v56, v61;
	v30 =	vld [tilespmem:s16+$0x50];
	[tilespmem:s15+$0xFFFFFFB0] =	vst v59  }
0x219: {  	v29 =	vperm.xlane v10, v3;
	v17 =	vmul.f32 v17, v63;
	v24 =	vld [tilespmem:s16+$0xFFFFFFD0];
	[tilespmem:s15+$0x0] =	vst v14  }
0x21a: {  	v12 =	vmul.f32 v15, v12;
	[tilespmem:s17+$0xFFFFFFC0] =	vst v27;
	v34 =	vperm.xlane v6, v3;
	v32 =	vld [tilespmem:s16+$0x10]  }
0x21b: {  	[tilespmem:s17+$0xFFFFFF70] =	vst v17;
	v33 =	vld [tilespmem:s19+$0xFFFFFFE0];
	v18 =	vmul.f32 v62, v29;
	v36 =	vperm.xlane v16, v3  }
0x21c: {  	[tilespmem:s17+$0x60] =	vst v12;
	v35 =	vld [tilespmem:s19+$0xFFFFFFA0];
	v31 =	vperm.xlane v22, v3;
	v11 =	vmul.f32 v28, v34  }
0x21d: {  	v37 =	vld [tilespmem:s8+$0x60];
	[tilespmem:s17+$0x10] =	vst v18;
	v38 =	vperm.xlane v25, v3;
	v12 =	vmul.f32 v30, v36  }
0x21e: {  	v39 =	vperm.xlane v9, v4;
	v40 =	vld [tilespmem:s8+$0x20];
	[tilespmem:s15+$0xFFFFFF70] =	vst v11;
	v13 =	vmul.f32 v24, v31  }
0x21f: {  	v41 =	vperm.xlane v7, v4;
	[tilespmem:s15+$0x60] =	vst v12;
	v44 =	vld [tilespmem:s16+$0xFFFFFFA0];
	v15 =	vmul.f32 v32, v38  }
0x220: {  	v43 =	vperm.xlane v8, v4;
	v17 =	vmul.f32 v33, v39;
	v46 =	vld [tilespmem:s16+$0x60];
	[tilespmem:s15+$0xFFFFFFC0] =	vst v13  }
0x221: {  	v45 =	vperm.xlane v10, v4;
	v13 =	vmul.f32 v35, v41;
	v42 =	vld [tilespmem:s16+$0xFFFFFFE0];
	[tilespmem:s15+$0x10] =	vst v15  }
0x222: {  	[tilespmem:s17+$0xFFFFFFD0] =	vst v17;
	v51 =	vperm.xlane v6, v4;
	v14 =	vmul.f32 v37, v43;
	v48 =	vld [tilespmem:s16+$0x20]  }
0x223: {  	v49 =	vld [tilespmem:s8+$0xFFFFFFF0];
	v50 =	vmul.f32 v40, v45;
	v53 =	vperm.xlane v16, v4;
	[tilespmem:s17+$0xFFFFFF80] =	vst v13  }
0x224: {  	v47 =	vperm.xlane v22, v4;
	[tilespmem:s17+$0x70] =	vst v14;
	v12 =	vmul.f32 v44, v51;
	v52 =	vld [tilespmem:s8+$0xFFFFFFB0]  }
0x225: {  	[tilespmem:s17+$0x20] =	vst v50;
	v55 =	vperm.xlane v25, v4;
	v54 =	vld [tilespmem:s8+$0x70];
	v14 =	vmul.f32 v46, v53  }
0x226: {  	v56 =	vperm.xlane v9, v5;
	v57 =	vld [tilespmem:s8+$0x30];
	[tilespmem:s15+$0xFFFFFF80] =	vst v12;
	v11 =	vmul.f32 v42, v47  }
0x227: {  	v7 =	vperm.xlane v7, v5;
	v60 =	vld [tilespmem:s16+$0xFFFFFFB0];
	[tilespmem:s15+$0x70] =	vst v14;
	v58 =	vmul.f32 v48, v55  }
0x228: {  	v9 =	vmul.f32 v49, v56;
	v59 =	vperm.xlane v8, v5;
	v14 =	vld [tilespmem:s16+$0x70];
	[tilespmem:s15+$0xFFFFFFD0] =	vst v11  }
0x229: {  	v61 =	vperm.xlane v10, v5;
	v7 =	vmul.f32 v52, v7;
	v11 =	vld [tilespmem:s16+$0xFFFFFFF0];
	[tilespmem:s15+$0x20] =	vst v58  }
0x22a: {  	v6 =	vperm.xlane v6, v5;
	[tilespmem:s17+$0xFFFFFFE0] =	vst v9;
	v8 =	vmul.f32 v54, v59;
	v12 =	vld [tilespmem:s16+$0x30]  }
0x22b: {  	v63 =	vperm.xlane v16, v5;
	[tilespmem:s17+$0xFFFFFF90] =	vst v7;
	v7 =	vmul.f32 v57, v61  }
0x22c: {  	v62 =	vperm.xlane v22, v5;
	[tilespmem:s17+$0x80] =	vst v8;
	v6 =	vmul.f32 v60, v6  }
0x22d: {  	v8 =	vmul.f32 v14, v63;
	[tilespmem:s17+$0x30] =	vst v7;
	v7 =	vperm.xlane v25, v5  }
0x22e: {  	[tilespmem:s15+$0xFFFFFF90] =	vst v6;
	v9 =	vmul.f32 v11, v62  }
0x22f: {  	[tilespmem:s15+$0x80] =	vst v8;
	v6 =	vmul.f32 v12, v7  }
0x230: {  	[tilespmem:s15+$0xFFFFFFE0] =	vst v9  }
0x231: {  	s18 =	simm.s32 $0x11880;
	[tilespmem:s15+$0x30] =	vst v6  }
0x232: {  	[spmem:s3] =	stream.indirect.scatter.add.f32 [tilespmem:s10], [sflag:$0x7], $0x50, s18, s28, $0xb8;
	[tilespmem:$0x1DD10] =	vst v63  }
0x233: {  	_ =	swait.ge [sflag:s21], $0x2800  }
0x234: {  	[sflag:s21] =	ssyncset.done $0x0  }
0x235: {  	s19 =	simm.s32 $0x8;
	[sflag:s21] =	ssyncadd.s32 $0xFFFFD800  }
0x236: {  	_ =	swait.ge [sflag:s19], $0x2800  }
0x237: {  	[sflag:s19] =	ssyncset.done $0x0  }
0x238: {  	[sflag:s19] =	ssyncadd.s32 $0xFFFFD800  }
0x239: {  	s20 =	stileid.u32;
	[bflag:$0x0] =	sbarrier.arrive $0xFFFF  }
0x23a: {  	s8 =	sshll.u32 s20, $0x6;
	s16 =	rddreg [dreg:$0x4]  }
0x23b: {  	s8 =	sor.u32 $0x1C09, s8;
	s22 =	rddreg [dreg:$0x10];
	s21 =	sshrl.u32 s16, $0x3  }
0x23c: {  	[hbm:s22], [sflag:s8] =	dma.local [spmem:s21], $0x1900  }
0x23d: {  	_ =	swait.ge [sflag:s23], $0x1900  }
0x23e: {  	s4 =	sadd.s32 $0x1, s4;
	s24 =	rddreg [dreg:$0x11]  }
0x23f: {  	p0 =	sne.s32 s4, s24  }
.Ltmp5:
0x240: {  	_ = 	snop;
	(pc) =	sbr.rel @p0 .LBB2_1-.Ltmp5, $3  }
0x241: {  	_ =	sdelay $0x1  }
0x242: {  	[sflag:s23] =	ssyncset.done $0x0  }
0x243: {  	[sflag:s23] =	ssyncadd.s32 $0xFFFFE700  }
0x244: {  	_ =	sfence.sel $0x180000  }
0x245: {  	[bflag:$0x0] =	sbarrier.arrive $0xFFFF  }
0x246: {  	_ =	strace $0x9000004A  }
0x247: {  	s0 =	stileid.u32;
	[bflag:$0x2] =	sbarrier.arrive $0xFFFF  }
0x248: {  	p0 =	sne.s32 s0, $0x0;
	s0 =	rddreg [dreg:$0x3]  }
0x249: {  	s0 =	sadd.s32 @!p0 $0x100000, s0  }
0x24a: {  	[sflag:s0] =	ssyncadd.tile.s32 @!p0 $0x1;
	_ =	shalt  }
.Lfunc_end2:
_tile_overlayer_lowered:
.L_overlay_start_2:
0x24b: {  	(tag) =	ssettag $0x2  }
0x24c: {  	s0 =	rddreg [dreg:$0x0];
	s2 =	stileid.u32  }
0x24d: {  	s1 =	rddreg [dreg:$0x1];
	p0 =	sne.s32 s2, $0x0  }
0x24e: {  	s3 =	rddreg [dreg:$0x2];
	[bflag:$0x3] =	sbarrier.arrive $0xFFFF;
	s2 =	simm.s32 @!p0 $0x1C09  }
0x24f: {  	[timem:s3], [sflag:s2] =	dma.local @!p0 [hbm:s0], s1  }
0x250: {  	s0 =	simm.s32 @!p0 $0x9  }
0x251: {  	_ =	swait.ge @!p0 [sflag:s0], s1  }
0x252: {  	s1 =	ssub.s32 @!p0 $0x0, s1;
	[sflag:s0] =	ssyncset.done @!p0 $0x0  }
0x253: {  	[sflag:s0] =	ssyncadd.s32 @!p0 s1  }
0x254: {  	[bflag:$0x3] =	sbarrier.arrive $0xFFFF  }
0x255: {  	_ =	shalt  }

// kernel: kernel.15.cloned.1.call-start
scs
__scs_entry_jumppad:
0x0: {  	(pc) =	sbr.rel $0x88, $3  }
0x1: {  	(tag) =	ssettag $0x0;
	lr =	simm.s32 $0x1  }
0x2: {  	[smem:$0x3F93] =	sst lr;
	_ =	strace $0xD0000000  }
0x3: {  	_ = 	snop  }
0x4: {  	_ = 	snop  }
0x5: {  	_ = 	snop  }
0x6: {  	_ = 	snop  }
0x7: {  	_ = 	snop  }
__scs_overlays_trampoline_lowered:
0x8: {  	[smem:$0x3FA2] =	sst s0  }
0x9: {  	[smem:$0x3FA3] =	sst s1  }
0xa: {  	[smem:$0x3FA4] =	sst s2  }
0xb: {  	[smem:$0x3FA5] =	sst s3  }
0xc: {  	[smem:$0x3FA6] =	sst s4  }
0xd: {  	[smem:$0x3FA7] =	sst s5  }
0xe: {  	[smem:$0x3FA8] =	sst s6  }
0xf: {  	[smem:$0x3FA9] =	sst s7  }
0x10: {  	[smem:$0x3FAA] =	sst s8  }
0x11: {  	[smem:$0x3FAB] =	sst s9;
	s0 =	simm.s32 @!p0 $0x0  }
0x12: {  	s1 =	sld [smem:$0x3F91];
	s0 =	simm.s32 @p0 $0x1  }
0x13: {  	[smem:$0x3FAC] =	sst s0;
	s0 =	simm.s32 @!p1 $0x0  }
0x14: {  	s2 =	sld [smem:$0x3F90];
	s0 =	simm.s32 @p1 $0x1  }
0x15: {  	[smem:$0x3FAD] =	sst s0;
	s0 =	simm.s32 @!p2 $0x0  }
0x16: {  	s3 =	sld [smem:$0x3FDB];
	s0 =	simm.s32 @p2 $0x1  }
0x17: {  	s4 =	simm.s32 $0x1BF5;
	[smem:$0x3FAF] =	sst s0  }
0x18: {  	s0 =	sld [smem:$0x3F92];
	_ =	swait.ge [sflag:s4], $0x0  }
0x19: {  	s7 =	sld [smem:$0x3F93]  }
0x1a: {  	s8 =	sadd.s32 $0xFFFFE003, lr  }
0x1b: {  	s9 =	sadd.s32 $0xFFFFFEF7, lr;
	s5 =	simm.s32 $0xFFFFFFFF;
	p2 =	slt.u32 s8, $0xFFFFF086  }
0x1c: {  	p1 =	slt.u32 s9, $0xF7A;
	s5 =	simm.s32 @!p2 $0x0  }
0x1d: {  	s5 =	simm.s32 @p1 $0x1;
	p0 =	seq.s32 s7, s2  }
0x1e: {  	s7 =	smul.u32 @!p0 $0xF7A, s2;
	p2 =	seq.s32 @!p0 s5, $0x0  }
0x1f: {  	s9 =	smul.u32 $0xF7A, s1;
	s8 =	simm.s32 @!p0 $0x1BF5;
	p2 =	por !p2, p0  }
0x20: {  	[sflag:s8] =	ssyncset.s32 @!p0 $0xFFFFF086;
	s6 =	sadd.s32 @!p0 s3, s7;
	s7 =	simm.s32 @!p0 $0x108  }
0x21: {  	s3 =	sadd.s32 s3, s9;
	s6 =	sadd.s32 @!p0 $0x88, s6;
	s7 =	simm.s32 @p2 $0x1082  }
0x22: {  	[simem:s7], [sflag:s8] =	dma.local @!p0 [hbm:s6], $0xF7A  }
0x23: {  	s9 =	sor.u32 $0xD0000000, s2;
	s6 =	simm.s32 $0x108;
	_ =	swait.ge @!p0 [sflag:s8], $0x0  }
0x24: {  	s3 =	sadd.s32 $0x88, s3;
	s6 =	simm.s32 @!p1 $0x1082;
	[sflag:s4] =	ssyncset.s32 $0xFFFFF086  }
0x25: {  	[simem:s6], [sflag:s4] =	dma.local [hbm:s3], $0xF7A  }
0x26: {  	[smem:$0x3F93] =	sst s1;
	(tag) =	ssettag s2;
	_ =	strace s9  }
0x27: {  	s1 =	sld [smem:$0x3FA3]  }
0x28: {  	s2 =	sld [smem:$0x3FA4]  }
0x29: {  	s4 =	sld [smem:$0x3FA6]  }
0x2a: {  	p0 =	seq.s32 s5, $0x0;
	s5 =	sld [smem:$0x3FA7]  }
0x2b: {  	s6 =	sld [smem:$0x3FA8]  }
0x2c: {  	s7 =	sld [smem:$0x3FA9]  }
0x2d: {  	s3 =	simm.s32 $0x108;
	s8 =	sld [smem:$0x3FAA]  }
0x2e: {  	s3 =	simm.s32 @!p0 $0x1082;
	s9 =	sld [smem:$0x3FAB]  }
0x2f: {  	lr =	sadd.s32 s0, s3;
	s0 =	sld [smem:$0x3FA2]  }
0x30: {  	s3 =	sld [smem:$0x3FA5]  }
0x31: {  	[smem:$0x3FAE] =	sst s10  }
0x32: {  	s10 =	sld [smem:$0x3FAC];
	_ =	sdelay $0x3  }
0x33: {  	p0 =	seq.s32 s10, $0x1;
	s10 =	sld [smem:$0x3FAE];
	_ =	sdelay $0x3  }
0x34: {  	[smem:$0x3FAE] =	sst s10  }
0x35: {  	s10 =	sld [smem:$0x3FAD];
	_ =	sdelay $0x3  }
0x36: {  	p1 =	seq.s32 s10, $0x1;
	s10 =	sld [smem:$0x3FAE];
	_ =	sdelay $0x3  }
0x37: {  	[smem:$0x3FAE] =	sst s10  }
0x38: {  	s10 =	sld [smem:$0x3FAF]  }
0x39: {  	_ = 	snop;
	(pc) =	sbr.ind lr, $3  }
0x3a: {  	_ = 	snop  }
0x3b: {  	_ = 	snop  }
0x3c: {  	p2 =	seq.s32 s10, $0x1;
	s10 =	sld [smem:$0x3FAE]  }
0x3d: {  	_ =	shalt  }
0x3e: {  	_ =	shalt  }
0x3f: {  	_ =	shalt  }
0x40: {  	_ =	shalt  }
0x41: {  	_ =	shalt  }
0x42: {  	_ =	shalt  }
0x43: {  	_ =	shalt  }
0x44: {  	_ =	shalt  }
0x45: {  	_ =	shalt  }
0x46: {  	_ =	shalt  }
0x47: {  	_ =	shalt  }
0x48: {  	_ =	shalt  }
0x49: {  	_ =	shalt  }
0x4a: {  	_ =	shalt  }
0x4b: {  	_ =	shalt  }
0x4c: {  	_ =	shalt  }
0x4d: {  	_ =	shalt  }
0x4e: {  	_ =	shalt  }
0x4f: {  	_ =	shalt  }
0x50: {  	_ =	shalt  }
0x51: {  	_ =	shalt  }
0x52: {  	_ =	shalt  }
0x53: {  	_ =	shalt  }
0x54: {  	_ =	shalt  }
0x55: {  	_ =	shalt  }
0x56: {  	_ =	shalt  }
0x57: {  	_ =	shalt  }
0x58: {  	_ =	shalt  }
0x59: {  	_ =	shalt  }
0x5a: {  	_ =	shalt  }
0x5b: {  	_ =	shalt  }
0x5c: {  	_ =	shalt  }
0x5d: {  	_ =	shalt  }
0x5e: {  	_ =	shalt  }
0x5f: {  	_ =	shalt  }
0x60: {  	_ =	shalt  }
0x61: {  	_ =	shalt  }
0x62: {  	_ =	shalt  }
0x63: {  	_ =	shalt  }
0x64: {  	_ =	shalt  }
0x65: {  	_ =	shalt  }
0x66: {  	_ =	shalt  }
0x67: {  	_ =	shalt  }
0x68: {  	_ =	shalt  }
0x69: {  	_ =	shalt  }
0x6a: {  	_ =	shalt  }
0x6b: {  	_ =	shalt  }
0x6c: {  	_ =	shalt  }
0x6d: {  	_ =	shalt  }
0x6e: {  	_ =	shalt  }
0x6f: {  	_ =	shalt  }
0x70: {  	_ =	shalt  }
0x71: {  	_ =	shalt  }
0x72: {  	_ =	shalt  }
0x73: {  	_ =	shalt  }
0x74: {  	_ =	shalt  }
0x75: {  	_ =	shalt  }
0x76: {  	_ =	shalt  }
0x77: {  	_ =	shalt  }
0x78: {  	_ =	shalt  }
0x79: {  	_ =	shalt  }
0x7a: {  	_ =	shalt  }
0x7b: {  	_ =	shalt  }
0x7c: {  	_ =	shalt  }
0x7d: {  	_ =	shalt  }
0x7e: {  	_ =	shalt  }
0x7f: {  	_ =	shalt  }
0x80: {  	_ =	shalt  }
0x81: {  	_ =	shalt  }
0x82: {  	_ =	shalt  }
0x83: {  	_ =	shalt  }
0x84: {  	_ =	shalt  }
0x85: {  	_ =	shalt  }
0x86: {  	_ =	shalt  }
0x87: {  	_ =	shalt  }
.Lfunc_end0:
.L_simem_size_0:
called_computation.2_lowered:
.L_overlay_start_0:
0x88: {  	s2 =	sld [smem:$0x3FD9]  }
0x89: {  	s3 =	sld [smem:$0x3FFE];
	_ =	sdelay $0x1  }
0x8a: {  	s1 =	srdreg.scid  }
0x8b: {  	s0 =	sand.u32 $0x1, s1  }
0x8c: {  	s17 =	sshll.u32 s0, $0xA;
	s2 =	sadd.s32 s3, s2  }
0x8d: {  	s2 =	sadd.s32 s2, s17  }
0x8e: {  	[smem:$0x3FBA] =	sst s2  }
0x8f: {  	_ = 	snop  }
0x90: {  	s2 =	sld [smem:$0x3FD0];
	(tm) =	ssettm $0x1  }
0x91: {  	s18 =	sld [smem:$0x3FFB];
	_ =	sdelay $0x3  }
0x92: {  	_ =	strace s18  }
0x93: {  	s3 =	sld [smem:$0x3FFC];
	_ =	sdelay $0x3  }
0x94: {  	_ =	strace s3  }
0x95: {  	s3 =	sld [smem:$0x3FFD];
	_ =	sdelay $0x3  }
0x96: {  	_ =	strace s3  }
0x97: {  	_ =	strace $0x8FFFFFFF  }
0x98: {  	s19 =	sld [smem:$0x3FDB];
	_ =	sdelay $0x1  }
0x99: {  	s4 =	simm.s32 $_scs_section_size  }
0x9a: {  	s5 =	simm.s32 $_size__tile_overlayer_lowered;
	s6 =	simm.s32 $_tile_overlayer_lowered  }
0x9b: {  	s22 =	simm.s32 $0x1BFF;
	s21 =	sshll.u32 s6, $0x1;
	s3 =	sadd.s32 s4, s19  }
0x9c: {  	s7 =	simm.s32 $0x0;
	s20 =	sshll.u32 s5, $0x1;
	s5 =	sadd.s32 s21, s3  }
0x9d: {  	[timem:s7], [sflag:s22] =	dma.local [hbm:s5], s20  }
0x9e: {  	_ =	swait.ge [sflag:s22], s20  }
0x9f: {  	s4 =	ssub.s32 $0x0, s20;
	[sflag:s22] =	ssyncset.done $0x0  }
0xa0: {  	[sflag:s22] =	ssyncadd.s32 s4;
	_ =	sdelay $0x1  }
0xa1: {  	s23 =	simm.s32 $0x1B8B  }
0xa2: {  	_ =	swait.ge [sflag:s23], $0x1  }
0xa3: {  	[sflag:s23] =	ssyncset.done $0x0  }
0xa4: {  	s25 =	simm.s32 $0x1B8E;
	s24 =	sld [smem:$0x3FFE];
	[sflag:s23] =	ssyncadd.s32 $0xFFFFFFFF  }
0xa5: {  	s26 =	simm.s32 $execute0_lowered;
	[smem:$0x3FD2] =	sst s25  }
0xa6: {  	s5 =	sshll.u32 s26, $0x1;
	_ =	strace $0x8000004C;
	[dreg:$0x1] =	wrdreg $0xFFFFFFFF  }
0xa7: {  	s28 =	simm.s32 $_size_execute0_lowered;
	s3 =	sadd.s32 s3, s5;
	[dreg:$0x0] =	wrdreg $0x0  }
0xa8: {  	s5 =	sshll.u32 s28, $0x1;
	[dreg:$0x2] =	wrdreg s3  }
0xa9: {  	[dreg:$0x3] =	wrdreg s5  }
0xaa: {  	[dreg:$0x4] =	wrdreg $0xC0  }
0xab: {  	_ =	task [dreg:s7], $0x5FFFF  }
0xac: {  	[dreg:$0x1] =	wrdreg $0xFFFFFFFF  }
0xad: {  	[dreg:$0x0] =	wrdreg $0x60  }
0xae: {  	[dreg:$0x2] =	wrdreg s24  }
0xaf: {  	[dreg:$0x3] =	wrdreg s2  }
0xb0: {  	[dreg:$0x4] =	wrdreg $0x0  }
0xb1: {  	[dreg:$0x5] =	wrdreg $0x9  }
0xb2: {  	_ =	task.clear_ibuf [dreg:s7], $0x6FFFF;
	_ =	strace $0x9000004C  }
0xb3: {  	s29 =	simm.s32 $0x9;
	_ =	strace $0x8000004E  }
0xb4: {  	_ =	swait.ge [sflag:s29], $0x1  }
0xb5: {  	[sflag:s29] =	ssyncadd.s32 $0xFFFFFFFF  }
0xb6: {  	_ =	strace $0x9000004E  }
0xb7: {  	_ =	sfence  }
0xb8: {  	s30 =	sld [smem:$0x0];
	_ =	sdelay $0x2  }
0xb9: {  	s31 =	sshll.u32 s1, $0xD;
	s1 =	sshrl.u32 s1, $0x2  }
0xba: {  	s3 =	sand.u32 $0x4000, s31;
	s1 =	sadd.s32 s1, s30  }
0xbb: {  	s0 =	sor.u32 s3, s0;
	s1 =	sshll.u32 s1, $0x11  }
0xbc: {  	s0 =	sor.u32 s1, s0  }
0xbd: {  	s0 =	sadd.s32 $0x8F2B, s0  }
0xbe: {  	[sflag:s0] =	ssyncadd.remote.s32 $0x1  }
0xbf: {  	_ =	sfence.sel $0xFFFF  }
0xc0: {  	[dreg:$0x0] =	wrdreg $0xFFFFFFFF;
	(pc) =	sbr.abs _section_cstart, $3  }
0xc1: {  	[dreg:$0x1] =	wrdreg $0xFFFFFFFF  }
0xc2: {  	_ =	task.clear_ibuf [dreg:s7], $0x2FFFF;
	_ =	strace $0x9FFFFFFF  }
0xc3: {  	(tm) =	ssettm $0x7FFFFFFF  }
tec
execute0_lowered:
.L_overlay_start_1:
0x0: {  	(tag) =	ssettag $0x1  }
0x1: {  	s0 =	rddreg [dreg:$0x0];
	s1 =	srdreg.scid  }
0x2: {  	s3 =	rddreg [dreg:$0x2];
	s10 =	stileid.u32;
	s15 =	simm.s32 $0x0  }
0x3: {  	s28 =	simm.s32 $0x80;
	s29 =	simm.s32 $0xA100;
	s4 =	smul.u32 $0x2880, s10  }
0x4: {  	s30 =	simm.s32 $0xA900;
	s31 =	simm.s32 $0xC100;
	s8 =	smul.u32 $0x5000, s10  }
0x5: {  	s1 =	sand.u32 $0x1, s1;
	[smem:$0x7FF] =	sst s15;
	s12 =	smul.u32 $0x14000, s10  }
0x6: {  	s5 =	sadd.s32 $0xA600, s0;
	s6 =	sadd.s32 $0x5600, s0;
	s2 =	smul.u32 $0x28800, s1  }
0x7: {  	s7 =	sadd.s32 $0x600, s0;
	s9 =	smul.u32 $0x50000, s1;
	s1 =	ssub.s32 $0x2, s1  }
0x8: {  	_ =	strace $0x8000004D;
	s13 =	sshrl.u32 s1, $0x1;
	s16 =	sadd.s32 s8, s3  }
0x9: {  	s11 =	sadd.s32 s8, s9;
	s9 =	sshrl.u32 s12, $0x2;
	s1 =	ssub.s32 s1, s13  }
0xa: {  	[dreg:$0x5] =	wrdreg s16;
	s14 =	sadd.s32 s9, s3;
	s26 =	smax.u32 s1, $0x1  }
0xb: {  	s10 =	simm.s32 $0xD100;
	s17 =	sadd.s32 $0x800, s14;
	[dreg:$0x12] =	wrdreg s26  }
0xc: {  	s2 =	sadd.s32 s4, s2;
	s18 =	sadd.s32 $0x1000, s14;
	[dreg:$0x6] =	wrdreg s17  }
0xd: {  	s12 =	simm.s32 $0x5;
	s19 =	sadd.s32 $0x1800, s14;
	[dreg:$0x7] =	wrdreg s18  }
0xe: {  	s13 =	simm.s32 $0x6;
	s20 =	sadd.s32 $0x2000, s14;
	[dreg:$0x8] =	wrdreg s19  }
0xf: {  	s2 =	sshrl.u32 s2, $0x3;
	s21 =	sadd.s32 $0x2800, s14;
	[dreg:$0x9] =	wrdreg s20  }
0x10: {  	s4 =	sshrl.u32 s11, $0x3;
	s22 =	sadd.s32 $0x3000, s14;
	[dreg:$0xa] =	wrdreg s21  }
0x11: {  	s1 =	simm.s32 $0x1;
	s23 =	sadd.s32 $0x3800, s14;
	[dreg:$0xb] =	wrdreg s22  }
0x12: {  	v0 =	vimm.s32 $0xFEDCBA98;
	s2 =	sadd.s32 s2, s0;
	s24 =	sadd.s32 $0x4000, s14;
	[dreg:$0xc] =	wrdreg s23  }
0x13: {  	v1 =	vimm.s32 $0x76543210;
	v0 =	vunpack.c.l.s4.s8 v0;
	s0 =	sadd.s32 s4, s0;
	s4 =	sadd.s32 $0x4800, s14;
	[dreg:$0xd] =	wrdreg s24  }
0x14: {  	v1 =	vunpack.c.l.s4.s8 v1;
	s9 =	simm.s32 $0x3;
	[dreg:$0xe] =	wrdreg s4;
	s25 =	sadd.s32 $0x28800, s2  }
0x15: {  	v0 =	vunpack.c.0.s8.s32 v0;
	s11 =	simm.s32 $0x4;
	s2 =	sadd.s32 $0x1E600, s2;
	[dreg:$0xf] =	wrdreg s25  }
0x16: {  	v1 =	vunpack.c.0.s8.s32 v1;
	s26 =	simm.s32 $0xC900;
	s0 =	sadd.s32 $0x32A00, s0;
	[dreg:$0x10] =	wrdreg s2  }
0x17: {  	v2 =	vand.u32 $0xF, v0;
	s14 =	simm.s32 $0xE100;
	s23 =	simm.s32 $0x9;
	[dreg:$0x11] =	wrdreg s0  }
0x18: {  	v0 =	vimm.f32 $0.0e+00;
	v1 =	vcombine.low v2, v1;
	v2 =	vimm.s32 $0x0;
	s0 =	simm.s32 $0xB100;
	s2 =	simm.s32 $0xB900;
	s25 =	simm.s32 $0x2  }
.LBB2_1:
0x19: {  	[dreg:$0x4] =	wrdreg s15;
	s4 =	simm.s32 $0xF150  }
0x1a: {  	[tilespmem:s4+$0xFFFFFFC0] =	vst v0  }
0x1b: {  	[tilespmem:s4+$0x30] =	vst v0  }
0x1c: {  	[tilespmem:s4+$0x20] =	vst v0  }
0x1d: {  	[tilespmem:s4+$0x10] =	vst v0  }
0x1e: {  	[tilespmem:s4+$0x0] =	vst v0  }
0x1f: {  	[tilespmem:s4+$0xFFFFFFF0] =	vst v0  }
0x20: {  	s8 =	simm.s32 $0x0;
	[tilespmem:s4+$0xFFFFFFE0] =	vst v0  }
.LBB2_2:
0x21: {  	s8 =	sadd.s32 $0x4, s8;
	[tilespmem:s4+$0xFFFFFFD0] =	vst v0;
	s4 =	sadd.s32 $0x80, s4  }
0x22: {  	[tilespmem:s4+$0xFFFFFFC0] =	vst v0;
	p0 =	slt.u32 s8, $0x3C  }
0x23: {  	[tilespmem:s4+$0x30] =	vst v0  }
.Ltmp0:
0x24: {  	[tilespmem:s4+$0x20] =	vst v0;
	(pc) =	sbr.rel @p0 .LBB2_2-.Ltmp0, $4  }
0x25: {  	[tilespmem:s4+$0x10] =	vst v0  }
0x26: {  	[tilespmem:s4+$0x0] =	vst v0  }
0x27: {  	[tilespmem:s4+$0xFFFFFFF0] =	vst v0  }
0x28: {  	[tilespmem:s4+$0xFFFFFFE0] =	vst v0  }
0x29: {  	[tilespmem:s4+$0xFFFFFFD0] =	vst v0;
	s8 =	simm.s32 $0xF110  }
0x2a: {  	[spmem:s16] =	stream.linear.scatter [tilespmem:s8], [sflag:$0x9], $0x800, $0x38;
	[tilespmem:$0xF910] =	vst v63  }
0x2b: {  	_ =	swait.ge [sflag:s23], $0x800  }
0x2c: {  	[sflag:s23] =	ssyncset.done $0x0  }
0x2d: {  	s19 =	rddreg [dreg:$0x6];
	[sflag:s23] =	ssyncadd.s32 $0xFFFFF800  }
0x2e: {  	[spmem:s19] =	stream.linear.scatter [tilespmem:s8], [sflag:$0x9], $0x800, $0x38;
	[tilespmem:$0xF910] =	vst v63  }
0x2f: {  	_ =	swait.ge [sflag:s23], $0x800  }
0x30: {  	[sflag:s23] =	ssyncset.done $0x0  }
0x31: {  	s20 =	rddreg [dreg:$0x7];
	[sflag:s23] =	ssyncadd.s32 $0xFFFFF800  }
0x32: {  	[spmem:s20] =	stream.linear.scatter [tilespmem:s8], [sflag:$0x9], $0x800, $0x38;
	[tilespmem:$0xF910] =	vst v63  }
0x33: {  	_ =	swait.ge [sflag:s23], $0x800  }
0x34: {  	[sflag:s23] =	ssyncset.done $0x0  }
0x35: {  	s21 =	rddreg [dreg:$0x8];
	[sflag:s23] =	ssyncadd.s32 $0xFFFFF800  }
0x36: {  	[spmem:s21] =	stream.linear.scatter [tilespmem:s8], [sflag:$0x9], $0x800, $0x38;
	[tilespmem:$0xF910] =	vst v63  }
0x37: {  	_ =	swait.ge [sflag:s23], $0x800  }
0x38: {  	[sflag:s23] =	ssyncset.done $0x0  }
0x39: {  	s22 =	rddreg [dreg:$0x9];
	[sflag:s23] =	ssyncadd.s32 $0xFFFFF800  }
0x3a: {  	[spmem:s22] =	stream.linear.scatter [tilespmem:s8], [sflag:$0x9], $0x800, $0x38;
	[tilespmem:$0xF910] =	vst v63  }
0x3b: {  	_ =	swait.ge [sflag:s23], $0x800  }
0x3c: {  	[sflag:s23] =	ssyncset.done $0x0  }
0x3d: {  	s24 =	rddreg [dreg:$0xa];
	[sflag:s23] =	ssyncadd.s32 $0xFFFFF800  }
0x3e: {  	[spmem:s24] =	stream.linear.scatter [tilespmem:s8], [sflag:$0x9], $0x800, $0x38;
	[tilespmem:$0xF910] =	vst v63  }
0x3f: {  	_ =	swait.ge [sflag:s23], $0x800  }
0x40: {  	[sflag:s23] =	ssyncset.done $0x0  }
0x41: {  	s15 =	rddreg [dreg:$0xb];
	[sflag:s23] =	ssyncadd.s32 $0xFFFFF800  }
0x42: {  	[spmem:s15] =	stream.linear.scatter [tilespmem:s8], [sflag:$0x9], $0x800, $0x38;
	[tilespmem:$0xF910] =	vst v63  }
0x43: {  	_ =	swait.ge [sflag:s23], $0x800  }
0x44: {  	[sflag:s23] =	ssyncset.done $0x0  }
0x45: {  	s16 =	rddreg [dreg:$0xc];
	[sflag:s23] =	ssyncadd.s32 $0xFFFFF800  }
0x46: {  	[spmem:s16] =	stream.linear.scatter [tilespmem:s8], [sflag:$0x9], $0x800, $0x38;
	[tilespmem:$0xF910] =	vst v63  }
0x47: {  	_ =	swait.ge [sflag:s23], $0x800  }
0x48: {  	[sflag:s23] =	ssyncset.done $0x0  }
0x49: {  	s17 =	rddreg [dreg:$0xd];
	[sflag:s23] =	ssyncadd.s32 $0xFFFFF800  }
0x4a: {  	[spmem:s17] =	stream.linear.scatter [tilespmem:s8], [sflag:$0x9], $0x800, $0x38;
	[tilespmem:$0xF910] =	vst v63  }
0x4b: {  	_ =	swait.ge [sflag:s23], $0x800  }
0x4c: {  	[sflag:s23] =	ssyncset.done $0x0  }
0x4d: {  	s18 =	rddreg [dreg:$0xe];
	[sflag:s23] =	ssyncadd.s32 $0xFFFFF800  }
0x4e: {  	[spmem:s18] =	stream.linear.scatter [tilespmem:s8], [sflag:$0x9], $0x800, $0x38;
	[tilespmem:$0xF910] =	vst v63  }
0x4f: {  	_ =	swait.ge [sflag:s23], $0x800  }
0x50: {  	s20 =	simm.s32 $0x5000;
	[sflag:s23] =	ssyncset.done $0x0  }
0x51: {  	s17 =	simm.s32 $0x0;
	s19 =	rddreg [dreg:$0xf];
	[sflag:s23] =	ssyncadd.s32 $0xFFFFF800  }
0x52: {  	[tilespmem:s20], [sflag:$0x9] =	stream.linear.gather [hbm4b:s19+s17], $0x2880, $0x38;
	[tilespmem:$0xF910] =	vst v63  }
0x53: {  	_ =	swait.ge [sflag:s23], $0x2880  }
0x54: {  	[sflag:s23] =	ssyncset.done $0x0  }
0x55: {  	s15 =	simm.s32 $0x7880;
	s21 =	rddreg [dreg:$0x10];
	[sflag:s23] =	ssyncadd.s32 $0xFFFFD780  }
0x56: {  	[tilespmem:s15], [sflag:$0x9] =	stream.linear.gather [hbm4b:s21+s17], $0x2880, $0x38;
	[tilespmem:$0xF910] =	vst v63  }
0x57: {  	_ =	swait.ge [sflag:s23], $0x2880  }
0x58: {  	[sflag:s23] =	ssyncset.done $0x0  }
0x59: {  	[sflag:s23] =	ssyncadd.s32 $0xFFFFD780  }
0x5a: {  	s24 =	simm.s32 $0xF100;
	s22 =	rddreg [dreg:$0x1]  }
0x5b: {  	[tilespmem:s24], [sflag:$0x9] =	stream.linear.gather [hbm4b:s22+s17], $0x10, $0x38;
	[tilespmem:$0xF910] =	vst v63  }
0x5c: {  	_ =	swait.ge [sflag:s23], $0x10  }
0x5d: {  	[sflag:s23] =	ssyncset.done $0x0  }
0x5e: {  	[sflag:s23] =	ssyncadd.s32 $0xFFFFFFF0  }
0x5f: {  	[bflag:$0x0] =	sbarrier.arrive $0xFFFF  }
0x60: {  	v3 =	vld [tilespmem:$0xF100];
	_ =	sdelay $0x4  }
0x61: {  	v4 =	vperm.xlane v3, v1;
	_ =	sdelay $0x1  }
0x62: {  	[tilespmem:s29], [sflag:$0x1] =	stream.indirect.gather [hbm4b:s5+s28], $0x10, s20, s28, $0xb8;
	v3 =	vadd.f32 v4, v3;
	[tilespmem:$0xF910] =	vst v63  }
0x63: {  	_ = 	snop  }
0x64: {  	[tilespmem:s30], [sflag:$0x2] =	stream.indirect.gather [hbm4b:s6+s28], $0x10, s15, s28, $0xb8;
	v4 =	vmul.f32 $2.000000030e-01, v3;
	[tilespmem:$0xF910] =	vst v63  }
0x65: {  	vm0 =	vgt.f32 v3, $0.0e+00  }
0x66: {  	[tilespmem:s31], [sflag:$0x3] =	stream.indirect.gather [hbm4b:s7+s28], $0x10, s20, s28, $0xb8;
	v3 =	vsel vm0, v3, v4;
	[tilespmem:$0xF910] =	vst v63  }
.LBB2_4:
0x67: {  	s19 =	sshll.u32 s17, $0x8  }
0x68: {  	s4 =	sadd.s32 $0x5080, s19  }
0x69: {  	[tilespmem:s0], [sflag:$0x4] =	stream.indirect.gather [hbm4b:s5+s28], $0x10, s4, s28, $0xb8;
	[tilespmem:$0xF910] =	vst v63  }
0x6a: {  	s18 =	sadd.s32 $0x7900, s19  }
0x6b: {  	[tilespmem:s2], [sflag:$0x5] =	stream.indirect.gather [hbm4b:s6+s28], $0x10, s18, s28, $0xb8;
	[tilespmem:$0xF910] =	vst v63  }
0x6c: {  	_ = 	snop  }
0x6d: {  	[tilespmem:s26], [sflag:$0x6] =	stream.indirect.gather [hbm4b:s7+s28], $0x10, s4, s28, $0xb8;
	[tilespmem:$0xF910] =	vst v63  }
0x6e: {  	_ =	swait.ge [sflag:s1], $0x800  }
0x6f: {  	[sflag:s1] =	ssyncset.done $0x0  }
0x70: {  	[sflag:s1] =	ssyncadd.s32 $0xFFFFF800  }
0x71: {  	_ =	swait.ge [sflag:s25], $0x800  }
0x72: {  	[sflag:s25] =	ssyncset.done $0x0  }
0x73: {  	[sflag:s25] =	ssyncadd.s32 $0xFFFFF800  }
0x74: {  	_ =	swait.ge [sflag:s9], $0x800  }
0x75: {  	p0 =	seq.s32 s17, $0x0;
	[sflag:s9] =	ssyncset.done $0x0  }
0x76: {  	s4 =	simm.s32 @!p0 $0x7;
	[sflag:s9] =	ssyncadd.s32 $0xFFFFF800  }
0x77: {  	_ =	swait.ge @!p0 [sflag:s4], $0x1000  }
0x78: {  	[sflag:s4] =	ssyncset.done @!p0 $0x0  }
0x79: {  	s16 =	simm.s32 $0xA120;
	[sflag:s4] =	ssyncadd.s32 @!p0 $0xFFFFF000  }
0x7a: {  	s8 =	simm.s32 $0xA920;
	v4 =	vld [tilespmem:s16+$0xFFFFFFE0]  }
0x7b: {  	v5 =	vld [tilespmem:s8+$0x10]  }
0x7c: {  	v6 =	vld [tilespmem:s16+$0x10]  }
0x7d: {  	v7 =	vld [tilespmem:s16+$0x0]  }
0x7e: {  	v8 =	vld [tilespmem:s8+$0xFFFFFFF0]  }
0x7f: {  	v9 =	vld [tilespmem:s16+$0xFFFFFFF0]  }
0x80: {  	v10 =	vld [tilespmem:s8+$0xFFFFFFE0]  }
0x81: {  	v11 =	vld [tilespmem:s8+$0x0];
	_ =	sdelay $0x1  }
0x82: {  	s21 =	simm.s32 $0xA960  }
0x83: {  	v12 =	vld [tilespmem:s21+$0x10];
	v5 =	vadd.f32 v5, v6  }
0x84: {  	v15 =	vld [tilespmem:s21+$0x0];
	v8 =	vadd.f32 v8, v9;
	v4 =	vadd.f32 v10, v4  }
0x85: {  	s20 =	simm.s32 $0xA160;
	v16 =	vld [tilespmem:s21+$0xFFFFFFF0];
	v7 =	vadd.f32 v11, v7;
	v9 =	vmul.f32 $2.000000030e-01, v5  }
0x86: {  	v6 =	vld [tilespmem:s20+$0xFFFFFFE0];
	vm0 =	vgt.f32 v5, $0.0e+00;
	v13 =	vmul.f32 $2.000000030e-01, v8;
	v14 =	vmul.f32 $2.000000030e-01, v4  }
0x87: {  	v10 =	vld [tilespmem:s20+$0x10];
	vm7 =	vgt.f32 v4, $0.0e+00;
	v5 =	vsel vm0, v5, v9;
	v9 =	vmul.f32 $2.000000030e-01, v7  }
0x88: {  	v11 =	vld [tilespmem:s20+$0x0];
	vm1 =	vgt.f32 v7, $0.0e+00;
	v4 =	vsel vm7, v4, v14;
	v5 =	vsub.f32 v5, v3  }
0x89: {  	vm8 =	vgt.f32 v8, $0.0e+00;
	v14 =	vld [tilespmem:s20+$0xFFFFFFF0];
	v4 =	vsub.f32 v4, v3;
	v7 =	vsel vm1, v7, v9  }
0x8a: {  	v8 =	vsel vm8, v8, v13;
	v9 =	vld [tilespmem:s21+$0xFFFFFFE0];
	v5 =	vmul.f32 $1.442695020e+00, v5;
	v7 =	vsub.f32 v7, v3  }
0x8b: {  	v8 =	vsub.f32 v8, v3;
	v4 =	vmul.f32 $1.442695020e+00, v4  }
0x8c: {  	s24 =	simm.s32 $0xA9A0;
	v7 =	vmul.f32 $1.442695020e+00, v7;
	(erf) = vpow2.f32 v5  }
0x8d: {  	v5 =	vmul.f32 $1.442695020e+00, v8;
	v8 =	vld [tilespmem:s24+$0x10];
	(erf) = vpow2.f32 v4  }
0x8e: {  	s22 =	simm.s32 $0xA1A0;
	v4 =	vadd.f32 v12, v10;
	v10 =	vadd.f32 v16, v14;
	v12 =	vld [tilespmem:s24+$0x0];
	(erf) = vpow2.f32 v7  }
0x8f: {  	v7 =	vadd.f32 v15, v11;
	v11 =	vld [tilespmem:s22+$0x10];
	v6 =	vadd.f32 v9, v6;
	(erf) = vpow2.f32 v5  }
0x90: {  	s16 =	simm.s32 $0xA9E0;
	v9 =	vld [tilespmem:s22+$0x0];
	v5 =	vmul.f32 $2.000000030e-01, v4;
	vm9 =	vgt.f32 v4, $0.0e+00;
	vm10 =	vgt.f32 v10, $0.0e+00  }
0x91: {  	v18 =	vld [tilespmem:s16+$0x10];
	v14 =	vmul.f32 $2.000000030e-01, v10;
	vm2 =	vgt.f32 v7, $0.0e+00;
	v15 =	vmul.f32 $2.000000030e-01, v6  }
0x92: {  	v16 =	vld [tilespmem:s24+$0xFFFFFFF0];
	vm11 =	vgt.f32 v6, $0.0e+00;
	v4 =	vsel vm9, v4, v5;
	v5 =	vmul.f32 $2.000000030e-01, v7  }
0x93: {  	v10 =	vsel vm10, v10, v14;
	v14 =	vld [tilespmem:s22+$0xFFFFFFF0];
	v4 =	vsub.f32 v4, v3;
	v6 =	vsel vm11, v6, v15  }
0x94: {  	v13 =	vld [tilespmem:s22+$0xFFFFFFE0];
	v10 =	vsub.f32 v10, v3;
	v6 =	vsub.f32 v6, v3;
	v5 =	vsel vm2, v7, v5  }
0x95: {  	s8 =	simm.s32 $0xA1E0;
	v7 =	vld [tilespmem:s24+$0xFFFFFFE0];
	v8 =	vadd.f32 v8, v11;
	v12 =	vadd.f32 v12, v9;
	v11 =	vmul.f32 $1.442695020e+00, v4  }
0x96: {  	v22 =	vld [tilespmem:s8+$0x10];
	v5 =	vsub.f32 v5, v3;
	v10 =	vmul.f32 $1.442695020e+00, v10;
	v15 =	vpop (erf);
	v17 =	vmul.f32 $1.442695020e+00, v6  }
0x97: {  	v4 =	vld [tilespmem:s8+$0xFFFFFFE0];
	v9 =	vmul.f32 $2.000000030e-01, v8;
	vm12 =	vgt.f32 v8, $0.0e+00;
	v21 =	vperm.xlane v15, v2  }
0x98: {  	s20 =	simm.s32 $0xD140;
	v6 =	vld [tilespmem:s16+$0x0];
	v19 =	vpop (erf);
	v20 =	vmul.f32 $1.442695020e+00, v5;
	v14 =	vadd.f32 v16, v14;
	(erf) = vpow2.f32 v11  }
0x99: {  	s15 =	simm.s32 $0xC120;
	vm14 =	vgt.f32 v12, $0.0e+00;
	v5 =	vld [tilespmem:s8+$0x0];
	[tilespmem:s20+$0x30] =	vst v15;
	v23 =	vpop (erf);
	(erf) = vpow2.f32 v17;
	v26 =	vperm.xlane v19, v2  }
0x9a: {  	[tilespmem:s20+$0xFFFFFFD0] =	vst v19;
	v17 =	vld [tilespmem:s15+$0x10];
	v11 =	vpop (erf);
	v13 =	vadd.f32 v7, v13;
	v15 =	vmul.f32 $2.000000030e-01, v14;
	(erf) = vpow2.f32 v20  }
0x9b: {  	v8 =	vsel vm12, v8, v9;
	v24 =	vld [tilespmem:s15+$0xFFFFFFE0];
	v20 =	vmul.f32 $2.000000030e-01, v12;
	(erf) = vpow2.f32 v10;
	[tilespmem:s20+$0xFFFFFFF0] =	vst v11  }
0x9c: {  	vm13 =	vgt.f32 v14, $0.0e+00;
	[tilespmem:s20+$0x10] =	vst v23;
	v7 =	vperm.xlane v11, v2;
	v11 =	vmul.f32 $2.000000030e-01, v13;
	v16 =	vld [tilespmem:s15+$0xFFFFFFF0]  }
0x9d: {  	v25 =	vsub.f32 v8, v3;
	v9 =	vld [tilespmem:s15+$0x0];
	vm15 =	vgt.f32 v13, $0.0e+00;
	v14 =	vsel vm13, v14, v15  }
0x9e: {  	s4 =	simm.s32 $0xAA20;
	v10 =	vld [tilespmem:s16+$0xFFFFFFF0];
	v20 =	vsel vm14, v12, v20;
	v8 =	vsel vm15, v13, v11;
	v11 =	vsub.f32 v14, v3  }
0x9f: {  	s21 =	simm.s32 $0xC160;
	s22 =	simm.s32 $0xA220;
	s24 =	simm.s32 $0xD1C0;
	v15 =	vld [tilespmem:s8+$0xFFFFFFF0];
	v13 =	vperm.xlane v23, v2;
	v17 =	vmul.f32 v17, v21;
	v19 =	vsub.f32 v8, v3  }
0xa0: {  	s15 =	simm.s32 $0xC;
	s8 =	simm.s32 $0xC160;
	v14 =	vld [tilespmem:s16+$0xFFFFFFE0];
	s16 =	simm.s32 $0xD1C0;
	v8 =	vadd.f32 v18, v22;
	v18 =	vmul.f32 $1.442695020e+00, v25;
	v12 =	vmul.f32 v24, v26  }
.LBB2_5:
0xa1: {  	v21 =	vld [tilespmem:s22+$0xFFFFFFE0];
	s15 =	sadd.s32 $0x4, s15;
	v19 =	vmul.f32 $1.442695020e+00, v19;
	v20 =	vsub.f32 v20, v3;
	s24 =	sadd.s32 $0x80, s24;
	s21 =	sadd.s32 $0x40, s21;
	v22 =	vpop (erf);
	v7 =	vmul.f32 v16, v7;
	[tilespmem:s20+$0x20] =	vst v17  }
0xa2: {  	v17 =	vadd.f32 v6, v5;
	v23 =	vld [tilespmem:s4+$0x10];
	p1 =	slt.u32 s15, $0x7C;
	v16 =	vmul.f32 $2.000000030e-01, v8;
	v24 =	vperm.xlane v22, v2;
	v25 =	vpop (erf);
	[tilespmem:s20+$0xFFFFFFC0] =	vst v12  }
0xa3: {  	vm0 =	vgt.f32 v8, $0.0e+00;
	v9 =	vmul.f32 v9, v13;
	v12 =	vld [tilespmem:s22+$0x10];
	v20 =	vmul.f32 $1.442695020e+00, v20;
	[tilespmem:s16+$0x30] =	vst v22;
	v22 =	vpop (erf)  }
0xa4: {  	v11 =	vmul.f32 $1.442695020e+00, v11;
	v5 =	vld [tilespmem:s22+$0x0];
	v10 =	vadd.f32 v10, v15;
	(erf) = vpow2.f32 v18;
	v13 =	vpop (erf);
	[tilespmem:s20+$0xFFFFFFE0] =	vst v7  }
0xa5: {  	v6 =	vld [tilespmem:s4+$0x0];
	v14 =	vadd.f32 v14, v4;
	(erf) = vpow2.f32 v19;
	v7 =	vperm.xlane v13, v2;
	[tilespmem:s20+$0x0] =	vst v9;
	s20 =	smov.u32 s16;
	s16 =	smov.u32 s24  }
0xa6: {  	vm1 =	vgt.f32 v10, $0.0e+00;
	v9 =	vmul.f32 $2.000000030e-01, v10;
	(erf) = vpow2.f32 v20;
	[tilespmem:s20+$0xFFFFFFD0] =	vst v25;
	v18 =	vld [tilespmem:s8+$0x10];
	v4 =	vmovc v21  }
0xa7: {  	vm2 =	vgt.f32 v17, $0.0e+00;
	v8 =	vsel vm0, v8, v16;
	(erf) = vpow2.f32 v11;
	v21 =	vld [tilespmem:s8+$0xFFFFFFE0];
	[tilespmem:s20+$0xFFFFFFF0] =	vst v13  }
.Ltmp1:
0xa8: {  	v20 =	vmul.f32 $2.000000030e-01, v17;
	vm0 =	vgt.f32 v14, $0.0e+00;
	v11 =	vmul.f32 $2.000000030e-01, v14;
	v16 =	vld [tilespmem:s8+$0xFFFFFFF0];
	[tilespmem:s20+$0x10] =	vst v22;
	(pc) =	sbr.rel @p1 .LBB2_5-.Ltmp1, $4  }
0xa9: {  	v26 =	vsub.f32 v8, v3;
	v25 =	vperm.xlane v25, v2;
	v13 =	vsel vm1, v10, v9;
	v9 =	vld [tilespmem:s8+$0x0];
	s8 =	smov.u32 s21  }
0xaa: {  	v8 =	vsel vm0, v14, v11;
	v11 =	vsub.f32 v13, v3;
	v13 =	vperm.xlane v22, v2;
	v10 =	vld [tilespmem:s4+$0xFFFFFFF0]  }
0xab: {  	v20 =	vsel vm2, v17, v20;
	v19 =	vsub.f32 v8, v3;
	v15 =	vld [tilespmem:s22+$0xFFFFFFF0];
	v17 =	vmul.f32 v18, v24  }
0xac: {  	v8 =	vadd.f32 v23, v12;
	s22 =	sadd.s32 $0x40, s22;
	v18 =	vmul.f32 $1.442695020e+00, v26;
	v14 =	vld [tilespmem:s4+$0xFFFFFFE0];
	s4 =	sadd.s32 $0x40, s4;
	v12 =	vmul.f32 v21, v25  }
0xad: {  	v19 =	vmul.f32 $1.442695020e+00, v19  }
0xae: {  	v20 =	vsub.f32 v20, v3;
	v21 =	vpop (erf);
	v7 =	vmul.f32 v16, v7;
	v11 =	vmul.f32 $1.442695020e+00, v11  }
0xaf: {  	v5 =	vadd.f32 v6, v5;
	v6 =	vmul.f32 $2.000000030e-01, v8;
	v16 =	vperm.xlane v21, v2  }
0xb0: {  	v22 =	vpop (erf);
	vm0 =	vgt.f32 v8, $0.0e+00;
	v9 =	vmul.f32 v9, v13;
	(erf) = vpow2.f32 v18  }
0xb1: {  	v20 =	vmul.f32 $1.442695020e+00, v20;
	v23 =	vpop (erf);
	(erf) = vpow2.f32 v19;
	v10 =	vadd.f32 v10, v15  }
0xb2: {  	[tilespmem:s16+$0x30] =	vst v21;
	v13 =	vpop (erf);
	v6 =	vsel vm0, v8, v6;
	v8 =	vmul.f32 $2.000000030e-01, v5;
	v4 =	vadd.f32 v14, v4  }
0xb3: {  	v18 =	vld [tilespmem:s8+$0x10];
	vm2 =	vgt.f32 v5, $0.0e+00;
	v14 =	vperm.xlane v13, v2;
	(erf) = vpow2.f32 v20  }
0xb4: {  	v6 =	vsub.f32 v6, v3;
	vm1 =	vgt.f32 v10, $0.0e+00;
	v19 =	vmul.f32 $2.000000030e-01, v4  }
0xb5: {  	[tilespmem:s16+$0xFFFFFFD0] =	vst v22;
	v15 =	vmul.f32 $2.000000030e-01, v10;
	(erf) = vpow2.f32 v11;
	vm15 =	vgt.f32 v4, $0.0e+00  }
0xb6: {  	v11 =	vld [tilespmem:s8+$0xFFFFFFE0];
	v5 =	vsel vm2, v5, v8;
	v8 =	vperm.xlane v22, v2;
	v4 =	vsel vm15, v4, v19  }
0xb7: {  	[tilespmem:s16+$0xFFFFFFF0] =	vst v13;
	v5 =	vsub.f32 v5, v3;
	v10 =	vsel vm1, v10, v15;
	v4 =	vsub.f32 v4, v3  }
0xb8: {  	[tilespmem:s16+$0x10] =	vst v23;
	v13 =	vld [tilespmem:s8+$0xFFFFFFF0];
	v6 =	vmul.f32 $1.442695020e+00, v6;
	v15 =	vmul.f32 v18, v16;
	v10 =	vsub.f32 v10, v3  }
0xb9: {  	[tilespmem:s20+$0xFFFFFFC0] =	vst v12;
	v12 =	vld [tilespmem:s8+$0x0];
	v5 =	vmul.f32 $1.442695020e+00, v5;
	v4 =	vmul.f32 $1.442695020e+00, v4  }
0xba: {  	[tilespmem:s20+$0x20] =	vst v17;
	(erf) = vpow2.f32 v6;
	v6 =	vmul.f32 $1.442695020e+00, v10  }
0xbb: {  	[tilespmem:s20+$0xFFFFFFE0] =	vst v7;
	(erf) = vpow2.f32 v4;
	v4 =	vmul.f32 v11, v8  }
0xbc: {  	[tilespmem:s20+$0x0] =	vst v9;
	(erf) = vpow2.f32 v5;
	v5 =	vperm.xlane v23, v2  }
0xbd: {  	[tilespmem:s16+$0x20] =	vst v15;
	v7 =	vmul.f32 v13, v14;
	(erf) = vpow2.f32 v6  }
0xbe: {  	[tilespmem:s16+$0xFFFFFFC0] =	vst v4;
	v4 =	vmul.f32 v12, v5  }
0xbf: {  	s4 =	sadd.s32 $0x80, s24;
	[tilespmem:s16+$0xFFFFFFE0] =	vst v7;
	v6 =	vpop (erf)  }
0xc0: {  	[tilespmem:s4+$0x30] =	vst v6;
	v5 =	vpop (erf)  }
0xc1: {  	s20 =	sadd.s32 $0x40, s21;
	[tilespmem:s16+$0x0] =	vst v4;
	v7 =	vpop (erf)  }
0xc2: {  	v8 =	vld [tilespmem:s20+$0x10];
	[tilespmem:s4+$0xFFFFFFD0] =	vst v5;
	v4 =	vpop (erf)  }
0xc3: {  	v9 =	vld [tilespmem:s20+$0xFFFFFFE0];
	[tilespmem:s4+$0xFFFFFFF0] =	vst v4;
	v10 =	vpop (erf)  }
0xc4: {  	s15 =	sadd.s32 $0x80, s4;
	[tilespmem:s4+$0x10] =	vst v7;
	v11 =	vld [tilespmem:s20+$0xFFFFFFF0];
	v12 =	vpop (erf)  }
0xc5: {  	s21 =	sadd.s32 $0x40, s20;
	v6 =	vperm.xlane v6, v2;
	v13 =	vld [tilespmem:s20+$0x0];
	[tilespmem:s15+$0x30] =	vst v10;
	v14 =	vpop (erf)  }
0xc6: {  	v5 =	vperm.xlane v5, v2;
	[tilespmem:s15+$0xFFFFFFD0] =	vst v12;
	v16 =	vld [tilespmem:s21+$0x10];
	v15 =	vpop (erf)  }
0xc7: {  	v4 =	vperm.xlane v4, v2;
	v6 =	vmul.f32 v8, v6;
	v8 =	vld [tilespmem:s21+$0xFFFFFFE0];
	[tilespmem:s15+$0xFFFFFFF0] =	vst v15  }
0xc8: {  	v7 =	vperm.xlane v7, v2;
	[tilespmem:s15+$0x10] =	vst v14;
	v5 =	vmul.f32 v9, v5;
	v9 =	vld [tilespmem:s21+$0xFFFFFFF0]  }
0xc9: {  	[tilespmem:s4+$0x20] =	vst v6;
	v6 =	vperm.xlane v10, v2;
	v10 =	vld [tilespmem:s21+$0x0];
	v4 =	vmul.f32 v11, v4  }
0xca: {  	[tilespmem:s4+$0xFFFFFFC0] =	vst v5;
	v5 =	vmul.f32 v13, v7;
	v7 =	vperm.xlane v12, v2  }
0xcb: {  	v6 =	vmul.f32 v16, v6;
	[tilespmem:s4+$0xFFFFFFE0] =	vst v4;
	v4 =	vperm.xlane v15, v2  }
0xcc: {  	[tilespmem:s4+$0x0] =	vst v5;
	v5 =	vperm.xlane v14, v2;
	v7 =	vmul.f32 v8, v7  }
0xcd: {  	[tilespmem:s15+$0x20] =	vst v6;
	v4 =	vmul.f32 v9, v4  }
0xce: {  	[tilespmem:s15+$0xFFFFFFC0] =	vst v7;
	v5 =	vmul.f32 v10, v5  }
0xcf: {  	s22 =	sand.u32 $0x3FFFFF00, s19;
	[tilespmem:s15+$0xFFFFFFE0] =	vst v4  }
0xd0: {  	s4 =	sadd.s32 $0x7880, s22;
	[tilespmem:s15+$0x0] =	vst v5  }
0xd1: {  	[spmem:s3] =	stream.indirect.scatter.add.f32 [tilespmem:s10], [sflag:$0x7], $0x20, s4, s28, $0xb8;
	[tilespmem:$0xF910] =	vst v63  }
0xd2: {  	s24 =	sadd.s32 $0x5100, s19  }
0xd3: {  	[tilespmem:s29], [sflag:$0x1] =	stream.indirect.gather [hbm4b:s5+s28], $0x10, s24, s28, $0xb8;
	[tilespmem:$0xF910] =	vst v63  }
0xd4: {  	s15 =	sadd.s32 $0x7980, s19  }
0xd5: {  	[tilespmem:s30], [sflag:$0x2] =	stream.indirect.gather [hbm4b:s6+s28], $0x10, s15, s28, $0xb8;
	[tilespmem:$0xF910] =	vst v63  }
0xd6: {  	_ = 	snop  }
0xd7: {  	[tilespmem:s31], [sflag:$0x3] =	stream.indirect.gather [hbm4b:s7+s28], $0x10, s24, s28, $0xb8;
	[tilespmem:$0xF910] =	vst v63  }
0xd8: {  	_ =	swait.ge [sflag:s11], $0x800  }
0xd9: {  	[sflag:s11] =	ssyncset.done $0x0  }
0xda: {  	[sflag:s11] =	ssyncadd.s32 $0xFFFFF800  }
0xdb: {  	_ =	swait.ge [sflag:s12], $0x800  }
0xdc: {  	[sflag:s12] =	ssyncset.done $0x0  }
0xdd: {  	[sflag:s12] =	ssyncadd.s32 $0xFFFFF800  }
0xde: {  	_ =	swait.ge [sflag:s13], $0x800  }
0xdf: {  	[sflag:s13] =	ssyncset.done $0x0  }
0xe0: {  	s4 =	simm.s32 @!p0 $0x8;
	[sflag:s13] =	ssyncadd.s32 $0xFFFFF800  }
0xe1: {  	_ =	swait.ge @!p0 [sflag:s4], $0x1000  }
0xe2: {  	[sflag:s4] =	ssyncset.done @!p0 $0x0  }
0xe3: {  	s16 =	simm.s32 $0xB120;
	[sflag:s4] =	ssyncadd.s32 @!p0 $0xFFFFF000  }
0xe4: {  	s19 =	simm.s32 $0xB920;
	v4 =	vld [tilespmem:s16+$0xFFFFFFE0]  }
0xe5: {  	v5 =	vld [tilespmem:s19+$0x10]  }
0xe6: {  	v6 =	vld [tilespmem:s16+$0x10]  }
0xe7: {  	v7 =	vld [tilespmem:s16+$0x0]  }
0xe8: {  	v8 =	vld [tilespmem:s19+$0xFFFFFFF0]  }
0xe9: {  	v9 =	vld [tilespmem:s16+$0xFFFFFFF0]  }
0xea: {  	v10 =	vld [tilespmem:s19+$0xFFFFFFE0]  }
0xeb: {  	v11 =	vld [tilespmem:s19+$0x0];
	_ =	sdelay $0x1  }
0xec: {  	s21 =	simm.s32 $0xB960  }
0xed: {  	v12 =	vld [tilespmem:s21+$0x10];
	v5 =	vadd.f32 v5, v6  }
0xee: {  	v15 =	vld [tilespmem:s21+$0x0];
	v8 =	vadd.f32 v8, v9;
	v4 =	vadd.f32 v10, v4  }
0xef: {  	s20 =	simm.s32 $0xB160;
	v16 =	vld [tilespmem:s21+$0xFFFFFFF0];
	v7 =	vadd.f32 v11, v7;
	v9 =	vmul.f32 $2.000000030e-01, v5  }
0xf0: {  	v6 =	vld [tilespmem:s20+$0xFFFFFFE0];
	vm4 =	vgt.f32 v5, $0.0e+00;
	v13 =	vmul.f32 $2.000000030e-01, v8;
	v14 =	vmul.f32 $2.000000030e-01, v4  }
0xf1: {  	v10 =	vld [tilespmem:s20+$0x10];
	vm5 =	vgt.f32 v4, $0.0e+00;
	v5 =	vsel vm4, v5, v9;
	v9 =	vmul.f32 $2.000000030e-01, v7  }
0xf2: {  	v11 =	vld [tilespmem:s20+$0x0];
	vm6 =	vgt.f32 v7, $0.0e+00;
	v4 =	vsel vm5, v4, v14;
	v5 =	vsub.f32 v5, v3  }
0xf3: {  	vm7 =	vgt.f32 v8, $0.0e+00;
	v14 =	vld [tilespmem:s20+$0xFFFFFFF0];
	v4 =	vsub.f32 v4, v3;
	v7 =	vsel vm6, v7, v9  }
0xf4: {  	v8 =	vsel vm7, v8, v13;
	v9 =	vld [tilespmem:s21+$0xFFFFFFE0];
	v5 =	vmul.f32 $1.442695020e+00, v5;
	v7 =	vsub.f32 v7, v3  }
0xf5: {  	v8 =	vsub.f32 v8, v3;
	v4 =	vmul.f32 $1.442695020e+00, v4  }
0xf6: {  	s24 =	simm.s32 $0xB9A0;
	v7 =	vmul.f32 $1.442695020e+00, v7;
	(erf) = vpow2.f32 v5  }
0xf7: {  	v5 =	vmul.f32 $1.442695020e+00, v8;
	v8 =	vld [tilespmem:s24+$0x10];
	(erf) = vpow2.f32 v4  }
0xf8: {  	s22 =	simm.s32 $0xB1A0;
	v4 =	vadd.f32 v12, v10;
	v10 =	vadd.f32 v16, v14;
	v12 =	vld [tilespmem:s24+$0x0];
	(erf) = vpow2.f32 v7  }
0xf9: {  	v7 =	vadd.f32 v15, v11;
	v11 =	vld [tilespmem:s22+$0x10];
	v6 =	vadd.f32 v9, v6;
	(erf) = vpow2.f32 v5  }
0xfa: {  	s8 =	simm.s32 $0xB1E0;
	v9 =	vld [tilespmem:s22+$0x0];
	v5 =	vmul.f32 $2.000000030e-01, v4;
	vm8 =	vgt.f32 v4, $0.0e+00;
	vm9 =	vgt.f32 v10, $0.0e+00  }
0xfb: {  	v22 =	vld [tilespmem:s8+$0x10];
	v14 =	vmul.f32 $2.000000030e-01, v10;
	vm10 =	vgt.f32 v7, $0.0e+00;
	v15 =	vmul.f32 $2.000000030e-01, v6  }
0xfc: {  	v16 =	vld [tilespmem:s24+$0xFFFFFFF0];
	vm11 =	vgt.f32 v6, $0.0e+00;
	v4 =	vsel vm8, v4, v5;
	v5 =	vmul.f32 $2.000000030e-01, v7  }
0xfd: {  	v10 =	vsel vm9, v10, v14;
	v14 =	vld [tilespmem:s22+$0xFFFFFFF0];
	v4 =	vsub.f32 v4, v3;
	v6 =	vsel vm11, v6, v15  }
0xfe: {  	v13 =	vld [tilespmem:s22+$0xFFFFFFE0];
	v10 =	vsub.f32 v10, v3;
	v6 =	vsub.f32 v6, v3;
	v5 =	vsel vm10, v7, v5  }
0xff: {  	s16 =	simm.s32 $0xB9E0;
	v7 =	vld [tilespmem:s24+$0xFFFFFFE0];
	v8 =	vadd.f32 v8, v11;
	v12 =	vadd.f32 v12, v9;
	v11 =	vmul.f32 $1.442695020e+00, v4  }
0x100: {  	v18 =	vld [tilespmem:s16+$0x10];
	v5 =	vsub.f32 v5, v3;
	v10 =	vmul.f32 $1.442695020e+00, v10;
	v15 =	vpop (erf);
	v17 =	vmul.f32 $1.442695020e+00, v6  }
0x101: {  	v4 =	vld [tilespmem:s8+$0xFFFFFFE0];
	v9 =	vmul.f32 $2.000000030e-01, v8;
	vm12 =	vgt.f32 v8, $0.0e+00;
	v19 =	vpop (erf);
	v21 =	vperm.xlane v15, v2  }
0x102: {  	s19 =	simm.s32 $0xE140;
	v6 =	vld [tilespmem:s16+$0x0];
	v20 =	vmul.f32 $1.442695020e+00, v5;
	v16 =	vadd.f32 v16, v14;
	v23 =	vpop (erf);
	(erf) = vpow2.f32 v11  }
0x103: {  	s24 =	simm.s32 $0xC920;
	vm14 =	vgt.f32 v12, $0.0e+00;
	v5 =	vld [tilespmem:s8+$0x0];
	[tilespmem:s19+$0x30] =	vst v15;
	v26 =	vperm.xlane v19, v2;
	(erf) = vpow2.f32 v17  }
0x104: {  	[tilespmem:s19+$0xFFFFFFD0] =	vst v19;
	v11 =	vpop (erf);
	v13 =	vadd.f32 v7, v13;
	v15 =	vmul.f32 $2.000000030e-01, v16;
	v17 =	vld [tilespmem:s24+$0x10];
	(erf) = vpow2.f32 v20  }
0x105: {  	v8 =	vsel vm12, v8, v9;
	v24 =	vld [tilespmem:s24+$0xFFFFFFE0];
	v7 =	vperm.xlane v11, v2;
	[tilespmem:s19+$0xFFFFFFF0] =	vst v11;
	(erf) = vpow2.f32 v10  }
0x106: {  	vm13 =	vgt.f32 v16, $0.0e+00;
	v20 =	vmul.f32 $2.000000030e-01, v12;
	v11 =	vmul.f32 $2.000000030e-01, v13;
	v14 =	vld [tilespmem:s24+$0xFFFFFFF0]  }
0x107: {  	v9 =	vld [tilespmem:s16+$0xFFFFFFF0];
	[tilespmem:s19+$0x10] =	vst v23;
	v25 =	vsub.f32 v8, v3;
	vm15 =	vgt.f32 v13, $0.0e+00;
	v15 =	vsel vm13, v16, v15  }
0x108: {  	s15 =	simm.s32 $0xC;
	v10 =	vld [tilespmem:s24+$0x0];
	v16 =	vperm.xlane v23, v2;
	v20 =	vsel vm14, v12, v20;
	v8 =	vsel vm15, v13, v11  }
0x109: {  	s4 =	simm.s32 $0xBA20;
	s20 =	simm.s32 $0xC960;
	s21 =	simm.s32 $0xE1C0;
	v11 =	vsub.f32 v15, v3;
	v13 =	vld [tilespmem:s8+$0xFFFFFFF0];
	v19 =	vsub.f32 v8, v3;
	v15 =	vmul.f32 v17, v21  }
0x10a: {  	s22 =	simm.s32 $0xB220;
	s8 =	simm.s32 $0xC960;
	v17 =	vld [tilespmem:s16+$0xFFFFFFE0];
	v8 =	vadd.f32 v18, v22;
	v18 =	vmul.f32 $1.442695020e+00, v25;
	v12 =	vmul.f32 v24, v26;
	s16 =	simm.s32 $0xE1C0  }
.LBB2_7:
0x10b: {  	v21 =	vld [tilespmem:s22+$0xFFFFFFE0];
	s15 =	sadd.s32 $0x4, s15;
	v19 =	vmul.f32 $1.442695020e+00, v19;
	v20 =	vsub.f32 v20, v3;
	s21 =	sadd.s32 $0x80, s21;
	s20 =	sadd.s32 $0x40, s20;
	v22 =	vpop (erf);
	v7 =	vmul.f32 v14, v7;
	[tilespmem:s19+$0x20] =	vst v15  }
0x10c: {  	v15 =	vadd.f32 v6, v5;
	v23 =	vld [tilespmem:s4+$0x10];
	p0 =	slt.u32 s15, $0x7C;
	v14 =	vmul.f32 $2.000000030e-01, v8;
	v24 =	vperm.xlane v22, v2;
	v25 =	vpop (erf);
	[tilespmem:s19+$0xFFFFFFC0] =	vst v12  }
0x10d: {  	vm0 =	vgt.f32 v8, $0.0e+00;
	v10 =	vmul.f32 v10, v16;
	v12 =	vld [tilespmem:s22+$0x10];
	v20 =	vmul.f32 $1.442695020e+00, v20;
	[tilespmem:s16+$0x30] =	vst v22;
	v22 =	vpop (erf)  }
0x10e: {  	v11 =	vmul.f32 $1.442695020e+00, v11;
	v5 =	vld [tilespmem:s22+$0x0];
	v9 =	vadd.f32 v9, v13;
	(erf) = vpow2.f32 v18;
	v13 =	vpop (erf);
	[tilespmem:s19+$0xFFFFFFE0] =	vst v7  }
0x10f: {  	v6 =	vld [tilespmem:s4+$0x0];
	v16 =	vadd.f32 v17, v4;
	(erf) = vpow2.f32 v19;
	v7 =	vperm.xlane v13, v2;
	[tilespmem:s19+$0x0] =	vst v10;
	s19 =	smov.u32 s16;
	s16 =	smov.u32 s21  }
0x110: {  	vm1 =	vgt.f32 v9, $0.0e+00;
	v10 =	vmul.f32 $2.000000030e-01, v9;
	(erf) = vpow2.f32 v20;
	[tilespmem:s19+$0xFFFFFFD0] =	vst v25;
	v17 =	vld [tilespmem:s8+$0x10];
	v4 =	vmovc v21  }
0x111: {  	vm2 =	vgt.f32 v15, $0.0e+00;
	v8 =	vsel vm0, v8, v14;
	(erf) = vpow2.f32 v11;
	v21 =	vld [tilespmem:s8+$0xFFFFFFE0];
	[tilespmem:s19+$0xFFFFFFF0] =	vst v13  }
.Ltmp2:
0x112: {  	v18 =	vmul.f32 $2.000000030e-01, v15;
	vm0 =	vgt.f32 v16, $0.0e+00;
	v11 =	vmul.f32 $2.000000030e-01, v16;
	v14 =	vld [tilespmem:s8+$0xFFFFFFF0];
	[tilespmem:s19+$0x10] =	vst v22;
	(pc) =	sbr.rel @p0 .LBB2_7-.Ltmp2, $4  }
0x113: {  	v26 =	vsub.f32 v8, v3;
	v25 =	vperm.xlane v25, v2;
	v13 =	vsel vm1, v9, v10;
	v10 =	vld [tilespmem:s8+$0x0];
	s8 =	smov.u32 s20  }
0x114: {  	v8 =	vsel vm0, v16, v11;
	v11 =	vsub.f32 v13, v3;
	v16 =	vperm.xlane v22, v2;
	v9 =	vld [tilespmem:s4+$0xFFFFFFF0]  }
0x115: {  	v20 =	vsel vm2, v15, v18;
	v19 =	vsub.f32 v8, v3;
	v13 =	vld [tilespmem:s22+$0xFFFFFFF0];
	v15 =	vmul.f32 v17, v24  }
0x116: {  	v18 =	vmul.f32 $1.442695020e+00, v26;
	v8 =	vadd.f32 v23, v12;
	s22 =	sadd.s32 $0x40, s22;
	v17 =	vld [tilespmem:s4+$0xFFFFFFE0];
	s4 =	sadd.s32 $0x40, s4;
	v12 =	vmul.f32 v21, v25  }
0x117: {  	v19 =	vmul.f32 $1.442695020e+00, v19;
	v7 =	vmul.f32 v14, v7  }
0x118: {  	v20 =	vsub.f32 v20, v3;
	v21 =	vpop (erf);
	v11 =	vmul.f32 $1.442695020e+00, v11;
	v31 =	vmul.f32 $2.000000030e-01, v8  }
0x119: {  	v5 =	vadd.f32 v6, v5;
	v32 =	vperm.xlane v21, v2;
	v10 =	vmul.f32 v10, v16  }
0x11a: {  	v33 =	vpop (erf);
	(erf) = vpow2.f32 v18;
	v34 =	vmul.f32 $1.442695020e+00, v20  }
0x11b: {  	vm0 =	vgt.f32 v8, $0.0e+00;
	v35 =	vpop (erf);
	(erf) = vpow2.f32 v19;
	v41 =	vmul.f32 $2.000000030e-01, v5  }
0x11c: {  	[tilespmem:s16+$0x30] =	vst v21;
	vm1 =	vgt.f32 v5, $0.0e+00;
	v43 =	vperm.xlane v33, v2;
	v37 =	vpop (erf);
	v4 =	vadd.f32 v17, v4  }
0x11d: {  	v40 =	vld [tilespmem:s8+$0x10];
	v9 =	vadd.f32 v9, v13;
	v6 =	vsel vm0, v8, v31;
	v38 =	vperm.xlane v37, v2  }
0x11e: {  	(erf) = vpow2.f32 v34;
	v6 =	vsub.f32 v6, v3;
	v36 =	vmul.f32 $2.000000030e-01, v4  }
0x11f: {  	[tilespmem:s16+$0xFFFFFFD0] =	vst v33;
	v5 =	vsel vm1, v5, v41;
	v39 =	vmul.f32 $2.000000030e-01, v9;
	vm14 =	vgt.f32 v4, $0.0e+00  }
0x120: {  	v42 =	vld [tilespmem:s8+$0xFFFFFFE0];
	vm15 =	vgt.f32 v9, $0.0e+00;
	(erf) = vpow2.f32 v11;
	v4 =	vsel vm14, v4, v36  }
0x121: {  	[tilespmem:s16+$0x10] =	vst v35;
	v5 =	vsub.f32 v5, v3;
	v9 =	vsel vm15, v9, v39;
	v4 =	vsub.f32 v4, v3  }
0x122: {  	[tilespmem:s16+$0xFFFFFFF0] =	vst v37;
	v45 =	vld [tilespmem:s8+$0x0];
	v6 =	vmul.f32 $1.442695020e+00, v6;
	v14 =	vmul.f32 v40, v32;
	v9 =	vsub.f32 v9, v3  }
0x123: {  	[tilespmem:s19+$0x20] =	vst v15;
	v44 =	vld [tilespmem:s8+$0xFFFFFFF0];
	v5 =	vmul.f32 $1.442695020e+00, v5;
	v4 =	vmul.f32 $1.442695020e+00, v4  }
0x124: {  	[tilespmem:s19+$0xFFFFFFC0] =	vst v12;
	(erf) = vpow2.f32 v6;
	v46 =	vmul.f32 $1.442695020e+00, v9  }
0x125: {  	[tilespmem:s19+$0xFFFFFFE0] =	vst v7;
	(erf) = vpow2.f32 v4;
	v4 =	vmul.f32 v42, v43  }
0x126: {  	[tilespmem:s19+$0x0] =	vst v10;
	(erf) = vpow2.f32 v5;
	v5 =	vperm.xlane v35, v2  }
0x127: {  	[tilespmem:s16+$0x20] =	vst v14;
	(erf) = vpow2.f32 v46  }
0x128: {  	s4 =	sadd.s32 $0x80, s21;
	v47 =	vpop (erf);
	v48 =	vmul.f32 v44, v38;
	[tilespmem:s16+$0xFFFFFFC0] =	vst v4;
	v4 =	vmul.f32 v45, v5  }
0x129: {  	[tilespmem:s4+$0x30] =	vst v47  }
0x12a: {  	[tilespmem:s16+$0xFFFFFFE0] =	vst v48;
	v5 =	vpop (erf)  }
0x12b: {  	s22 =	sadd.s32 $0x40, s20;
	[tilespmem:s16+$0x0] =	vst v4;
	v49 =	vpop (erf)  }
0x12c: {  	v50 =	vld [tilespmem:s22+$0x10];
	[tilespmem:s4+$0xFFFFFFD0] =	vst v5;
	v4 =	vpop (erf)  }
0x12d: {  	v51 =	vld [tilespmem:s22+$0xFFFFFFE0];
	[tilespmem:s4+$0xFFFFFFF0] =	vst v4;
	v52 =	vpop (erf)  }
0x12e: {  	s15 =	sadd.s32 $0x80, s4;
	[tilespmem:s4+$0x10] =	vst v49;
	v53 =	vld [tilespmem:s22+$0xFFFFFFF0];
	v54 =	vpop (erf)  }
0x12f: {  	s24 =	sadd.s32 $0x40, s22;
	v6 =	vperm.xlane v47, v2;
	v55 =	vld [tilespmem:s22+$0x0];
	[tilespmem:s15+$0x30] =	vst v52;
	v56 =	vpop (erf)  }
0x130: {  	v5 =	vperm.xlane v5, v2;
	[tilespmem:s15+$0xFFFFFFD0] =	vst v54;
	v58 =	vld [tilespmem:s24+$0x10];
	v57 =	vpop (erf)  }
0x131: {  	v6 =	vmul.f32 v50, v6;
	v4 =	vperm.xlane v4, v2;
	v59 =	vld [tilespmem:s24+$0xFFFFFFE0];
	[tilespmem:s15+$0xFFFFFFF0] =	vst v57  }
0x132: {  	v7 =	vperm.xlane v49, v2;
	[tilespmem:s15+$0x10] =	vst v56;
	v5 =	vmul.f32 v51, v5;
	v60 =	vld [tilespmem:s24+$0xFFFFFFF0]  }
0x133: {  	[tilespmem:s4+$0x20] =	vst v6;
	v61 =	vperm.xlane v52, v2;
	v62 =	vld [tilespmem:s24+$0x0];
	v4 =	vmul.f32 v53, v4  }
0x134: {  	v63 =	vperm.xlane v54, v2;
	[tilespmem:s4+$0xFFFFFFC0] =	vst v5;
	v5 =	vmul.f32 v55, v7  }
0x135: {  	s17 =	sadd.s32 $0x1, s17;
	v6 =	vmul.f32 v58, v61;
	[tilespmem:s4+$0xFFFFFFE0] =	vst v4;
	v4 =	vperm.xlane v57, v2  }
0x136: {  	p0 =	sne.s32 s17, $0x28;
	[tilespmem:s4+$0x0] =	vst v5;
	v5 =	vperm.xlane v56, v2;
	v7 =	vmul.f32 v59, v63  }
.Ltmp3:
0x137: {  	[tilespmem:s15+$0x20] =	vst v6;
	v4 =	vmul.f32 v60, v4;
	(pc) =	sbr.rel @p0 .LBB2_4-.Ltmp3, $4  }
0x138: {  	[tilespmem:s15+$0xFFFFFFC0] =	vst v7;
	v5 =	vmul.f32 v62, v5  }
0x139: {  	[tilespmem:s15+$0xFFFFFFE0] =	vst v4  }
0x13a: {  	[tilespmem:s15+$0x0] =	vst v5  }
0x13b: {  	[spmem:s3] =	stream.indirect.scatter.add.f32 [tilespmem:s14], [sflag:$0x8], $0x20, s18, s28, $0xb8;
	[tilespmem:$0xF910] =	vst v63  }
0x13c: {  	_ =	swait.ge [sflag:s1], $0x800  }
0x13d: {  	[sflag:s1] =	ssyncset.done $0x0  }
0x13e: {  	[sflag:s1] =	ssyncadd.s32 $0xFFFFF800  }
0x13f: {  	_ =	swait.ge [sflag:s25], $0x800  }
0x140: {  	[sflag:s25] =	ssyncset.done $0x0  }
0x141: {  	[sflag:s25] =	ssyncadd.s32 $0xFFFFF800  }
0x142: {  	_ =	swait.ge [sflag:s9], $0x800  }
0x143: {  	[sflag:s9] =	ssyncset.done $0x0  }
0x144: {  	s21 =	simm.s32 $0x7;
	[sflag:s9] =	ssyncadd.s32 $0xFFFFF800  }
0x145: {  	_ =	swait.ge [sflag:s21], $0x1000  }
0x146: {  	[sflag:s21] =	ssyncset.done $0x0  }
0x147: {  	s4 =	simm.s32 $0xA120;
	[sflag:s21] =	ssyncadd.s32 $0xFFFFF000  }
0x148: {  	s8 =	simm.s32 $0xA920;
	v4 =	vld [tilespmem:s4+$0xFFFFFFE0]  }
0x149: {  	v5 =	vld [tilespmem:s8+$0x10]  }
0x14a: {  	v6 =	vld [tilespmem:s4+$0x10]  }
0x14b: {  	v7 =	vld [tilespmem:s4+$0x0]  }
0x14c: {  	v8 =	vld [tilespmem:s8+$0xFFFFFFF0]  }
0x14d: {  	v9 =	vld [tilespmem:s4+$0xFFFFFFF0]  }
0x14e: {  	v10 =	vld [tilespmem:s8+$0xFFFFFFE0]  }
0x14f: {  	v11 =	vld [tilespmem:s8+$0x0];
	_ =	sdelay $0x1  }
0x150: {  	s18 =	simm.s32 $0xA960  }
0x151: {  	v12 =	vld [tilespmem:s18+$0x10];
	v5 =	vadd.f32 v5, v6  }
0x152: {  	v15 =	vld [tilespmem:s18+$0x0];
	v8 =	vadd.f32 v8, v9;
	v4 =	vadd.f32 v10, v4  }
0x153: {  	s17 =	simm.s32 $0xA160;
	v16 =	vld [tilespmem:s18+$0xFFFFFFF0];
	v7 =	vadd.f32 v11, v7;
	v9 =	vmul.f32 $2.000000030e-01, v5  }
0x154: {  	v6 =	vld [tilespmem:s17+$0xFFFFFFE0];
	vm0 =	vgt.f32 v5, $0.0e+00;
	v13 =	vmul.f32 $2.000000030e-01, v8;
	v14 =	vmul.f32 $2.000000030e-01, v4  }
0x155: {  	v10 =	vld [tilespmem:s17+$0x10];
	vm7 =	vgt.f32 v4, $0.0e+00;
	v5 =	vsel vm0, v5, v9;
	v9 =	vmul.f32 $2.000000030e-01, v7  }
0x156: {  	v11 =	vld [tilespmem:s17+$0x0];
	vm1 =	vgt.f32 v7, $0.0e+00;
	v4 =	vsel vm7, v4, v14;
	v5 =	vsub.f32 v5, v3  }
0x157: {  	vm8 =	vgt.f32 v8, $0.0e+00;
	v14 =	vld [tilespmem:s17+$0xFFFFFFF0];
	v4 =	vsub.f32 v4, v3;
	v7 =	vsel vm1, v7, v9  }
0x158: {  	v8 =	vsel vm8, v8, v13;
	v9 =	vld [tilespmem:s18+$0xFFFFFFE0];
	v5 =	vmul.f32 $1.442695020e+00, v5;
	v7 =	vsub.f32 v7, v3  }
0x159: {  	v8 =	vsub.f32 v8, v3;
	v4 =	vmul.f32 $1.442695020e+00, v4  }
0x15a: {  	s20 =	simm.s32 $0xA9A0;
	v7 =	vmul.f32 $1.442695020e+00, v7;
	(erf) = vpow2.f32 v5  }
0x15b: {  	v5 =	vmul.f32 $1.442695020e+00, v8;
	v8 =	vld [tilespmem:s20+$0x10];
	(erf) = vpow2.f32 v4  }
0x15c: {  	s19 =	simm.s32 $0xA1A0;
	v4 =	vadd.f32 v12, v10;
	v10 =	vadd.f32 v16, v14;
	v12 =	vld [tilespmem:s20+$0x0];
	(erf) = vpow2.f32 v7  }
0x15d: {  	v7 =	vadd.f32 v15, v11;
	v11 =	vld [tilespmem:s19+$0x10];
	v6 =	vadd.f32 v9, v6;
	(erf) = vpow2.f32 v5  }
0x15e: {  	s24 =	simm.s32 $0xA9E0;
	v9 =	vld [tilespmem:s19+$0x0];
	v5 =	vmul.f32 $2.000000030e-01, v4;
	vm9 =	vgt.f32 v4, $0.0e+00;
	vm10 =	vgt.f32 v10, $0.0e+00  }
0x15f: {  	v18 =	vld [tilespmem:s24+$0x10];
	v14 =	vmul.f32 $2.000000030e-01, v10;
	vm2 =	vgt.f32 v7, $0.0e+00;
	v15 =	vmul.f32 $2.000000030e-01, v6  }
0x160: {  	v16 =	vld [tilespmem:s20+$0xFFFFFFF0];
	vm11 =	vgt.f32 v6, $0.0e+00;
	v4 =	vsel vm9, v4, v5;
	v5 =	vmul.f32 $2.000000030e-01, v7  }
0x161: {  	v10 =	vsel vm10, v10, v14;
	v14 =	vld [tilespmem:s19+$0xFFFFFFF0];
	v4 =	vsub.f32 v4, v3;
	v6 =	vsel vm11, v6, v15  }
0x162: {  	v13 =	vld [tilespmem:s19+$0xFFFFFFE0];
	v10 =	vsub.f32 v10, v3;
	v6 =	vsub.f32 v6, v3;
	v5 =	vsel vm2, v7, v5  }
0x163: {  	s22 =	simm.s32 $0xA1E0;
	v7 =	vld [tilespmem:s20+$0xFFFFFFE0];
	v8 =	vadd.f32 v8, v11;
	v12 =	vadd.f32 v12, v9;
	v11 =	vmul.f32 $1.442695020e+00, v4  }
0x164: {  	v22 =	vld [tilespmem:s22+$0x10];
	v5 =	vsub.f32 v5, v3;
	v10 =	vmul.f32 $1.442695020e+00, v10;
	v15 =	vpop (erf);
	v17 =	vmul.f32 $1.442695020e+00, v6  }
0x165: {  	v4 =	vld [tilespmem:s22+$0xFFFFFFE0];
	v9 =	vmul.f32 $2.000000030e-01, v8;
	vm12 =	vgt.f32 v8, $0.0e+00;
	v21 =	vperm.xlane v15, v2  }
0x166: {  	s17 =	simm.s32 $0xD140;
	v6 =	vld [tilespmem:s24+$0x0];
	v19 =	vpop (erf);
	v20 =	vmul.f32 $1.442695020e+00, v5;
	v16 =	vadd.f32 v16, v14;
	(erf) = vpow2.f32 v11  }
0x167: {  	s15 =	simm.s32 $0xC120;
	vm14 =	vgt.f32 v12, $0.0e+00;
	v5 =	vld [tilespmem:s22+$0x0];
	[tilespmem:s17+$0x30] =	vst v15;
	v23 =	vpop (erf);
	(erf) = vpow2.f32 v17;
	v26 =	vperm.xlane v19, v2  }
0x168: {  	[tilespmem:s17+$0xFFFFFFD0] =	vst v19;
	v17 =	vld [tilespmem:s15+$0x10];
	v11 =	vpop (erf);
	v13 =	vadd.f32 v7, v13;
	v15 =	vmul.f32 $2.000000030e-01, v16;
	(erf) = vpow2.f32 v20  }
0x169: {  	v8 =	vsel vm12, v8, v9;
	v24 =	vld [tilespmem:s15+$0xFFFFFFE0];
	v20 =	vmul.f32 $2.000000030e-01, v12;
	(erf) = vpow2.f32 v10;
	[tilespmem:s17+$0xFFFFFFF0] =	vst v11  }
0x16a: {  	vm13 =	vgt.f32 v16, $0.0e+00;
	v7 =	vperm.xlane v11, v2;
	v11 =	vmul.f32 $2.000000030e-01, v13;
	v14 =	vld [tilespmem:s15+$0xFFFFFFF0]  }
0x16b: {  	v9 =	vld [tilespmem:s24+$0xFFFFFFF0];
	[tilespmem:s17+$0x10] =	vst v23;
	v25 =	vsub.f32 v8, v3;
	vm15 =	vgt.f32 v13, $0.0e+00;
	v15 =	vsel vm13, v16, v15  }
0x16c: {  	s16 =	simm.s32 $0xD1C0;
	v10 =	vld [tilespmem:s15+$0x0];
	v16 =	vperm.xlane v23, v2;
	v20 =	vsel vm14, v12, v20;
	v8 =	vsel vm15, v13, v11  }
0x16d: {  	s4 =	simm.s32 $0xAA20;
	s8 =	simm.s32 $0xC160;
	s18 =	simm.s32 $0xC160;
	v11 =	vsub.f32 v15, v3;
	v13 =	vld [tilespmem:s22+$0xFFFFFFF0];
	v15 =	vmul.f32 v17, v21;
	v19 =	vsub.f32 v8, v3  }
0x16e: {  	s19 =	simm.s32 $0xD1C0;
	s20 =	simm.s32 $0xA220;
	s15 =	simm.s32 $0xC;
	v17 =	vld [tilespmem:s24+$0xFFFFFFE0];
	v8 =	vadd.f32 v18, v22;
	v18 =	vmul.f32 $1.442695020e+00, v25;
	v12 =	vmul.f32 v24, v26  }
.LBB2_10:
0x16f: {  	v21 =	vld [tilespmem:s20+$0xFFFFFFE0];
	s15 =	sadd.s32 $0x4, s15;
	v19 =	vmul.f32 $1.442695020e+00, v19;
	v20 =	vsub.f32 v20, v3;
	s19 =	sadd.s32 $0x80, s19;
	s18 =	sadd.s32 $0x40, s18;
	v22 =	vpop (erf);
	v7 =	vmul.f32 v14, v7;
	[tilespmem:s17+$0x20] =	vst v15  }
0x170: {  	v15 =	vadd.f32 v6, v5;
	v23 =	vld [tilespmem:s4+$0x10];
	p0 =	slt.u32 s15, $0x7C;
	v14 =	vmul.f32 $2.000000030e-01, v8;
	v24 =	vperm.xlane v22, v2;
	v25 =	vpop (erf);
	[tilespmem:s17+$0xFFFFFFC0] =	vst v12  }
0x171: {  	vm0 =	vgt.f32 v8, $0.0e+00;
	v10 =	vmul.f32 v10, v16;
	v12 =	vld [tilespmem:s20+$0x10];
	v20 =	vmul.f32 $1.442695020e+00, v20;
	[tilespmem:s16+$0x30] =	vst v22;
	v22 =	vpop (erf)  }
0x172: {  	v11 =	vmul.f32 $1.442695020e+00, v11;
	v5 =	vld [tilespmem:s20+$0x0];
	v9 =	vadd.f32 v9, v13;
	(erf) = vpow2.f32 v18;
	v13 =	vpop (erf);
	[tilespmem:s17+$0xFFFFFFE0] =	vst v7  }
0x173: {  	v6 =	vld [tilespmem:s4+$0x0];
	v16 =	vadd.f32 v17, v4;
	(erf) = vpow2.f32 v19;
	v7 =	vperm.xlane v13, v2;
	[tilespmem:s17+$0x0] =	vst v10;
	s17 =	smov.u32 s16;
	s16 =	smov.u32 s19  }
0x174: {  	vm1 =	vgt.f32 v9, $0.0e+00;
	v10 =	vmul.f32 $2.000000030e-01, v9;
	(erf) = vpow2.f32 v20;
	[tilespmem:s17+$0xFFFFFFD0] =	vst v25;
	v17 =	vld [tilespmem:s8+$0x10];
	v4 =	vmovc v21  }
0x175: {  	vm2 =	vgt.f32 v15, $0.0e+00;
	v8 =	vsel vm0, v8, v14;
	(erf) = vpow2.f32 v11;
	v21 =	vld [tilespmem:s8+$0xFFFFFFE0];
	[tilespmem:s17+$0xFFFFFFF0] =	vst v13  }
.Ltmp4:
0x176: {  	v18 =	vmul.f32 $2.000000030e-01, v15;
	vm0 =	vgt.f32 v16, $0.0e+00;
	v11 =	vmul.f32 $2.000000030e-01, v16;
	v14 =	vld [tilespmem:s8+$0xFFFFFFF0];
	[tilespmem:s17+$0x10] =	vst v22;
	(pc) =	sbr.rel @p0 .LBB2_10-.Ltmp4, $4  }
0x177: {  	v26 =	vsub.f32 v8, v3;
	v25 =	vperm.xlane v25, v2;
	v13 =	vsel vm1, v9, v10;
	v10 =	vld [tilespmem:s8+$0x0];
	s8 =	smov.u32 s18  }
0x178: {  	v8 =	vsel vm0, v16, v11;
	v11 =	vsub.f32 v13, v3;
	v16 =	vperm.xlane v22, v2;
	v9 =	vld [tilespmem:s4+$0xFFFFFFF0]  }
0x179: {  	v20 =	vsel vm2, v15, v18;
	v19 =	vsub.f32 v8, v3;
	v13 =	vld [tilespmem:s20+$0xFFFFFFF0];
	v15 =	vmul.f32 v17, v24  }
0x17a: {  	v18 =	vmul.f32 $1.442695020e+00, v26;
	v8 =	vadd.f32 v23, v12;
	s20 =	sadd.s32 $0x40, s20;
	v17 =	vld [tilespmem:s4+$0xFFFFFFE0];
	s4 =	sadd.s32 $0x40, s4;
	v12 =	vmul.f32 v21, v25  }
0x17b: {  	v19 =	vmul.f32 $1.442695020e+00, v19;
	v7 =	vmul.f32 v14, v7  }
0x17c: {  	v20 =	vsub.f32 v20, v3;
	v21 =	vpop (erf);
	v11 =	vmul.f32 $1.442695020e+00, v11;
	v25 =	vmul.f32 $2.000000030e-01, v8  }
0x17d: {  	v5 =	vadd.f32 v6, v5;
	v26 =	vperm.xlane v21, v2;
	v10 =	vmul.f32 v10, v16  }
0x17e: {  	v27 =	vpop (erf);
	(erf) = vpow2.f32 v18;
	v28 =	vmul.f32 $1.442695020e+00, v20  }
0x17f: {  	vm0 =	vgt.f32 v8, $0.0e+00;
	v29 =	vpop (erf);
	(erf) = vpow2.f32 v19;
	v35 =	vmul.f32 $2.000000030e-01, v5  }
0x180: {  	[tilespmem:s16+$0x30] =	vst v21;
	vm1 =	vgt.f32 v5, $0.0e+00;
	v37 =	vperm.xlane v27, v2;
	v31 =	vpop (erf);
	v4 =	vadd.f32 v17, v4  }
0x181: {  	v34 =	vld [tilespmem:s8+$0x10];
	v9 =	vadd.f32 v9, v13;
	v42 =	vperm.xlane v29, v2;
	v32 =	vperm.xlane v31, v2  }
0x182: {  	[tilespmem:s16+$0xFFFFFFD0] =	vst v27;
	v6 =	vsel vm0, v8, v25;
	(erf) = vpow2.f32 v28;
	v30 =	vmul.f32 $2.000000030e-01, v4  }
0x183: {  	v36 =	vld [tilespmem:s8+$0xFFFFFFE0];
	v6 =	vsub.f32 v6, v3;
	v5 =	vsel vm1, v5, v35;
	vm14 =	vgt.f32 v4, $0.0e+00  }
0x184: {  	[tilespmem:s16+$0x10] =	vst v29;
	v33 =	vmul.f32 $2.000000030e-01, v9;
	vm15 =	vgt.f32 v9, $0.0e+00;
	v4 =	vsel vm14, v4, v30  }
0x185: {  	[tilespmem:s16+$0xFFFFFFF0] =	vst v31;
	v40 =	vld [tilespmem:s8+$0x0];
	(erf) = vpow2.f32 v11;
	v5 =	vsub.f32 v5, v3;
	v4 =	vsub.f32 v4, v3  }
0x186: {  	[tilespmem:s17+$0x20] =	vst v15;
	v38 =	vld [tilespmem:s8+$0xFFFFFFF0];
	v6 =	vmul.f32 $1.442695020e+00, v6;
	v9 =	vsel vm15, v9, v33;
	v39 =	vmul.f32 v34, v26  }
0x187: {  	[tilespmem:s17+$0xFFFFFFC0] =	vst v12;
	v5 =	vmul.f32 $1.442695020e+00, v5;
	v3 =	vsub.f32 v9, v3;
	v4 =	vmul.f32 $1.442695020e+00, v4  }
0x188: {  	[tilespmem:s17+$0xFFFFFFE0] =	vst v7;
	(erf) = vpow2.f32 v6;
	v41 =	vmul.f32 v36, v37  }
0x189: {  	[tilespmem:s17+$0x0] =	vst v10;
	v3 =	vmul.f32 $1.442695020e+00, v3;
	(erf) = vpow2.f32 v4  }
0x18a: {  	[tilespmem:s16+$0x20] =	vst v39;
	v44 =	vmul.f32 v40, v42;
	(erf) = vpow2.f32 v5  }
0x18b: {  	v43 =	vmul.f32 v38, v32;
	[tilespmem:s16+$0xFFFFFFC0] =	vst v41;
	(erf) = vpow2.f32 v3  }
0x18c: {  	[tilespmem:s16+$0x0] =	vst v44  }
0x18d: {  	s4 =	sadd.s32 $0x80, s19;
	[tilespmem:s16+$0xFFFFFFE0] =	vst v43;
	v3 =	vpop (erf)  }
0x18e: {  	s22 =	sadd.s32 $0x40, s18;
	[tilespmem:s4+$0x30] =	vst v3;
	v45 =	vpop (erf)  }
0x18f: {  	v46 =	vpop (erf);
	[tilespmem:s4+$0xFFFFFFD0] =	vst v45;
	v48 =	vld [tilespmem:s22+$0x10]  }
0x190: {  	v47 =	vpop (erf);
	v49 =	vld [tilespmem:s22+$0xFFFFFFE0];
	[tilespmem:s4+$0x10] =	vst v46  }
0x191: {  	s15 =	sadd.s32 $0x80, s4;
	[tilespmem:s4+$0xFFFFFFF0] =	vst v47;
	v50 =	vpop (erf);
	v53 =	vld [tilespmem:s22+$0x0]  }
0x192: {  	s24 =	sadd.s32 $0x40, s22;
	v3 =	vperm.xlane v3, v2;
	v51 =	vld [tilespmem:s22+$0xFFFFFFF0];
	[tilespmem:s15+$0x30] =	vst v50;
	v52 =	vpop (erf)  }
0x193: {  	v5 =	vperm.xlane v45, v2;
	v56 =	vld [tilespmem:s24+$0x10];
	v54 =	vpop (erf);
	[tilespmem:s15+$0xFFFFFFD0] =	vst v52  }
0x194: {  	v6 =	vperm.xlane v46, v2;
	v3 =	vmul.f32 v48, v3;
	v55 =	vpop (erf);
	v57 =	vld [tilespmem:s24+$0xFFFFFFE0];
	[tilespmem:s15+$0x10] =	vst v54  }
0x195: {  	v4 =	vperm.xlane v47, v2;
	v5 =	vmul.f32 v49, v5;
	[tilespmem:s15+$0xFFFFFFF0] =	vst v55;
	v59 =	vld [tilespmem:s24+$0x0]  }
0x196: {  	[tilespmem:s4+$0x20] =	vst v3;
	v3 =	vperm.xlane v50, v2;
	v60 =	vmul.f32 v53, v6;
	v58 =	vld [tilespmem:s24+$0xFFFFFFF0]  }
0x197: {  	v61 =	vperm.xlane v52, v2;
	v4 =	vmul.f32 v51, v4;
	[tilespmem:s4+$0xFFFFFFC0] =	vst v5  }
0x198: {  	v63 =	vperm.xlane v54, v2;
	v3 =	vmul.f32 v56, v3;
	[tilespmem:s4+$0x0] =	vst v60  }
0x199: {  	v62 =	vperm.xlane v55, v2;
	[tilespmem:s4+$0xFFFFFFE0] =	vst v4;
	v6 =	vmul.f32 v57, v61  }
0x19a: {  	[tilespmem:s15+$0x20] =	vst v3;
	v3 =	vmul.f32 v59, v63  }
0x19b: {  	v4 =	vmul.f32 v58, v62;
	[tilespmem:s15+$0xFFFFFFC0] =	vst v6  }
0x19c: {  	[tilespmem:s15+$0x0] =	vst v3  }
0x19d: {  	s17 =	simm.s32 $0xA080;
	[tilespmem:s15+$0xFFFFFFE0] =	vst v4  }
0x19e: {  	[spmem:s3] =	stream.indirect.scatter.add.f32 [tilespmem:s10], [sflag:$0x7], $0x20, s17, s28, $0xb8;
	[tilespmem:$0xF910] =	vst v63  }
0x19f: {  	_ =	swait.ge [sflag:s21], $0x1000  }
0x1a0: {  	[sflag:s21] =	ssyncset.done $0x0  }
0x1a1: {  	s18 =	simm.s32 $0x8;
	[sflag:s21] =	ssyncadd.s32 $0xFFFFF000  }
0x1a2: {  	_ =	swait.ge [sflag:s18], $0x1000  }
0x1a3: {  	[sflag:s18] =	ssyncset.done $0x0  }
0x1a4: {  	[sflag:s18] =	ssyncadd.s32 $0xFFFFF000  }
0x1a5: {  	s19 =	stileid.u32;
	[bflag:$0x0] =	sbarrier.arrive $0xFFFF  }
0x1a6: {  	s4 =	sshll.u32 s19, $0x6;
	s16 =	rddreg [dreg:$0x5]  }
0x1a7: {  	s4 =	sor.u32 $0x1C09, s4;
	s21 =	rddreg [dreg:$0x11];
	s20 =	sshrl.u32 s16, $0x3  }
0x1a8: {  	[hbm:s21], [sflag:s4] =	dma.local [spmem:s20], $0xA00  }
0x1a9: {  	_ =	swait.ge [sflag:s23], $0xA00  }
0x1aa: {  	s22 =	rddreg [dreg:$0x4]  }
0x1ab: {  	s24 =	rddreg [dreg:$0x12];
	s15 =	sadd.s32 $0x1, s22  }
0x1ac: {  	p0 =	sne.s32 s15, s24  }
.Ltmp5:
0x1ad: {  	_ = 	snop;
	(pc) =	sbr.rel @p0 .LBB2_1-.Ltmp5, $3  }
0x1ae: {  	_ =	sdelay $0x1  }
0x1af: {  	[sflag:s23] =	ssyncset.done $0x0  }
0x1b0: {  	[sflag:s23] =	ssyncadd.s32 $0xFFFFF600  }
0x1b1: {  	_ =	sfence.sel $0x180000  }
0x1b2: {  	[bflag:$0x0] =	sbarrier.arrive $0xFFFF  }
0x1b3: {  	_ =	strace $0x9000004D  }
0x1b4: {  	s0 =	stileid.u32;
	[bflag:$0x2] =	sbarrier.arrive $0xFFFF  }
0x1b5: {  	p0 =	sne.s32 s0, $0x0;
	s0 =	rddreg [dreg:$0x3]  }
0x1b6: {  	s0 =	sadd.s32 @!p0 $0x100000, s0  }
0x1b7: {  	[sflag:s0] =	ssyncadd.tile.s32 @!p0 $0x1;
	_ =	shalt  }
.Lfunc_end2:
_tile_overlayer_lowered:
.L_overlay_start_2:
0x1b8: {  	(tag) =	ssettag $0x2  }
0x1b9: {  	s0 =	rddreg [dreg:$0x0];
	s2 =	stileid.u32  }
0x1ba: {  	s1 =	rddreg [dreg:$0x1];
	p0 =	sne.s32 s2, $0x0  }
0x1bb: {  	s3 =	rddreg [dreg:$0x2];
	[bflag:$0x3] =	sbarrier.arrive $0xFFFF;
	s2 =	simm.s32 @!p0 $0x1C09  }
0x1bc: {  	[timem:s3], [sflag:s2] =	dma.local @!p0 [hbm:s0], s1  }
0x1bd: {  	s0 =	simm.s32 @!p0 $0x9  }
0x1be: {  	_ =	swait.ge @!p0 [sflag:s0], s1  }
0x1bf: {  	s1 =	ssub.s32 @!p0 $0x0, s1;
	[sflag:s0] =	ssyncset.done @!p0 $0x0  }
0x1c0: {  	[sflag:s0] =	ssyncadd.s32 @!p0 s1  }
0x1c1: {  	[bflag:$0x3] =	sbarrier.arrive $0xFFFF  }
0x1c2: {  	_ =	shalt  }

// kernel: kernel.9.cloned.1.call-start
scs
__scs_entry_jumppad:
0x0: {  	(pc) =	sbr.rel $0x88, $3  }
0x1: {  	(tag) =	ssettag $0x0;
	lr =	simm.s32 $0x1  }
0x2: {  	[smem:$0x3F93] =	sst lr;
	_ =	strace $0xD0000000  }
0x3: {  	_ = 	snop  }
0x4: {  	_ = 	snop  }
0x5: {  	_ = 	snop  }
0x6: {  	_ = 	snop  }
0x7: {  	_ = 	snop  }
__scs_overlays_trampoline_lowered:
0x8: {  	[smem:$0x3FA2] =	sst s0  }
0x9: {  	[smem:$0x3FA3] =	sst s1  }
0xa: {  	[smem:$0x3FA4] =	sst s2  }
0xb: {  	[smem:$0x3FA5] =	sst s3  }
0xc: {  	[smem:$0x3FA6] =	sst s4  }
0xd: {  	[smem:$0x3FA7] =	sst s5  }
0xe: {  	[smem:$0x3FA8] =	sst s6  }
0xf: {  	[smem:$0x3FA9] =	sst s7  }
0x10: {  	[smem:$0x3FAA] =	sst s8  }
0x11: {  	[smem:$0x3FAB] =	sst s9;
	s0 =	simm.s32 @!p0 $0x0  }
0x12: {  	s1 =	sld [smem:$0x3F91];
	s0 =	simm.s32 @p0 $0x1  }
0x13: {  	[smem:$0x3FAC] =	sst s0;
	s0 =	simm.s32 @!p1 $0x0  }
0x14: {  	s2 =	sld [smem:$0x3F90];
	s0 =	simm.s32 @p1 $0x1  }
0x15: {  	[smem:$0x3FAD] =	sst s0;
	s0 =	simm.s32 @!p2 $0x0  }
0x16: {  	s3 =	sld [smem:$0x3FDB];
	s0 =	simm.s32 @p2 $0x1  }
0x17: {  	s4 =	simm.s32 $0x1BF5;
	[smem:$0x3FAF] =	sst s0  }
0x18: {  	s0 =	sld [smem:$0x3F92];
	_ =	swait.ge [sflag:s4], $0x0  }
0x19: {  	s7 =	sld [smem:$0x3F93]  }
0x1a: {  	s8 =	sadd.s32 $0xFFFFE003, lr  }
0x1b: {  	s9 =	sadd.s32 $0xFFFFFEF7, lr;
	s5 =	simm.s32 $0xFFFFFFFF;
	p2 =	slt.u32 s8, $0xFFFFF086  }
0x1c: {  	p1 =	slt.u32 s9, $0xF7A;
	s5 =	simm.s32 @!p2 $0x0  }
0x1d: {  	s5 =	simm.s32 @p1 $0x1;
	p0 =	seq.s32 s7, s2  }
0x1e: {  	s7 =	smul.u32 @!p0 $0xF7A, s2;
	p2 =	seq.s32 @!p0 s5, $0x0  }
0x1f: {  	s9 =	smul.u32 $0xF7A, s1;
	s8 =	simm.s32 @!p0 $0x1BF5;
	p2 =	por !p2, p0  }
0x20: {  	[sflag:s8] =	ssyncset.s32 @!p0 $0xFFFFF086;
	s6 =	sadd.s32 @!p0 s3, s7;
	s7 =	simm.s32 @!p0 $0x108  }
0x21: {  	s3 =	sadd.s32 s3, s9;
	s6 =	sadd.s32 @!p0 $0x88, s6;
	s7 =	simm.s32 @p2 $0x1082  }
0x22: {  	[simem:s7], [sflag:s8] =	dma.local @!p0 [hbm:s6], $0xF7A  }
0x23: {  	s9 =	sor.u32 $0xD0000000, s2;
	s6 =	simm.s32 $0x108;
	_ =	swait.ge @!p0 [sflag:s8], $0x0  }
0x24: {  	s3 =	sadd.s32 $0x88, s3;
	s6 =	simm.s32 @!p1 $0x1082;
	[sflag:s4] =	ssyncset.s32 $0xFFFFF086  }
0x25: {  	[simem:s6], [sflag:s4] =	dma.local [hbm:s3], $0xF7A  }
0x26: {  	[smem:$0x3F93] =	sst s1;
	(tag) =	ssettag s2;
	_ =	strace s9  }
0x27: {  	s1 =	sld [smem:$0x3FA3]  }
0x28: {  	s2 =	sld [smem:$0x3FA4]  }
0x29: {  	s4 =	sld [smem:$0x3FA6]  }
0x2a: {  	p0 =	seq.s32 s5, $0x0;
	s5 =	sld [smem:$0x3FA7]  }
0x2b: {  	s6 =	sld [smem:$0x3FA8]  }
0x2c: {  	s7 =	sld [smem:$0x3FA9]  }
0x2d: {  	s3 =	simm.s32 $0x108;
	s8 =	sld [smem:$0x3FAA]  }
0x2e: {  	s3 =	simm.s32 @!p0 $0x1082;
	s9 =	sld [smem:$0x3FAB]  }
0x2f: {  	lr =	sadd.s32 s0, s3;
	s0 =	sld [smem:$0x3FA2]  }
0x30: {  	s3 =	sld [smem:$0x3FA5]  }
0x31: {  	[smem:$0x3FAE] =	sst s10  }
0x32: {  	s10 =	sld [smem:$0x3FAC];
	_ =	sdelay $0x3  }
0x33: {  	p0 =	seq.s32 s10, $0x1;
	s10 =	sld [smem:$0x3FAE];
	_ =	sdelay $0x3  }
0x34: {  	[smem:$0x3FAE] =	sst s10  }
0x35: {  	s10 =	sld [smem:$0x3FAD];
	_ =	sdelay $0x3  }
0x36: {  	p1 =	seq.s32 s10, $0x1;
	s10 =	sld [smem:$0x3FAE];
	_ =	sdelay $0x3  }
0x37: {  	[smem:$0x3FAE] =	sst s10  }
0x38: {  	s10 =	sld [smem:$0x3FAF]  }
0x39: {  	_ = 	snop;
	(pc) =	sbr.ind lr, $3  }
0x3a: {  	_ = 	snop  }
0x3b: {  	_ = 	snop  }
0x3c: {  	p2 =	seq.s32 s10, $0x1;
	s10 =	sld [smem:$0x3FAE]  }
0x3d: {  	_ =	shalt  }
0x3e: {  	_ =	shalt  }
0x3f: {  	_ =	shalt  }
0x40: {  	_ =	shalt  }
0x41: {  	_ =	shalt  }
0x42: {  	_ =	shalt  }
0x43: {  	_ =	shalt  }
0x44: {  	_ =	shalt  }
0x45: {  	_ =	shalt  }
0x46: {  	_ =	shalt  }
0x47: {  	_ =	shalt  }
0x48: {  	_ =	shalt  }
0x49: {  	_ =	shalt  }
0x4a: {  	_ =	shalt  }
0x4b: {  	_ =	shalt  }
0x4c: {  	_ =	shalt  }
0x4d: {  	_ =	shalt  }
0x4e: {  	_ =	shalt  }
0x4f: {  	_ =	shalt  }
0x50: {  	_ =	shalt  }
0x51: {  	_ =	shalt  }
0x52: {  	_ =	shalt  }
0x53: {  	_ =	shalt  }
0x54: {  	_ =	shalt  }
0x55: {  	_ =	shalt  }
0x56: {  	_ =	shalt  }
0x57: {  	_ =	shalt  }
0x58: {  	_ =	shalt  }
0x59: {  	_ =	shalt  }
0x5a: {  	_ =	shalt  }
0x5b: {  	_ =	shalt  }
0x5c: {  	_ =	shalt  }
0x5d: {  	_ =	shalt  }
0x5e: {  	_ =	shalt  }
0x5f: {  	_ =	shalt  }
0x60: {  	_ =	shalt  }
0x61: {  	_ =	shalt  }
0x62: {  	_ =	shalt  }
0x63: {  	_ =	shalt  }
0x64: {  	_ =	shalt  }
0x65: {  	_ =	shalt  }
0x66: {  	_ =	shalt  }
0x67: {  	_ =	shalt  }
0x68: {  	_ =	shalt  }
0x69: {  	_ =	shalt  }
0x6a: {  	_ =	shalt  }
0x6b: {  	_ =	shalt  }
0x6c: {  	_ =	shalt  }
0x6d: {  	_ =	shalt  }
0x6e: {  	_ =	shalt  }
0x6f: {  	_ =	shalt  }
0x70: {  	_ =	shalt  }
0x71: {  	_ =	shalt  }
0x72: {  	_ =	shalt  }
0x73: {  	_ =	shalt  }
0x74: {  	_ =	shalt  }
0x75: {  	_ =	shalt  }
0x76: {  	_ =	shalt  }
0x77: {  	_ =	shalt  }
0x78: {  	_ =	shalt  }
0x79: {  	_ =	shalt  }
0x7a: {  	_ =	shalt  }
0x7b: {  	_ =	shalt  }
0x7c: {  	_ =	shalt  }
0x7d: {  	_ =	shalt  }
0x7e: {  	_ =	shalt  }
0x7f: {  	_ =	shalt  }
0x80: {  	_ =	shalt  }
0x81: {  	_ =	shalt  }
0x82: {  	_ =	shalt  }
0x83: {  	_ =	shalt  }
0x84: {  	_ =	shalt  }
0x85: {  	_ =	shalt  }
0x86: {  	_ =	shalt  }
0x87: {  	_ =	shalt  }
.Lfunc_end0:
.L_simem_size_0:
called_computation_lowered:
.L_overlay_start_0:
0x88: {  	s2 =	sld [smem:$0x3FD9]  }
0x89: {  	s3 =	sld [smem:$0x3FFE];
	_ =	sdelay $0x1  }
0x8a: {  	s1 =	srdreg.scid  }
0x8b: {  	s0 =	sand.u32 $0x1, s1  }
0x8c: {  	s17 =	sshll.u32 s0, $0xA;
	s2 =	sadd.s32 s3, s2  }
0x8d: {  	s2 =	sadd.s32 s2, s17  }
0x8e: {  	[smem:$0x3FBA] =	sst s2  }
0x8f: {  	_ = 	snop  }
0x90: {  	s2 =	sld [smem:$0x3FD0];
	(tm) =	ssettm $0x1  }
0x91: {  	s18 =	sld [smem:$0x3FFB];
	_ =	sdelay $0x3  }
0x92: {  	_ =	strace s18  }
0x93: {  	s3 =	sld [smem:$0x3FFC];
	_ =	sdelay $0x3  }
0x94: {  	_ =	strace s3  }
0x95: {  	s3 =	sld [smem:$0x3FFD];
	_ =	sdelay $0x3  }
0x96: {  	_ =	strace s3  }
0x97: {  	_ =	strace $0x8FFFFFFF  }
0x98: {  	s19 =	sld [smem:$0x3FDB];
	_ =	sdelay $0x1  }
0x99: {  	s4 =	simm.s32 $_scs_section_size  }
0x9a: {  	s5 =	simm.s32 $_size__tile_overlayer_lowered;
	s6 =	simm.s32 $_tile_overlayer_lowered  }
0x9b: {  	s22 =	simm.s32 $0x1BFF;
	s21 =	sshll.u32 s6, $0x1;
	s3 =	sadd.s32 s4, s19  }
0x9c: {  	s7 =	simm.s32 $0x0;
	s20 =	sshll.u32 s5, $0x1;
	s5 =	sadd.s32 s21, s3  }
0x9d: {  	[timem:s7], [sflag:s22] =	dma.local [hbm:s5], s20  }
0x9e: {  	_ =	swait.ge [sflag:s22], s20  }
0x9f: {  	s4 =	ssub.s32 $0x0, s20;
	[sflag:s22] =	ssyncset.done $0x0  }
0xa0: {  	[sflag:s22] =	ssyncadd.s32 s4;
	_ =	sdelay $0x1  }
0xa1: {  	s23 =	simm.s32 $0x1B8B  }
0xa2: {  	_ =	swait.ge [sflag:s23], $0x1  }
0xa3: {  	[sflag:s23] =	ssyncset.done $0x0  }
0xa4: {  	s25 =	simm.s32 $0x1B8E;
	s24 =	sld [smem:$0x3FFE];
	[sflag:s23] =	ssyncadd.s32 $0xFFFFFFFF  }
0xa5: {  	s26 =	simm.s32 $execute0_lowered;
	[smem:$0x3FD2] =	sst s25  }
0xa6: {  	s5 =	sshll.u32 s26, $0x1;
	_ =	strace $0x80000046;
	[dreg:$0x1] =	wrdreg $0xFFFFFFFF  }
0xa7: {  	s28 =	simm.s32 $_size_execute0_lowered;
	s3 =	sadd.s32 s3, s5;
	[dreg:$0x0] =	wrdreg $0x0  }
0xa8: {  	s5 =	sshll.u32 s28, $0x1;
	[dreg:$0x2] =	wrdreg s3  }
0xa9: {  	[dreg:$0x3] =	wrdreg s5  }
0xaa: {  	[dreg:$0x4] =	wrdreg $0xC0  }
0xab: {  	_ =	task [dreg:s7], $0x5FFFF  }
0xac: {  	[dreg:$0x1] =	wrdreg $0xFFFFFFFF  }
0xad: {  	[dreg:$0x0] =	wrdreg $0x60  }
0xae: {  	[dreg:$0x2] =	wrdreg s24  }
0xaf: {  	[dreg:$0x3] =	wrdreg s2  }
0xb0: {  	[dreg:$0x4] =	wrdreg $0x0  }
0xb1: {  	[dreg:$0x5] =	wrdreg $0x9  }
0xb2: {  	_ =	task.clear_ibuf [dreg:s7], $0x6FFFF;
	_ =	strace $0x90000046  }
0xb3: {  	s29 =	simm.s32 $0x9;
	_ =	strace $0x80000048  }
0xb4: {  	_ =	swait.ge [sflag:s29], $0x1  }
0xb5: {  	[sflag:s29] =	ssyncadd.s32 $0xFFFFFFFF  }
0xb6: {  	_ =	strace $0x90000048  }
0xb7: {  	_ =	sfence  }
0xb8: {  	s30 =	sld [smem:$0x0];
	_ =	sdelay $0x2  }
0xb9: {  	s31 =	sshll.u32 s1, $0xD;
	s1 =	sshrl.u32 s1, $0x2  }
0xba: {  	s3 =	sand.u32 $0x4000, s31;
	s1 =	sadd.s32 s1, s30  }
0xbb: {  	s0 =	sor.u32 s3, s0;
	s1 =	sshll.u32 s1, $0x11  }
0xbc: {  	s0 =	sor.u32 s1, s0  }
0xbd: {  	s0 =	sadd.s32 $0x8F2B, s0  }
0xbe: {  	[sflag:s0] =	ssyncadd.remote.s32 $0x1  }
0xbf: {  	_ =	sfence.sel $0xFFFF  }
0xc0: {  	[dreg:$0x0] =	wrdreg $0xFFFFFFFF;
	(pc) =	sbr.abs _section_cstart, $3  }
0xc1: {  	[dreg:$0x1] =	wrdreg $0xFFFFFFFF  }
0xc2: {  	_ =	task.clear_ibuf [dreg:s7], $0x2FFFF;
	_ =	strace $0x9FFFFFFF  }
0xc3: {  	(tm) =	ssettm $0x7FFFFFFF  }
tec
execute0_lowered:
.L_overlay_start_1:
0x0: {  	(tag) =	ssettag $0x1  }
0x1: {  	s0 =	rddreg [dreg:$0x0];
	s1 =	srdreg.scid  }
0x2: {  	s3 =	rddreg [dreg:$0x2];
	s11 =	stileid.u32;
	s4 =	simm.s32 $0x0  }
0x3: {  	s28 =	simm.s32 $0x80;
	s29 =	simm.s32 $0x11900;
	s8 =	smul.u32 $0x2880, s11  }
0x4: {  	s30 =	simm.s32 $0x12100;
	s31 =	simm.s32 $0x13900;
	s9 =	smul.u32 $0xC800, s11  }
0x5: {  	s1 =	sand.u32 $0x1, s1;
	[smem:$0x7FF] =	sst s4;
	s13 =	smul.u32 $0x32000, s11  }
0x6: {  	s5 =	sadd.s32 $0x19600, s0;
	s6 =	sadd.s32 $0x14600, s0;
	s2 =	smul.u32 $0x28800, s1  }
0x7: {  	s7 =	sadd.s32 $0x600, s0;
	s10 =	smul.u32 $0xC8000, s1;
	s1 =	ssub.s32 $0x2, s1  }
0x8: {  	_ =	strace $0x80000047;
	s14 =	sshrl.u32 s1, $0x1;
	s16 =	sadd.s32 s9, s3  }
0x9: {  	s12 =	sadd.s32 s9, s10;
	s10 =	sshrl.u32 s13, $0x2;
	s1 =	ssub.s32 s1, s14  }
0xa: {  	[dreg:$0x4] =	wrdreg s16;
	s15 =	sadd.s32 s10, s3;
	s26 =	smax.u32 s1, $0x1  }
0xb: {  	s11 =	simm.s32 $0x4;
	s17 =	sadd.s32 $0x1400, s15;
	[dreg:$0x11] =	wrdreg s26  }
0xc: {  	s2 =	sadd.s32 s8, s2;
	s18 =	sadd.s32 $0x2800, s15;
	[dreg:$0x5] =	wrdreg s17  }
0xd: {  	s9 =	simm.s32 $0x3;
	s19 =	sadd.s32 $0x3C00, s15;
	[dreg:$0x6] =	wrdreg s18  }
0xe: {  	s13 =	simm.s32 $0x6;
	s20 =	sadd.s32 $0x5000, s15;
	[dreg:$0x7] =	wrdreg s19  }
0xf: {  	s14 =	simm.s32 $0x1A100;
	s21 =	sadd.s32 $0x6400, s15;
	[dreg:$0x8] =	wrdreg s20  }
0x10: {  	s2 =	sshrl.u32 s2, $0x3;
	s22 =	sadd.s32 $0x7800, s15;
	[dreg:$0x9] =	wrdreg s21  }
0x11: {  	v0 =	vimm.s32 $0xFEDCBA98;
	s8 =	sshrl.u32 s12, $0x3;
	s23 =	sadd.s32 $0x8C00, s15;
	[dreg:$0xa] =	wrdreg s22  }
0x12: {  	v1 =	vimm.s32 $0x76543210;
	v0 =	vunpack.c.l.s4.s8 v0;
	s2 =	sadd.s32 s2, s0;
	s24 =	sadd.s32 $0xA000, s15;
	[dreg:$0xb] =	wrdreg s23  }
0x13: {  	v1 =	vunpack.c.l.s4.s8 v1;
	s0 =	sadd.s32 s8, s0;
	s8 =	sadd.s32 $0xB400, s15;
	[dreg:$0xc] =	wrdreg s24  }
0x14: {  	v0 =	vunpack.c.0.s8.s32 v0;
	s1 =	simm.s32 $0x1;
	[dreg:$0xd] =	wrdreg s8;
	s25 =	sadd.s32 $0x28800, s2  }
0x15: {  	v1 =	vunpack.c.0.s8.s32 v1;
	s10 =	simm.s32 $0x17900;
	s2 =	sadd.s32 $0x1E600, s2;
	[dreg:$0xe] =	wrdreg s25  }
0x16: {  	v3 =	vlaneseq.u32;
	v2 =	vand.u32 $0xF, v0;
	s12 =	simm.s32 $0x5;
	s0 =	sadd.s32 $0x32A00, s0;
	[dreg:$0xf] =	wrdreg s2  }
0x17: {  	v0 =	vimm.f32 $0.0e+00;
	s26 =	simm.s32 $0x15900;
	v1 =	vcombine.low v2, v1;
	v2 =	vshrl.u32 v3, $0x3;
	s23 =	simm.s32 $0x9;
	[dreg:$0x10] =	wrdreg s0  }
0x18: {  	v3 =	vor.u32 $0x2, v2;
	v4 =	vor.u32 $0x4, v2;
	v5 =	vor.u32 $0x6, v2;
	s0 =	simm.s32 $0x12900;
	s2 =	simm.s32 $0x13100;
	s25 =	simm.s32 $0x2  }
.LBB2_1:
0x19: {  	s8 =	simm.s32 $0x1C9B0  }
0x1a: {  	[tilespmem:s8+$0xFFFFFF60] =	vst v0  }
0x1b: {  	[tilespmem:s8+$0x90] =	vst v0  }
0x1c: {  	[tilespmem:s8+$0x80] =	vst v0  }
0x1d: {  	[tilespmem:s8+$0x70] =	vst v0  }
0x1e: {  	[tilespmem:s8+$0x60] =	vst v0  }
0x1f: {  	[tilespmem:s8+$0x50] =	vst v0  }
0x20: {  	[tilespmem:s8+$0x40] =	vst v0  }
0x21: {  	[tilespmem:s8+$0x30] =	vst v0  }
0x22: {  	[tilespmem:s8+$0x20] =	vst v0  }
0x23: {  	[tilespmem:s8+$0x10] =	vst v0  }
0x24: {  	[tilespmem:s8+$0x0] =	vst v0  }
0x25: {  	[tilespmem:s8+$0xFFFFFFF0] =	vst v0  }
0x26: {  	[tilespmem:s8+$0xFFFFFFE0] =	vst v0  }
0x27: {  	[tilespmem:s8+$0xFFFFFFD0] =	vst v0  }
0x28: {  	[tilespmem:s8+$0xFFFFFFC0] =	vst v0  }
0x29: {  	[tilespmem:s8+$0xFFFFFFB0] =	vst v0  }
0x2a: {  	[tilespmem:s8+$0xFFFFFFA0] =	vst v0  }
0x2b: {  	[tilespmem:s8+$0xFFFFFF90] =	vst v0  }
0x2c: {  	s15 =	simm.s32 $0x0;
	[tilespmem:s8+$0xFFFFFF80] =	vst v0  }
.LBB2_2:
0x2d: {  	s15 =	sadd.s32 $0x4, s15;
	[tilespmem:s8+$0xFFFFFF70] =	vst v0;
	s8 =	sadd.s32 $0x140, s8  }
0x2e: {  	[tilespmem:s8+$0xFFFFFF60] =	vst v0;
	p0 =	slt.u32 s15, $0x3C  }
0x2f: {  	[tilespmem:s8+$0x90] =	vst v0  }
0x30: {  	[tilespmem:s8+$0x80] =	vst v0  }
0x31: {  	[tilespmem:s8+$0x70] =	vst v0  }
0x32: {  	[tilespmem:s8+$0x60] =	vst v0  }
0x33: {  	[tilespmem:s8+$0x50] =	vst v0  }
0x34: {  	[tilespmem:s8+$0x40] =	vst v0  }
0x35: {  	[tilespmem:s8+$0x30] =	vst v0  }
0x36: {  	[tilespmem:s8+$0x20] =	vst v0  }
0x37: {  	[tilespmem:s8+$0x10] =	vst v0  }
0x38: {  	[tilespmem:s8+$0x0] =	vst v0  }
0x39: {  	[tilespmem:s8+$0xFFFFFFF0] =	vst v0  }
0x3a: {  	[tilespmem:s8+$0xFFFFFFE0] =	vst v0  }
0x3b: {  	[tilespmem:s8+$0xFFFFFFD0] =	vst v0  }
.Ltmp0:
0x3c: {  	[tilespmem:s8+$0xFFFFFFC0] =	vst v0;
	(pc) =	sbr.rel @p0 .LBB2_2-.Ltmp0, $4  }
0x3d: {  	[tilespmem:s8+$0xFFFFFFB0] =	vst v0  }
0x3e: {  	[tilespmem:s8+$0xFFFFFFA0] =	vst v0  }
0x3f: {  	[tilespmem:s8+$0xFFFFFF90] =	vst v0  }
0x40: {  	[tilespmem:s8+$0xFFFFFF80] =	vst v0  }
0x41: {  	[tilespmem:s8+$0xFFFFFF70] =	vst v0;
	s15 =	simm.s32 $0x1C910  }
0x42: {  	[spmem:s16] =	stream.linear.scatter [tilespmem:s15], [sflag:$0x9], $0x1400, $0x38;
	[tilespmem:$0x1DD10] =	vst v63  }
0x43: {  	_ =	swait.ge [sflag:s23], $0x1400  }
0x44: {  	[sflag:s23] =	ssyncset.done $0x0  }
0x45: {  	s18 =	rddreg [dreg:$0x5];
	[sflag:s23] =	ssyncadd.s32 $0xFFFFEC00  }
0x46: {  	[spmem:s18] =	stream.linear.scatter [tilespmem:s15], [sflag:$0x9], $0x1400, $0x38;
	[tilespmem:$0x1DD10] =	vst v63  }
0x47: {  	_ =	swait.ge [sflag:s23], $0x1400  }
0x48: {  	[sflag:s23] =	ssyncset.done $0x0  }
0x49: {  	s19 =	rddreg [dreg:$0x6];
	[sflag:s23] =	ssyncadd.s32 $0xFFFFEC00  }
0x4a: {  	[spmem:s19] =	stream.linear.scatter [tilespmem:s15], [sflag:$0x9], $0x1400, $0x38;
	[tilespmem:$0x1DD10] =	vst v63  }
0x4b: {  	_ =	swait.ge [sflag:s23], $0x1400  }
0x4c: {  	[sflag:s23] =	ssyncset.done $0x0  }
0x4d: {  	s20 =	rddreg [dreg:$0x7];
	[sflag:s23] =	ssyncadd.s32 $0xFFFFEC00  }
0x4e: {  	[spmem:s20] =	stream.linear.scatter [tilespmem:s15], [sflag:$0x9], $0x1400, $0x38;
	[tilespmem:$0x1DD10] =	vst v63  }
0x4f: {  	_ =	swait.ge [sflag:s23], $0x1400  }
0x50: {  	[sflag:s23] =	ssyncset.done $0x0  }
0x51: {  	s21 =	rddreg [dreg:$0x8];
	[sflag:s23] =	ssyncadd.s32 $0xFFFFEC00  }
0x52: {  	[spmem:s21] =	stream.linear.scatter [tilespmem:s15], [sflag:$0x9], $0x1400, $0x38;
	[tilespmem:$0x1DD10] =	vst v63  }
0x53: {  	_ =	swait.ge [sflag:s23], $0x1400  }
0x54: {  	[sflag:s23] =	ssyncset.done $0x0  }
0x55: {  	s22 =	rddreg [dreg:$0x9];
	[sflag:s23] =	ssyncadd.s32 $0xFFFFEC00  }
0x56: {  	[spmem:s22] =	stream.linear.scatter [tilespmem:s15], [sflag:$0x9], $0x1400, $0x38;
	[tilespmem:$0x1DD10] =	vst v63  }
0x57: {  	_ =	swait.ge [sflag:s23], $0x1400  }
0x58: {  	[sflag:s23] =	ssyncset.done $0x0  }
0x59: {  	s24 =	rddreg [dreg:$0xa];
	[sflag:s23] =	ssyncadd.s32 $0xFFFFEC00  }
0x5a: {  	[spmem:s24] =	stream.linear.scatter [tilespmem:s15], [sflag:$0x9], $0x1400, $0x38;
	[tilespmem:$0x1DD10] =	vst v63  }
0x5b: {  	_ =	swait.ge [sflag:s23], $0x1400  }
0x5c: {  	[sflag:s23] =	ssyncset.done $0x0  }
0x5d: {  	s16 =	rddreg [dreg:$0xb];
	[sflag:s23] =	ssyncadd.s32 $0xFFFFEC00  }
0x5e: {  	[spmem:s16] =	stream.linear.scatter [tilespmem:s15], [sflag:$0x9], $0x1400, $0x38;
	[tilespmem:$0x1DD10] =	vst v63  }
0x5f: {  	_ =	swait.ge [sflag:s23], $0x1400  }
0x60: {  	[sflag:s23] =	ssyncset.done $0x0  }
0x61: {  	s17 =	rddreg [dreg:$0xc];
	[sflag:s23] =	ssyncadd.s32 $0xFFFFEC00  }
0x62: {  	[spmem:s17] =	stream.linear.scatter [tilespmem:s15], [sflag:$0x9], $0x1400, $0x38;
	[tilespmem:$0x1DD10] =	vst v63  }
0x63: {  	_ =	swait.ge [sflag:s23], $0x1400  }
0x64: {  	[sflag:s23] =	ssyncset.done $0x0  }
0x65: {  	s18 =	rddreg [dreg:$0xd];
	[sflag:s23] =	ssyncadd.s32 $0xFFFFEC00  }
0x66: {  	[spmem:s18] =	stream.linear.scatter [tilespmem:s15], [sflag:$0x9], $0x1400, $0x38;
	[tilespmem:$0x1DD10] =	vst v63  }
0x67: {  	_ =	swait.ge [sflag:s23], $0x1400  }
0x68: {  	s20 =	simm.s32 $0xC800;
	[sflag:s23] =	ssyncset.done $0x0  }
0x69: {  	s17 =	simm.s32 $0x0;
	s19 =	rddreg [dreg:$0xe];
	[sflag:s23] =	ssyncadd.s32 $0xFFFFEC00  }
0x6a: {  	[tilespmem:s20], [sflag:$0x9] =	stream.linear.gather [hbm4b:s19+s17], $0x2880, $0x38;
	[tilespmem:$0x1DD10] =	vst v63  }
0x6b: {  	_ =	swait.ge [sflag:s23], $0x2880  }
0x6c: {  	[sflag:s23] =	ssyncset.done $0x0  }
0x6d: {  	s22 =	simm.s32 $0xF080;
	s21 =	rddreg [dreg:$0xf];
	[sflag:s23] =	ssyncadd.s32 $0xFFFFD780  }
0x6e: {  	[tilespmem:s22], [sflag:$0x9] =	stream.linear.gather [hbm4b:s21+s17], $0x2880, $0x38;
	[tilespmem:$0x1DD10] =	vst v63  }
0x6f: {  	_ =	swait.ge [sflag:s23], $0x2880  }
0x70: {  	[sflag:s23] =	ssyncset.done $0x0  }
0x71: {  	[sflag:s23] =	ssyncadd.s32 $0xFFFFD780  }
0x72: {  	s18 =	simm.s32 $0x1C900;
	s24 =	rddreg [dreg:$0x1]  }
0x73: {  	[tilespmem:s18], [sflag:$0x9] =	stream.linear.gather [hbm4b:s24+s17], $0x10, $0x38;
	[tilespmem:$0x1DD10] =	vst v63  }
0x74: {  	_ =	swait.ge [sflag:s23], $0x10  }
0x75: {  	[sflag:s23] =	ssyncset.done $0x0  }
0x76: {  	[sflag:s23] =	ssyncadd.s32 $0xFFFFFFF0  }
0x77: {  	[bflag:$0x0] =	sbarrier.arrive $0xFFFF  }
0x78: {  	v6 =	vld [tilespmem:$0x1C900];
	_ =	sdelay $0x4  }
0x79: {  	v7 =	vperm.xlane v6, v1;
	_ =	sdelay $0x1  }
0x7a: {  	[tilespmem:s29], [sflag:$0x1] =	stream.indirect.gather [hbm4b:s5+s28], $0x10, s20, s28, $0xb8;
	v6 =	vadd.f32 v7, v6;
	[tilespmem:$0x1DD10] =	vst v63  }
0x7b: {  	_ = 	snop  }
0x7c: {  	[tilespmem:s30], [sflag:$0x2] =	stream.indirect.gather [hbm4b:s6+s28], $0x10, s22, s28, $0xb8;
	v7 =	vmul.f32 $2.000000030e-01, v6;
	[tilespmem:$0x1DD10] =	vst v63  }
0x7d: {  	vm0 =	vgt.f32 v6, $0.0e+00  }
0x7e: {  	[tilespmem:s31], [sflag:$0x3] =	stream.indirect.gather [hbm4b:s7+s28], $0x40, s20, s28, $0xb8;
	v6 =	vsel vm0, v6, v7;
	[tilespmem:$0x1DD10] =	vst v63  }
.LBB2_4:
0x7f: {  	s19 =	sshll.u32 s17, $0x8  }
0x80: {  	s8 =	sadd.s32 $0xC880, s19  }
0x81: {  	[tilespmem:s0], [sflag:$0x4] =	stream.indirect.gather [hbm4b:s5+s28], $0x10, s8, s28, $0xb8;
	[tilespmem:$0x1DD10] =	vst v63  }
0x82: {  	s18 =	sadd.s32 $0xF100, s19  }
0x83: {  	[tilespmem:s2], [sflag:$0x5] =	stream.indirect.gather [hbm4b:s6+s28], $0x10, s18, s28, $0xb8;
	[tilespmem:$0x1DD10] =	vst v63  }
0x84: {  	_ = 	snop  }
0x85: {  	[tilespmem:s26], [sflag:$0x6] =	stream.indirect.gather [hbm4b:s7+s28], $0x40, s8, s28, $0xb8;
	[tilespmem:$0x1DD10] =	vst v63  }
0x86: {  	_ =	swait.ge [sflag:s1], $0x800  }
0x87: {  	[sflag:s1] =	ssyncset.done $0x0  }
0x88: {  	[sflag:s1] =	ssyncadd.s32 $0xFFFFF800  }
0x89: {  	_ =	swait.ge [sflag:s25], $0x800  }
0x8a: {  	[sflag:s25] =	ssyncset.done $0x0  }
0x8b: {  	[sflag:s25] =	ssyncadd.s32 $0xFFFFF800  }
0x8c: {  	_ =	swait.ge [sflag:s9], $0x2000  }
0x8d: {  	p0 =	seq.s32 s17, $0x0;
	[sflag:s9] =	ssyncset.done $0x0  }
0x8e: {  	s8 =	simm.s32 @!p0 $0x7;
	[sflag:s9] =	ssyncadd.s32 $0xFFFFE000  }
0x8f: {  	_ =	swait.ge @!p0 [sflag:s8], $0x2800  }
0x90: {  	[sflag:s8] =	ssyncset.done @!p0 $0x0  }
0x91: {  	s21 =	simm.s32 $0x11920;
	[sflag:s8] =	ssyncadd.s32 @!p0 $0xFFFFD800  }
0x92: {  	v7 =	vld [tilespmem:s21+$0x10]  }
0x93: {  	s15 =	simm.s32 $0x12120;
	v8 =	vld [tilespmem:s21+$0xFFFFFFE0]  }
0x94: {  	v9 =	vld [tilespmem:s15+$0xFFFFFFE0]  }
0x95: {  	v10 =	vld [tilespmem:s15+$0x10]  }
0x96: {  	v11 =	vld [tilespmem:s15+$0xFFFFFFF0]  }
0x97: {  	v12 =	vld [tilespmem:s21+$0xFFFFFFF0];
	_ =	sdelay $0x1  }
0x98: {  	v8 =	vadd.f32 v9, v8  }
0x99: {  	v9 =	vld [tilespmem:s15+$0x0];
	v7 =	vadd.f32 v10, v7  }
0x9a: {  	v10 =	vld [tilespmem:s21+$0x0];
	v13 =	vmul.f32 $2.000000030e-01, v8  }
0x9b: {  	v11 =	vadd.f32 v11, v12;
	v14 =	vmul.f32 $2.000000030e-01, v7;
	vm0 =	vgt.f32 v8, $0.0e+00  }
0x9c: {  	vm1 =	vgt.f32 v7, $0.0e+00;
	v8 =	vsel vm0, v8, v13  }
0x9d: {  	v12 =	vmul.f32 $2.000000030e-01, v11;
	v7 =	vsel vm1, v7, v14;
	v8 =	vsub.f32 v8, v6  }
0x9e: {  	vm0 =	vgt.f32 v11, $0.0e+00;
	v7 =	vsub.f32 v7, v6  }
0x9f: {  	v9 =	vadd.f32 v9, v10;
	v10 =	vsel vm0, v11, v12;
	v8 =	vmul.f32 $1.442695020e+00, v8  }
0xa0: {  	v10 =	vsub.f32 v10, v6;
	v7 =	vmul.f32 $1.442695020e+00, v7  }
0xa1: {  	s24 =	simm.s32 $0x11960;
	v11 =	vmul.f32 $2.000000030e-01, v9;
	(erf) = vpow2.f32 v8  }
0xa2: {  	v16 =	vld [tilespmem:s24+$0x0];
	vm0 =	vgt.f32 v9, $0.0e+00;
	(erf) = vpow2.f32 v7;
	v7 =	vmul.f32 $1.442695020e+00, v10  }
0xa3: {  	v13 =	vld [tilespmem:s24+$0xFFFFFFF0];
	v8 =	vsel vm0, v9, v11  }
0xa4: {  	s22 =	simm.s32 $0x12160;
	v12 =	vld [tilespmem:s24+$0xFFFFFFE0];
	v8 =	vsub.f32 v8, v6;
	(erf) = vpow2.f32 v7  }
0xa5: {  	v11 =	vld [tilespmem:s22+$0x10]  }
0xa6: {  	v10 =	vld [tilespmem:s24+$0x10];
	v8 =	vmul.f32 $1.442695020e+00, v8  }
0xa7: {  	v9 =	vld [tilespmem:s22+$0xFFFFFFF0]  }
0xa8: {  	(erf) = vpow2.f32 v8;
	v8 =	vld [tilespmem:s22+$0xFFFFFFE0]  }
0xa9: {  	v7 =	vld [tilespmem:s22+$0x0]  }
0xaa: {  	s20 =	simm.s32 $0x179A0;
	v14 =	vpop (erf)  }
0xab: {  	s8 =	simm.s32 $0x13980;
	v10 =	vadd.f32 v11, v10;
	v15 =	vpop (erf);
	[tilespmem:s20+$0xFFFFFFA0] =	vst v14  }
0xac: {  	[tilespmem:s20+$0x90] =	vst v15;
	v18 =	vld [tilespmem:s8+$0xFFFFFF80]  }
0xad: {  	v19 =	vmul.f32 $2.000000030e-01, v10;
	v8 =	vadd.f32 v8, v12;
	v11 =	vld [tilespmem:s8+$0x40];
	v17 =	vpop (erf)  }
0xae: {  	v9 =	vadd.f32 v9, v13;
	vm0 =	vgt.f32 v10, $0.0e+00;
	v7 =	vadd.f32 v7, v16;
	[tilespmem:s20+$0xFFFFFFF0] =	vst v17  }
0xaf: {  	v10 =	vsel vm0, v10, v19;
	v19 =	vperm.xlane v14, v2;
	v22 =	vmul.f32 $2.000000030e-01, v8;
	v12 =	vld [tilespmem:s8+$0xFFFFFFC0]  }
0xb0: {  	vm1 =	vgt.f32 v7, $0.0e+00;
	v21 =	vperm.xlane v15, v2;
	vm0 =	vgt.f32 v8, $0.0e+00  }
0xb1: {  	v20 =	vperm.xlane v15, v3;
	v23 =	vpop (erf);
	v8 =	vsel vm0, v8, v22;
	v18 =	vmul.f32 v18, v19  }
0xb2: {  	s16 =	simm.s32 $0x121A0;
	[tilespmem:s20+$0x40] =	vst v23;
	v8 =	vsub.f32 v8, v6;
	v11 =	vmul.f32 v11, v21;
	v21 =	vperm.xlane v17, v2  }
0xb3: {  	v24 =	vld [tilespmem:s16+$0x10];
	v10 =	vsub.f32 v10, v6;
	v19 =	vmul.f32 $2.000000030e-01, v7;
	[tilespmem:s20+$0xFFFFFF60] =	vst v18;
	v18 =	vmul.f32 $2.000000030e-01, v9  }
0xb4: {  	vm0 =	vgt.f32 v9, $0.0e+00;
	v13 =	vld [tilespmem:s8+$0x0];
	v8 =	vmul.f32 $1.442695020e+00, v8;
	[tilespmem:s20+$0x50] =	vst v11;
	v11 =	vmul.f32 v12, v21  }
0xb5: {  	v10 =	vmul.f32 $1.442695020e+00, v10;
	v7 =	vsel vm1, v7, v19;
	v21 =	vld [tilespmem:s8+$0xFFFFFF90];
	v9 =	vsel vm0, v9, v18  }
0xb6: {  	v12 =	vperm.xlane v23, v2;
	(erf) = vpow2.f32 v8;
	v16 =	vld [tilespmem:s8+$0x50];
	[tilespmem:s20+$0xFFFFFFB0] =	vst v11;
	v9 =	vsub.f32 v9, v6  }
0xb7: {  	v8 =	vperm.xlane v14, v3;
	v7 =	vsub.f32 v7, v6;
	(erf) = vpow2.f32 v10;
	v11 =	vld [tilespmem:s8+$0xFFFFFFD0]  }
0xb8: {  	v26 =	vld [tilespmem:s16+$0xFFFFFFE0];
	s15 =	simm.s32 $0x119A0;
	v10 =	vperm.xlane v17, v3;
	v9 =	vmul.f32 $1.442695020e+00, v9  }
0xb9: {  	v22 =	vld [tilespmem:s15+$0x10];
	v12 =	vmul.f32 v13, v12;
	v7 =	vmul.f32 $1.442695020e+00, v7  }
0xba: {  	v29 =	vld [tilespmem:s15+$0x0];
	v8 =	vmul.f32 v21, v8;
	(erf) = vpow2.f32 v9  }
0xbb: {  	v18 =	vld [tilespmem:s16+$0x0];
	[tilespmem:s20+$0x0] =	vst v12;
	(erf) = vpow2.f32 v7  }
0xbc: {  	v7 =	vmul.f32 v16, v20;
	[tilespmem:s20+$0xFFFFFF70] =	vst v8;
	v9 =	vmul.f32 v11, v10;
	v10 =	vld [tilespmem:s8+$0x10]  }
0xbd: {  	v28 =	vperm.xlane v17, v5;
	v20 =	vld [tilespmem:s8+$0xFFFFFFA0]  }
0xbe: {  	v25 =	vld [tilespmem:s15+$0xFFFFFFE0];
	v22 =	vadd.f32 v24, v22;
	v24 =	vperm.xlane v15, v4;
	v13 =	vperm.xlane v15, v5;
	[tilespmem:s20+$0x60] =	vst v7  }
0xbf: {  	v15 =	vperm.xlane v17, v4;
	[tilespmem:s20+$0xFFFFFFC0] =	vst v9;
	v9 =	vperm.xlane v23, v3;
	v17 =	vld [tilespmem:s8+$0x60]  }
0xc0: {  	s21 =	simm.s32 $0x17AE0;
	v27 =	vperm.xlane v14, v5;
	v14 =	vperm.xlane v14, v4;
	v16 =	vld [tilespmem:s8+$0xFFFFFFE0];
	v7 =	vpop (erf)  }
0xc1: {  	v19 =	vld [tilespmem:s16+$0xFFFFFFF0];
	v8 =	vpop (erf);
	[tilespmem:s21+$0xFFFFFFA0] =	vst v7;
	v10 =	vmul.f32 v10, v9  }
0xc2: {  	s24 =	simm.s32 $0x13A80;
	v21 =	vld [tilespmem:s15+$0xFFFFFFF0];
	v29 =	vadd.f32 v18, v29;
	[tilespmem:s21+$0x90] =	vst v8;
	v14 =	vmul.f32 v20, v14  }
0xc3: {  	v30 =	vmul.f32 $2.000000030e-01, v22;
	vm0 =	vgt.f32 v22, $0.0e+00;
	v60 =	vld [tilespmem:s24+$0xFFFFFF80];
	[tilespmem:s20+$0x10] =	vst v10  }
0xc4: {  	v11 =	vperm.xlane v23, v5;
	v63 =	vmul.f32 $2.000000030e-01, v29;
	v20 =	vadd.f32 v26, v25;
	v31 =	vld [tilespmem:s24+$0x40];
	v9 =	vpop (erf);
	[tilespmem:s20+$0xFFFFFF80] =	vst v14  }
0xc5: {  	vm1 =	vgt.f32 v29, $0.0e+00;
	v14 =	vmul.f32 v17, v24;
	v32 =	vmul.f32 v16, v15;
	[tilespmem:s21+$0xFFFFFFF0] =	vst v9;
	v26 =	vld [tilespmem:s8+$0x20]  }
0xc6: {  	v17 =	vmul.f32 $2.000000030e-01, v20;
	v15 =	vsel vm0, v22, v30;
	v22 =	vperm.xlane v7, v2;
	v33 =	vld [tilespmem:s24+$0xFFFFFFC0]  }
0xc7: {  	v23 =	vperm.xlane v23, v4;
	v25 =	vperm.xlane v8, v2;
	v24 =	vld [tilespmem:s8+$0xFFFFFFB0];
	vm0 =	vgt.f32 v20, $0.0e+00;
	v10 =	vpop (erf);
	[tilespmem:s20+$0xFFFFFFD0] =	vst v32  }
0xc8: {  	v12 =	vperm.xlane v8, v3;
	v17 =	vsel vm0, v20, v17;
	[tilespmem:s21+$0x40] =	vst v10;
	v20 =	vmul.f32 v60, v22;
	v61 =	vld [tilespmem:s8+$0xFFFFFFF0]  }
0xc9: {  	v62 =	vperm.xlane v9, v2;
	v16 =	vsub.f32 v15, v6;
	[tilespmem:s20+$0x70] =	vst v14;
	v25 =	vmul.f32 v31, v25;
	v18 =	vld [tilespmem:s24+$0x0]  }
0xca: {  	v15 =	vperm.xlane v10, v2;
	v22 =	vadd.f32 v19, v21;
	v19 =	vld [tilespmem:s8+$0x70];
	[tilespmem:s21+$0xFFFFFF60] =	vst v20;
	v23 =	vmul.f32 v26, v23  }
0xcb: {  	v17 =	vsub.f32 v17, v6;
	v16 =	vmul.f32 $1.442695020e+00, v16;
	[tilespmem:s21+$0x50] =	vst v25;
	v20 =	vld [tilespmem:s24+$0xFFFFFF90];
	v30 =	vmul.f32 v33, v62  }
0xcc: {  	vm0 =	vgt.f32 v22, $0.0e+00;
	v26 =	vmul.f32 $2.000000030e-01, v22;
	v21 =	vmul.f32 v24, v27;
	v14 =	vld [tilespmem:s24+$0x50];
	[tilespmem:s20+$0x20] =	vst v23  }
0xcd: {  	s22 =	simm.s32 $0x8;
	v25 =	vmul.f32 $1.442695020e+00, v17;
	v23 =	vsel vm1, v29, v63;
	[tilespmem:s21+$0xFFFFFFB0] =	vst v30;
	v24 =	vmul.f32 v61, v28;
	v17 =	vld [tilespmem:s8+$0x30];
	s8 =	simm.s32 $0x13A80  }
.LBB2_5:
0xce: {  	s22 =	sadd.s32 $0x4, s22;
	v22 =	vsel vm0, v22, v26;
	s16 =	sadd.s32 $0x40, s16;
	s15 =	sadd.s32 $0x40, s15;
	v26 =	vperm.xlane v7, v3;
	v27 =	vld [tilespmem:s24+$0xFFFFFFD0];
	v15 =	vmul.f32 v18, v15  }
0xcf: {  	v18 =	vld [tilespmem:s16+$0x0];
	p1 =	slt.u32 s22, $0x7C;
	v22 =	vsub.f32 v22, v6;
	(erf) = vpow2.f32 v25;
	[tilespmem:s20+$0xFFFFFFE0] =	vst v24;
	v13 =	vmul.f32 v19, v13  }
0xd0: {  	v23 =	vsub.f32 v23, v6;
	v19 =	vld [tilespmem:s16+$0xFFFFFFF0];
	(erf) = vpow2.f32 v16;
	v16 =	vperm.xlane v9, v3;
	[tilespmem:s20+$0xFFFFFF90] =	vst v21  }
0xd1: {  	v21 =	vld [tilespmem:s15+$0x10];
	v22 =	vmul.f32 $1.442695020e+00, v22;
	v20 =	vmul.f32 v20, v26;
	[tilespmem:s21+$0x0] =	vst v15  }
0xd2: {  	v23 =	vmul.f32 $1.442695020e+00, v23;
	v15 =	vld [tilespmem:s16+$0x10];
	v11 =	vmul.f32 v17, v11;
	[tilespmem:s20+$0x80] =	vst v13  }
0xd3: {  	v17 =	vld [tilespmem:s15+$0xFFFFFFE0];
	(erf) = vpow2.f32 v22;
	[tilespmem:s21+$0xFFFFFF70] =	vst v20;
	v13 =	vmul.f32 v27, v16  }
0xd4: {  	v12 =	vmul.f32 v14, v12;
	v20 =	vld [tilespmem:s15+$0xFFFFFFF0];
	(erf) = vpow2.f32 v23;
	[tilespmem:s20+$0x30] =	vst v11;
	s20 =	smov.u32 s21  }
0xd5: {  	v14 =	vperm.xlane v10, v3;
	[tilespmem:s21+$0xFFFFFFC0] =	vst v13;
	v16 =	vld [tilespmem:s24+$0x10]  }
0xd6: {  	v11 =	vperm.xlane v10, v5;
	v13 =	vperm.xlane v8, v5;
	v22 =	vld [tilespmem:s24+$0xFFFFFFE0];
	[tilespmem:s21+$0x60] =	vst v12  }
0xd7: {  	v24 =	vperm.xlane v7, v5;
	v27 =	vperm.xlane v9, v5;
	s21 =	sadd.s32 $0x140, s21;
	v23 =	vld [tilespmem:s24+$0xFFFFFFA0]  }
0xd8: {  	v26 =	vperm.xlane v8, v4;
	v15 =	vadd.f32 v15, v21;
	v21 =	vperm.xlane v10, v4;
	s24 =	sadd.s32 $0x100, s24;
	v25 =	vld [tilespmem:s16+$0xFFFFFFE0];
	v12 =	vpop (erf)  }
0xd9: {  	v33 =	vperm.xlane v9, v4;
	v10 =	vperm.xlane v7, v4;
	v8 =	vpop (erf);
	v28 =	vld [tilespmem:s8+$0x60];
	v7 =	vmov v12  }
0xda: {  	v30 =	vmul.f32 $2.000000030e-01, v15;
	v29 =	vld [tilespmem:s15+$0x0];
	[tilespmem:s21+$0x90] =	vst v8;
	v14 =	vmul.f32 v16, v14  }
0xdb: {  	vm0 =	vgt.f32 v15, $0.0e+00;
	v12 =	vperm.xlane v8, v3;
	[tilespmem:s21+$0xFFFFFFA0] =	vst v7;
	v31 =	vld [tilespmem:s24+$0x40];
	v22 =	vmul.f32 v22, v33  }
0xdc: {  	v15 =	vsel vm0, v15, v30;
	v30 =	vperm.xlane v7, v2;
	v32 =	vld [tilespmem:s24+$0xFFFFFF80];
	v9 =	vpop (erf);
	v16 =	vmul.f32 v23, v10;
	[tilespmem:s20+$0x10] =	vst v14  }
0xdd: {  	v23 =	vperm.xlane v8, v2;
	v14 =	vadd.f32 v25, v17;
	v17 =	vsub.f32 v15, v6;
	[tilespmem:s21+$0xFFFFFFF0] =	vst v9;
	v10 =	vpop (erf);
	v25 =	vld [tilespmem:s8+$0x20]  }
0xde: {  	v33 =	vld [tilespmem:s24+$0xFFFFFFC0];
	v15 =	vperm.xlane v10, v2;
	[tilespmem:s20+$0xFFFFFF80] =	vst v16;
	v26 =	vmul.f32 v28, v26  }
0xdf: {  	v28 =	vmul.f32 $2.000000030e-01, v14;
	v16 =	vmul.f32 $1.442695020e+00, v17;
	v17 =	vld [tilespmem:s8+$0xFFFFFFB0];
	[tilespmem:s20+$0xFFFFFFD0] =	vst v22  }
0xe0: {  	vm0 =	vgt.f32 v14, $0.0e+00;
	v29 =	vadd.f32 v18, v29;
	[tilespmem:s21+$0x40] =	vst v10;
	v23 =	vmul.f32 v31, v23;
	v31 =	vld [tilespmem:s8+$0xFFFFFFF0]  }
.Ltmp1:
0xe1: {  	v14 =	vsel vm0, v14, v28;
	v28 =	vmul.f32 v32, v30;
	v30 =	vperm.xlane v9, v2;
	v18 =	vld [tilespmem:s24+$0x0];
	[tilespmem:s20+$0x70] =	vst v26;
	(pc) =	sbr.rel @p1 .LBB2_5-.Ltmp1, $4  }
0xe2: {  	v22 =	vadd.f32 v19, v20;
	v32 =	vmul.f32 $2.000000030e-01, v29;
	[tilespmem:s21+$0x50] =	vst v23;
	v23 =	vmul.f32 v25, v21;
	v19 =	vld [tilespmem:s8+$0x70]  }
0xe3: {  	vm1 =	vgt.f32 v29, $0.0e+00;
	v25 =	vsub.f32 v14, v6;
	[tilespmem:s21+$0xFFFFFF60] =	vst v28;
	v28 =	vmul.f32 v33, v30;
	v14 =	vld [tilespmem:s24+$0x50]  }
0xe4: {  	vm0 =	vgt.f32 v22, $0.0e+00;
	v26 =	vmul.f32 $2.000000030e-01, v22;
	v20 =	vld [tilespmem:s24+$0xFFFFFF90];
	v21 =	vmul.f32 v17, v24;
	[tilespmem:s20+$0x20] =	vst v23  }
0xe5: {  	v25 =	vmul.f32 $1.442695020e+00, v25;
	v23 =	vsel vm1, v29, v32;
	[tilespmem:s21+$0xFFFFFFB0] =	vst v28;
	v24 =	vmul.f32 v31, v27;
	v17 =	vld [tilespmem:s8+$0x30];
	s8 =	smov.u32 s24  }
0xe6: {  	v22 =	vsel vm0, v22, v26  }
0xe7: {  	v22 =	vsub.f32 v22, v6;
	_ =	sdelay $0x1  }
0xe8: {  	(erf) = vpow2.f32 v25;
	v22 =	vmul.f32 $1.442695020e+00, v22  }
0xe9: {  	v23 =	vsub.f32 v23, v6;
	(erf) = vpow2.f32 v16  }
0xea: {  	(erf) = vpow2.f32 v22  }
0xeb: {  	v16 =	vmul.f32 $1.442695020e+00, v23;
	_ =	sdelay $0x1  }
0xec: {  	(erf) = vpow2.f32 v16;
	_ =	sdelay $0x3  }
0xed: {  	v16 =	vpop (erf)  }
0xee: {  	v22 =	vpop (erf)  }
0xef: {  	s15 =	sadd.s32 $0x140, s21;
	[tilespmem:s20+$0xFFFFFFE0] =	vst v24;
	v23 =	vpop (erf)  }
0xf0: {  	s16 =	sadd.s32 $0x100, s24;
	[tilespmem:s15+$0xFFFFFFF0] =	vst v23  }
0xf1: {  	[tilespmem:s15+$0xFFFFFFA0] =	vst v16;
	v24 =	vld [tilespmem:s16+$0xFFFFFFC0]  }
0xf2: {  	[tilespmem:s15+$0x90] =	vst v22;
	v25 =	vld [tilespmem:s16+$0xFFFFFF80];
	v26 =	vpop (erf)  }
0xf3: {  	v27 =	vperm.xlane v7, v3;
	v15 =	vmul.f32 v18, v15;
	v18 =	vld [tilespmem:s16+$0x40];
	[tilespmem:s15+$0x40] =	vst v26  }
0xf4: {  	[tilespmem:s20+$0xFFFFFF90] =	vst v21;
	v13 =	vmul.f32 v19, v13;
	v19 =	vperm.xlane v23, v2;
	v21 =	vld [tilespmem:s16+$0x0]  }
0xf5: {  	v28 =	vld [tilespmem:s24+$0xFFFFFFD0];
	[tilespmem:s21+$0x0] =	vst v15;
	v20 =	vmul.f32 v20, v27;
	v15 =	vperm.xlane v16, v2  }
0xf6: {  	[tilespmem:s20+$0x80] =	vst v13;
	v13 =	vperm.xlane v22, v2;
	v19 =	vmul.f32 v24, v19  }
0xf7: {  	[tilespmem:s21+$0xFFFFFF70] =	vst v20;
	v20 =	vperm.xlane v26, v2;
	v15 =	vmul.f32 v25, v15  }
0xf8: {  	v25 =	vld [tilespmem:s24+$0x10];
	v13 =	vmul.f32 v18, v13;
	v24 =	vperm.xlane v9, v3;
	[tilespmem:s15+$0xFFFFFFB0] =	vst v19  }
0xf9: {  	[tilespmem:s15+$0xFFFFFF60] =	vst v15;
	v18 =	vmul.f32 v21, v20;
	v15 =	vld [tilespmem:s16+$0xFFFFFFD0]  }
0xfa: {  	[tilespmem:s15+$0x50] =	vst v13;
	v13 =	vld [tilespmem:s16+$0xFFFFFF90];
	v19 =	vmul.f32 v28, v24  }
0xfb: {  	v11 =	vmul.f32 v17, v11;
	v17 =	vperm.xlane v10, v3;
	v20 =	vld [tilespmem:s16+$0x50];
	[tilespmem:s15+$0x0] =	vst v18  }
0xfc: {  	v12 =	vmul.f32 v14, v12;
	v14 =	vperm.xlane v23, v3;
	[tilespmem:s21+$0xFFFFFFC0] =	vst v19;
	v18 =	vld [tilespmem:s16+$0x10]  }
0xfd: {  	[tilespmem:s20+$0x30] =	vst v11;
	v17 =	vmul.f32 v25, v17;
	v19 =	vperm.xlane v16, v3;
	v11 =	vld [tilespmem:s24+$0xFFFFFFE0]  }
0xfe: {  	[tilespmem:s21+$0x60] =	vst v12;
	v12 =	vld [tilespmem:s24+$0xFFFFFFA0];
	v21 =	vperm.xlane v22, v3;
	v14 =	vmul.f32 v15, v14  }
0xff: {  	[tilespmem:s21+$0x10] =	vst v17;
	v17 =	vperm.xlane v26, v3;
	v13 =	vmul.f32 v13, v19;
	v15 =	vld [tilespmem:s8+$0x60]  }
0x100: {  	v24 =	vld [tilespmem:s8+$0x20];
	v19 =	vperm.xlane v9, v4;
	v20 =	vmul.f32 v20, v21;
	[tilespmem:s15+$0xFFFFFFC0] =	vst v14  }
0x101: {  	[tilespmem:s15+$0xFFFFFF70] =	vst v13;
	v17 =	vmul.f32 v18, v17;
	v14 =	vperm.xlane v7, v4;
	v13 =	vld [tilespmem:s16+$0xFFFFFFE0]  }
0x102: {  	[tilespmem:s15+$0x60] =	vst v20;
	v18 =	vperm.xlane v8, v4;
	v11 =	vmul.f32 v11, v19;
	v19 =	vld [tilespmem:s16+$0xFFFFFFA0]  }
0x103: {  	v20 =	vperm.xlane v10, v4;
	[tilespmem:s15+$0x10] =	vst v17;
	v12 =	vmul.f32 v12, v14;
	v14 =	vld [tilespmem:s16+$0x60]  }
0x104: {  	[tilespmem:s21+$0xFFFFFFD0] =	vst v11;
	v11 =	vperm.xlane v23, v4;
	v17 =	vld [tilespmem:s16+$0x20];
	v15 =	vmul.f32 v15, v18  }
0x105: {  	v18 =	vmul.f32 v24, v20;
	v20 =	vperm.xlane v16, v4;
	[tilespmem:s21+$0xFFFFFF80] =	vst v12;
	v12 =	vld [tilespmem:s8+$0xFFFFFFF0]  }
0x106: {  	v21 =	vld [tilespmem:s8+$0xFFFFFFB0];
	[tilespmem:s21+$0x70] =	vst v15;
	v15 =	vperm.xlane v22, v4;
	v11 =	vmul.f32 v13, v11  }
0x107: {  	[tilespmem:s21+$0x20] =	vst v18;
	v18 =	vperm.xlane v26, v4;
	v19 =	vmul.f32 v19, v20;
	v13 =	vld [tilespmem:s8+$0x70]  }
0x108: {  	v9 =	vperm.xlane v9, v5;
	v20 =	vld [tilespmem:s8+$0x30];
	v14 =	vmul.f32 v14, v15;
	[tilespmem:s15+$0xFFFFFFD0] =	vst v11  }
0x109: {  	v7 =	vperm.xlane v7, v5;
	[tilespmem:s15+$0xFFFFFF80] =	vst v19;
	v15 =	vmul.f32 v17, v18;
	v11 =	vld [tilespmem:s16+$0xFFFFFFF0]  }
0x10a: {  	v8 =	vperm.xlane v8, v5;
	v9 =	vmul.f32 v12, v9;
	v12 =	vld [tilespmem:s16+$0xFFFFFFB0];
	[tilespmem:s15+$0x70] =	vst v14  }
0x10b: {  	v10 =	vperm.xlane v10, v5;
	[tilespmem:s15+$0x20] =	vst v15;
	v7 =	vmul.f32 v21, v7;
	v14 =	vld [tilespmem:s16+$0x70]  }
0x10c: {  	[tilespmem:s21+$0xFFFFFFE0] =	vst v9;
	v8 =	vmul.f32 v13, v8;
	v9 =	vperm.xlane v23, v5;
	v13 =	vld [tilespmem:s16+$0x30]  }
0x10d: {  	[tilespmem:s21+$0xFFFFFF90] =	vst v7;
	v7 =	vmul.f32 v20, v10;
	v10 =	vperm.xlane v16, v5  }
0x10e: {  	[tilespmem:s21+$0x80] =	vst v8;
	v8 =	vperm.xlane v22, v5;
	v9 =	vmul.f32 v11, v9  }
0x10f: {  	[tilespmem:s21+$0x30] =	vst v7;
	v7 =	vperm.xlane v26, v5;
	v10 =	vmul.f32 v12, v10  }
0x110: {  	v8 =	vmul.f32 v14, v8;
	[tilespmem:s15+$0xFFFFFFE0] =	vst v9  }
0x111: {  	[tilespmem:s15+$0xFFFFFF90] =	vst v10;
	v7 =	vmul.f32 v13, v7  }
0x112: {  	s22 =	sand.u32 $0x3FFFFF00, s19;
	[tilespmem:s15+$0x80] =	vst v8  }
0x113: {  	s8 =	sadd.s32 $0xF080, s22;
	[tilespmem:s15+$0x30] =	vst v7  }
0x114: {  	[spmem:s3] =	stream.indirect.scatter.add.f32 [tilespmem:s10], [sflag:$0x7], $0x50, s8, s28, $0xb8;
	[tilespmem:$0x1DD10] =	vst v63  }
0x115: {  	s24 =	sadd.s32 $0xC900, s19  }
0x116: {  	[tilespmem:s29], [sflag:$0x1] =	stream.indirect.gather [hbm4b:s5+s28], $0x10, s24, s28, $0xb8;
	[tilespmem:$0x1DD10] =	vst v63  }
0x117: {  	s16 =	sadd.s32 $0xF180, s19  }
0x118: {  	[tilespmem:s30], [sflag:$0x2] =	stream.indirect.gather [hbm4b:s6+s28], $0x10, s16, s28, $0xb8;
	[tilespmem:$0x1DD10] =	vst v63  }
0x119: {  	_ = 	snop  }
0x11a: {  	[tilespmem:s31], [sflag:$0x3] =	stream.indirect.gather [hbm4b:s7+s28], $0x40, s24, s28, $0xb8;
	[tilespmem:$0x1DD10] =	vst v63  }
0x11b: {  	_ =	swait.ge [sflag:s11], $0x800  }
0x11c: {  	[sflag:s11] =	ssyncset.done $0x0  }
0x11d: {  	[sflag:s11] =	ssyncadd.s32 $0xFFFFF800  }
0x11e: {  	_ =	swait.ge [sflag:s12], $0x800  }
0x11f: {  	[sflag:s12] =	ssyncset.done $0x0  }
0x120: {  	[sflag:s12] =	ssyncadd.s32 $0xFFFFF800  }
0x121: {  	_ =	swait.ge [sflag:s13], $0x2000  }
0x122: {  	[sflag:s13] =	ssyncset.done $0x0  }
0x123: {  	s8 =	simm.s32 @!p0 $0x8;
	[sflag:s13] =	ssyncadd.s32 $0xFFFFE000  }
0x124: {  	_ =	swait.ge @!p0 [sflag:s8], $0x2800  }
0x125: {  	[sflag:s8] =	ssyncset.done @!p0 $0x0  }
0x126: {  	s19 =	simm.s32 $0x12920;
	[sflag:s8] =	ssyncadd.s32 @!p0 $0xFFFFD800  }
0x127: {  	v7 =	vld [tilespmem:s19+$0x10]  }
0x128: {  	s20 =	simm.s32 $0x13120;
	v8 =	vld [tilespmem:s19+$0xFFFFFFE0]  }
0x129: {  	v9 =	vld [tilespmem:s20+$0xFFFFFFE0]  }
0x12a: {  	v10 =	vld [tilespmem:s20+$0x10]  }
0x12b: {  	v11 =	vld [tilespmem:s20+$0xFFFFFFF0]  }
0x12c: {  	v12 =	vld [tilespmem:s19+$0xFFFFFFF0];
	_ =	sdelay $0x1  }
0x12d: {  	v8 =	vadd.f32 v9, v8  }
0x12e: {  	v9 =	vld [tilespmem:s20+$0x0];
	v7 =	vadd.f32 v10, v7  }
0x12f: {  	v10 =	vld [tilespmem:s19+$0x0];
	v13 =	vmul.f32 $2.000000030e-01, v8  }
0x130: {  	v11 =	vadd.f32 v11, v12;
	v14 =	vmul.f32 $2.000000030e-01, v7;
	vm0 =	vgt.f32 v8, $0.0e+00  }
0x131: {  	vm1 =	vgt.f32 v7, $0.0e+00;
	v8 =	vsel vm0, v8, v13  }
0x132: {  	v12 =	vmul.f32 $2.000000030e-01, v11;
	v7 =	vsel vm1, v7, v14;
	v8 =	vsub.f32 v8, v6  }
0x133: {  	vm0 =	vgt.f32 v11, $0.0e+00;
	v7 =	vsub.f32 v7, v6  }
0x134: {  	v9 =	vadd.f32 v9, v10;
	v10 =	vsel vm0, v11, v12;
	v8 =	vmul.f32 $1.442695020e+00, v8  }
0x135: {  	v10 =	vsub.f32 v10, v6;
	v7 =	vmul.f32 $1.442695020e+00, v7  }
0x136: {  	v11 =	vmul.f32 $2.000000030e-01, v9;
	(erf) = vpow2.f32 v8  }
0x137: {  	s22 =	simm.s32 $0x12960;
	vm0 =	vgt.f32 v9, $0.0e+00;
	(erf) = vpow2.f32 v7;
	v7 =	vmul.f32 $1.442695020e+00, v10  }
0x138: {  	v16 =	vld [tilespmem:s22+$0x0];
	v8 =	vsel vm0, v9, v11  }
0x139: {  	s21 =	simm.s32 $0x13160;
	v13 =	vld [tilespmem:s22+$0xFFFFFFF0];
	v8 =	vsub.f32 v8, v6;
	(erf) = vpow2.f32 v7  }
0x13a: {  	v11 =	vld [tilespmem:s21+$0x10]  }
0x13b: {  	v10 =	vld [tilespmem:s22+$0x10];
	v8 =	vmul.f32 $1.442695020e+00, v8  }
0x13c: {  	v12 =	vld [tilespmem:s22+$0xFFFFFFE0]  }
0x13d: {  	v7 =	vld [tilespmem:s21+$0x0];
	(erf) = vpow2.f32 v8  }
0x13e: {  	v8 =	vld [tilespmem:s21+$0xFFFFFFE0]  }
0x13f: {  	s20 =	simm.s32 $0x1A1A0;
	v9 =	vld [tilespmem:s21+$0xFFFFFFF0];
	v14 =	vpop (erf)  }
0x140: {  	s24 =	simm.s32 $0x15980;
	v10 =	vadd.f32 v11, v10;
	v15 =	vpop (erf);
	[tilespmem:s20+$0xFFFFFFA0] =	vst v14  }
0x141: {  	[tilespmem:s20+$0x90] =	vst v15;
	v18 =	vld [tilespmem:s24+$0xFFFFFF80]  }
0x142: {  	v19 =	vmul.f32 $2.000000030e-01, v10;
	v11 =	vld [tilespmem:s24+$0x40];
	v17 =	vpop (erf)  }
0x143: {  	vm0 =	vgt.f32 v10, $0.0e+00;
	v7 =	vadd.f32 v7, v16;
	v8 =	vadd.f32 v8, v12;
	[tilespmem:s20+$0xFFFFFFF0] =	vst v17  }
0x144: {  	v9 =	vadd.f32 v9, v13;
	v10 =	vsel vm0, v10, v19;
	v19 =	vperm.xlane v14, v2;
	v12 =	vld [tilespmem:s24+$0xFFFFFFC0]  }
0x145: {  	vm1 =	vgt.f32 v7, $0.0e+00;
	v21 =	vperm.xlane v15, v2;
	v22 =	vmul.f32 $2.000000030e-01, v8  }
0x146: {  	s16 =	simm.s32 $0x131A0;
	v20 =	vperm.xlane v15, v3;
	vm0 =	vgt.f32 v8, $0.0e+00;
	v23 =	vpop (erf);
	v18 =	vmul.f32 v18, v19  }
0x147: {  	s15 =	simm.s32 $0x129A0;
	v24 =	vld [tilespmem:s16+$0x10];
	v8 =	vsel vm0, v8, v22;
	[tilespmem:s20+$0x40] =	vst v23;
	v11 =	vmul.f32 v11, v21;
	v21 =	vperm.xlane v17, v2  }
0x148: {  	v25 =	vld [tilespmem:s15+$0xFFFFFFE0];
	v10 =	vsub.f32 v10, v6;
	v8 =	vsub.f32 v8, v6;
	[tilespmem:s20+$0xFFFFFF60] =	vst v18;
	v18 =	vmul.f32 $2.000000030e-01, v9  }
0x149: {  	vm0 =	vgt.f32 v9, $0.0e+00;
	v13 =	vld [tilespmem:s24+$0x0];
	v19 =	vmul.f32 $2.000000030e-01, v7;
	[tilespmem:s20+$0x50] =	vst v11;
	v11 =	vmul.f32 v12, v21  }
0x14a: {  	v10 =	vmul.f32 $1.442695020e+00, v10;
	v8 =	vmul.f32 $1.442695020e+00, v8;
	v21 =	vld [tilespmem:s24+$0xFFFFFF90];
	v9 =	vsel vm0, v9, v18  }
0x14b: {  	v7 =	vsel vm1, v7, v19;
	v12 =	vperm.xlane v23, v2;
	v16 =	vld [tilespmem:s24+$0x50];
	[tilespmem:s20+$0xFFFFFFB0] =	vst v11;
	v9 =	vsub.f32 v9, v6  }
0x14c: {  	(erf) = vpow2.f32 v8;
	v8 =	vperm.xlane v14, v3;
	v7 =	vsub.f32 v7, v6;
	v11 =	vld [tilespmem:s24+$0xFFFFFFD0]  }
0x14d: {  	v26 =	vld [tilespmem:s16+$0xFFFFFFE0];
	(erf) = vpow2.f32 v10;
	v9 =	vmul.f32 $1.442695020e+00, v9  }
0x14e: {  	v29 =	vld [tilespmem:s15+$0x0];
	v12 =	vmul.f32 v13, v12;
	v7 =	vmul.f32 $1.442695020e+00, v7  }
0x14f: {  	v22 =	vld [tilespmem:s15+$0x10];
	v10 =	vperm.xlane v17, v3;
	(erf) = vpow2.f32 v9  }
0x150: {  	v19 =	vld [tilespmem:s16+$0xFFFFFFF0];
	[tilespmem:s20+$0x0] =	vst v12;
	v8 =	vmul.f32 v21, v8;
	(erf) = vpow2.f32 v7  }
0x151: {  	v7 =	vmul.f32 v16, v20;
	v9 =	vmul.f32 v11, v10;
	v10 =	vld [tilespmem:s24+$0x10]  }
0x152: {  	v27 =	vperm.xlane v14, v5;
	v18 =	vld [tilespmem:s16+$0x0];
	[tilespmem:s20+$0xFFFFFF70] =	vst v8  }
0x153: {  	v59 =	vperm.xlane v17, v5;
	v14 =	vperm.xlane v14, v4;
	v20 =	vld [tilespmem:s24+$0xFFFFFFA0];
	[tilespmem:s20+$0xFFFFFFC0] =	vst v9  }
0x154: {  	v22 =	vadd.f32 v24, v22;
	v17 =	vperm.xlane v17, v4;
	v9 =	vperm.xlane v23, v3;
	v16 =	vld [tilespmem:s24+$0xFFFFFFE0]  }
0x155: {  	s19 =	simm.s32 $0x1A2E0;
	v13 =	vperm.xlane v15, v5;
	v15 =	vperm.xlane v15, v4;
	v21 =	vld [tilespmem:s15+$0xFFFFFFF0];
	[tilespmem:s20+$0x60] =	vst v7;
	v7 =	vpop (erf)  }
0x156: {  	s21 =	simm.s32 $0x15A80;
	v30 =	vmul.f32 $2.000000030e-01, v22;
	v24 =	vld [tilespmem:s24+$0x60];
	v8 =	vpop (erf);
	[tilespmem:s19+$0xFFFFFFA0] =	vst v7;
	v10 =	vmul.f32 v10, v9  }
0x157: {  	v25 =	vadd.f32 v26, v25;
	v11 =	vperm.xlane v23, v5;
	v23 =	vperm.xlane v23, v4;
	[tilespmem:s19+$0x90] =	vst v8;
	v60 =	vld [tilespmem:s21+$0xFFFFFF80]  }
0x158: {  	vm0 =	vgt.f32 v22, $0.0e+00;
	v12 =	vperm.xlane v8, v3;
	v20 =	vmul.f32 v20, v14;
	v31 =	vld [tilespmem:s21+$0x40];
	v9 =	vpop (erf);
	[tilespmem:s20+$0x10] =	vst v10  }
0x159: {  	v29 =	vadd.f32 v18, v29;
	v26 =	vperm.xlane v8, v2;
	v17 =	vmul.f32 v16, v17;
	[tilespmem:s19+$0xFFFFFFF0] =	vst v9;
	v32 =	vld [tilespmem:s24+$0x20]  }
0x15a: {  	[tilespmem:s20+$0xFFFFFF80] =	vst v20;
	v20 =	vmul.f32 $2.000000030e-01, v25;
	v16 =	vsel vm0, v22, v30;
	v22 =	vperm.xlane v7, v2;
	v33 =	vld [tilespmem:s21+$0xFFFFFFC0]  }
0x15b: {  	v15 =	vmul.f32 v24, v15;
	v24 =	vld [tilespmem:s24+$0xFFFFFFB0];
	vm0 =	vgt.f32 v25, $0.0e+00;
	v16 =	vsub.f32 v16, v6;
	v10 =	vpop (erf);
	[tilespmem:s20+$0xFFFFFFD0] =	vst v17  }
0x15c: {  	v20 =	vsel vm0, v25, v20;
	v14 =	vperm.xlane v10, v2;
	[tilespmem:s19+$0x40] =	vst v10;
	v25 =	vmul.f32 v60, v22;
	v61 =	vld [tilespmem:s24+$0xFFFFFFF0]  }
0x15d: {  	[tilespmem:s20+$0x70] =	vst v15;
	v22 =	vadd.f32 v19, v21;
	v17 =	vmul.f32 v31, v26;
	v26 =	vperm.xlane v9, v2;
	v18 =	vld [tilespmem:s21+$0x0]  }
0x15e: {  	v21 =	vmul.f32 $2.000000030e-01, v29;
	v19 =	vld [tilespmem:s24+$0x70];
	v62 =	vsub.f32 v20, v6;
	[tilespmem:s19+$0xFFFFFF60] =	vst v25;
	v23 =	vmul.f32 v32, v23  }
0x15f: {  	vm1 =	vgt.f32 v29, $0.0e+00;
	v16 =	vmul.f32 $1.442695020e+00, v16;
	[tilespmem:s19+$0x50] =	vst v17;
	v17 =	vld [tilespmem:s21+$0xFFFFFF90];
	v63 =	vmul.f32 v33, v26  }
0x160: {  	vm0 =	vgt.f32 v22, $0.0e+00;
	v25 =	vmul.f32 $1.442695020e+00, v62;
	v15 =	vld [tilespmem:s21+$0x50];
	v26 =	vmul.f32 $2.000000030e-01, v22;
	[tilespmem:s20+$0x20] =	vst v23  }
0x161: {  	s8 =	simm.s32 $0x15A80;
	s22 =	simm.s32 $0x8;
	v20 =	vmul.f32 v24, v27;
	v23 =	vsel vm1, v29, v21;
	[tilespmem:s19+$0xFFFFFFB0] =	vst v63;
	v24 =	vmul.f32 v61, v59;
	v21 =	vld [tilespmem:s24+$0x30]  }
.LBB2_7:
0x162: {  	s22 =	sadd.s32 $0x4, s22;
	v22 =	vsel vm0, v22, v26;
	s16 =	sadd.s32 $0x40, s16;
	s15 =	sadd.s32 $0x40, s15;
	v26 =	vperm.xlane v7, v3;
	v27 =	vld [tilespmem:s21+$0xFFFFFFD0];
	v14 =	vmul.f32 v18, v14  }
0x163: {  	v18 =	vld [tilespmem:s16+$0x0];
	p0 =	slt.u32 s22, $0x7C;
	v22 =	vsub.f32 v22, v6;
	(erf) = vpow2.f32 v25;
	[tilespmem:s20+$0xFFFFFFE0] =	vst v24;
	v13 =	vmul.f32 v19, v13  }
0x164: {  	v23 =	vsub.f32 v23, v6;
	v19 =	vld [tilespmem:s16+$0xFFFFFFF0];
	(erf) = vpow2.f32 v16;
	v16 =	vperm.xlane v9, v3;
	[tilespmem:s20+$0xFFFFFF90] =	vst v20  }
0x165: {  	v20 =	vld [tilespmem:s15+$0x10];
	v22 =	vmul.f32 $1.442695020e+00, v22;
	v17 =	vmul.f32 v17, v26;
	[tilespmem:s19+$0x0] =	vst v14  }
0x166: {  	v23 =	vmul.f32 $1.442695020e+00, v23;
	v14 =	vld [tilespmem:s16+$0x10];
	v11 =	vmul.f32 v21, v11;
	[tilespmem:s20+$0x80] =	vst v13  }
0x167: {  	v21 =	vld [tilespmem:s15+$0xFFFFFFE0];
	(erf) = vpow2.f32 v22;
	[tilespmem:s19+$0xFFFFFF70] =	vst v17;
	v13 =	vmul.f32 v27, v16  }
0x168: {  	v12 =	vmul.f32 v15, v12;
	v17 =	vld [tilespmem:s15+$0xFFFFFFF0];
	(erf) = vpow2.f32 v23;
	[tilespmem:s20+$0x30] =	vst v11;
	s20 =	smov.u32 s19  }
0x169: {  	v15 =	vperm.xlane v10, v3;
	[tilespmem:s19+$0xFFFFFFC0] =	vst v13;
	v16 =	vld [tilespmem:s21+$0x10]  }
0x16a: {  	v11 =	vperm.xlane v10, v5;
	v13 =	vperm.xlane v8, v5;
	v22 =	vld [tilespmem:s21+$0xFFFFFFE0];
	[tilespmem:s19+$0x60] =	vst v12  }
0x16b: {  	v24 =	vperm.xlane v7, v5;
	v27 =	vperm.xlane v9, v5;
	s19 =	sadd.s32 $0x140, s19;
	v23 =	vld [tilespmem:s21+$0xFFFFFFA0]  }
0x16c: {  	v26 =	vperm.xlane v8, v4;
	v14 =	vadd.f32 v14, v20;
	v20 =	vperm.xlane v10, v4;
	s21 =	sadd.s32 $0x100, s21;
	v25 =	vld [tilespmem:s16+$0xFFFFFFE0];
	v12 =	vpop (erf)  }
0x16d: {  	v33 =	vperm.xlane v9, v4;
	v10 =	vperm.xlane v7, v4;
	v8 =	vpop (erf);
	v28 =	vld [tilespmem:s8+$0x60];
	v7 =	vmov v12  }
0x16e: {  	v30 =	vmul.f32 $2.000000030e-01, v14;
	v29 =	vld [tilespmem:s15+$0x0];
	[tilespmem:s19+$0x90] =	vst v8;
	v15 =	vmul.f32 v16, v15  }
0x16f: {  	vm0 =	vgt.f32 v14, $0.0e+00;
	v12 =	vperm.xlane v8, v3;
	[tilespmem:s19+$0xFFFFFFA0] =	vst v7;
	v31 =	vld [tilespmem:s21+$0x40];
	v22 =	vmul.f32 v22, v33  }
0x170: {  	v14 =	vsel vm0, v14, v30;
	v30 =	vperm.xlane v7, v2;
	v32 =	vld [tilespmem:s21+$0xFFFFFF80];
	v9 =	vpop (erf);
	v16 =	vmul.f32 v23, v10;
	[tilespmem:s20+$0x10] =	vst v15  }
0x171: {  	v23 =	vperm.xlane v8, v2;
	v15 =	vadd.f32 v25, v21;
	v21 =	vsub.f32 v14, v6;
	[tilespmem:s19+$0xFFFFFFF0] =	vst v9;
	v10 =	vpop (erf);
	v25 =	vld [tilespmem:s8+$0x20]  }
0x172: {  	v33 =	vld [tilespmem:s21+$0xFFFFFFC0];
	v14 =	vperm.xlane v10, v2;
	[tilespmem:s20+$0xFFFFFF80] =	vst v16;
	v26 =	vmul.f32 v28, v26  }
0x173: {  	v28 =	vmul.f32 $2.000000030e-01, v15;
	v16 =	vmul.f32 $1.442695020e+00, v21;
	v21 =	vld [tilespmem:s8+$0xFFFFFFB0];
	[tilespmem:s20+$0xFFFFFFD0] =	vst v22  }
0x174: {  	vm0 =	vgt.f32 v15, $0.0e+00;
	v29 =	vadd.f32 v18, v29;
	[tilespmem:s19+$0x40] =	vst v10;
	v23 =	vmul.f32 v31, v23;
	v31 =	vld [tilespmem:s8+$0xFFFFFFF0]  }
.Ltmp2:
0x175: {  	v15 =	vsel vm0, v15, v28;
	v28 =	vmul.f32 v32, v30;
	v30 =	vperm.xlane v9, v2;
	v18 =	vld [tilespmem:s21+$0x0];
	[tilespmem:s20+$0x70] =	vst v26;
	(pc) =	sbr.rel @p0 .LBB2_7-.Ltmp2, $4  }
0x176: {  	v22 =	vadd.f32 v19, v17;
	v32 =	vmul.f32 $2.000000030e-01, v29;
	[tilespmem:s19+$0x50] =	vst v23;
	v23 =	vmul.f32 v25, v20;
	v19 =	vld [tilespmem:s8+$0x70]  }
0x177: {  	vm1 =	vgt.f32 v29, $0.0e+00;
	v25 =	vsub.f32 v15, v6;
	[tilespmem:s19+$0xFFFFFF60] =	vst v28;
	v28 =	vmul.f32 v33, v30;
	v15 =	vld [tilespmem:s21+$0x50]  }
0x178: {  	vm0 =	vgt.f32 v22, $0.0e+00;
	v26 =	vmul.f32 $2.000000030e-01, v22;
	v17 =	vld [tilespmem:s21+$0xFFFFFF90];
	v20 =	vmul.f32 v21, v24;
	[tilespmem:s20+$0x20] =	vst v23  }
0x179: {  	v25 =	vmul.f32 $1.442695020e+00, v25;
	v23 =	vsel vm1, v29, v32;
	[tilespmem:s19+$0xFFFFFFB0] =	vst v28;
	v24 =	vmul.f32 v31, v27;
	v21 =	vld [tilespmem:s8+$0x30];
	s8 =	smov.u32 s21  }
0x17a: {  	v22 =	vsel vm0, v22, v26  }
0x17b: {  	v22 =	vsub.f32 v22, v6  }
0x17c: {  	v23 =	vsub.f32 v23, v6  }
0x17d: {  	(erf) = vpow2.f32 v25;
	v22 =	vmul.f32 $1.442695020e+00, v22  }
0x17e: {  	(erf) = vpow2.f32 v16;
	v51 =	vmul.f32 $1.442695020e+00, v23  }
0x17f: {  	(erf) = vpow2.f32 v22  }
0x180: {  	(erf) = vpow2.f32 v51;
	_ =	sdelay $0x5  }
0x181: {  	s15 =	sadd.s32 $0x140, s19;
	[tilespmem:s20+$0xFFFFFF90] =	vst v20;
	v16 =	vpop (erf)  }
0x182: {  	s16 =	sadd.s32 $0x100, s21;
	v22 =	vpop (erf);
	[tilespmem:s15+$0xFFFFFFA0] =	vst v16  }
0x183: {  	[tilespmem:s15+$0x90] =	vst v22;
	v53 =	vld [tilespmem:s16+$0xFFFFFF80];
	v23 =	vpop (erf)  }
0x184: {  	v54 =	vld [tilespmem:s16+$0x40];
	[tilespmem:s15+$0xFFFFFFF0] =	vst v23;
	v26 =	vpop (erf)  }
0x185: {  	v14 =	vmul.f32 v18, v14;
	v52 =	vld [tilespmem:s16+$0xFFFFFFC0];
	[tilespmem:s15+$0x40] =	vst v26  }
0x186: {  	[tilespmem:s20+$0xFFFFFFE0] =	vst v24;
	v13 =	vmul.f32 v19, v13;
	v57 =	vperm.xlane v16, v2;
	v56 =	vld [tilespmem:s16+$0x0]  }
0x187: {  	[tilespmem:s19+$0x0] =	vst v14;
	v11 =	vmul.f32 v21, v11;
	v58 =	vperm.xlane v22, v2  }
0x188: {  	[tilespmem:s20+$0x80] =	vst v13;
	v55 =	vperm.xlane v23, v2;
	v13 =	vmul.f32 v53, v57  }
0x189: {  	v27 =	vld [tilespmem:s21+$0xFFFFFFD0];
	[tilespmem:s20+$0x30] =	vst v11;
	v60 =	vperm.xlane v26, v2;
	v11 =	vmul.f32 v54, v58  }
0x18a: {  	v62 =	vld [tilespmem:s21+$0x10];
	[tilespmem:s15+$0xFFFFFF60] =	vst v13;
	v59 =	vmul.f32 v52, v55  }
0x18b: {  	v63 =	vperm.xlane v7, v3;
	[tilespmem:s15+$0x50] =	vst v11;
	v29 =	vld [tilespmem:s16+$0xFFFFFF90];
	v14 =	vmul.f32 v56, v60  }
0x18c: {  	v61 =	vperm.xlane v9, v3;
	v12 =	vmul.f32 v15, v12;
	v31 =	vld [tilespmem:s16+$0x50];
	[tilespmem:s15+$0xFFFFFFB0] =	vst v59  }
0x18d: {  	v30 =	vperm.xlane v10, v3;
	v17 =	vmul.f32 v17, v63;
	v25 =	vld [tilespmem:s16+$0xFFFFFFD0];
	[tilespmem:s15+$0x0] =	vst v14  }
0x18e: {  	[tilespmem:s19+$0x60] =	vst v12;
	v28 =	vmul.f32 v27, v61;
	v35 =	vperm.xlane v16, v3;
	v33 =	vld [tilespmem:s16+$0x10]  }
0x18f: {  	[tilespmem:s19+$0xFFFFFF70] =	vst v17;
	v38 =	vld [tilespmem:s8+$0x60];
	v18 =	vmul.f32 v62, v30;
	v37 =	vperm.xlane v22, v3  }
0x190: {  	v36 =	vld [tilespmem:s21+$0xFFFFFFA0];
	[tilespmem:s19+$0xFFFFFFC0] =	vst v28;
	v32 =	vperm.xlane v23, v3;
	v11 =	vmul.f32 v29, v35  }
0x191: {  	v34 =	vld [tilespmem:s21+$0xFFFFFFE0];
	[tilespmem:s19+$0x10] =	vst v18;
	v39 =	vperm.xlane v26, v3;
	v12 =	vmul.f32 v31, v37  }
0x192: {  	v44 =	vperm.xlane v8, v4;
	v41 =	vld [tilespmem:s8+$0x20];
	[tilespmem:s15+$0xFFFFFF70] =	vst v11;
	v13 =	vmul.f32 v25, v32  }
0x193: {  	v42 =	vperm.xlane v7, v4;
	[tilespmem:s15+$0x60] =	vst v12;
	v45 =	vld [tilespmem:s16+$0xFFFFFFA0];
	v15 =	vmul.f32 v33, v39  }
0x194: {  	v40 =	vperm.xlane v9, v4;
	v14 =	vmul.f32 v38, v44;
	v47 =	vld [tilespmem:s16+$0x60];
	[tilespmem:s15+$0xFFFFFFC0] =	vst v13  }
0x195: {  	v46 =	vperm.xlane v10, v4;
	v13 =	vmul.f32 v36, v42;
	v43 =	vld [tilespmem:s16+$0xFFFFFFE0];
	[tilespmem:s15+$0x10] =	vst v15  }
0x196: {  	v17 =	vmul.f32 v34, v40;
	v52 =	vperm.xlane v16, v4;
	[tilespmem:s19+$0x70] =	vst v14;
	v49 =	vld [tilespmem:s16+$0x20]  }
0x197: {  	v51 =	vmul.f32 v41, v46;
	v54 =	vperm.xlane v22, v4;
	v55 =	vld [tilespmem:s8+$0x70];
	[tilespmem:s19+$0xFFFFFF80] =	vst v13  }
0x198: {  	[tilespmem:s19+$0xFFFFFFD0] =	vst v17;
	v48 =	vperm.xlane v23, v4;
	v12 =	vmul.f32 v45, v52;
	v53 =	vld [tilespmem:s8+$0xFFFFFFB0]  }
0x199: {  	v50 =	vld [tilespmem:s8+$0xFFFFFFF0];
	[tilespmem:s19+$0x20] =	vst v51;
	v56 =	vperm.xlane v26, v4;
	v14 =	vmul.f32 v47, v54  }
0x19a: {  	v8 =	vperm.xlane v8, v5;
	v58 =	vld [tilespmem:s8+$0x30];
	[tilespmem:s15+$0xFFFFFF80] =	vst v12;
	v11 =	vmul.f32 v43, v48  }
0x19b: {  	v7 =	vperm.xlane v7, v5;
	v60 =	vld [tilespmem:s16+$0xFFFFFFB0];
	[tilespmem:s15+$0x70] =	vst v14;
	v59 =	vmul.f32 v49, v56  }
0x19c: {  	v57 =	vperm.xlane v9, v5;
	v8 =	vmul.f32 v55, v8;
	v14 =	vld [tilespmem:s16+$0x70];
	[tilespmem:s15+$0xFFFFFFD0] =	vst v11  }
0x19d: {  	v61 =	vperm.xlane v10, v5;
	v7 =	vmul.f32 v53, v7;
	v11 =	vld [tilespmem:s16+$0xFFFFFFF0];
	[tilespmem:s15+$0x20] =	vst v59  }
0x19e: {  	v63 =	vperm.xlane v16, v5;
	v9 =	vmul.f32 v50, v57;
	[tilespmem:s19+$0x80] =	vst v8;
	v12 =	vld [tilespmem:s16+$0x30]  }
0x19f: {  	v8 =	vperm.xlane v22, v5;
	[tilespmem:s19+$0xFFFFFF90] =	vst v7;
	v7 =	vmul.f32 v58, v61  }
0x1a0: {  	s17 =	sadd.s32 $0x1, s17;
	v62 =	vperm.xlane v23, v5;
	[tilespmem:s19+$0xFFFFFFE0] =	vst v9;
	v10 =	vmul.f32 v60, v63  }
0x1a1: {  	p0 =	sne.s32 s17, $0x28;
	v8 =	vmul.f32 v14, v8;
	[tilespmem:s19+$0x30] =	vst v7;
	v7 =	vperm.xlane v26, v5  }
.Ltmp3:
0x1a2: {  	[tilespmem:s15+$0xFFFFFF90] =	vst v10;
	v9 =	vmul.f32 v11, v62;
	(pc) =	sbr.rel @p0 .LBB2_4-.Ltmp3, $4  }
0x1a3: {  	[tilespmem:s15+$0x80] =	vst v8;
	v7 =	vmul.f32 v12, v7  }
0x1a4: {  	[tilespmem:s15+$0xFFFFFFE0] =	vst v9  }
0x1a5: {  	[tilespmem:s15+$0x30] =	vst v7  }
0x1a6: {  	[spmem:s3] =	stream.indirect.scatter.add.f32 [tilespmem:s14], [sflag:$0x8], $0x50, s18, s28, $0xb8;
	[tilespmem:$0x1DD10] =	vst v63  }
0x1a7: {  	_ =	swait.ge [sflag:s1], $0x800  }
0x1a8: {  	[sflag:s1] =	ssyncset.done $0x0  }
0x1a9: {  	[sflag:s1] =	ssyncadd.s32 $0xFFFFF800  }
0x1aa: {  	_ =	swait.ge [sflag:s25], $0x800  }
0x1ab: {  	[sflag:s25] =	ssyncset.done $0x0  }
0x1ac: {  	[sflag:s25] =	ssyncadd.s32 $0xFFFFF800  }
0x1ad: {  	_ =	swait.ge [sflag:s9], $0x2000  }
0x1ae: {  	[sflag:s9] =	ssyncset.done $0x0  }
0x1af: {  	s21 =	simm.s32 $0x7;
	[sflag:s9] =	ssyncadd.s32 $0xFFFFE000  }
0x1b0: {  	_ =	swait.ge [sflag:s21], $0x2800  }
0x1b1: {  	[sflag:s21] =	ssyncset.done $0x0  }
0x1b2: {  	s8 =	simm.s32 $0x11920;
	[sflag:s21] =	ssyncadd.s32 $0xFFFFD800  }
0x1b3: {  	v7 =	vld [tilespmem:s8+$0x10]  }
0x1b4: {  	s15 =	simm.s32 $0x12120;
	v8 =	vld [tilespmem:s8+$0xFFFFFFE0]  }
0x1b5: {  	v9 =	vld [tilespmem:s15+$0xFFFFFFE0]  }
0x1b6: {  	v10 =	vld [tilespmem:s15+$0x10]  }
0x1b7: {  	v11 =	vld [tilespmem:s15+$0xFFFFFFF0]  }
0x1b8: {  	v12 =	vld [tilespmem:s8+$0xFFFFFFF0];
	_ =	sdelay $0x1  }
0x1b9: {  	v8 =	vadd.f32 v9, v8  }
0x1ba: {  	v9 =	vld [tilespmem:s15+$0x0];
	v7 =	vadd.f32 v10, v7  }
0x1bb: {  	v10 =	vld [tilespmem:s8+$0x0];
	v13 =	vmul.f32 $2.000000030e-01, v8  }
0x1bc: {  	v11 =	vadd.f32 v11, v12;
	v14 =	vmul.f32 $2.000000030e-01, v7;
	vm0 =	vgt.f32 v8, $0.0e+00  }
0x1bd: {  	vm1 =	vgt.f32 v7, $0.0e+00;
	v8 =	vsel vm0, v8, v13  }
0x1be: {  	v12 =	vmul.f32 $2.000000030e-01, v11;
	v7 =	vsel vm1, v7, v14;
	v8 =	vsub.f32 v8, v6  }
0x1bf: {  	vm0 =	vgt.f32 v11, $0.0e+00;
	v7 =	vsub.f32 v7, v6  }
0x1c0: {  	v9 =	vadd.f32 v9, v10;
	v10 =	vsel vm0, v11, v12;
	v8 =	vmul.f32 $1.442695020e+00, v8  }
0x1c1: {  	v10 =	vsub.f32 v10, v6;
	v7 =	vmul.f32 $1.442695020e+00, v7  }
0x1c2: {  	v11 =	vmul.f32 $2.000000030e-01, v9;
	(erf) = vpow2.f32 v8  }
0x1c3: {  	s22 =	simm.s32 $0x11960;
	vm0 =	vgt.f32 v9, $0.0e+00;
	(erf) = vpow2.f32 v7;
	v7 =	vmul.f32 $1.442695020e+00, v10  }
0x1c4: {  	v16 =	vld [tilespmem:s22+$0x0];
	v8 =	vsel vm0, v9, v11  }
0x1c5: {  	s20 =	simm.s32 $0x12160;
	v13 =	vld [tilespmem:s22+$0xFFFFFFF0];
	v8 =	vsub.f32 v8, v6;
	(erf) = vpow2.f32 v7  }
0x1c6: {  	v11 =	vld [tilespmem:s20+$0x10]  }
0x1c7: {  	v10 =	vld [tilespmem:s22+$0x10];
	v8 =	vmul.f32 $1.442695020e+00, v8  }
0x1c8: {  	v12 =	vld [tilespmem:s22+$0xFFFFFFE0]  }
0x1c9: {  	v7 =	vld [tilespmem:s20+$0x0];
	(erf) = vpow2.f32 v8  }
0x1ca: {  	v8 =	vld [tilespmem:s20+$0xFFFFFFE0]  }
0x1cb: {  	s18 =	simm.s32 $0x179A0;
	v9 =	vld [tilespmem:s20+$0xFFFFFFF0];
	v14 =	vpop (erf)  }
0x1cc: {  	s24 =	simm.s32 $0x13980;
	v10 =	vadd.f32 v11, v10;
	v15 =	vpop (erf);
	[tilespmem:s18+$0xFFFFFFA0] =	vst v14  }
0x1cd: {  	[tilespmem:s18+$0x90] =	vst v15;
	v18 =	vld [tilespmem:s24+$0xFFFFFF80]  }
0x1ce: {  	v19 =	vmul.f32 $2.000000030e-01, v10;
	v11 =	vld [tilespmem:s24+$0x40];
	v17 =	vpop (erf)  }
0x1cf: {  	vm0 =	vgt.f32 v10, $0.0e+00;
	v7 =	vadd.f32 v7, v16;
	v8 =	vadd.f32 v8, v12;
	[tilespmem:s18+$0xFFFFFFF0] =	vst v17  }
0x1d0: {  	v9 =	vadd.f32 v9, v13;
	v10 =	vsel vm0, v10, v19;
	v19 =	vperm.xlane v14, v2;
	v12 =	vld [tilespmem:s24+$0xFFFFFFC0]  }
0x1d1: {  	vm1 =	vgt.f32 v7, $0.0e+00;
	v21 =	vperm.xlane v15, v2;
	v22 =	vmul.f32 $2.000000030e-01, v8  }
0x1d2: {  	s16 =	simm.s32 $0x121A0;
	v20 =	vperm.xlane v15, v3;
	vm0 =	vgt.f32 v8, $0.0e+00;
	v23 =	vpop (erf);
	v18 =	vmul.f32 v18, v19  }
0x1d3: {  	v24 =	vld [tilespmem:s16+$0x10];
	v8 =	vsel vm0, v8, v22;
	[tilespmem:s18+$0x40] =	vst v23;
	v11 =	vmul.f32 v11, v21;
	v21 =	vperm.xlane v17, v2  }
0x1d4: {  	v26 =	vld [tilespmem:s16+$0xFFFFFFE0];
	v10 =	vsub.f32 v10, v6;
	v8 =	vsub.f32 v8, v6;
	[tilespmem:s18+$0xFFFFFF60] =	vst v18;
	v18 =	vmul.f32 $2.000000030e-01, v9  }
0x1d5: {  	vm0 =	vgt.f32 v9, $0.0e+00;
	v13 =	vld [tilespmem:s24+$0x0];
	v19 =	vmul.f32 $2.000000030e-01, v7;
	[tilespmem:s18+$0x50] =	vst v11;
	v11 =	vmul.f32 v12, v21  }
0x1d6: {  	v10 =	vmul.f32 $1.442695020e+00, v10;
	v8 =	vmul.f32 $1.442695020e+00, v8;
	v21 =	vld [tilespmem:s24+$0xFFFFFF90];
	v9 =	vsel vm0, v9, v18  }
0x1d7: {  	v7 =	vsel vm1, v7, v19;
	v12 =	vperm.xlane v23, v2;
	v16 =	vld [tilespmem:s24+$0x50];
	[tilespmem:s18+$0xFFFFFFB0] =	vst v11;
	v9 =	vsub.f32 v9, v6  }
0x1d8: {  	s15 =	simm.s32 $0x119A0;
	(erf) = vpow2.f32 v8;
	v8 =	vperm.xlane v14, v3;
	v7 =	vsub.f32 v7, v6;
	v11 =	vld [tilespmem:s24+$0xFFFFFFD0]  }
0x1d9: {  	v25 =	vld [tilespmem:s15+$0xFFFFFFE0];
	(erf) = vpow2.f32 v10;
	v9 =	vmul.f32 $1.442695020e+00, v9  }
0x1da: {  	v29 =	vld [tilespmem:s15+$0x0];
	v12 =	vmul.f32 v13, v12;
	v7 =	vmul.f32 $1.442695020e+00, v7  }
0x1db: {  	v22 =	vld [tilespmem:s15+$0x10];
	v10 =	vperm.xlane v17, v3;
	(erf) = vpow2.f32 v9  }
0x1dc: {  	v19 =	vld [tilespmem:s16+$0xFFFFFFF0];
	[tilespmem:s18+$0x0] =	vst v12;
	v8 =	vmul.f32 v21, v8;
	(erf) = vpow2.f32 v7  }
0x1dd: {  	v7 =	vmul.f32 v16, v20;
	v9 =	vmul.f32 v11, v10;
	v10 =	vld [tilespmem:s24+$0x10]  }
0x1de: {  	v27 =	vperm.xlane v14, v5;
	v18 =	vld [tilespmem:s16+$0x0];
	[tilespmem:s18+$0xFFFFFF70] =	vst v8  }
0x1df: {  	v28 =	vperm.xlane v17, v5;
	v14 =	vperm.xlane v14, v4;
	v20 =	vld [tilespmem:s24+$0xFFFFFFA0];
	[tilespmem:s18+$0xFFFFFFC0] =	vst v9  }
0x1e0: {  	v22 =	vadd.f32 v24, v22;
	v17 =	vperm.xlane v17, v4;
	v9 =	vperm.xlane v23, v3;
	v16 =	vld [tilespmem:s24+$0xFFFFFFE0]  }
0x1e1: {  	s17 =	simm.s32 $0x17AE0;
	v13 =	vperm.xlane v15, v5;
	v15 =	vperm.xlane v15, v4;
	v21 =	vld [tilespmem:s15+$0xFFFFFFF0];
	[tilespmem:s18+$0x60] =	vst v7;
	v7 =	vpop (erf)  }
0x1e2: {  	s19 =	simm.s32 $0x13A80;
	v30 =	vmul.f32 $2.000000030e-01, v22;
	v24 =	vld [tilespmem:s24+$0x60];
	v8 =	vpop (erf);
	[tilespmem:s17+$0xFFFFFFA0] =	vst v7;
	v10 =	vmul.f32 v10, v9  }
0x1e3: {  	v25 =	vadd.f32 v26, v25;
	v11 =	vperm.xlane v23, v5;
	v23 =	vperm.xlane v23, v4;
	[tilespmem:s17+$0x90] =	vst v8;
	v60 =	vld [tilespmem:s19+$0xFFFFFF80]  }
0x1e4: {  	vm0 =	vgt.f32 v22, $0.0e+00;
	v12 =	vperm.xlane v8, v3;
	v20 =	vmul.f32 v20, v14;
	v31 =	vld [tilespmem:s19+$0x40];
	v9 =	vpop (erf);
	[tilespmem:s18+$0x10] =	vst v10  }
0x1e5: {  	v29 =	vadd.f32 v18, v29;
	v26 =	vperm.xlane v8, v2;
	v17 =	vmul.f32 v16, v17;
	[tilespmem:s17+$0xFFFFFFF0] =	vst v9;
	v32 =	vld [tilespmem:s24+$0x20]  }
0x1e6: {  	[tilespmem:s18+$0xFFFFFF80] =	vst v20;
	v20 =	vmul.f32 $2.000000030e-01, v25;
	v16 =	vsel vm0, v22, v30;
	v22 =	vperm.xlane v7, v2;
	v33 =	vld [tilespmem:s19+$0xFFFFFFC0]  }
0x1e7: {  	v15 =	vmul.f32 v24, v15;
	v24 =	vld [tilespmem:s24+$0xFFFFFFB0];
	vm0 =	vgt.f32 v25, $0.0e+00;
	v16 =	vsub.f32 v16, v6;
	v10 =	vpop (erf);
	[tilespmem:s18+$0xFFFFFFD0] =	vst v17  }
0x1e8: {  	v20 =	vsel vm0, v25, v20;
	v14 =	vperm.xlane v10, v2;
	[tilespmem:s17+$0x40] =	vst v10;
	v25 =	vmul.f32 v60, v22;
	v61 =	vld [tilespmem:s24+$0xFFFFFFF0]  }
0x1e9: {  	[tilespmem:s18+$0x70] =	vst v15;
	v22 =	vadd.f32 v19, v21;
	v17 =	vmul.f32 v31, v26;
	v26 =	vperm.xlane v9, v2;
	v18 =	vld [tilespmem:s19+$0x0]  }
0x1ea: {  	v21 =	vmul.f32 $2.000000030e-01, v29;
	v19 =	vld [tilespmem:s24+$0x70];
	v62 =	vsub.f32 v20, v6;
	[tilespmem:s17+$0xFFFFFF60] =	vst v25;
	v23 =	vmul.f32 v32, v23  }
0x1eb: {  	vm1 =	vgt.f32 v29, $0.0e+00;
	v16 =	vmul.f32 $1.442695020e+00, v16;
	[tilespmem:s17+$0x50] =	vst v17;
	v17 =	vld [tilespmem:s19+$0xFFFFFF90];
	v63 =	vmul.f32 v33, v26  }
0x1ec: {  	vm0 =	vgt.f32 v22, $0.0e+00;
	v25 =	vmul.f32 $1.442695020e+00, v62;
	v15 =	vld [tilespmem:s19+$0x50];
	v26 =	vmul.f32 $2.000000030e-01, v22;
	[tilespmem:s18+$0x20] =	vst v23  }
0x1ed: {  	s8 =	simm.s32 $0x13A80;
	s20 =	simm.s32 $0x8;
	v20 =	vmul.f32 v24, v27;
	v23 =	vsel vm1, v29, v21;
	[tilespmem:s17+$0xFFFFFFB0] =	vst v63;
	v24 =	vmul.f32 v61, v28;
	v21 =	vld [tilespmem:s24+$0x30]  }
.LBB2_10:
0x1ee: {  	s20 =	sadd.s32 $0x4, s20;
	v22 =	vsel vm0, v22, v26;
	s16 =	sadd.s32 $0x40, s16;
	s15 =	sadd.s32 $0x40, s15;
	v26 =	vperm.xlane v7, v3;
	v27 =	vld [tilespmem:s19+$0xFFFFFFD0];
	v14 =	vmul.f32 v18, v14  }
0x1ef: {  	v18 =	vld [tilespmem:s16+$0x0];
	p0 =	slt.u32 s20, $0x7C;
	v22 =	vsub.f32 v22, v6;
	(erf) = vpow2.f32 v25;
	[tilespmem:s18+$0xFFFFFFE0] =	vst v24;
	v13 =	vmul.f32 v19, v13  }
0x1f0: {  	v23 =	vsub.f32 v23, v6;
	v19 =	vld [tilespmem:s16+$0xFFFFFFF0];
	(erf) = vpow2.f32 v16;
	v16 =	vperm.xlane v9, v3;
	[tilespmem:s18+$0xFFFFFF90] =	vst v20  }
0x1f1: {  	v20 =	vld [tilespmem:s15+$0x10];
	v22 =	vmul.f32 $1.442695020e+00, v22;
	v17 =	vmul.f32 v17, v26;
	[tilespmem:s17+$0x0] =	vst v14  }
0x1f2: {  	v23 =	vmul.f32 $1.442695020e+00, v23;
	v14 =	vld [tilespmem:s16+$0x10];
	v11 =	vmul.f32 v21, v11;
	[tilespmem:s18+$0x80] =	vst v13  }
0x1f3: {  	v21 =	vld [tilespmem:s15+$0xFFFFFFE0];
	(erf) = vpow2.f32 v22;
	[tilespmem:s17+$0xFFFFFF70] =	vst v17;
	v13 =	vmul.f32 v27, v16  }
0x1f4: {  	v12 =	vmul.f32 v15, v12;
	v17 =	vld [tilespmem:s15+$0xFFFFFFF0];
	(erf) = vpow2.f32 v23;
	[tilespmem:s18+$0x30] =	vst v11;
	s18 =	smov.u32 s17  }
0x1f5: {  	v15 =	vperm.xlane v10, v3;
	[tilespmem:s17+$0xFFFFFFC0] =	vst v13;
	v16 =	vld [tilespmem:s19+$0x10]  }
0x1f6: {  	v11 =	vperm.xlane v10, v5;
	v13 =	vperm.xlane v8, v5;
	v22 =	vld [tilespmem:s19+$0xFFFFFFE0];
	[tilespmem:s17+$0x60] =	vst v12  }
0x1f7: {  	v24 =	vperm.xlane v7, v5;
	v27 =	vperm.xlane v9, v5;
	s17 =	sadd.s32 $0x140, s17;
	v23 =	vld [tilespmem:s19+$0xFFFFFFA0]  }
0x1f8: {  	v26 =	vperm.xlane v8, v4;
	v14 =	vadd.f32 v14, v20;
	v20 =	vperm.xlane v10, v4;
	s19 =	sadd.s32 $0x100, s19;
	v25 =	vld [tilespmem:s16+$0xFFFFFFE0];
	v12 =	vpop (erf)  }
0x1f9: {  	v33 =	vperm.xlane v9, v4;
	v10 =	vperm.xlane v7, v4;
	v8 =	vpop (erf);
	v28 =	vld [tilespmem:s8+$0x60];
	v7 =	vmov v12  }
0x1fa: {  	v30 =	vmul.f32 $2.000000030e-01, v14;
	v29 =	vld [tilespmem:s15+$0x0];
	[tilespmem:s17+$0x90] =	vst v8;
	v15 =	vmul.f32 v16, v15  }
0x1fb: {  	vm0 =	vgt.f32 v14, $0.0e+00;
	v12 =	vperm.xlane v8, v3;
	[tilespmem:s17+$0xFFFFFFA0] =	vst v7;
	v31 =	vld [tilespmem:s19+$0x40];
	v22 =	vmul.f32 v22, v33  }
0x1fc: {  	v14 =	vsel vm0, v14, v30;
	v30 =	vperm.xlane v7, v2;
	v32 =	vld [tilespmem:s19+$0xFFFFFF80];
	v9 =	vpop (erf);
	v16 =	vmul.f32 v23, v10;
	[tilespmem:s18+$0x10] =	vst v15  }
0x1fd: {  	v23 =	vperm.xlane v8, v2;
	v15 =	vadd.f32 v25, v21;
	v21 =	vsub.f32 v14, v6;
	[tilespmem:s17+$0xFFFFFFF0] =	vst v9;
	v10 =	vpop (erf);
	v25 =	vld [tilespmem:s8+$0x20]  }
0x1fe: {  	v33 =	vld [tilespmem:s19+$0xFFFFFFC0];
	v14 =	vperm.xlane v10, v2;
	[tilespmem:s18+$0xFFFFFF80] =	vst v16;
	v26 =	vmul.f32 v28, v26  }
0x1ff: {  	v28 =	vmul.f32 $2.000000030e-01, v15;
	v16 =	vmul.f32 $1.442695020e+00, v21;
	v21 =	vld [tilespmem:s8+$0xFFFFFFB0];
	[tilespmem:s18+$0xFFFFFFD0] =	vst v22  }
0x200: {  	vm0 =	vgt.f32 v15, $0.0e+00;
	v29 =	vadd.f32 v18, v29;
	[tilespmem:s17+$0x40] =	vst v10;
	v23 =	vmul.f32 v31, v23;
	v31 =	vld [tilespmem:s8+$0xFFFFFFF0]  }
.Ltmp4:
0x201: {  	v15 =	vsel vm0, v15, v28;
	v28 =	vmul.f32 v32, v30;
	v30 =	vperm.xlane v9, v2;
	v18 =	vld [tilespmem:s19+$0x0];
	[tilespmem:s18+$0x70] =	vst v26;
	(pc) =	sbr.rel @p0 .LBB2_10-.Ltmp4, $4  }
0x202: {  	v22 =	vadd.f32 v19, v17;
	v32 =	vmul.f32 $2.000000030e-01, v29;
	[tilespmem:s17+$0x50] =	vst v23;
	v23 =	vmul.f32 v25, v20;
	v19 =	vld [tilespmem:s8+$0x70]  }
0x203: {  	vm1 =	vgt.f32 v29, $0.0e+00;
	v25 =	vsub.f32 v15, v6;
	[tilespmem:s17+$0xFFFFFF60] =	vst v28;
	v28 =	vmul.f32 v33, v30;
	v15 =	vld [tilespmem:s19+$0x50]  }
0x204: {  	vm0 =	vgt.f32 v22, $0.0e+00;
	v26 =	vmul.f32 $2.000000030e-01, v22;
	v17 =	vld [tilespmem:s19+$0xFFFFFF90];
	v20 =	vmul.f32 v21, v24;
	[tilespmem:s18+$0x20] =	vst v23  }
0x205: {  	v25 =	vmul.f32 $1.442695020e+00, v25;
	v23 =	vsel vm1, v29, v32;
	[tilespmem:s17+$0xFFFFFFB0] =	vst v28;
	v24 =	vmul.f32 v31, v27;
	v21 =	vld [tilespmem:s8+$0x30];
	s8 =	smov.u32 s19  }
0x206: {  	v22 =	vsel vm0, v22, v26  }
0x207: {  	v22 =	vsub.f32 v22, v6  }
0x208: {  	v6 =	vsub.f32 v23, v6  }
0x209: {  	(erf) = vpow2.f32 v25;
	v22 =	vmul.f32 $1.442695020e+00, v22  }
0x20a: {  	(erf) = vpow2.f32 v16;
	v6 =	vmul.f32 $1.442695020e+00, v6  }
0x20b: {  	(erf) = vpow2.f32 v22  }
0x20c: {  	(erf) = vpow2.f32 v6;
	_ =	sdelay $0x5  }
0x20d: {  	s15 =	sadd.s32 $0x140, s17;
	[tilespmem:s18+$0xFFFFFF90] =	vst v20;
	v6 =	vpop (erf)  }
0x20e: {  	s16 =	sadd.s32 $0x100, s19;
	v16 =	vpop (erf);
	[tilespmem:s15+$0xFFFFFFA0] =	vst v6  }
0x20f: {  	[tilespmem:s15+$0x90] =	vst v16;
	v52 =	vld [tilespmem:s16+$0xFFFFFF80];
	v22 =	vpop (erf)  }
0x210: {  	v53 =	vld [tilespmem:s16+$0x40];
	[tilespmem:s15+$0xFFFFFFF0] =	vst v22;
	v25 =	vpop (erf)  }
0x211: {  	v14 =	vmul.f32 v18, v14;
	v51 =	vld [tilespmem:s16+$0xFFFFFFC0];
	[tilespmem:s15+$0x40] =	vst v25  }
0x212: {  	[tilespmem:s18+$0xFFFFFFE0] =	vst v24;
	v13 =	vmul.f32 v19, v13;
	v57 =	vperm.xlane v6, v2;
	v55 =	vld [tilespmem:s16+$0x0]  }
0x213: {  	v56 =	vld [tilespmem:s19+$0xFFFFFFD0];
	[tilespmem:s17+$0x0] =	vst v14;
	v11 =	vmul.f32 v21, v11;
	v58 =	vperm.xlane v16, v2  }
0x214: {  	[tilespmem:s18+$0x80] =	vst v13;
	v54 =	vperm.xlane v22, v2;
	v13 =	vmul.f32 v52, v57  }
0x215: {  	[tilespmem:s18+$0x30] =	vst v11;
	v60 =	vperm.xlane v25, v2;
	v11 =	vmul.f32 v53, v58  }
0x216: {  	v61 =	vperm.xlane v9, v3;
	v62 =	vld [tilespmem:s19+$0x10];
	[tilespmem:s15+$0xFFFFFF60] =	vst v13;
	v59 =	vmul.f32 v51, v54  }
0x217: {  	v63 =	vperm.xlane v7, v3;
	[tilespmem:s15+$0x50] =	vst v11;
	v28 =	vld [tilespmem:s16+$0xFFFFFF90];
	v14 =	vmul.f32 v55, v60  }
0x218: {  	v27 =	vmul.f32 v56, v61;
	v30 =	vld [tilespmem:s16+$0x50];
	[tilespmem:s15+$0xFFFFFFB0] =	vst v59  }
0x219: {  	v29 =	vperm.xlane v10, v3;
	v17 =	vmul.f32 v17, v63;
	v24 =	vld [tilespmem:s16+$0xFFFFFFD0];
	[tilespmem:s15+$0x0] =	vst v14  }
0x21a: {  	v12 =	vmul.f32 v15, v12;
	[tilespmem:s17+$0xFFFFFFC0] =	vst v27;
	v34 =	vperm.xlane v6, v3;
	v32 =	vld [tilespmem:s16+$0x10]  }
0x21b: {  	[tilespmem:s17+$0xFFFFFF70] =	vst v17;
	v33 =	vld [tilespmem:s19+$0xFFFFFFE0];
	v18 =	vmul.f32 v62, v29;
	v36 =	vperm.xlane v16, v3  }
0x21c: {  	[tilespmem:s17+$0x60] =	vst v12;
	v35 =	vld [tilespmem:s19+$0xFFFFFFA0];
	v31 =	vperm.xlane v22, v3;
	v11 =	vmul.f32 v28, v34  }
0x21d: {  	v37 =	vld [tilespmem:s8+$0x60];
	[tilespmem:s17+$0x10] =	vst v18;
	v38 =	vperm.xlane v25, v3;
	v12 =	vmul.f32 v30, v36  }
0x21e: {  	v39 =	vperm.xlane v9, v4;
	v40 =	vld [tilespmem:s8+$0x20];
	[tilespmem:s15+$0xFFFFFF70] =	vst v11;
	v13 =	vmul.f32 v24, v31  }
0x21f: {  	v41 =	vperm.xlane v7, v4;
	[tilespmem:s15+$0x60] =	vst v12;
	v44 =	vld [tilespmem:s16+$0xFFFFFFA0];
	v15 =	vmul.f32 v32, v38  }
0x220: {  	v43 =	vperm.xlane v8, v4;
	v17 =	vmul.f32 v33, v39;
	v46 =	vld [tilespmem:s16+$0x60];
	[tilespmem:s15+$0xFFFFFFC0] =	vst v13  }
0x221: {  	v45 =	vperm.xlane v10, v4;
	v13 =	vmul.f32 v35, v41;
	v42 =	vld [tilespmem:s16+$0xFFFFFFE0];
	[tilespmem:s15+$0x10] =	vst v15  }
0x222: {  	[tilespmem:s17+$0xFFFFFFD0] =	vst v17;
	v51 =	vperm.xlane v6, v4;
	v14 =	vmul.f32 v37, v43;
	v48 =	vld [tilespmem:s16+$0x20]  }
0x223: {  	v49 =	vld [tilespmem:s8+$0xFFFFFFF0];
	v50 =	vmul.f32 v40, v45;
	v53 =	vperm.xlane v16, v4;
	[tilespmem:s17+$0xFFFFFF80] =	vst v13  }
0x224: {  	v47 =	vperm.xlane v22, v4;
	[tilespmem:s17+$0x70] =	vst v14;
	v12 =	vmul.f32 v44, v51;
	v52 =	vld [tilespmem:s8+$0xFFFFFFB0]  }
0x225: {  	[tilespmem:s17+$0x20] =	vst v50;
	v55 =	vperm.xlane v25, v4;
	v54 =	vld [tilespmem:s8+$0x70];
	v14 =	vmul.f32 v46, v53  }
0x226: {  	v56 =	vperm.xlane v9, v5;
	v57 =	vld [tilespmem:s8+$0x30];
	[tilespmem:s15+$0xFFFFFF80] =	vst v12;
	v11 =	vmul.f32 v42, v47  }
0x227: {  	v7 =	vperm.xlane v7, v5;
	v60 =	vld [tilespmem:s16+$0xFFFFFFB0];
	[tilespmem:s15+$0x70] =	vst v14;
	v58 =	vmul.f32 v48, v55  }
0x228: {  	v9 =	vmul.f32 v49, v56;
	v59 =	vperm.xlane v8, v5;
	v14 =	vld [tilespmem:s16+$0x70];
	[tilespmem:s15+$0xFFFFFFD0] =	vst v11  }
0x229: {  	v61 =	vperm.xlane v10, v5;
	v7 =	vmul.f32 v52, v7;
	v11 =	vld [tilespmem:s16+$0xFFFFFFF0];
	[tilespmem:s15+$0x20] =	vst v58  }
0x22a: {  	v6 =	vperm.xlane v6, v5;
	[tilespmem:s17+$0xFFFFFFE0] =	vst v9;
	v8 =	vmul.f32 v54, v59;
	v12 =	vld [tilespmem:s16+$0x30]  }
0x22b: {  	v63 =	vperm.xlane v16, v5;
	[tilespmem:s17+$0xFFFFFF90] =	vst v7;
	v7 =	vmul.f32 v57, v61  }
0x22c: {  	v62 =	vperm.xlane v22, v5;
	[tilespmem:s17+$0x80] =	vst v8;
	v6 =	vmul.f32 v60, v6  }
0x22d: {  	v8 =	vmul.f32 v14, v63;
	[tilespmem:s17+$0x30] =	vst v7;
	v7 =	vperm.xlane v25, v5  }
0x22e: {  	[tilespmem:s15+$0xFFFFFF90] =	vst v6;
	v9 =	vmul.f32 v11, v62  }
0x22f: {  	[tilespmem:s15+$0x80] =	vst v8;
	v6 =	vmul.f32 v12, v7  }
0x230: {  	[tilespmem:s15+$0xFFFFFFE0] =	vst v9  }
0x231: {  	s18 =	simm.s32 $0x11880;
	[tilespmem:s15+$0x30] =	vst v6  }
0x232: {  	[spmem:s3] =	stream.indirect.scatter.add.f32 [tilespmem:s10], [sflag:$0x7], $0x50, s18, s28, $0xb8;
	[tilespmem:$0x1DD10] =	vst v63  }
0x233: {  	_ =	swait.ge [sflag:s21], $0x2800  }
0x234: {  	[sflag:s21] =	ssyncset.done $0x0  }
0x235: {  	s19 =	simm.s32 $0x8;
	[sflag:s21] =	ssyncadd.s32 $0xFFFFD800  }
0x236: {  	_ =	swait.ge [sflag:s19], $0x2800  }
0x237: {  	[sflag:s19] =	ssyncset.done $0x0  }
0x238: {  	[sflag:s19] =	ssyncadd.s32 $0xFFFFD800  }
0x239: {  	s20 =	stileid.u32;
	[bflag:$0x0] =	sbarrier.arrive $0xFFFF  }
0x23a: {  	s8 =	sshll.u32 s20, $0x6;
	s16 =	rddreg [dreg:$0x4]  }
0x23b: {  	s8 =	sor.u32 $0x1C09, s8;
	s22 =	rddreg [dreg:$0x10];
	s21 =	sshrl.u32 s16, $0x3  }
0x23c: {  	[hbm:s22], [sflag:s8] =	dma.local [spmem:s21], $0x1900  }
0x23d: {  	_ =	swait.ge [sflag:s23], $0x1900  }
0x23e: {  	s4 =	sadd.s32 $0x1, s4;
	s24 =	rddreg [dreg:$0x11]  }
0x23f: {  	p0 =	sne.s32 s4, s24  }
.Ltmp5:
0x240: {  	_ = 	snop;
	(pc) =	sbr.rel @p0 .LBB2_1-.Ltmp5, $3  }
0x241: {  	_ =	sdelay $0x1  }
0x242: {  	[sflag:s23] =	ssyncset.done $0x0  }
0x243: {  	[sflag:s23] =	ssyncadd.s32 $0xFFFFE700  }
0x244: {  	_ =	sfence.sel $0x180000  }
0x245: {  	[bflag:$0x0] =	sbarrier.arrive $0xFFFF  }
0x246: {  	_ =	strace $0x90000047  }
0x247: {  	s0 =	stileid.u32;
	[bflag:$0x2] =	sbarrier.arrive $0xFFFF  }
0x248: {  	p0 =	sne.s32 s0, $0x0;
	s0 =	rddreg [dreg:$0x3]  }
0x249: {  	s0 =	sadd.s32 @!p0 $0x100000, s0  }
0x24a: {  	[sflag:s0] =	ssyncadd.tile.s32 @!p0 $0x1;
	_ =	shalt  }
.Lfunc_end2:
_tile_overlayer_lowered:
.L_overlay_start_2:
0x24b: {  	(tag) =	ssettag $0x2  }
0x24c: {  	s0 =	rddreg [dreg:$0x0];
	s2 =	stileid.u32  }
0x24d: {  	s1 =	rddreg [dreg:$0x1];
	p0 =	sne.s32 s2, $0x0  }
0x24e: {  	s3 =	rddreg [dreg:$0x2];
	[bflag:$0x3] =	sbarrier.arrive $0xFFFF;
	s2 =	simm.s32 @!p0 $0x1C09  }
0x24f: {  	[timem:s3], [sflag:s2] =	dma.local @!p0 [hbm:s0], s1  }
0x250: {  	s0 =	simm.s32 @!p0 $0x9  }
0x251: {  	_ =	swait.ge @!p0 [sflag:s0], s1  }
0x252: {  	s1 =	ssub.s32 @!p0 $0x0, s1;
	[sflag:s0] =	ssyncset.done @!p0 $0x0  }
0x253: {  	[sflag:s0] =	ssyncadd.s32 @!p0 s1  }
0x254: {  	[bflag:$0x3] =	sbarrier.arrive $0xFFFF  }
0x255: {  	_ =	shalt  }

</sc_bundles>
